<compile_context>
chip_gen: v7x
topology: tpu7x:2x2x1
jax: 0.10.2.dev20260603
libtpu: 0.0.44.dev20260713+nightly
codegen_flags: <defaults>
</compile_context>

<pallas_src>
import jax
import jax.numpy as jnp
from jax import lax
from jax.experimental import pallas as pl
from jax.experimental.pallas import tpu as pltpu
from jax.experimental.pallas import tpu_sc as plsc

_N, _E, _F, _C = 10000, 320000, 128, 40
_FH = _F // 2
_NC, _NS = 2, 16
_CHUNK = 64
_CPT = 320
_NCHUNKS = _NS * _CPT
_EPAD = _NCHUNKS * _CHUNK - _E
_TRASH = 64
_ACCR = _N + _TRASH
_RPT0 = 632
_RPT1 = _N - 15 * _RPT0
_PH = 80


def _agg_body(x_hbm, src_hbm, dst_hbm, out_hbm,
              xtab, acc, srcbuf, dstbuf, rows0, rows1, sem0, sem1):
    cid = lax.axis_index("c")
    sid = lax.axis_index("s")

    @pl.when(sid < _NS - 1)
    def _():
        r0 = pl.multiple_of(sid * _RPT0, 8)
        pltpu.sync_copy(x_hbm.at[cid, pl.ds(r0, _RPT0)], xtab.at[pl.ds(r0, _RPT0)])
        pltpu.sync_copy(x_hbm.at[cid, pl.ds(r0, _RPT0)], acc.at[pl.ds(r0, _RPT0)])

    @pl.when(sid == _NS - 1)
    def _():
        pltpu.sync_copy(x_hbm.at[cid, pl.ds(15 * _RPT0, _RPT1)],
                        xtab.at[pl.ds(15 * _RPT0, _RPT1)])
        pltpu.sync_copy(x_hbm.at[cid, pl.ds(15 * _RPT0, _RPT1)],
                        acc.at[pl.ds(15 * _RPT0, _RPT1)])

    plsc.subcore_barrier()

    def _start(j, buf, sem):
        pltpu.make_async_copy(xtab.at[srcbuf.at[j]], buf, sem).start()

    def _wait(j, buf, sem):
        pltpu.make_async_copy(xtab.at[srcbuf.at[j]], buf, sem).wait()

    def _scat(j, buf):
        pltpu.sync_copy(buf, acc.at[dstbuf.at[j]], add=True)

    def _phase(off):
        start = pl.multiple_of(sid * _CPT + off, 8)
        pltpu.sync_copy(src_hbm.at[pl.ds(start, _PH)], srcbuf)
        pltpu.sync_copy(dst_hbm.at[pl.ds(start, _PH)], dstbuf)

        _start(0, rows0, sem0)

        def body(jj, carry):
            a = 2 * jj
            _start(a + 1, rows1, sem1)
            _wait(a, rows0, sem0)
            _scat(a, rows0)

            @pl.when(a + 2 < _PH)
            def _():
                _start(a + 2, rows0, sem0)

            _wait(a + 1, rows1, sem1)
            _scat(a + 1, rows1)
            return carry

        lax.fori_loop(0, _PH // 2, body, 0)

    for p in range(_CPT // _PH):
        _phase(p * _PH)

    plsc.subcore_barrier()

    @pl.when(sid < _NS - 1)
    def _():
        r0 = pl.multiple_of(sid * _RPT0, 8)
        pltpu.sync_copy(acc.at[pl.ds(r0, _RPT0)],
                        out_hbm.at[cid, pl.ds(r0, _RPT0)])

    @pl.when(sid == _NS - 1)
    def _():
        pltpu.sync_copy(acc.at[pl.ds(15 * _RPT0, _RPT1)],
                        out_hbm.at[cid, pl.ds(15 * _RPT0, _RPT1)])


def _agg(xs, src, dst):
    k = pl.kernel(
        _agg_body,
        mesh=plsc.VectorSubcoreMesh(core_axis_name="c", subcore_axis_name="s"),
        out_type=jax.ShapeDtypeStruct((_NC, _N, _FH), jnp.float32),
        scratch_types=[
            pltpu.VMEM_SHARED((_N, _FH), jnp.float32),
            pltpu.VMEM_SHARED((_ACCR, _FH), jnp.float32),
            pltpu.VMEM((_PH, _CHUNK), jnp.int32),
            pltpu.VMEM((_PH, _CHUNK), jnp.int32),
            pltpu.VMEM((_CHUNK, _FH), jnp.float32),
            pltpu.VMEM((_CHUNK, _FH), jnp.float32),
            pltpu.SemaphoreType.DMA,
            pltpu.SemaphoreType.DMA,
        ],
    )
    return k(xs, src, dst)


_RB = 2000
_GRID = _N // _RB


def _mlp_body(a_ref, w1_ref, b1_ref, gb_ref, w2_ref, b2_ref,
              o_ref, pool_ref, h_scr, sacc_ref, pacc_ref):
    p = pl.program_id(0)
    i = pl.program_id(1)

    @pl.when(p == 0)
    def _():
        hpre = jnp.concatenate([a_ref[0], a_ref[1]], axis=1)
        h = jnp.dot(hpre, w1_ref[...],
                    preferred_element_type=jnp.float32) + b1_ref[...]
        h_scr[pl.ds(i * _RB, _RB)] = h
        s1 = jnp.sum(h, axis=0, keepdims=True)
        s2 = jnp.sum(h * h, axis=0, keepdims=True)

        @pl.when(i == 0)
        def _():
            sacc_ref[...] = jnp.zeros_like(sacc_ref)

        sacc_ref[...] += jnp.concatenate([s1, s2], axis=0)

    @pl.when(p == 1)
    def _():
        mean = sacc_ref[0:1, :] * (1.0 / _N)
        var = sacc_ref[1:2, :] * (1.0 / _N) - mean * mean
        inv = lax.rsqrt(var + 1e-5)
        scale = gb_ref[0:1, :] * inv
        shift = gb_ref[1:2, :] - mean * scale
        hn = jnp.maximum(h_scr[pl.ds(i * _RB, _RB)] * scale + shift, 0.0)
        o = jnp.maximum(
            jnp.dot(hn, w2_ref[...], preferred_element_type=jnp.float32)
            + b2_ref[...], 0.0)
        o_ref[0] = o[:, :_FH]
        o_ref[1] = o[:, _FH:]

        @pl.when(i == 0)
        def _():
            pacc_ref[...] = jnp.zeros_like(pacc_ref)

        pacc_ref[...] += jnp.sum(o, axis=0, keepdims=True)

        @pl.when(i == _GRID - 1)
        def _():
            pool_ref[...] = pacc_ref[...]


def _mlp(a, w1, b1, g, be, w2, b2):
    gb = jnp.concatenate([g.reshape(1, _F), be.reshape(1, _F)], axis=0)
    return pl.pallas_call(
        _mlp_body,
        grid=(2, _GRID),
        in_specs=[
            pl.BlockSpec((_NC, _RB, _FH),
                         lambda p, i: (0, i * (1 - p) + (_GRID - 1) * p, 0)),
            pl.BlockSpec((_F, _F), lambda p, i: (0, 0)),
            pl.BlockSpec((1, _F), lambda p, i: (0, 0)),
            pl.BlockSpec((2, _F), lambda p, i: (0, 0)),
            pl.BlockSpec((_F, _F), lambda p, i: (0, 0)),
            pl.BlockSpec((1, _F), lambda p, i: (0, 0)),
        ],
        out_specs=[
            pl.BlockSpec((_NC, _RB, _FH), lambda p, i: (0, i * p, 0)),
            pl.BlockSpec((1, _F), lambda p, i: (0, 0)),
        ],
        out_shape=[
            jax.ShapeDtypeStruct((_NC, _N, _FH), jnp.float32),
            jax.ShapeDtypeStruct((1, _F), jnp.float32),
        ],
        scratch_shapes=[
            pltpu.VMEM((_N, _F), jnp.float32),
            pltpu.VMEM((2, _F), jnp.float32),
            pltpu.VMEM((1, _F), jnp.float32),
        ],
    )(a, w1, b1.reshape(1, _F), gb, w2, b2.reshape(1, _F))


def _head_body(p0_ref, p1_ref, p2_ref, w_ref, b_ref, o_ref):
    o_ref[...] = (
        jnp.dot(p0_ref[...], w_ref[0:_F], preferred_element_type=jnp.float32)
        + jnp.dot(p1_ref[...], w_ref[_F:2 * _F], preferred_element_type=jnp.float32)
        + jnp.dot(p2_ref[...], w_ref[2 * _F:3 * _F], preferred_element_type=jnp.float32)
        + b_ref[...])


def _head(p0, p1, p2, wll, bll):
    return pl.pallas_call(
        _head_body,
        out_shape=jax.ShapeDtypeStruct((1, _C), jnp.float32),
    )(p0, p1, p2, wll, bll.reshape(1, _C))


def kernel(x, edge_idx, W1_0, b1_0, g_0, be_0, W2_0, b2_0,
           W1_1, b1_1, g_1, be_1, W2_1, b2_1,
           W1_2, b1_2, g_2, be_2, W2_2, b2_2, Wll, bll):
    src = jnp.concatenate(
        [edge_idx[0], jnp.zeros((_EPAD,), jnp.int32)]).reshape(_NCHUNKS, _CHUNK)
    dst = jnp.concatenate(
        [edge_idx[1], _N + (jnp.arange(_EPAD, dtype=jnp.int32) % _TRASH)]
    ).reshape(_NCHUNKS, _CHUNK)
    layers = ((W1_0, b1_0, g_0, be_0, W2_0, b2_0),
              (W1_1, b1_1, g_1, be_1, W2_1, b2_1),
              (W1_2, b1_2, g_2, be_2, W2_2, b2_2))
    hs = jnp.stack([x[:, :_FH], x[:, _FH:]])
    pools = []
    for (W1, b1, g, be, W2, b2) in layers:
        a = _agg(hs, src, dst)
        hs, pool = _mlp(a, W1, b1, g, be, W2, b2)
        pools.append(pool)
    return _head(pools[0], pools[1], pools[2], Wll, bll)

# --- scband reference (transcript-rebuilt; emitter-appended) ---
"""Pipeline reference for scband-gin-87711822119196 (READ-ONLY COPY).

The authoritative reference and input builder live on the scoring server;
editing this copy changes nothing except your own understanding.
"""

import jax, jax.numpy as jnp
import numpy as np

N, E, F, H, C = 10000, 320000, 128, 128, 40

def setup_inputs(seed: int = 0):
    key = jax.random.key(seed)
    ks = jax.random.split(key, 16)
    inp = {}
    inp['x'] = jax.random.normal(ks[0], (N, F), dtype=jnp.float32)
    inp['edge_idx'] = jax.random.randint(ks[1], (2, E), 0, N, dtype=jnp.int32)
    dims = [(F, H), (H, H), (H, H)]
    k = 2
    for l, (din, dout) in enumerate(dims):
        inp[f'W1_{l}'] = jax.random.normal(ks[k], (din, dout), dtype=jnp.float32) * 0.05; k += 1
        inp[f'b1_{l}'] = jnp.zeros((dout,), dtype=jnp.float32)
        inp[f'g_{l}'] = jnp.ones((dout,), dtype=jnp.float32)
        inp[f'be_{l}'] = jnp.zeros((dout,), dtype=jnp.float32)
        inp[f'W2_{l}'] = jax.random.normal(ks[k], (dout, dout), dtype=jnp.float32) * 0.05; k += 1
        inp[f'b2_{l}'] = jnp.zeros((dout,), dtype=jnp.float32)
    inp['Wll'] = jax.random.normal(ks[k], (H * 3, C), dtype=jnp.float32) * 0.05
    inp['bll'] = jnp.zeros((C,), dtype=jnp.float32)
    return inp

def _gin_conv(x, src, dst, W1, b1, g, be, W2, b2):
    # GINConv: MLP((1 + eps) * x + sum_{j in N(i)} x_j), PyG default eps = 0
    agg = jax.ops.segment_sum(x[src], dst, num_segments=x.shape[0])
    h = x + agg
    h = h @ W1 + b1
    # BatchNorm1d (training-mode batch statistics)
    mean = jnp.mean(h, axis=0)
    var = jnp.var(h, axis=0)
    h = (h - mean) / jnp.sqrt(var + 1e-5) * g + be
    h = jax.nn.relu(h)
    h = h @ W2 + b2
    h = jax.nn.relu(h)
    return h

def reference(x, edge_idx, W1_0, b1_0, g_0, be_0, W2_0, b2_0, W1_1, b1_1, g_1, be_1, W2_1, b2_1, W1_2, b1_2, g_2, be_2, W2_2, b2_2, Wll, bll):
    src, dst = edge_idx[0], edge_idx[1]
    emb = _gin_conv(x, src, dst, W1_0, b1_0, g_0, be_0, W2_0, b2_0)
    e1 = _gin_conv(emb, src, dst, W1_1, b1_1, g_1, be_1, W2_1, b2_1)
    e2 = _gin_conv(e1, src, dst, W1_2, b1_2, g_2, be_2, W2_2, b2_2)
    # global_add_pool with batch=None -> sum over all nodes, shape [1, H]
    h0 = jnp.sum(emb, axis=0, keepdims=True)
    h1 = jnp.sum(e1, axis=0, keepdims=True)
    h2 = jnp.sum(e2, axis=0, keepdims=True)
    h = jnp.concatenate([h0, h1, h2], axis=1)
    # dropout(p=0.5) omitted for deterministic reference
    return h @ Wll + bll

if __name__ == "__main__":
    import jax
    _d = setup_inputs()
    print(jax.jit(kernel)(*tuple(_d.values())))

</pallas_src>

<mosaic_0001>
#map = affine_map<(d0, d1) -> (0, 0, 0)>
#map1 = affine_map<(d0, d1) -> (0, 0)>
module attributes {stable_mosaic.version = 14 : i64} {
  func.func @_agg_body(%arg0: i32, %arg1: i32, %arg2: memref<2x10000x64xf32, #tpu.memory_space<hbm>>, %arg3: memref<5120x64xi32, #tpu.memory_space<hbm>>, %arg4: memref<5120x64xi32, #tpu.memory_space<hbm>>, %arg5: memref<2x10000x64xf32, #tpu.memory_space<hbm>>, %arg6: memref<10000x64xf32, #tpu.memory_space<vmem_shared>>, %arg7: memref<10064x64xf32, #tpu.memory_space<vmem_shared>>, %arg8: memref<80x64xi32, #tpu.memory_space<vmem>>, %arg9: memref<80x64xi32, #tpu.memory_space<vmem>>, %arg10: memref<64x64xf32, #tpu.memory_space<vmem>>, %arg11: memref<64x64xf32, #tpu.memory_space<vmem>>, %arg12: memref<!tpu.dma_semaphore, #tpu.memory_space<semaphore_mem>>, %arg13: memref<!tpu.dma_semaphore, #tpu.memory_space<semaphore_mem>>) attributes {dimension_semantics = [#tpu.dimension_semantics<core_parallel>, #tpu.dimension_semantics<subcore_parallel>], iteration_bounds = array<i64: 2, 16>, scalar_prefetch = 0 : i64, scratch_operands = 8 : i64, tpu.core_type = #tpu.core_type<sc_vector_subcore>, window_params = [{transform_indices = #map}, {transform_indices = #map1}, {transform_indices = #map1}, {transform_indices = #map}]} {
    %lt3A = arith.constant 15 : i32
    %lt3A_0 = arith.cmpi slt, %arg1, %lt3A : i32
    %convert_element_type3A = arith.extui %lt3A_0 : i1 to i32
    %cond3A = arith.constant 0 : i32
    %cond3A_1 = arith.cmpi ne, %convert_element_type3A, %cond3A : i32
    scf.if %cond3A_1 {
      %mul3A_84 = arith.constant 632 : i32
      %mul3A_85 = arith.muli %arg1, %mul3A_84 : i32
      %multiple_of3A_86 = tpu.assume_multiple %mul3A_85, 8 : i32
      "tpu.region"() ({
        %run_scoped3A = tpu.sem_alloc : memref<!tpu.dma_semaphore, #tpu.memory_space<semaphore_mem>>
        %dma_start3A_87 = arith.constant 0 : i32
        %dma_start3A_88 = tpu.memref_slice %arg6[%multiple_of3A_86, %dma_start3A_87] : memref<10000x64xf32, #tpu.memory_space<vmem_shared>> -> memref<632x64xf32, #tpu.memory_space<vmem_shared>>
        %dma_start3A_89 = arith.constant 0 : i32
        %dma_start3A_90 = tpu.memref_slice %arg2[%arg0, %multiple_of3A_86, %dma_start3A_89] : memref<2x10000x64xf32, #tpu.memory_space<hbm>> -> memref<1x632x64xf32, #tpu.memory_space<hbm>>
        %dma_start3A_91 = tpu.memref_squeeze %dma_start3A_90 : memref<1x632x64xf32, #tpu.memory_space<hbm>> -> memref<632x64xf32, #tpu.memory_space<hbm>>
        tpu.enqueue_dma source(%dma_start3A_91 : memref<632x64xf32, #tpu.memory_space<hbm>>) target(%dma_start3A_88 : memref<632x64xf32, #tpu.memory_space<vmem_shared>>) target_semaphore(%run_scoped3A : memref<!tpu.dma_semaphore, #tpu.memory_space<semaphore_mem>>)
        %dma_wait3A = arith.constant 0 : i32
        %dma_wait3A_92 = tpu.memref_slice %arg6[%multiple_of3A_86, %dma_wait3A] : memref<10000x64xf32, #tpu.memory_space<vmem_shared>> -> memref<632x64xf32, #tpu.memory_space<vmem_shared>>
        %dma_wait3A_93 = arith.constant 0 : i32
        %dma_wait3A_94 = tpu.memref_slice %arg2[%arg0, %multiple_of3A_86, %dma_wait3A_93] : memref<2x10000x64xf32, #tpu.memory_space<hbm>> -> memref<1x632x64xf32, #tpu.memory_space<hbm>>
        %dma_wait3A_95 = tpu.memref_squeeze %dma_wait3A_94 : memref<1x632x64xf32, #tpu.memory_space<hbm>> -> memref<632x64xf32, #tpu.memory_space<hbm>>
        tpu.wait_dma2 semaphore(%run_scoped3A : memref<!tpu.dma_semaphore, #tpu.memory_space<semaphore_mem>>) src(%dma_wait3A_95 : memref<632x64xf32, #tpu.memory_space<hbm>>) dst(%dma_wait3A_92 : memref<632x64xf32, #tpu.memory_space<vmem_shared>>)
        tpu.yield
      }) : () -> ()
      "tpu.region"() ({
        %run_scoped3A = tpu.sem_alloc : memref<!tpu.dma_semaphore, #tpu.memory_space<semaphore_mem>>
        %dma_start3A_87 = arith.constant 0 : i32
        %dma_start3A_88 = tpu.memref_slice %arg7[%multiple_of3A_86, %dma_start3A_87] : memref<10064x64xf32, #tpu.memory_space<vmem_shared>> -> memref<632x64xf32, #tpu.memory_space<vmem_shared>>
        %dma_start3A_89 = arith.constant 0 : i32
        %dma_start3A_90 = tpu.memref_slice %arg2[%arg0, %multiple_of3A_86, %dma_start3A_89] : memref<2x10000x64xf32, #tpu.memory_space<hbm>> -> memref<1x632x64xf32, #tpu.memory_space<hbm>>
        %dma_start3A_91 = tpu.memref_squeeze %dma_start3A_90 : memref<1x632x64xf32, #tpu.memory_space<hbm>> -> memref<632x64xf32, #tpu.memory_space<hbm>>
        tpu.enqueue_dma source(%dma_start3A_91 : memref<632x64xf32, #tpu.memory_space<hbm>>) target(%dma_start3A_88 : memref<632x64xf32, #tpu.memory_space<vmem_shared>>) target_semaphore(%run_scoped3A : memref<!tpu.dma_semaphore, #tpu.memory_space<semaphore_mem>>)
        %dma_wait3A = arith.constant 0 : i32
        %dma_wait3A_92 = tpu.memref_slice %arg7[%multiple_of3A_86, %dma_wait3A] : memref<10064x64xf32, #tpu.memory_space<vmem_shared>> -> memref<632x64xf32, #tpu.memory_space<vmem_shared>>
        %dma_wait3A_93 = arith.constant 0 : i32
        %dma_wait3A_94 = tpu.memref_slice %arg2[%arg0, %multiple_of3A_86, %dma_wait3A_93] : memref<2x10000x64xf32, #tpu.memory_space<hbm>> -> memref<1x632x64xf32, #tpu.memory_space<hbm>>
        %dma_wait3A_95 = tpu.memref_squeeze %dma_wait3A_94 : memref<1x632x64xf32, #tpu.memory_space<hbm>> -> memref<632x64xf32, #tpu.memory_space<hbm>>
        tpu.wait_dma2 semaphore(%run_scoped3A : memref<!tpu.dma_semaphore, #tpu.memory_space<semaphore_mem>>) src(%dma_wait3A_95 : memref<632x64xf32, #tpu.memory_space<hbm>>) dst(%dma_wait3A_92 : memref<632x64xf32, #tpu.memory_space<vmem_shared>>)
        tpu.yield
      }) : () -> ()
    } else {
    }
    %eq3A = arith.constant 15 : i32
    %eq3A_2 = arith.cmpi eq, %arg1, %eq3A : i32
    %convert_element_type3A_3 = arith.extui %eq3A_2 : i1 to i32
    %cond3A_4 = arith.constant 0 : i32
    %cond3A_5 = arith.cmpi ne, %convert_element_type3A_3, %cond3A_4 : i32
    scf.if %cond3A_5 {
      "tpu.region"() ({
        %run_scoped3A = tpu.sem_alloc : memref<!tpu.dma_semaphore, #tpu.memory_space<semaphore_mem>>
        %dma_start3A_84 = arith.constant 9480 : i32
        %dma_start3A_85 = arith.constant 0 : i32
        %dma_start3A_86 = tpu.memref_slice %arg6[%dma_start3A_84, %dma_start3A_85] : memref<10000x64xf32, #tpu.memory_space<vmem_shared>> -> memref<520x64xf32, #tpu.memory_space<vmem_shared>>
        %dma_start3A_87 = arith.constant 9480 : i32
        %dma_start3A_88 = arith.constant 0 : i32
        %dma_start3A_89 = tpu.memref_slice %arg2[%arg0, %dma_start3A_87, %dma_start3A_88] : memref<2x10000x64xf32, #tpu.memory_space<hbm>> -> memref<1x520x64xf32, #tpu.memory_space<hbm>>
        %dma_start3A_90 = tpu.memref_squeeze %dma_start3A_89 : memref<1x520x64xf32, #tpu.memory_space<hbm>> -> memref<520x64xf32, #tpu.memory_space<hbm>>
        tpu.enqueue_dma source(%dma_start3A_90 : memref<520x64xf32, #tpu.memory_space<hbm>>) target(%dma_start3A_86 : memref<520x64xf32, #tpu.memory_space<vmem_shared>>) target_semaphore(%run_scoped3A : memref<!tpu.dma_semaphore, #tpu.memory_space<semaphore_mem>>)
        %dma_wait3A = arith.constant 9480 : i32
        %dma_wait3A_91 = arith.constant 0 : i32
        %dma_wait3A_92 = tpu.memref_slice %arg6[%dma_wait3A, %dma_wait3A_91] : memref<10000x64xf32, #tpu.memory_space<vmem_shared>> -> memref<520x64xf32, #tpu.memory_space<vmem_shared>>
        %dma_wait3A_93 = arith.constant 9480 : i32
        %dma_wait3A_94 = arith.constant 0 : i32
        %dma_wait3A_95 = tpu.memref_slice %arg2[%arg0, %dma_wait3A_93, %dma_wait3A_94] : memref<2x10000x64xf32, #tpu.memory_space<hbm>> -> memref<1x520x64xf32, #tpu.memory_space<hbm>>
        %dma_wait3A_96 = tpu.memref_squeeze %dma_wait3A_95 : memref<1x520x64xf32, #tpu.memory_space<hbm>> -> memref<520x64xf32, #tpu.memory_space<hbm>>
        tpu.wait_dma2 semaphore(%run_scoped3A : memref<!tpu.dma_semaphore, #tpu.memory_space<semaphore_mem>>) src(%dma_wait3A_96 : memref<520x64xf32, #tpu.memory_space<hbm>>) dst(%dma_wait3A_92 : memref<520x64xf32, #tpu.memory_space<vmem_shared>>)
        tpu.yield
      }) : () -> ()
      "tpu.region"() ({
        %run_scoped3A = tpu.sem_alloc : memref<!tpu.dma_semaphore, #tpu.memory_space<semaphore_mem>>
        %dma_start3A_84 = arith.constant 9480 : i32
        %dma_start3A_85 = arith.constant 0 : i32
        %dma_start3A_86 = tpu.memref_slice %arg7[%dma_start3A_84, %dma_start3A_85] : memref<10064x64xf32, #tpu.memory_space<vmem_shared>> -> memref<520x64xf32, #tpu.memory_space<vmem_shared>>
        %dma_start3A_87 = arith.constant 9480 : i32
        %dma_start3A_88 = arith.constant 0 : i32
        %dma_start3A_89 = tpu.memref_slice %arg2[%arg0, %dma_start3A_87, %dma_start3A_88] : memref<2x10000x64xf32, #tpu.memory_space<hbm>> -> memref<1x520x64xf32, #tpu.memory_space<hbm>>
        %dma_start3A_90 = tpu.memref_squeeze %dma_start3A_89 : memref<1x520x64xf32, #tpu.memory_space<hbm>> -> memref<520x64xf32, #tpu.memory_space<hbm>>
        tpu.enqueue_dma source(%dma_start3A_90 : memref<520x64xf32, #tpu.memory_space<hbm>>) target(%dma_start3A_86 : memref<520x64xf32, #tpu.memory_space<vmem_shared>>) target_semaphore(%run_scoped3A : memref<!tpu.dma_semaphore, #tpu.memory_space<semaphore_mem>>)
        %dma_wait3A = arith.constant 9480 : i32
        %dma_wait3A_91 = arith.constant 0 : i32
        %dma_wait3A_92 = tpu.memref_slice %arg7[%dma_wait3A, %dma_wait3A_91] : memref<10064x64xf32, #tpu.memory_space<vmem_shared>> -> memref<520x64xf32, #tpu.memory_space<vmem_shared>>
        %dma_wait3A_93 = arith.constant 9480 : i32
        %dma_wait3A_94 = arith.constant 0 : i32
        %dma_wait3A_95 = tpu.memref_slice %arg2[%arg0, %dma_wait3A_93, %dma_wait3A_94] : memref<2x10000x64xf32, #tpu.memory_space<hbm>> -> memref<1x520x64xf32, #tpu.memory_space<hbm>>
        %dma_wait3A_96 = tpu.memref_squeeze %dma_wait3A_95 : memref<1x520x64xf32, #tpu.memory_space<hbm>> -> memref<520x64xf32, #tpu.memory_space<hbm>>
        tpu.wait_dma2 semaphore(%run_scoped3A : memref<!tpu.dma_semaphore, #tpu.memory_space<semaphore_mem>>) src(%dma_wait3A_96 : memref<520x64xf32, #tpu.memory_space<hbm>>) dst(%dma_wait3A_92 : memref<520x64xf32, #tpu.memory_space<vmem_shared>>)
        tpu.yield
      }) : () -> ()
    } else {
    }
    %barrier3A = arith.constant 0 : index
    tpu.barrier barrier_id(%barrier3A)
    %mul3A = arith.constant 320 : i32
    %mul3A_6 = arith.muli %arg1, %mul3A : i32
    %add3A = arith.constant 0 : i32
    %add3A_7 = arith.addi %mul3A_6, %add3A : i32
    %multiple_of3A = tpu.assume_multiple %add3A_7, 8 : i32
    "tpu.region"() ({
      %run_scoped3A = tpu.sem_alloc : memref<!tpu.dma_semaphore, #tpu.memory_space<semaphore_mem>>
      %dma_start3A_84 = arith.constant 0 : i32
      %dma_start3A_85 = tpu.memref_slice %arg3[%multiple_of3A, %dma_start3A_84] : memref<5120x64xi32, #tpu.memory_space<hbm>> -> memref<80x64xi32, #tpu.memory_space<hbm>>
      %dma_start3A_86 = arith.constant 0 : i32
      %dma_start3A_87 = tpu.memref_slice %arg3[%multiple_of3A, %dma_start3A_86] : memref<5120x64xi32, #tpu.memory_space<hbm>> -> memref<80x64xi32, #tpu.memory_space<hbm>>
      tpu.enqueue_dma source(%dma_start3A_87 : memref<80x64xi32, #tpu.memory_space<hbm>>) target(%arg8 : memref<80x64xi32, #tpu.memory_space<vmem>>) target_semaphore(%run_scoped3A : memref<!tpu.dma_semaphore, #tpu.memory_space<semaphore_mem>>)
      %dma_wait3A = arith.constant 0 : i32
      %dma_wait3A_88 = tpu.memref_slice %arg3[%multiple_of3A, %dma_wait3A] : memref<5120x64xi32, #tpu.memory_space<hbm>> -> memref<80x64xi32, #tpu.memory_space<hbm>>
      %dma_wait3A_89 = arith.constant 0 : i32
      %dma_wait3A_90 = tpu.memref_slice %arg3[%multiple_of3A, %dma_wait3A_89] : memref<5120x64xi32, #tpu.memory_space<hbm>> -> memref<80x64xi32, #tpu.memory_space<hbm>>
      tpu.wait_dma2 semaphore(%run_scoped3A : memref<!tpu.dma_semaphore, #tpu.memory_space<semaphore_mem>>) src(%dma_wait3A_90 : memref<80x64xi32, #tpu.memory_space<hbm>>) dst(%arg8 : memref<80x64xi32, #tpu.memory_space<vmem>>)
      tpu.yield
    }) : () -> ()
    "tpu.region"() ({
      %run_scoped3A = tpu.sem_alloc : memref<!tpu.dma_semaphore, #tpu.memory_space<semaphore_mem>>
      %dma_start3A_84 = arith.constant 0 : i32
      %dma_start3A_85 = tpu.memref_slice %arg4[%multiple_of3A, %dma_start3A_84] : memref<5120x64xi32, #tpu.memory_space<hbm>> -> memref<80x64xi32, #tpu.memory_space<hbm>>
      %dma_start3A_86 = arith.constant 0 : i32
      %dma_start3A_87 = tpu.memref_slice %arg4[%multiple_of3A, %dma_start3A_86] : memref<5120x64xi32, #tpu.memory_space<hbm>> -> memref<80x64xi32, #tpu.memory_space<hbm>>
      tpu.enqueue_dma source(%dma_start3A_87 : memref<80x64xi32, #tpu.memory_space<hbm>>) target(%arg9 : memref<80x64xi32, #tpu.memory_space<vmem>>) target_semaphore(%run_scoped3A : memref<!tpu.dma_semaphore, #tpu.memory_space<semaphore_mem>>)
      %dma_wait3A = arith.constant 0 : i32
      %dma_wait3A_88 = tpu.memref_slice %arg4[%multiple_of3A, %dma_wait3A] : memref<5120x64xi32, #tpu.memory_space<hbm>> -> memref<80x64xi32, #tpu.memory_space<hbm>>
      %dma_wait3A_89 = arith.constant 0 : i32
      %dma_wait3A_90 = tpu.memref_slice %arg4[%multiple_of3A, %dma_wait3A_89] : memref<5120x64xi32, #tpu.memory_space<hbm>> -> memref<80x64xi32, #tpu.memory_space<hbm>>
      tpu.wait_dma2 semaphore(%run_scoped3A : memref<!tpu.dma_semaphore, #tpu.memory_space<semaphore_mem>>) src(%dma_wait3A_90 : memref<80x64xi32, #tpu.memory_space<hbm>>) dst(%arg9 : memref<80x64xi32, #tpu.memory_space<vmem>>)
      tpu.yield
    }) : () -> ()
    %dma_start3A = arith.constant 0 : i32
    %dma_start3A_8 = arith.constant 0 : i32
    %dma_start3A_9 = tpu.memref_slice %arg8[%dma_start3A, %dma_start3A_8] : memref<80x64xi32, #tpu.memory_space<vmem>> -> memref<1x64xi32, #tpu.memory_space<vmem>>
    %dma_start3A_10 = tpu.memref_squeeze %dma_start3A_9 : memref<1x64xi32, #tpu.memory_space<vmem>> -> memref<64xi32, #tpu.memory_space<vmem>>
    %dma_start3A_11 = arith.constant 0 : i32
    %dma_start3A_12 = arith.constant 0 : i32
    %dma_start3A_13 = tpu.memref_slice %arg6[%dma_start3A_11, %dma_start3A_12] : memref<10000x64xf32, #tpu.memory_space<vmem_shared>> -> memref<10000x64xf32, #tpu.memory_space<vmem_shared>>
    tpu.enqueue_indirect_dma source(%dma_start3A_13 : memref<10000x64xf32, #tpu.memory_space<vmem_shared>>) target(%arg10 : memref<64x64xf32, #tpu.memory_space<vmem>>) offsets(%dma_start3A_10 : memref<64xi32, #tpu.memory_space<vmem>>) semaphore(%arg12 : memref<!tpu.dma_semaphore, #tpu.memory_space<semaphore_mem>>)
    %scan3A = arith.constant 0 : i32
    %scan3A_14 = arith.constant 0 : i32
    %scan3A_15 = arith.constant 40 : i32
    %scan3A_16 = arith.addi %scan3A_14, %scan3A_15 : i32
    %scan3A_17 = arith.constant 1 : i32
    scf.for %scan3A_84 = %scan3A_14 to %scan3A_16 step %scan3A_17  : i32 {
      %mul3A_85 = arith.constant 2 : i32
      %mul3A_86 = arith.muli %mul3A_85, %scan3A_84 : i32
      %add3A_87 = arith.constant 1 : i32
      %add3A_88 = arith.addi %mul3A_86, %add3A_87 : i32
      %dma_start3A_89 = arith.constant 0 : i32
      %dma_start3A_90 = tpu.memref_slice %arg8[%add3A_88, %dma_start3A_89] : memref<80x64xi32, #tpu.memory_space<vmem>> -> memref<1x64xi32, #tpu.memory_space<vmem>>
      %dma_start3A_91 = tpu.memref_squeeze %dma_start3A_90 : memref<1x64xi32, #tpu.memory_space<vmem>> -> memref<64xi32, #tpu.memory_space<vmem>>
      %dma_start3A_92 = arith.constant 0 : i32
      %dma_start3A_93 = arith.constant 0 : i32
      %dma_start3A_94 = tpu.memref_slice %arg6[%dma_start3A_92, %dma_start3A_93] : memref<10000x64xf32, #tpu.memory_space<vmem_shared>> -> memref<10000x64xf32, #tpu.memory_space<vmem_shared>>
      tpu.enqueue_indirect_dma source(%dma_start3A_94 : memref<10000x64xf32, #tpu.memory_space<vmem_shared>>) target(%arg11 : memref<64x64xf32, #tpu.memory_space<vmem>>) offsets(%dma_start3A_91 : memref<64xi32, #tpu.memory_space<vmem>>) semaphore(%arg13 : memref<!tpu.dma_semaphore, #tpu.memory_space<semaphore_mem>>)
      %dma_wait3A = arith.constant 0 : i32
      %dma_wait3A_95 = tpu.memref_slice %arg8[%mul3A_86, %dma_wait3A] : memref<80x64xi32, #tpu.memory_space<vmem>> -> memref<1x64xi32, #tpu.memory_space<vmem>>
      %dma_wait3A_96 = tpu.memref_squeeze %dma_wait3A_95 : memref<1x64xi32, #tpu.memory_space<vmem>> -> memref<64xi32, #tpu.memory_space<vmem>>
      %dma_wait3A_97 = arith.constant 0 : i32
      %dma_wait3A_98 = arith.constant 0 : i32
      %dma_wait3A_99 = tpu.memref_slice %arg6[%dma_wait3A_97, %dma_wait3A_98] : memref<10000x64xf32, #tpu.memory_space<vmem_shared>> -> memref<10000x64xf32, #tpu.memory_space<vmem_shared>>
      tpu.wait_indirect_dma semaphore(%arg12 : memref<!tpu.dma_semaphore, #tpu.memory_space<semaphore_mem>>) src(%dma_wait3A_99 : memref<10000x64xf32, #tpu.memory_space<vmem_shared>>) dst(%arg10 : memref<64x64xf32, #tpu.memory_space<vmem>>)
      "tpu.region"() ({
        %run_scoped3A = tpu.sem_alloc : memref<!tpu.dma_semaphore, #tpu.memory_space<semaphore_mem>>
        %dma_start3A_117 = arith.constant 0 : i32
        %dma_start3A_118 = tpu.memref_slice %arg9[%mul3A_86, %dma_start3A_117] : memref<80x64xi32, #tpu.memory_space<vmem>> -> memref<1x64xi32, #tpu.memory_space<vmem>>
        %dma_start3A_119 = tpu.memref_squeeze %dma_start3A_118 : memref<1x64xi32, #tpu.memory_space<vmem>> -> memref<64xi32, #tpu.memory_space<vmem>>
        %dma_start3A_120 = arith.constant 0 : i32
        %dma_start3A_121 = arith.constant 0 : i32
        %dma_start3A_122 = tpu.memref_slice %arg7[%dma_start3A_120, %dma_start3A_121] : memref<10064x64xf32, #tpu.memory_space<vmem_shared>> -> memref<10064x64xf32, #tpu.memory_space<vmem_shared>>
        tpu.enqueue_indirect_dma source(%arg10 : memref<64x64xf32, #tpu.memory_space<vmem>>) target(%dma_start3A_122 : memref<10064x64xf32, #tpu.memory_space<vmem_shared>>) offsets(%dma_start3A_119 : memref<64xi32, #tpu.memory_space<vmem>>) semaphore(%run_scoped3A : memref<!tpu.dma_semaphore, #tpu.memory_space<semaphore_mem>>) {add = true}
        %dma_wait3A_123 = arith.constant 0 : i32
        %dma_wait3A_124 = tpu.memref_slice %arg9[%mul3A_86, %dma_wait3A_123] : memref<80x64xi32, #tpu.memory_space<vmem>> -> memref<1x64xi32, #tpu.memory_space<vmem>>
        %dma_wait3A_125 = tpu.memref_squeeze %dma_wait3A_124 : memref<1x64xi32, #tpu.memory_space<vmem>> -> memref<64xi32, #tpu.memory_space<vmem>>
        %dma_wait3A_126 = arith.constant 0 : i32
        %dma_wait3A_127 = arith.constant 0 : i32
        %dma_wait3A_128 = tpu.memref_slice %arg7[%dma_wait3A_126, %dma_wait3A_127] : memref<10064x64xf32, #tpu.memory_space<vmem_shared>> -> memref<10064x64xf32, #tpu.memory_space<vmem_shared>>
        tpu.wait_indirect_dma semaphore(%run_scoped3A : memref<!tpu.dma_semaphore, #tpu.memory_space<semaphore_mem>>) src(%arg10 : memref<64x64xf32, #tpu.memory_space<vmem>>) dst(%dma_wait3A_128 : memref<10064x64xf32, #tpu.memory_space<vmem_shared>>)
        tpu.yield
      }) : () -> ()
      %add3A_100 = arith.constant 2 : i32
      %add3A_101 = arith.addi %mul3A_86, %add3A_100 : i32
      %lt3A_102 = arith.constant 80 : i32
      %lt3A_103 = arith.cmpi slt, %add3A_101, %lt3A_102 : i32
      %convert_element_type3A_104 = arith.extui %lt3A_103 : i1 to i32
      %cond3A_105 = arith.constant 0 : i32
      %cond3A_106 = arith.cmpi ne, %convert_element_type3A_104, %cond3A_105 : i32
      scf.if %cond3A_106 {
        %add3A_117 = arith.constant 2 : i32
        %add3A_118 = arith.addi %mul3A_86, %add3A_117 : i32
        %dma_start3A_119 = arith.constant 0 : i32
        %dma_start3A_120 = tpu.memref_slice %arg8[%add3A_118, %dma_start3A_119] : memref<80x64xi32, #tpu.memory_space<vmem>> -> memref<1x64xi32, #tpu.memory_space<vmem>>
        %dma_start3A_121 = tpu.memref_squeeze %dma_start3A_120 : memref<1x64xi32, #tpu.memory_space<vmem>> -> memref<64xi32, #tpu.memory_space<vmem>>
        %dma_start3A_122 = arith.constant 0 : i32
        %dma_start3A_123 = arith.constant 0 : i32
        %dma_start3A_124 = tpu.memref_slice %arg6[%dma_start3A_122, %dma_start3A_123] : memref<10000x64xf32, #tpu.memory_space<vmem_shared>> -> memref<10000x64xf32, #tpu.memory_space<vmem_shared>>
        tpu.enqueue_indirect_dma source(%dma_start3A_124 : memref<10000x64xf32, #tpu.memory_space<vmem_shared>>) target(%arg10 : memref<64x64xf32, #tpu.memory_space<vmem>>) offsets(%dma_start3A_121 : memref<64xi32, #tpu.memory_space<vmem>>) semaphore(%arg12 : memref<!tpu.dma_semaphore, #tpu.memory_space<semaphore_mem>>)
      } else {
      }
      %add3A_107 = arith.constant 1 : i32
      %add3A_108 = arith.addi %mul3A_86, %add3A_107 : i32
      %dma_wait3A_109 = arith.constant 0 : i32
      %dma_wait3A_110 = tpu.memref_slice %arg8[%add3A_108, %dma_wait3A_109] : memref<80x64xi32, #tpu.memory_space<vmem>> -> memref<1x64xi32, #tpu.memory_space<vmem>>
      %dma_wait3A_111 = tpu.memref_squeeze %dma_wait3A_110 : memref<1x64xi32, #tpu.memory_space<vmem>> -> memref<64xi32, #tpu.memory_space<vmem>>
      %dma_wait3A_112 = arith.constant 0 : i32
      %dma_wait3A_113 = arith.constant 0 : i32
      %dma_wait3A_114 = tpu.memref_slice %arg6[%dma_wait3A_112, %dma_wait3A_113] : memref<10000x64xf32, #tpu.memory_space<vmem_shared>> -> memref<10000x64xf32, #tpu.memory_space<vmem_shared>>
      tpu.wait_indirect_dma semaphore(%arg13 : memref<!tpu.dma_semaphore, #tpu.memory_space<semaphore_mem>>) src(%dma_wait3A_114 : memref<10000x64xf32, #tpu.memory_space<vmem_shared>>) dst(%arg11 : memref<64x64xf32, #tpu.memory_space<vmem>>)
      %add3A_115 = arith.constant 1 : i32
      %add3A_116 = arith.addi %mul3A_86, %add3A_115 : i32
      "tpu.region"() ({
        %run_scoped3A = tpu.sem_alloc : memref<!tpu.dma_semaphore, #tpu.memory_space<semaphore_mem>>
        %dma_start3A_117 = arith.constant 0 : i32
        %dma_start3A_118 = tpu.memref_slice %arg9[%add3A_116, %dma_start3A_117] : memref<80x64xi32, #tpu.memory_space<vmem>> -> memref<1x64xi32, #tpu.memory_space<vmem>>
        %dma_start3A_119 = tpu.memref_squeeze %dma_start3A_118 : memref<1x64xi32, #tpu.memory_space<vmem>> -> memref<64xi32, #tpu.memory_space<vmem>>
        %dma_start3A_120 = arith.constant 0 : i32
        %dma_start3A_121 = arith.constant 0 : i32
        %dma_start3A_122 = tpu.memref_slice %arg7[%dma_start3A_120, %dma_start3A_121] : memref<10064x64xf32, #tpu.memory_space<vmem_shared>> -> memref<10064x64xf32, #tpu.memory_space<vmem_shared>>
        tpu.enqueue_indirect_dma source(%arg11 : memref<64x64xf32, #tpu.memory_space<vmem>>) target(%dma_start3A_122 : memref<10064x64xf32, #tpu.memory_space<vmem_shared>>) offsets(%dma_start3A_119 : memref<64xi32, #tpu.memory_space<vmem>>) semaphore(%run_scoped3A : memref<!tpu.dma_semaphore, #tpu.memory_space<semaphore_mem>>) {add = true}
        %dma_wait3A_123 = arith.constant 0 : i32
        %dma_wait3A_124 = tpu.memref_slice %arg9[%add3A_116, %dma_wait3A_123] : memref<80x64xi32, #tpu.memory_space<vmem>> -> memref<1x64xi32, #tpu.memory_space<vmem>>
        %dma_wait3A_125 = tpu.memref_squeeze %dma_wait3A_124 : memref<1x64xi32, #tpu.memory_space<vmem>> -> memref<64xi32, #tpu.memory_space<vmem>>
        %dma_wait3A_126 = arith.constant 0 : i32
        %dma_wait3A_127 = arith.constant 0 : i32
        %dma_wait3A_128 = tpu.memref_slice %arg7[%dma_wait3A_126, %dma_wait3A_127] : memref<10064x64xf32, #tpu.memory_space<vmem_shared>> -> memref<10064x64xf32, #tpu.memory_space<vmem_shared>>
        tpu.wait_indirect_dma semaphore(%run_scoped3A : memref<!tpu.dma_semaphore, #tpu.memory_space<semaphore_mem>>) src(%arg11 : memref<64x64xf32, #tpu.memory_space<vmem>>) dst(%dma_wait3A_128 : memref<10064x64xf32, #tpu.memory_space<vmem_shared>>)
        tpu.yield
      }) : () -> ()
    }
    %scan3A_18 = arith.constant 40 : i32
    %mul3A_19 = arith.constant 320 : i32
    %mul3A_20 = arith.muli %arg1, %mul3A_19 : i32
    %add3A_21 = arith.constant 80 : i32
    %add3A_22 = arith.addi %mul3A_20, %add3A_21 : i32
    %multiple_of3A_23 = tpu.assume_multiple %add3A_22, 8 : i32
    "tpu.region"() ({
      %run_scoped3A = tpu.sem_alloc : memref<!tpu.dma_semaphore, #tpu.memory_space<semaphore_mem>>
      %dma_start3A_84 = arith.constant 0 : i32
      %dma_start3A_85 = tpu.memref_slice %arg3[%multiple_of3A_23, %dma_start3A_84] : memref<5120x64xi32, #tpu.memory_space<hbm>> -> memref<80x64xi32, #tpu.memory_space<hbm>>
      %dma_start3A_86 = arith.constant 0 : i32
      %dma_start3A_87 = tpu.memref_slice %arg3[%multiple_of3A_23, %dma_start3A_86] : memref<5120x64xi32, #tpu.memory_space<hbm>> -> memref<80x64xi32, #tpu.memory_space<hbm>>
      tpu.enqueue_dma source(%dma_start3A_87 : memref<80x64xi32, #tpu.memory_space<hbm>>) target(%arg8 : memref<80x64xi32, #tpu.memory_space<vmem>>) target_semaphore(%run_scoped3A : memref<!tpu.dma_semaphore, #tpu.memory_space<semaphore_mem>>)
      %dma_wait3A = arith.constant 0 : i32
      %dma_wait3A_88 = tpu.memref_slice %arg3[%multiple_of3A_23, %dma_wait3A] : memref<5120x64xi32, #tpu.memory_space<hbm>> -> memref<80x64xi32, #tpu.memory_space<hbm>>
      %dma_wait3A_89 = arith.constant 0 : i32
      %dma_wait3A_90 = tpu.memref_slice %arg3[%multiple_of3A_23, %dma_wait3A_89] : memref<5120x64xi32, #tpu.memory_space<hbm>> -> memref<80x64xi32, #tpu.memory_space<hbm>>
      tpu.wait_dma2 semaphore(%run_scoped3A : memref<!tpu.dma_semaphore, #tpu.memory_space<semaphore_mem>>) src(%dma_wait3A_90 : memref<80x64xi32, #tpu.memory_space<hbm>>) dst(%arg8 : memref<80x64xi32, #tpu.memory_space<vmem>>)
      tpu.yield
    }) : () -> ()
    "tpu.region"() ({
      %run_scoped3A = tpu.sem_alloc : memref<!tpu.dma_semaphore, #tpu.memory_space<semaphore_mem>>
      %dma_start3A_84 = arith.constant 0 : i32
      %dma_start3A_85 = tpu.memref_slice %arg4[%multiple_of3A_23, %dma_start3A_84] : memref<5120x64xi32, #tpu.memory_space<hbm>> -> memref<80x64xi32, #tpu.memory_space<hbm>>
      %dma_start3A_86 = arith.constant 0 : i32
      %dma_start3A_87 = tpu.memref_slice %arg4[%multiple_of3A_23, %dma_start3A_86] : memref<5120x64xi32, #tpu.memory_space<hbm>> -> memref<80x64xi32, #tpu.memory_space<hbm>>
      tpu.enqueue_dma source(%dma_start3A_87 : memref<80x64xi32, #tpu.memory_space<hbm>>) target(%arg9 : memref<80x64xi32, #tpu.memory_space<vmem>>) target_semaphore(%run_scoped3A : memref<!tpu.dma_semaphore, #tpu.memory_space<semaphore_mem>>)
      %dma_wait3A = arith.constant 0 : i32
      %dma_wait3A_88 = tpu.memref_slice %arg4[%multiple_of3A_23, %dma_wait3A] : memref<5120x64xi32, #tpu.memory_space<hbm>> -> memref<80x64xi32, #tpu.memory_space<hbm>>
      %dma_wait3A_89 = arith.constant 0 : i32
      %dma_wait3A_90 = tpu.memref_slice %arg4[%multiple_of3A_23, %dma_wait3A_89] : memref<5120x64xi32, #tpu.memory_space<hbm>> -> memref<80x64xi32, #tpu.memory_space<hbm>>
      tpu.wait_dma2 semaphore(%run_scoped3A : memref<!tpu.dma_semaphore, #tpu.memory_space<semaphore_mem>>) src(%dma_wait3A_90 : memref<80x64xi32, #tpu.memory_space<hbm>>) dst(%arg9 : memref<80x64xi32, #tpu.memory_space<vmem>>)
      tpu.yield
    }) : () -> ()
    %dma_start3A_24 = arith.constant 0 : i32
    %dma_start3A_25 = arith.constant 0 : i32
    %dma_start3A_26 = tpu.memref_slice %arg8[%dma_start3A_24, %dma_start3A_25] : memref<80x64xi32, #tpu.memory_space<vmem>> -> memref<1x64xi32, #tpu.memory_space<vmem>>
    %dma_start3A_27 = tpu.memref_squeeze %dma_start3A_26 : memref<1x64xi32, #tpu.memory_space<vmem>> -> memref<64xi32, #tpu.memory_space<vmem>>
    %dma_start3A_28 = arith.constant 0 : i32
    %dma_start3A_29 = arith.constant 0 : i32
    %dma_start3A_30 = tpu.memref_slice %arg6[%dma_start3A_28, %dma_start3A_29] : memref<10000x64xf32, #tpu.memory_space<vmem_shared>> -> memref<10000x64xf32, #tpu.memory_space<vmem_shared>>
    tpu.enqueue_indirect_dma source(%dma_start3A_30 : memref<10000x64xf32, #tpu.memory_space<vmem_shared>>) target(%arg10 : memref<64x64xf32, #tpu.memory_space<vmem>>) offsets(%dma_start3A_27 : memref<64xi32, #tpu.memory_space<vmem>>) semaphore(%arg12 : memref<!tpu.dma_semaphore, #tpu.memory_space<semaphore_mem>>)
    %scan3A_31 = arith.constant 0 : i32
    %scan3A_32 = arith.constant 0 : i32
    %scan3A_33 = arith.constant 40 : i32
    %scan3A_34 = arith.addi %scan3A_32, %scan3A_33 : i32
    %scan3A_35 = arith.constant 1 : i32
    scf.for %scan3A_84 = %scan3A_32 to %scan3A_34 step %scan3A_35  : i32 {
      %mul3A_85 = arith.constant 2 : i32
      %mul3A_86 = arith.muli %mul3A_85, %scan3A_84 : i32
      %add3A_87 = arith.constant 1 : i32
      %add3A_88 = arith.addi %mul3A_86, %add3A_87 : i32
      %dma_start3A_89 = arith.constant 0 : i32
      %dma_start3A_90 = tpu.memref_slice %arg8[%add3A_88, %dma_start3A_89] : memref<80x64xi32, #tpu.memory_space<vmem>> -> memref<1x64xi32, #tpu.memory_space<vmem>>
      %dma_start3A_91 = tpu.memref_squeeze %dma_start3A_90 : memref<1x64xi32, #tpu.memory_space<vmem>> -> memref<64xi32, #tpu.memory_space<vmem>>
      %dma_start3A_92 = arith.constant 0 : i32
      %dma_start3A_93 = arith.constant 0 : i32
      %dma_start3A_94 = tpu.memref_slice %arg6[%dma_start3A_92, %dma_start3A_93] : memref<10000x64xf32, #tpu.memory_space<vmem_shared>> -> memref<10000x64xf32, #tpu.memory_space<vmem_shared>>
      tpu.enqueue_indirect_dma source(%dma_start3A_94 : memref<10000x64xf32, #tpu.memory_space<vmem_shared>>) target(%arg11 : memref<64x64xf32, #tpu.memory_space<vmem>>) offsets(%dma_start3A_91 : memref<64xi32, #tpu.memory_space<vmem>>) semaphore(%arg13 : memref<!tpu.dma_semaphore, #tpu.memory_space<semaphore_mem>>)
      %dma_wait3A = arith.constant 0 : i32
      %dma_wait3A_95 = tpu.memref_slice %arg8[%mul3A_86, %dma_wait3A] : memref<80x64xi32, #tpu.memory_space<vmem>> -> memref<1x64xi32, #tpu.memory_space<vmem>>
      %dma_wait3A_96 = tpu.memref_squeeze %dma_wait3A_95 : memref<1x64xi32, #tpu.memory_space<vmem>> -> memref<64xi32, #tpu.memory_space<vmem>>
      %dma_wait3A_97 = arith.constant 0 : i32
      %dma_wait3A_98 = arith.constant 0 : i32
      %dma_wait3A_99 = tpu.memref_slice %arg6[%dma_wait3A_97, %dma_wait3A_98] : memref<10000x64xf32, #tpu.memory_space<vmem_shared>> -> memref<10000x64xf32, #tpu.memory_space<vmem_shared>>
      tpu.wait_indirect_dma semaphore(%arg12 : memref<!tpu.dma_semaphore, #tpu.memory_space<semaphore_mem>>) src(%dma_wait3A_99 : memref<10000x64xf32, #tpu.memory_space<vmem_shared>>) dst(%arg10 : memref<64x64xf32, #tpu.memory_space<vmem>>)
      "tpu.region"() ({
        %run_scoped3A = tpu.sem_alloc : memref<!tpu.dma_semaphore, #tpu.memory_space<semaphore_mem>>
        %dma_start3A_117 = arith.constant 0 : i32
        %dma_start3A_118 = tpu.memref_slice %arg9[%mul3A_86, %dma_start3A_117] : memref<80x64xi32, #tpu.memory_space<vmem>> -> memref<1x64xi32, #tpu.memory_space<vmem>>
        %dma_start3A_119 = tpu.memref_squeeze %dma_start3A_118 : memref<1x64xi32, #tpu.memory_space<vmem>> -> memref<64xi32, #tpu.memory_space<vmem>>
        %dma_start3A_120 = arith.constant 0 : i32
        %dma_start3A_121 = arith.constant 0 : i32
        %dma_start3A_122 = tpu.memref_slice %arg7[%dma_start3A_120, %dma_start3A_121] : memref<10064x64xf32, #tpu.memory_space<vmem_shared>> -> memref<10064x64xf32, #tpu.memory_space<vmem_shared>>
        tpu.enqueue_indirect_dma source(%arg10 : memref<64x64xf32, #tpu.memory_space<vmem>>) target(%dma_start3A_122 : memref<10064x64xf32, #tpu.memory_space<vmem_shared>>) offsets(%dma_start3A_119 : memref<64xi32, #tpu.memory_space<vmem>>) semaphore(%run_scoped3A : memref<!tpu.dma_semaphore, #tpu.memory_space<semaphore_mem>>) {add = true}
        %dma_wait3A_123 = arith.constant 0 : i32
        %dma_wait3A_124 = tpu.memref_slice %arg9[%mul3A_86, %dma_wait3A_123] : memref<80x64xi32, #tpu.memory_space<vmem>> -> memref<1x64xi32, #tpu.memory_space<vmem>>
        %dma_wait3A_125 = tpu.memref_squeeze %dma_wait3A_124 : memref<1x64xi32, #tpu.memory_space<vmem>> -> memref<64xi32, #tpu.memory_space<vmem>>
        %dma_wait3A_126 = arith.constant 0 : i32
        %dma_wait3A_127 = arith.constant 0 : i32
        %dma_wait3A_128 = tpu.memref_slice %arg7[%dma_wait3A_126, %dma_wait3A_127] : memref<10064x64xf32, #tpu.memory_space<vmem_shared>> -> memref<10064x64xf32, #tpu.memory_space<vmem_shared>>
        tpu.wait_indirect_dma semaphore(%run_scoped3A : memref<!tpu.dma_semaphore, #tpu.memory_space<semaphore_mem>>) src(%arg10 : memref<64x64xf32, #tpu.memory_space<vmem>>) dst(%dma_wait3A_128 : memref<10064x64xf32, #tpu.memory_space<vmem_shared>>)
        tpu.yield
      }) : () -> ()
      %add3A_100 = arith.constant 2 : i32
      %add3A_101 = arith.addi %mul3A_86, %add3A_100 : i32
      %lt3A_102 = arith.constant 80 : i32
      %lt3A_103 = arith.cmpi slt, %add3A_101, %lt3A_102 : i32
      %convert_element_type3A_104 = arith.extui %lt3A_103 : i1 to i32
      %cond3A_105 = arith.constant 0 : i32
      %cond3A_106 = arith.cmpi ne, %convert_element_type3A_104, %cond3A_105 : i32
      scf.if %cond3A_106 {
        %add3A_117 = arith.constant 2 : i32
        %add3A_118 = arith.addi %mul3A_86, %add3A_117 : i32
        %dma_start3A_119 = arith.constant 0 : i32
        %dma_start3A_120 = tpu.memref_slice %arg8[%add3A_118, %dma_start3A_119] : memref<80x64xi32, #tpu.memory_space<vmem>> -> memref<1x64xi32, #tpu.memory_space<vmem>>
        %dma_start3A_121 = tpu.memref_squeeze %dma_start3A_120 : memref<1x64xi32, #tpu.memory_space<vmem>> -> memref<64xi32, #tpu.memory_space<vmem>>
        %dma_start3A_122 = arith.constant 0 : i32
        %dma_start3A_123 = arith.constant 0 : i32
        %dma_start3A_124 = tpu.memref_slice %arg6[%dma_start3A_122, %dma_start3A_123] : memref<10000x64xf32, #tpu.memory_space<vmem_shared>> -> memref<10000x64xf32, #tpu.memory_space<vmem_shared>>
        tpu.enqueue_indirect_dma source(%dma_start3A_124 : memref<10000x64xf32, #tpu.memory_space<vmem_shared>>) target(%arg10 : memref<64x64xf32, #tpu.memory_space<vmem>>) offsets(%dma_start3A_121 : memref<64xi32, #tpu.memory_space<vmem>>) semaphore(%arg12 : memref<!tpu.dma_semaphore, #tpu.memory_space<semaphore_mem>>)
      } else {
      }
      %add3A_107 = arith.constant 1 : i32
      %add3A_108 = arith.addi %mul3A_86, %add3A_107 : i32
      %dma_wait3A_109 = arith.constant 0 : i32
      %dma_wait3A_110 = tpu.memref_slice %arg8[%add3A_108, %dma_wait3A_109] : memref<80x64xi32, #tpu.memory_space<vmem>> -> memref<1x64xi32, #tpu.memory_space<vmem>>
      %dma_wait3A_111 = tpu.memref_squeeze %dma_wait3A_110 : memref<1x64xi32, #tpu.memory_space<vmem>> -> memref<64xi32, #tpu.memory_space<vmem>>
      %dma_wait3A_112 = arith.constant 0 : i32
      %dma_wait3A_113 = arith.constant 0 : i32
      %dma_wait3A_114 = tpu.memref_slice %arg6[%dma_wait3A_112, %dma_wait3A_113] : memref<10000x64xf32, #tpu.memory_space<vmem_shared>> -> memref<10000x64xf32, #tpu.memory_space<vmem_shared>>
      tpu.wait_indirect_dma semaphore(%arg13 : memref<!tpu.dma_semaphore, #tpu.memory_space<semaphore_mem>>) src(%dma_wait3A_114 : memref<10000x64xf32, #tpu.memory_space<vmem_shared>>) dst(%arg11 : memref<64x64xf32, #tpu.memory_space<vmem>>)
      %add3A_115 = arith.constant 1 : i32
      %add3A_116 = arith.addi %mul3A_86, %add3A_115 : i32
      "tpu.region"() ({
        %run_scoped3A = tpu.sem_alloc : memref<!tpu.dma_semaphore, #tpu.memory_space<semaphore_mem>>
        %dma_start3A_117 = arith.constant 0 : i32
        %dma_start3A_118 = tpu.memref_slice %arg9[%add3A_116, %dma_start3A_117] : memref<80x64xi32, #tpu.memory_space<vmem>> -> memref<1x64xi32, #tpu.memory_space<vmem>>
        %dma_start3A_119 = tpu.memref_squeeze %dma_start3A_118 : memref<1x64xi32, #tpu.memory_space<vmem>> -> memref<64xi32, #tpu.memory_space<vmem>>
        %dma_start3A_120 = arith.constant 0 : i32
        %dma_start3A_121 = arith.constant 0 : i32
        %dma_start3A_122 = tpu.memref_slice %arg7[%dma_start3A_120, %dma_start3A_121] : memref<10064x64xf32, #tpu.memory_space<vmem_shared>> -> memref<10064x64xf32, #tpu.memory_space<vmem_shared>>
        tpu.enqueue_indirect_dma source(%arg11 : memref<64x64xf32, #tpu.memory_space<vmem>>) target(%dma_start3A_122 : memref<10064x64xf32, #tpu.memory_space<vmem_shared>>) offsets(%dma_start3A_119 : memref<64xi32, #tpu.memory_space<vmem>>) semaphore(%run_scoped3A : memref<!tpu.dma_semaphore, #tpu.memory_space<semaphore_mem>>) {add = true}
        %dma_wait3A_123 = arith.constant 0 : i32
        %dma_wait3A_124 = tpu.memref_slice %arg9[%add3A_116, %dma_wait3A_123] : memref<80x64xi32, #tpu.memory_space<vmem>> -> memref<1x64xi32, #tpu.memory_space<vmem>>
        %dma_wait3A_125 = tpu.memref_squeeze %dma_wait3A_124 : memref<1x64xi32, #tpu.memory_space<vmem>> -> memref<64xi32, #tpu.memory_space<vmem>>
        %dma_wait3A_126 = arith.constant 0 : i32
        %dma_wait3A_127 = arith.constant 0 : i32
        %dma_wait3A_128 = tpu.memref_slice %arg7[%dma_wait3A_126, %dma_wait3A_127] : memref<10064x64xf32, #tpu.memory_space<vmem_shared>> -> memref<10064x64xf32, #tpu.memory_space<vmem_shared>>
        tpu.wait_indirect_dma semaphore(%run_scoped3A : memref<!tpu.dma_semaphore, #tpu.memory_space<semaphore_mem>>) src(%arg11 : memref<64x64xf32, #tpu.memory_space<vmem>>) dst(%dma_wait3A_128 : memref<10064x64xf32, #tpu.memory_space<vmem_shared>>)
        tpu.yield
      }) : () -> ()
    }
    %scan3A_36 = arith.constant 40 : i32
    %mul3A_37 = arith.constant 320 : i32
    %mul3A_38 = arith.muli %arg1, %mul3A_37 : i32
    %add3A_39 = arith.constant 160 : i32
    %add3A_40 = arith.addi %mul3A_38, %add3A_39 : i32
    %multiple_of3A_41 = tpu.assume_multiple %add3A_40, 8 : i32
    "tpu.region"() ({
      %run_scoped3A = tpu.sem_alloc : memref<!tpu.dma_semaphore, #tpu.memory_space<semaphore_mem>>
      %dma_start3A_84 = arith.constant 0 : i32
      %dma_start3A_85 = tpu.memref_slice %arg3[%multiple_of3A_41, %dma_start3A_84] : memref<5120x64xi32, #tpu.memory_space<hbm>> -> memref<80x64xi32, #tpu.memory_space<hbm>>
      %dma_start3A_86 = arith.constant 0 : i32
      %dma_start3A_87 = tpu.memref_slice %arg3[%multiple_of3A_41, %dma_start3A_86] : memref<5120x64xi32, #tpu.memory_space<hbm>> -> memref<80x64xi32, #tpu.memory_space<hbm>>
      tpu.enqueue_dma source(%dma_start3A_87 : memref<80x64xi32, #tpu.memory_space<hbm>>) target(%arg8 : memref<80x64xi32, #tpu.memory_space<vmem>>) target_semaphore(%run_scoped3A : memref<!tpu.dma_semaphore, #tpu.memory_space<semaphore_mem>>)
      %dma_wait3A = arith.constant 0 : i32
      %dma_wait3A_88 = tpu.memref_slice %arg3[%multiple_of3A_41, %dma_wait3A] : memref<5120x64xi32, #tpu.memory_space<hbm>> -> memref<80x64xi32, #tpu.memory_space<hbm>>
      %dma_wait3A_89 = arith.constant 0 : i32
      %dma_wait3A_90 = tpu.memref_slice %arg3[%multiple_of3A_41, %dma_wait3A_89] : memref<5120x64xi32, #tpu.memory_space<hbm>> -> memref<80x64xi32, #tpu.memory_space<hbm>>
      tpu.wait_dma2 semaphore(%run_scoped3A : memref<!tpu.dma_semaphore, #tpu.memory_space<semaphore_mem>>) src(%dma_wait3A_90 : memref<80x64xi32, #tpu.memory_space<hbm>>) dst(%arg8 : memref<80x64xi32, #tpu.memory_space<vmem>>)
      tpu.yield
    }) : () -> ()
    "tpu.region"() ({
      %run_scoped3A = tpu.sem_alloc : memref<!tpu.dma_semaphore, #tpu.memory_space<semaphore_mem>>
      %dma_start3A_84 = arith.constant 0 : i32
      %dma_start3A_85 = tpu.memref_slice %arg4[%multiple_of3A_41, %dma_start3A_84] : memref<5120x64xi32, #tpu.memory_space<hbm>> -> memref<80x64xi32, #tpu.memory_space<hbm>>
      %dma_start3A_86 = arith.constant 0 : i32
      %dma_start3A_87 = tpu.memref_slice %arg4[%multiple_of3A_41, %dma_start3A_86] : memref<5120x64xi32, #tpu.memory_space<hbm>> -> memref<80x64xi32, #tpu.memory_space<hbm>>
      tpu.enqueue_dma source(%dma_start3A_87 : memref<80x64xi32, #tpu.memory_space<hbm>>) target(%arg9 : memref<80x64xi32, #tpu.memory_space<vmem>>) target_semaphore(%run_scoped3A : memref<!tpu.dma_semaphore, #tpu.memory_space<semaphore_mem>>)
      %dma_wait3A = arith.constant 0 : i32
      %dma_wait3A_88 = tpu.memref_slice %arg4[%multiple_of3A_41, %dma_wait3A] : memref<5120x64xi32, #tpu.memory_space<hbm>> -> memref<80x64xi32, #tpu.memory_space<hbm>>
      %dma_wait3A_89 = arith.constant 0 : i32
      %dma_wait3A_90 = tpu.memref_slice %arg4[%multiple_of3A_41, %dma_wait3A_89] : memref<5120x64xi32, #tpu.memory_space<hbm>> -> memref<80x64xi32, #tpu.memory_space<hbm>>
      tpu.wait_dma2 semaphore(%run_scoped3A : memref<!tpu.dma_semaphore, #tpu.memory_space<semaphore_mem>>) src(%dma_wait3A_90 : memref<80x64xi32, #tpu.memory_space<hbm>>) dst(%arg9 : memref<80x64xi32, #tpu.memory_space<vmem>>)
      tpu.yield
    }) : () -> ()
    %dma_start3A_42 = arith.constant 0 : i32
    %dma_start3A_43 = arith.constant 0 : i32
    %dma_start3A_44 = tpu.memref_slice %arg8[%dma_start3A_42, %dma_start3A_43] : memref<80x64xi32, #tpu.memory_space<vmem>> -> memref<1x64xi32, #tpu.memory_space<vmem>>
    %dma_start3A_45 = tpu.memref_squeeze %dma_start3A_44 : memref<1x64xi32, #tpu.memory_space<vmem>> -> memref<64xi32, #tpu.memory_space<vmem>>
    %dma_start3A_46 = arith.constant 0 : i32
    %dma_start3A_47 = arith.constant 0 : i32
    %dma_start3A_48 = tpu.memref_slice %arg6[%dma_start3A_46, %dma_start3A_47] : memref<10000x64xf32, #tpu.memory_space<vmem_shared>> -> memref<10000x64xf32, #tpu.memory_space<vmem_shared>>
    tpu.enqueue_indirect_dma source(%dma_start3A_48 : memref<10000x64xf32, #tpu.memory_space<vmem_shared>>) target(%arg10 : memref<64x64xf32, #tpu.memory_space<vmem>>) offsets(%dma_start3A_45 : memref<64xi32, #tpu.memory_space<vmem>>) semaphore(%arg12 : memref<!tpu.dma_semaphore, #tpu.memory_space<semaphore_mem>>)
    %scan3A_49 = arith.constant 0 : i32
    %scan3A_50 = arith.constant 0 : i32
    %scan3A_51 = arith.constant 40 : i32
    %scan3A_52 = arith.addi %scan3A_50, %scan3A_51 : i32
    %scan3A_53 = arith.constant 1 : i32
    scf.for %scan3A_84 = %scan3A_50 to %scan3A_52 step %scan3A_53  : i32 {
      %mul3A_85 = arith.constant 2 : i32
      %mul3A_86 = arith.muli %mul3A_85, %scan3A_84 : i32
      %add3A_87 = arith.constant 1 : i32
      %add3A_88 = arith.addi %mul3A_86, %add3A_87 : i32
      %dma_start3A_89 = arith.constant 0 : i32
      %dma_start3A_90 = tpu.memref_slice %arg8[%add3A_88, %dma_start3A_89] : memref<80x64xi32, #tpu.memory_space<vmem>> -> memref<1x64xi32, #tpu.memory_space<vmem>>
      %dma_start3A_91 = tpu.memref_squeeze %dma_start3A_90 : memref<1x64xi32, #tpu.memory_space<vmem>> -> memref<64xi32, #tpu.memory_space<vmem>>
      %dma_start3A_92 = arith.constant 0 : i32
      %dma_start3A_93 = arith.constant 0 : i32
      %dma_start3A_94 = tpu.memref_slice %arg6[%dma_start3A_92, %dma_start3A_93] : memref<10000x64xf32, #tpu.memory_space<vmem_shared>> -> memref<10000x64xf32, #tpu.memory_space<vmem_shared>>
      tpu.enqueue_indirect_dma source(%dma_start3A_94 : memref<10000x64xf32, #tpu.memory_space<vmem_shared>>) target(%arg11 : memref<64x64xf32, #tpu.memory_space<vmem>>) offsets(%dma_start3A_91 : memref<64xi32, #tpu.memory_space<vmem>>) semaphore(%arg13 : memref<!tpu.dma_semaphore, #tpu.memory_space<semaphore_mem>>)
      %dma_wait3A = arith.constant 0 : i32
      %dma_wait3A_95 = tpu.memref_slice %arg8[%mul3A_86, %dma_wait3A] : memref<80x64xi32, #tpu.memory_space<vmem>> -> memref<1x64xi32, #tpu.memory_space<vmem>>
      %dma_wait3A_96 = tpu.memref_squeeze %dma_wait3A_95 : memref<1x64xi32, #tpu.memory_space<vmem>> -> memref<64xi32, #tpu.memory_space<vmem>>
      %dma_wait3A_97 = arith.constant 0 : i32
      %dma_wait3A_98 = arith.constant 0 : i32
      %dma_wait3A_99 = tpu.memref_slice %arg6[%dma_wait3A_97, %dma_wait3A_98] : memref<10000x64xf32, #tpu.memory_space<vmem_shared>> -> memref<10000x64xf32, #tpu.memory_space<vmem_shared>>
      tpu.wait_indirect_dma semaphore(%arg12 : memref<!tpu.dma_semaphore, #tpu.memory_space<semaphore_mem>>) src(%dma_wait3A_99 : memref<10000x64xf32, #tpu.memory_space<vmem_shared>>) dst(%arg10 : memref<64x64xf32, #tpu.memory_space<vmem>>)
      "tpu.region"() ({
        %run_scoped3A = tpu.sem_alloc : memref<!tpu.dma_semaphore, #tpu.memory_space<semaphore_mem>>
        %dma_start3A_117 = arith.constant 0 : i32
        %dma_start3A_118 = tpu.memref_slice %arg9[%mul3A_86, %dma_start3A_117] : memref<80x64xi32, #tpu.memory_space<vmem>> -> memref<1x64xi32, #tpu.memory_space<vmem>>
        %dma_start3A_119 = tpu.memref_squeeze %dma_start3A_118 : memref<1x64xi32, #tpu.memory_space<vmem>> -> memref<64xi32, #tpu.memory_space<vmem>>
        %dma_start3A_120 = arith.constant 0 : i32
        %dma_start3A_121 = arith.constant 0 : i32
        %dma_start3A_122 = tpu.memref_slice %arg7[%dma_start3A_120, %dma_start3A_121] : memref<10064x64xf32, #tpu.memory_space<vmem_shared>> -> memref<10064x64xf32, #tpu.memory_space<vmem_shared>>
        tpu.enqueue_indirect_dma source(%arg10 : memref<64x64xf32, #tpu.memory_space<vmem>>) target(%dma_start3A_122 : memref<10064x64xf32, #tpu.memory_space<vmem_shared>>) offsets(%dma_start3A_119 : memref<64xi32, #tpu.memory_space<vmem>>) semaphore(%run_scoped3A : memref<!tpu.dma_semaphore, #tpu.memory_space<semaphore_mem>>) {add = true}
        %dma_wait3A_123 = arith.constant 0 : i32
        %dma_wait3A_124 = tpu.memref_slice %arg9[%mul3A_86, %dma_wait3A_123] : memref<80x64xi32, #tpu.memory_space<vmem>> -> memref<1x64xi32, #tpu.memory_space<vmem>>
        %dma_wait3A_125 = tpu.memref_squeeze %dma_wait3A_124 : memref<1x64xi32, #tpu.memory_space<vmem>> -> memref<64xi32, #tpu.memory_space<vmem>>
        %dma_wait3A_126 = arith.constant 0 : i32
        %dma_wait3A_127 = arith.constant 0 : i32
        %dma_wait3A_128 = tpu.memref_slice %arg7[%dma_wait3A_126, %dma_wait3A_127] : memref<10064x64xf32, #tpu.memory_space<vmem_shared>> -> memref<10064x64xf32, #tpu.memory_space<vmem_shared>>
        tpu.wait_indirect_dma semaphore(%run_scoped3A : memref<!tpu.dma_semaphore, #tpu.memory_space<semaphore_mem>>) src(%arg10 : memref<64x64xf32, #tpu.memory_space<vmem>>) dst(%dma_wait3A_128 : memref<10064x64xf32, #tpu.memory_space<vmem_shared>>)
        tpu.yield
      }) : () -> ()
      %add3A_100 = arith.constant 2 : i32
      %add3A_101 = arith.addi %mul3A_86, %add3A_100 : i32
      %lt3A_102 = arith.constant 80 : i32
      %lt3A_103 = arith.cmpi slt, %add3A_101, %lt3A_102 : i32
      %convert_element_type3A_104 = arith.extui %lt3A_103 : i1 to i32
      %cond3A_105 = arith.constant 0 : i32
      %cond3A_106 = arith.cmpi ne, %convert_element_type3A_104, %cond3A_105 : i32
      scf.if %cond3A_106 {
        %add3A_117 = arith.constant 2 : i32
        %add3A_118 = arith.addi %mul3A_86, %add3A_117 : i32
        %dma_start3A_119 = arith.constant 0 : i32
        %dma_start3A_120 = tpu.memref_slice %arg8[%add3A_118, %dma_start3A_119] : memref<80x64xi32, #tpu.memory_space<vmem>> -> memref<1x64xi32, #tpu.memory_space<vmem>>
        %dma_start3A_121 = tpu.memref_squeeze %dma_start3A_120 : memref<1x64xi32, #tpu.memory_space<vmem>> -> memref<64xi32, #tpu.memory_space<vmem>>
        %dma_start3A_122 = arith.constant 0 : i32
        %dma_start3A_123 = arith.constant 0 : i32
        %dma_start3A_124 = tpu.memref_slice %arg6[%dma_start3A_122, %dma_start3A_123] : memref<10000x64xf32, #tpu.memory_space<vmem_shared>> -> memref<10000x64xf32, #tpu.memory_space<vmem_shared>>
        tpu.enqueue_indirect_dma source(%dma_start3A_124 : memref<10000x64xf32, #tpu.memory_space<vmem_shared>>) target(%arg10 : memref<64x64xf32, #tpu.memory_space<vmem>>) offsets(%dma_start3A_121 : memref<64xi32, #tpu.memory_space<vmem>>) semaphore(%arg12 : memref<!tpu.dma_semaphore, #tpu.memory_space<semaphore_mem>>)
      } else {
      }
      %add3A_107 = arith.constant 1 : i32
      %add3A_108 = arith.addi %mul3A_86, %add3A_107 : i32
      %dma_wait3A_109 = arith.constant 0 : i32
      %dma_wait3A_110 = tpu.memref_slice %arg8[%add3A_108, %dma_wait3A_109] : memref<80x64xi32, #tpu.memory_space<vmem>> -> memref<1x64xi32, #tpu.memory_space<vmem>>
      %dma_wait3A_111 = tpu.memref_squeeze %dma_wait3A_110 : memref<1x64xi32, #tpu.memory_space<vmem>> -> memref<64xi32, #tpu.memory_space<vmem>>
      %dma_wait3A_112 = arith.constant 0 : i32
      %dma_wait3A_113 = arith.constant 0 : i32
      %dma_wait3A_114 = tpu.memref_slice %arg6[%dma_wait3A_112, %dma_wait3A_113] : memref<10000x64xf32, #tpu.memory_space<vmem_shared>> -> memref<10000x64xf32, #tpu.memory_space<vmem_shared>>
      tpu.wait_indirect_dma semaphore(%arg13 : memref<!tpu.dma_semaphore, #tpu.memory_space<semaphore_mem>>) src(%dma_wait3A_114 : memref<10000x64xf32, #tpu.memory_space<vmem_shared>>) dst(%arg11 : memref<64x64xf32, #tpu.memory_space<vmem>>)
      %add3A_115 = arith.constant 1 : i32
      %add3A_116 = arith.addi %mul3A_86, %add3A_115 : i32
      "tpu.region"() ({
        %run_scoped3A = tpu.sem_alloc : memref<!tpu.dma_semaphore, #tpu.memory_space<semaphore_mem>>
        %dma_start3A_117 = arith.constant 0 : i32
        %dma_start3A_118 = tpu.memref_slice %arg9[%add3A_116, %dma_start3A_117] : memref<80x64xi32, #tpu.memory_space<vmem>> -> memref<1x64xi32, #tpu.memory_space<vmem>>
        %dma_start3A_119 = tpu.memref_squeeze %dma_start3A_118 : memref<1x64xi32, #tpu.memory_space<vmem>> -> memref<64xi32, #tpu.memory_space<vmem>>
        %dma_start3A_120 = arith.constant 0 : i32
        %dma_start3A_121 = arith.constant 0 : i32
        %dma_start3A_122 = tpu.memref_slice %arg7[%dma_start3A_120, %dma_start3A_121] : memref<10064x64xf32, #tpu.memory_space<vmem_shared>> -> memref<10064x64xf32, #tpu.memory_space<vmem_shared>>
        tpu.enqueue_indirect_dma source(%arg11 : memref<64x64xf32, #tpu.memory_space<vmem>>) target(%dma_start3A_122 : memref<10064x64xf32, #tpu.memory_space<vmem_shared>>) offsets(%dma_start3A_119 : memref<64xi32, #tpu.memory_space<vmem>>) semaphore(%run_scoped3A : memref<!tpu.dma_semaphore, #tpu.memory_space<semaphore_mem>>) {add = true}
        %dma_wait3A_123 = arith.constant 0 : i32
        %dma_wait3A_124 = tpu.memref_slice %arg9[%add3A_116, %dma_wait3A_123] : memref<80x64xi32, #tpu.memory_space<vmem>> -> memref<1x64xi32, #tpu.memory_space<vmem>>
        %dma_wait3A_125 = tpu.memref_squeeze %dma_wait3A_124 : memref<1x64xi32, #tpu.memory_space<vmem>> -> memref<64xi32, #tpu.memory_space<vmem>>
        %dma_wait3A_126 = arith.constant 0 : i32
        %dma_wait3A_127 = arith.constant 0 : i32
        %dma_wait3A_128 = tpu.memref_slice %arg7[%dma_wait3A_126, %dma_wait3A_127] : memref<10064x64xf32, #tpu.memory_space<vmem_shared>> -> memref<10064x64xf32, #tpu.memory_space<vmem_shared>>
        tpu.wait_indirect_dma semaphore(%run_scoped3A : memref<!tpu.dma_semaphore, #tpu.memory_space<semaphore_mem>>) src(%arg11 : memref<64x64xf32, #tpu.memory_space<vmem>>) dst(%dma_wait3A_128 : memref<10064x64xf32, #tpu.memory_space<vmem_shared>>)
        tpu.yield
      }) : () -> ()
    }
    %scan3A_54 = arith.constant 40 : i32
    %mul3A_55 = arith.constant 320 : i32
    %mul3A_56 = arith.muli %arg1, %mul3A_55 : i32
    %add3A_57 = arith.constant 240 : i32
    %add3A_58 = arith.addi %mul3A_56, %add3A_57 : i32
    %multiple_of3A_59 = tpu.assume_multiple %add3A_58, 8 : i32
    "tpu.region"() ({
      %run_scoped3A = tpu.sem_alloc : memref<!tpu.dma_semaphore, #tpu.memory_space<semaphore_mem>>
      %dma_start3A_84 = arith.constant 0 : i32
      %dma_start3A_85 = tpu.memref_slice %arg3[%multiple_of3A_59, %dma_start3A_84] : memref<5120x64xi32, #tpu.memory_space<hbm>> -> memref<80x64xi32, #tpu.memory_space<hbm>>
      %dma_start3A_86 = arith.constant 0 : i32
      %dma_start3A_87 = tpu.memref_slice %arg3[%multiple_of3A_59, %dma_start3A_86] : memref<5120x64xi32, #tpu.memory_space<hbm>> -> memref<80x64xi32, #tpu.memory_space<hbm>>
      tpu.enqueue_dma source(%dma_start3A_87 : memref<80x64xi32, #tpu.memory_space<hbm>>) target(%arg8 : memref<80x64xi32, #tpu.memory_space<vmem>>) target_semaphore(%run_scoped3A : memref<!tpu.dma_semaphore, #tpu.memory_space<semaphore_mem>>)
      %dma_wait3A = arith.constant 0 : i32
      %dma_wait3A_88 = tpu.memref_slice %arg3[%multiple_of3A_59, %dma_wait3A] : memref<5120x64xi32, #tpu.memory_space<hbm>> -> memref<80x64xi32, #tpu.memory_space<hbm>>
      %dma_wait3A_89 = arith.constant 0 : i32
      %dma_wait3A_90 = tpu.memref_slice %arg3[%multiple_of3A_59, %dma_wait3A_89] : memref<5120x64xi32, #tpu.memory_space<hbm>> -> memref<80x64xi32, #tpu.memory_space<hbm>>
      tpu.wait_dma2 semaphore(%run_scoped3A : memref<!tpu.dma_semaphore, #tpu.memory_space<semaphore_mem>>) src(%dma_wait3A_90 : memref<80x64xi32, #tpu.memory_space<hbm>>) dst(%arg8 : memref<80x64xi32, #tpu.memory_space<vmem>>)
      tpu.yield
    }) : () -> ()
    "tpu.region"() ({
      %run_scoped3A = tpu.sem_alloc : memref<!tpu.dma_semaphore, #tpu.memory_space<semaphore_mem>>
      %dma_start3A_84 = arith.constant 0 : i32
      %dma_start3A_85 = tpu.memref_slice %arg4[%multiple_of3A_59, %dma_start3A_84] : memref<5120x64xi32, #tpu.memory_space<hbm>> -> memref<80x64xi32, #tpu.memory_space<hbm>>
      %dma_start3A_86 = arith.constant 0 : i32
      %dma_start3A_87 = tpu.memref_slice %arg4[%multiple_of3A_59, %dma_start3A_86] : memref<5120x64xi32, #tpu.memory_space<hbm>> -> memref<80x64xi32, #tpu.memory_space<hbm>>
      tpu.enqueue_dma source(%dma_start3A_87 : memref<80x64xi32, #tpu.memory_space<hbm>>) target(%arg9 : memref<80x64xi32, #tpu.memory_space<vmem>>) target_semaphore(%run_scoped3A : memref<!tpu.dma_semaphore, #tpu.memory_space<semaphore_mem>>)
      %dma_wait3A = arith.constant 0 : i32
      %dma_wait3A_88 = tpu.memref_slice %arg4[%multiple_of3A_59, %dma_wait3A] : memref<5120x64xi32, #tpu.memory_space<hbm>> -> memref<80x64xi32, #tpu.memory_space<hbm>>
      %dma_wait3A_89 = arith.constant 0 : i32
      %dma_wait3A_90 = tpu.memref_slice %arg4[%multiple_of3A_59, %dma_wait3A_89] : memref<5120x64xi32, #tpu.memory_space<hbm>> -> memref<80x64xi32, #tpu.memory_space<hbm>>
      tpu.wait_dma2 semaphore(%run_scoped3A : memref<!tpu.dma_semaphore, #tpu.memory_space<semaphore_mem>>) src(%dma_wait3A_90 : memref<80x64xi32, #tpu.memory_space<hbm>>) dst(%arg9 : memref<80x64xi32, #tpu.memory_space<vmem>>)
      tpu.yield
    }) : () -> ()
    %dma_start3A_60 = arith.constant 0 : i32
    %dma_start3A_61 = arith.constant 0 : i32
    %dma_start3A_62 = tpu.memref_slice %arg8[%dma_start3A_60, %dma_start3A_61] : memref<80x64xi32, #tpu.memory_space<vmem>> -> memref<1x64xi32, #tpu.memory_space<vmem>>
    %dma_start3A_63 = tpu.memref_squeeze %dma_start3A_62 : memref<1x64xi32, #tpu.memory_space<vmem>> -> memref<64xi32, #tpu.memory_space<vmem>>
    %dma_start3A_64 = arith.constant 0 : i32
    %dma_start3A_65 = arith.constant 0 : i32
    %dma_start3A_66 = tpu.memref_slice %arg6[%dma_start3A_64, %dma_start3A_65] : memref<10000x64xf32, #tpu.memory_space<vmem_shared>> -> memref<10000x64xf32, #tpu.memory_space<vmem_shared>>
    tpu.enqueue_indirect_dma source(%dma_start3A_66 : memref<10000x64xf32, #tpu.memory_space<vmem_shared>>) target(%arg10 : memref<64x64xf32, #tpu.memory_space<vmem>>) offsets(%dma_start3A_63 : memref<64xi32, #tpu.memory_space<vmem>>) semaphore(%arg12 : memref<!tpu.dma_semaphore, #tpu.memory_space<semaphore_mem>>)
    %scan3A_67 = arith.constant 0 : i32
    %scan3A_68 = arith.constant 0 : i32
    %scan3A_69 = arith.constant 40 : i32
    %scan3A_70 = arith.addi %scan3A_68, %scan3A_69 : i32
    %scan3A_71 = arith.constant 1 : i32
    scf.for %scan3A_84 = %scan3A_68 to %scan3A_70 step %scan3A_71  : i32 {
      %mul3A_85 = arith.constant 2 : i32
      %mul3A_86 = arith.muli %mul3A_85, %scan3A_84 : i32
      %add3A_87 = arith.constant 1 : i32
      %add3A_88 = arith.addi %mul3A_86, %add3A_87 : i32
      %dma_start3A_89 = arith.constant 0 : i32
      %dma_start3A_90 = tpu.memref_slice %arg8[%add3A_88, %dma_start3A_89] : memref<80x64xi32, #tpu.memory_space<vmem>> -> memref<1x64xi32, #tpu.memory_space<vmem>>
      %dma_start3A_91 = tpu.memref_squeeze %dma_start3A_90 : memref<1x64xi32, #tpu.memory_space<vmem>> -> memref<64xi32, #tpu.memory_space<vmem>>
      %dma_start3A_92 = arith.constant 0 : i32
      %dma_start3A_93 = arith.constant 0 : i32
      %dma_start3A_94 = tpu.memref_slice %arg6[%dma_start3A_92, %dma_start3A_93] : memref<10000x64xf32, #tpu.memory_space<vmem_shared>> -> memref<10000x64xf32, #tpu.memory_space<vmem_shared>>
      tpu.enqueue_indirect_dma source(%dma_start3A_94 : memref<10000x64xf32, #tpu.memory_space<vmem_shared>>) target(%arg11 : memref<64x64xf32, #tpu.memory_space<vmem>>) offsets(%dma_start3A_91 : memref<64xi32, #tpu.memory_space<vmem>>) semaphore(%arg13 : memref<!tpu.dma_semaphore, #tpu.memory_space<semaphore_mem>>)
      %dma_wait3A = arith.constant 0 : i32
      %dma_wait3A_95 = tpu.memref_slice %arg8[%mul3A_86, %dma_wait3A] : memref<80x64xi32, #tpu.memory_space<vmem>> -> memref<1x64xi32, #tpu.memory_space<vmem>>
      %dma_wait3A_96 = tpu.memref_squeeze %dma_wait3A_95 : memref<1x64xi32, #tpu.memory_space<vmem>> -> memref<64xi32, #tpu.memory_space<vmem>>
      %dma_wait3A_97 = arith.constant 0 : i32
      %dma_wait3A_98 = arith.constant 0 : i32
      %dma_wait3A_99 = tpu.memref_slice %arg6[%dma_wait3A_97, %dma_wait3A_98] : memref<10000x64xf32, #tpu.memory_space<vmem_shared>> -> memref<10000x64xf32, #tpu.memory_space<vmem_shared>>
      tpu.wait_indirect_dma semaphore(%arg12 : memref<!tpu.dma_semaphore, #tpu.memory_space<semaphore_mem>>) src(%dma_wait3A_99 : memref<10000x64xf32, #tpu.memory_space<vmem_shared>>) dst(%arg10 : memref<64x64xf32, #tpu.memory_space<vmem>>)
      "tpu.region"() ({
        %run_scoped3A = tpu.sem_alloc : memref<!tpu.dma_semaphore, #tpu.memory_space<semaphore_mem>>
        %dma_start3A_117 = arith.constant 0 : i32
        %dma_start3A_118 = tpu.memref_slice %arg9[%mul3A_86, %dma_start3A_117] : memref<80x64xi32, #tpu.memory_space<vmem>> -> memref<1x64xi32, #tpu.memory_space<vmem>>
        %dma_start3A_119 = tpu.memref_squeeze %dma_start3A_118 : memref<1x64xi32, #tpu.memory_space<vmem>> -> memref<64xi32, #tpu.memory_space<vmem>>
        %dma_start3A_120 = arith.constant 0 : i32
        %dma_start3A_121 = arith.constant 0 : i32
        %dma_start3A_122 = tpu.memref_slice %arg7[%dma_start3A_120, %dma_start3A_121] : memref<10064x64xf32, #tpu.memory_space<vmem_shared>> -> memref<10064x64xf32, #tpu.memory_space<vmem_shared>>
        tpu.enqueue_indirect_dma source(%arg10 : memref<64x64xf32, #tpu.memory_space<vmem>>) target(%dma_start3A_122 : memref<10064x64xf32, #tpu.memory_space<vmem_shared>>) offsets(%dma_start3A_119 : memref<64xi32, #tpu.memory_space<vmem>>) semaphore(%run_scoped3A : memref<!tpu.dma_semaphore, #tpu.memory_space<semaphore_mem>>) {add = true}
        %dma_wait3A_123 = arith.constant 0 : i32
        %dma_wait3A_124 = tpu.memref_slice %arg9[%mul3A_86, %dma_wait3A_123] : memref<80x64xi32, #tpu.memory_space<vmem>> -> memref<1x64xi32, #tpu.memory_space<vmem>>
        %dma_wait3A_125 = tpu.memref_squeeze %dma_wait3A_124 : memref<1x64xi32, #tpu.memory_space<vmem>> -> memref<64xi32, #tpu.memory_space<vmem>>
        %dma_wait3A_126 = arith.constant 0 : i32
        %dma_wait3A_127 = arith.constant 0 : i32
        %dma_wait3A_128 = tpu.memref_slice %arg7[%dma_wait3A_126, %dma_wait3A_127] : memref<10064x64xf32, #tpu.memory_space<vmem_shared>> -> memref<10064x64xf32, #tpu.memory_space<vmem_shared>>
        tpu.wait_indirect_dma semaphore(%run_scoped3A : memref<!tpu.dma_semaphore, #tpu.memory_space<semaphore_mem>>) src(%arg10 : memref<64x64xf32, #tpu.memory_space<vmem>>) dst(%dma_wait3A_128 : memref<10064x64xf32, #tpu.memory_space<vmem_shared>>)
        tpu.yield
      }) : () -> ()
      %add3A_100 = arith.constant 2 : i32
      %add3A_101 = arith.addi %mul3A_86, %add3A_100 : i32
      %lt3A_102 = arith.constant 80 : i32
      %lt3A_103 = arith.cmpi slt, %add3A_101, %lt3A_102 : i32
      %convert_element_type3A_104 = arith.extui %lt3A_103 : i1 to i32
      %cond3A_105 = arith.constant 0 : i32
      %cond3A_106 = arith.cmpi ne, %convert_element_type3A_104, %cond3A_105 : i32
      scf.if %cond3A_106 {
        %add3A_117 = arith.constant 2 : i32
        %add3A_118 = arith.addi %mul3A_86, %add3A_117 : i32
        %dma_start3A_119 = arith.constant 0 : i32
        %dma_start3A_120 = tpu.memref_slice %arg8[%add3A_118, %dma_start3A_119] : memref<80x64xi32, #tpu.memory_space<vmem>> -> memref<1x64xi32, #tpu.memory_space<vmem>>
        %dma_start3A_121 = tpu.memref_squeeze %dma_start3A_120 : memref<1x64xi32, #tpu.memory_space<vmem>> -> memref<64xi32, #tpu.memory_space<vmem>>
        %dma_start3A_122 = arith.constant 0 : i32
        %dma_start3A_123 = arith.constant 0 : i32
        %dma_start3A_124 = tpu.memref_slice %arg6[%dma_start3A_122, %dma_start3A_123] : memref<10000x64xf32, #tpu.memory_space<vmem_shared>> -> memref<10000x64xf32, #tpu.memory_space<vmem_shared>>
        tpu.enqueue_indirect_dma source(%dma_start3A_124 : memref<10000x64xf32, #tpu.memory_space<vmem_shared>>) target(%arg10 : memref<64x64xf32, #tpu.memory_space<vmem>>) offsets(%dma_start3A_121 : memref<64xi32, #tpu.memory_space<vmem>>) semaphore(%arg12 : memref<!tpu.dma_semaphore, #tpu.memory_space<semaphore_mem>>)
      } else {
      }
      %add3A_107 = arith.constant 1 : i32
      %add3A_108 = arith.addi %mul3A_86, %add3A_107 : i32
      %dma_wait3A_109 = arith.constant 0 : i32
      %dma_wait3A_110 = tpu.memref_slice %arg8[%add3A_108, %dma_wait3A_109] : memref<80x64xi32, #tpu.memory_space<vmem>> -> memref<1x64xi32, #tpu.memory_space<vmem>>
      %dma_wait3A_111 = tpu.memref_squeeze %dma_wait3A_110 : memref<1x64xi32, #tpu.memory_space<vmem>> -> memref<64xi32, #tpu.memory_space<vmem>>
      %dma_wait3A_112 = arith.constant 0 : i32
      %dma_wait3A_113 = arith.constant 0 : i32
      %dma_wait3A_114 = tpu.memref_slice %arg6[%dma_wait3A_112, %dma_wait3A_113] : memref<10000x64xf32, #tpu.memory_space<vmem_shared>> -> memref<10000x64xf32, #tpu.memory_space<vmem_shared>>
      tpu.wait_indirect_dma semaphore(%arg13 : memref<!tpu.dma_semaphore, #tpu.memory_space<semaphore_mem>>) src(%dma_wait3A_114 : memref<10000x64xf32, #tpu.memory_space<vmem_shared>>) dst(%arg11 : memref<64x64xf32, #tpu.memory_space<vmem>>)
      %add3A_115 = arith.constant 1 : i32
      %add3A_116 = arith.addi %mul3A_86, %add3A_115 : i32
      "tpu.region"() ({
        %run_scoped3A = tpu.sem_alloc : memref<!tpu.dma_semaphore, #tpu.memory_space<semaphore_mem>>
        %dma_start3A_117 = arith.constant 0 : i32
        %dma_start3A_118 = tpu.memref_slice %arg9[%add3A_116, %dma_start3A_117] : memref<80x64xi32, #tpu.memory_space<vmem>> -> memref<1x64xi32, #tpu.memory_space<vmem>>
        %dma_start3A_119 = tpu.memref_squeeze %dma_start3A_118 : memref<1x64xi32, #tpu.memory_space<vmem>> -> memref<64xi32, #tpu.memory_space<vmem>>
        %dma_start3A_120 = arith.constant 0 : i32
        %dma_start3A_121 = arith.constant 0 : i32
        %dma_start3A_122 = tpu.memref_slice %arg7[%dma_start3A_120, %dma_start3A_121] : memref<10064x64xf32, #tpu.memory_space<vmem_shared>> -> memref<10064x64xf32, #tpu.memory_space<vmem_shared>>
        tpu.enqueue_indirect_dma source(%arg11 : memref<64x64xf32, #tpu.memory_space<vmem>>) target(%dma_start3A_122 : memref<10064x64xf32, #tpu.memory_space<vmem_shared>>) offsets(%dma_start3A_119 : memref<64xi32, #tpu.memory_space<vmem>>) semaphore(%run_scoped3A : memref<!tpu.dma_semaphore, #tpu.memory_space<semaphore_mem>>) {add = true}
        %dma_wait3A_123 = arith.constant 0 : i32
        %dma_wait3A_124 = tpu.memref_slice %arg9[%add3A_116, %dma_wait3A_123] : memref<80x64xi32, #tpu.memory_space<vmem>> -> memref<1x64xi32, #tpu.memory_space<vmem>>
        %dma_wait3A_125 = tpu.memref_squeeze %dma_wait3A_124 : memref<1x64xi32, #tpu.memory_space<vmem>> -> memref<64xi32, #tpu.memory_space<vmem>>
        %dma_wait3A_126 = arith.constant 0 : i32
        %dma_wait3A_127 = arith.constant 0 : i32
        %dma_wait3A_128 = tpu.memref_slice %arg7[%dma_wait3A_126, %dma_wait3A_127] : memref<10064x64xf32, #tpu.memory_space<vmem_shared>> -> memref<10064x64xf32, #tpu.memory_space<vmem_shared>>
        tpu.wait_indirect_dma semaphore(%run_scoped3A : memref<!tpu.dma_semaphore, #tpu.memory_space<semaphore_mem>>) src(%arg11 : memref<64x64xf32, #tpu.memory_space<vmem>>) dst(%dma_wait3A_128 : memref<10064x64xf32, #tpu.memory_space<vmem_shared>>)
        tpu.yield
      }) : () -> ()
    }
    %scan3A_72 = arith.constant 40 : i32
    %barrier3A_73 = arith.constant 0 : index
    tpu.barrier barrier_id(%barrier3A_73)
    %lt3A_74 = arith.constant 15 : i32
    %lt3A_75 = arith.cmpi slt, %arg1, %lt3A_74 : i32
    %convert_element_type3A_76 = arith.extui %lt3A_75 : i1 to i32
    %cond3A_77 = arith.constant 0 : i32
    %cond3A_78 = arith.cmpi ne, %convert_element_type3A_76, %cond3A_77 : i32
    scf.if %cond3A_78 {
      %mul3A_84 = arith.constant 632 : i32
      %mul3A_85 = arith.muli %arg1, %mul3A_84 : i32
      %multiple_of3A_86 = tpu.assume_multiple %mul3A_85, 8 : i32
      "tpu.region"() ({
        %run_scoped3A = tpu.sem_alloc : memref<!tpu.dma_semaphore, #tpu.memory_space<semaphore_mem>>
        %dma_start3A_87 = arith.constant 0 : i32
        %dma_start3A_88 = tpu.memref_slice %arg5[%arg0, %multiple_of3A_86, %dma_start3A_87] : memref<2x10000x64xf32, #tpu.memory_space<hbm>> -> memref<1x632x64xf32, #tpu.memory_space<hbm>>
        %dma_start3A_89 = tpu.memref_squeeze %dma_start3A_88 : memref<1x632x64xf32, #tpu.memory_space<hbm>> -> memref<632x64xf32, #tpu.memory_space<hbm>>
        %dma_start3A_90 = arith.constant 0 : i32
        %dma_start3A_91 = tpu.memref_slice %arg7[%multiple_of3A_86, %dma_start3A_90] : memref<10064x64xf32, #tpu.memory_space<vmem_shared>> -> memref<632x64xf32, #tpu.memory_space<vmem_shared>>
        tpu.enqueue_dma source(%dma_start3A_91 : memref<632x64xf32, #tpu.memory_space<vmem_shared>>) target(%dma_start3A_89 : memref<632x64xf32, #tpu.memory_space<hbm>>) target_semaphore(%run_scoped3A : memref<!tpu.dma_semaphore, #tpu.memory_space<semaphore_mem>>)
        %dma_wait3A = arith.constant 0 : i32
        %dma_wait3A_92 = tpu.memref_slice %arg5[%arg0, %multiple_of3A_86, %dma_wait3A] : memref<2x10000x64xf32, #tpu.memory_space<hbm>> -> memref<1x632x64xf32, #tpu.memory_space<hbm>>
        %dma_wait3A_93 = tpu.memref_squeeze %dma_wait3A_92 : memref<1x632x64xf32, #tpu.memory_space<hbm>> -> memref<632x64xf32, #tpu.memory_space<hbm>>
        %dma_wait3A_94 = arith.constant 0 : i32
        %dma_wait3A_95 = tpu.memref_slice %arg7[%multiple_of3A_86, %dma_wait3A_94] : memref<10064x64xf32, #tpu.memory_space<vmem_shared>> -> memref<632x64xf32, #tpu.memory_space<vmem_shared>>
        tpu.wait_dma2 semaphore(%run_scoped3A : memref<!tpu.dma_semaphore, #tpu.memory_space<semaphore_mem>>) src(%dma_wait3A_95 : memref<632x64xf32, #tpu.memory_space<vmem_shared>>) dst(%dma_wait3A_93 : memref<632x64xf32, #tpu.memory_space<hbm>>)
        tpu.yield
      }) : () -> ()
    } else {
    }
    %eq3A_79 = arith.constant 15 : i32
    %eq3A_80 = arith.cmpi eq, %arg1, %eq3A_79 : i32
    %convert_element_type3A_81 = arith.extui %eq3A_80 : i1 to i32
    %cond3A_82 = arith.constant 0 : i32
    %cond3A_83 = arith.cmpi ne, %convert_element_type3A_81, %cond3A_82 : i32
    scf.if %cond3A_83 {
      "tpu.region"() ({
        %run_scoped3A = tpu.sem_alloc : memref<!tpu.dma_semaphore, #tpu.memory_space<semaphore_mem>>
        %dma_start3A_84 = arith.constant 9480 : i32
        %dma_start3A_85 = arith.constant 0 : i32
        %dma_start3A_86 = tpu.memref_slice %arg5[%arg0, %dma_start3A_84, %dma_start3A_85] : memref<2x10000x64xf32, #tpu.memory_space<hbm>> -> memref<1x520x64xf32, #tpu.memory_space<hbm>>
        %dma_start3A_87 = tpu.memref_squeeze %dma_start3A_86 : memref<1x520x64xf32, #tpu.memory_space<hbm>> -> memref<520x64xf32, #tpu.memory_space<hbm>>
        %dma_start3A_88 = arith.constant 9480 : i32
        %dma_start3A_89 = arith.constant 0 : i32
        %dma_start3A_90 = tpu.memref_slice %arg7[%dma_start3A_88, %dma_start3A_89] : memref<10064x64xf32, #tpu.memory_space<vmem_shared>> -> memref<520x64xf32, #tpu.memory_space<vmem_shared>>
        tpu.enqueue_dma source(%dma_start3A_90 : memref<520x64xf32, #tpu.memory_space<vmem_shared>>) target(%dma_start3A_87 : memref<520x64xf32, #tpu.memory_space<hbm>>) target_semaphore(%run_scoped3A : memref<!tpu.dma_semaphore, #tpu.memory_space<semaphore_mem>>)
        %dma_wait3A = arith.constant 9480 : i32
        %dma_wait3A_91 = arith.constant 0 : i32
        %dma_wait3A_92 = tpu.memref_slice %arg5[%arg0, %dma_wait3A, %dma_wait3A_91] : memref<2x10000x64xf32, #tpu.memory_space<hbm>> -> memref<1x520x64xf32, #tpu.memory_space<hbm>>
        %dma_wait3A_93 = tpu.memref_squeeze %dma_wait3A_92 : memref<1x520x64xf32, #tpu.memory_space<hbm>> -> memref<520x64xf32, #tpu.memory_space<hbm>>
        %dma_wait3A_94 = arith.constant 9480 : i32
        %dma_wait3A_95 = arith.constant 0 : i32
        %dma_wait3A_96 = tpu.memref_slice %arg7[%dma_wait3A_94, %dma_wait3A_95] : memref<10064x64xf32, #tpu.memory_space<vmem_shared>> -> memref<520x64xf32, #tpu.memory_space<vmem_shared>>
        tpu.wait_dma2 semaphore(%run_scoped3A : memref<!tpu.dma_semaphore, #tpu.memory_space<semaphore_mem>>) src(%dma_wait3A_96 : memref<520x64xf32, #tpu.memory_space<vmem_shared>>) dst(%dma_wait3A_93 : memref<520x64xf32, #tpu.memory_space<hbm>>)
        tpu.yield
      }) : () -> ()
    } else {
    }
    return
  }
}

#map = affine_map<(d0, d1) -> (0, 0, 0)>
#map1 = affine_map<(d0, d1) -> (0, 0)>
module attributes {stable_mosaic.version = 14 : i64} {
  func.func @_agg_body(%arg0: i32, %arg1: i32, %arg2: memref<2x10000x64xf32, #tpu.memory_space<hbm>>, %arg3: memref<5120x64xi32, #tpu.memory_space<hbm>>, %arg4: memref<5120x64xi32, #tpu.memory_space<hbm>>, %arg5: memref<2x10000x64xf32, #tpu.memory_space<hbm>>, %arg6: memref<10000x64xf32, #tpu.memory_space<vmem_shared>>, %arg7: memref<10064x64xf32, #tpu.memory_space<vmem_shared>>, %arg8: memref<80x64xi32, #tpu.memory_space<vmem>>, %arg9: memref<80x64xi32, #tpu.memory_space<vmem>>, %arg10: memref<64x64xf32, #tpu.memory_space<vmem>>, %arg11: memref<64x64xf32, #tpu.memory_space<vmem>>, %arg12: memref<!tpu.dma_semaphore, #tpu.memory_space<semaphore_mem>>, %arg13: memref<!tpu.dma_semaphore, #tpu.memory_space<semaphore_mem>>) attributes {dimension_semantics = [#tpu.dimension_semantics<core_parallel>, #tpu.dimension_semantics<subcore_parallel>], iteration_bounds = array<i64: 2, 16>, scalar_prefetch = 0 : i64, scratch_operands = 8 : i64, tpu.core_type = #tpu.core_type<sc_vector_subcore>, window_params = [{transform_indices = #map}, {transform_indices = #map1}, {transform_indices = #map1}, {transform_indices = #map}]} {
    %lt3A = arith.constant 15 : i32
    %lt3A_0 = arith.cmpi slt, %arg1, %lt3A : i32
    %convert_element_type3A = arith.extui %lt3A_0 : i1 to i32
    %cond3A = arith.constant 0 : i32
    %cond3A_1 = arith.cmpi ne, %convert_element_type3A, %cond3A : i32
    scf.if %cond3A_1 {
      %mul3A_84 = arith.constant 632 : i32
      %mul3A_85 = arith.muli %arg1, %mul3A_84 : i32
      %multiple_of3A_86 = tpu.assume_multiple %mul3A_85, 8 : i32
      "tpu.region"() ({
        %run_scoped3A = tpu.sem_alloc : memref<!tpu.dma_semaphore, #tpu.memory_space<semaphore_mem>>
        %dma_start3A_87 = arith.constant 0 : i32
        %dma_start3A_88 = tpu.memref_slice %arg6[%multiple_of3A_86, %dma_start3A_87] : memref<10000x64xf32, #tpu.memory_space<vmem_shared>> -> memref<632x64xf32, #tpu.memory_space<vmem_shared>>
        %dma_start3A_89 = arith.constant 0 : i32
        %dma_start3A_90 = tpu.memref_slice %arg2[%arg0, %multiple_of3A_86, %dma_start3A_89] : memref<2x10000x64xf32, #tpu.memory_space<hbm>> -> memref<1x632x64xf32, #tpu.memory_space<hbm>>
        %dma_start3A_91 = tpu.memref_squeeze %dma_start3A_90 : memref<1x632x64xf32, #tpu.memory_space<hbm>> -> memref<632x64xf32, #tpu.memory_space<hbm>>
        tpu.enqueue_dma source(%dma_start3A_91 : memref<632x64xf32, #tpu.memory_space<hbm>>) target(%dma_start3A_88 : memref<632x64xf32, #tpu.memory_space<vmem_shared>>) target_semaphore(%run_scoped3A : memref<!tpu.dma_semaphore, #tpu.memory_space<semaphore_mem>>)
        %dma_wait3A = arith.constant 0 : i32
        %dma_wait3A_92 = tpu.memref_slice %arg6[%multiple_of3A_86, %dma_wait3A] : memref<10000x64xf32, #tpu.memory_space<vmem_shared>> -> memref<632x64xf32, #tpu.memory_space<vmem_shared>>
        %dma_wait3A_93 = arith.constant 0 : i32
        %dma_wait3A_94 = tpu.memref_slice %arg2[%arg0, %multiple_of3A_86, %dma_wait3A_93] : memref<2x10000x64xf32, #tpu.memory_space<hbm>> -> memref<1x632x64xf32, #tpu.memory_space<hbm>>
        %dma_wait3A_95 = tpu.memref_squeeze %dma_wait3A_94 : memref<1x632x64xf32, #tpu.memory_space<hbm>> -> memref<632x64xf32, #tpu.memory_space<hbm>>
        tpu.wait_dma2 semaphore(%run_scoped3A : memref<!tpu.dma_semaphore, #tpu.memory_space<semaphore_mem>>) src(%dma_wait3A_95 : memref<632x64xf32, #tpu.memory_space<hbm>>) dst(%dma_wait3A_92 : memref<632x64xf32, #tpu.memory_space<vmem_shared>>)
        tpu.yield
      }) : () -> ()
      "tpu.region"() ({
        %run_scoped3A = tpu.sem_alloc : memref<!tpu.dma_semaphore, #tpu.memory_space<semaphore_mem>>
        %dma_start3A_87 = arith.constant 0 : i32
        %dma_start3A_88 = tpu.memref_slice %arg7[%multiple_of3A_86, %dma_start3A_87] : memref<10064x64xf32, #tpu.memory_space<vmem_shared>> -> memref<632x64xf32, #tpu.memory_space<vmem_shared>>
        %dma_start3A_89 = arith.constant 0 : i32
        %dma_start3A_90 = tpu.memref_slice %arg2[%arg0, %multiple_of3A_86, %dma_start3A_89] : memref<2x10000x64xf32, #tpu.memory_space<hbm>> -> memref<1x632x64xf32, #tpu.memory_space<hbm>>
        %dma_start3A_91 = tpu.memref_squeeze %dma_start3A_90 : memref<1x632x64xf32, #tpu.memory_space<hbm>> -> memref<632x64xf32, #tpu.memory_space<hbm>>
        tpu.enqueue_dma source(%dma_start3A_91 : memref<632x64xf32, #tpu.memory_space<hbm>>) target(%dma_start3A_88 : memref<632x64xf32, #tpu.memory_space<vmem_shared>>) target_semaphore(%run_scoped3A : memref<!tpu.dma_semaphore, #tpu.memory_space<semaphore_mem>>)
        %dma_wait3A = arith.constant 0 : i32
        %dma_wait3A_92 = tpu.memref_slice %arg7[%multiple_of3A_86, %dma_wait3A] : memref<10064x64xf32, #tpu.memory_space<vmem_shared>> -> memref<632x64xf32, #tpu.memory_space<vmem_shared>>
        %dma_wait3A_93 = arith.constant 0 : i32
        %dma_wait3A_94 = tpu.memref_slice %arg2[%arg0, %multiple_of3A_86, %dma_wait3A_93] : memref<2x10000x64xf32, #tpu.memory_space<hbm>> -> memref<1x632x64xf32, #tpu.memory_space<hbm>>
        %dma_wait3A_95 = tpu.memref_squeeze %dma_wait3A_94 : memref<1x632x64xf32, #tpu.memory_space<hbm>> -> memref<632x64xf32, #tpu.memory_space<hbm>>
        tpu.wait_dma2 semaphore(%run_scoped3A : memref<!tpu.dma_semaphore, #tpu.memory_space<semaphore_mem>>) src(%dma_wait3A_95 : memref<632x64xf32, #tpu.memory_space<hbm>>) dst(%dma_wait3A_92 : memref<632x64xf32, #tpu.memory_space<vmem_shared>>)
        tpu.yield
      }) : () -> ()
    } else {
    }
    %eq3A = arith.constant 15 : i32
    %eq3A_2 = arith.cmpi eq, %arg1, %eq3A : i32
    %convert_element_type3A_3 = arith.extui %eq3A_2 : i1 to i32
    %cond3A_4 = arith.constant 0 : i32
    %cond3A_5 = arith.cmpi ne, %convert_element_type3A_3, %cond3A_4 : i32
    scf.if %cond3A_5 {
      "tpu.region"() ({
        %run_scoped3A = tpu.sem_alloc : memref<!tpu.dma_semaphore, #tpu.memory_space<semaphore_mem>>
        %dma_start3A_84 = arith.constant 9480 : i32
        %dma_start3A_85 = arith.constant 0 : i32
        %dma_start3A_86 = tpu.memref_slice %arg6[%dma_start3A_84, %dma_start3A_85] : memref<10000x64xf32, #tpu.memory_space<vmem_shared>> -> memref<520x64xf32, #tpu.memory_space<vmem_shared>>
        %dma_start3A_87 = arith.constant 9480 : i32
        %dma_start3A_88 = arith.constant 0 : i32
        %dma_start3A_89 = tpu.memref_slice %arg2[%arg0, %dma_start3A_87, %dma_start3A_88] : memref<2x10000x64xf32, #tpu.memory_space<hbm>> -> memref<1x520x64xf32, #tpu.memory_space<hbm>>
        %dma_start3A_90 = tpu.memref_squeeze %dma_start3A_89 : memref<1x520x64xf32, #tpu.memory_space<hbm>> -> memref<520x64xf32, #tpu.memory_space<hbm>>
        tpu.enqueue_dma source(%dma_start3A_90 : memref<520x64xf32, #tpu.memory_space<hbm>>) target(%dma_start3A_86 : memref<520x64xf32, #tpu.memory_space<vmem_shared>>) target_semaphore(%run_scoped3A : memref<!tpu.dma_semaphore, #tpu.memory_space<semaphore_mem>>)
        %dma_wait3A = arith.constant 9480 : i32
        %dma_wait3A_91 = arith.constant 0 : i32
        %dma_wait3A_92 = tpu.memref_slice %arg6[%dma_wait3A, %dma_wait3A_91] : memref<10000x64xf32, #tpu.memory_space<vmem_shared>> -> memref<520x64xf32, #tpu.memory_space<vmem_shared>>
        %dma_wait3A_93 = arith.constant 9480 : i32
        %dma_wait3A_94 = arith.constant 0 : i32
        %dma_wait3A_95 = tpu.memref_slice %arg2[%arg0, %dma_wait3A_93, %dma_wait3A_94] : memref<2x10000x64xf32, #tpu.memory_space<hbm>> -> memref<1x520x64xf32, #tpu.memory_space<hbm>>
        %dma_wait3A_96 = tpu.memref_squeeze %dma_wait3A_95 : memref<1x520x64xf32, #tpu.memory_space<hbm>> -> memref<520x64xf32, #tpu.memory_space<hbm>>
        tpu.wait_dma2 semaphore(%run_scoped3A : memref<!tpu.dma_semaphore, #tpu.memory_space<semaphore_mem>>) src(%dma_wait3A_96 : memref<520x64xf32, #tpu.memory_space<hbm>>) dst(%dma_wait3A_92 : memref<520x64xf32, #tpu.memory_space<vmem_shared>>)
        tpu.yield
      }) : () -> ()
      "tpu.region"() ({
        %run_scoped3A = tpu.sem_alloc : memref<!tpu.dma_semaphore, #tpu.memory_space<semaphore_mem>>
        %dma_start3A_84 = arith.constant 9480 : i32
        %dma_start3A_85 = arith.constant 0 : i32
        %dma_start3A_86 = tpu.memref_slice %arg7[%dma_start3A_84, %dma_start3A_85] : memref<10064x64xf32, #tpu.memory_space<vmem_shared>> -> memref<520x64xf32, #tpu.memory_space<vmem_shared>>
        %dma_start3A_87 = arith.constant 9480 : i32
        %dma_start3A_88 = arith.constant 0 : i32
        %dma_start3A_89 = tpu.memref_slice %arg2[%arg0, %dma_start3A_87, %dma_start3A_88] : memref<2x10000x64xf32, #tpu.memory_space<hbm>> -> memref<1x520x64xf32, #tpu.memory_space<hbm>>
        %dma_start3A_90 = tpu.memref_squeeze %dma_start3A_89 : memref<1x520x64xf32, #tpu.memory_space<hbm>> -> memref<520x64xf32, #tpu.memory_space<hbm>>
        tpu.enqueue_dma source(%dma_start3A_90 : memref<520x64xf32, #tpu.memory_space<hbm>>) target(%dma_start3A_86 : memref<520x64xf32, #tpu.memory_space<vmem_shared>>) target_semaphore(%run_scoped3A : memref<!tpu.dma_semaphore, #tpu.memory_space<semaphore_mem>>)
        %dma_wait3A = arith.constant 9480 : i32
        %dma_wait3A_91 = arith.constant 0 : i32
        %dma_wait3A_92 = tpu.memref_slice %arg7[%dma_wait3A, %dma_wait3A_91] : memref<10064x64xf32, #tpu.memory_space<vmem_shared>> -> memref<520x64xf32, #tpu.memory_space<vmem_shared>>
        %dma_wait3A_93 = arith.constant 9480 : i32
        %dma_wait3A_94 = arith.constant 0 : i32
        %dma_wait3A_95 = tpu.memref_slice %arg2[%arg0, %dma_wait3A_93, %dma_wait3A_94] : memref<2x10000x64xf32, #tpu.memory_space<hbm>> -> memref<1x520x64xf32, #tpu.memory_space<hbm>>
        %dma_wait3A_96 = tpu.memref_squeeze %dma_wait3A_95 : memref<1x520x64xf32, #tpu.memory_space<hbm>> -> memref<520x64xf32, #tpu.memory_space<hbm>>
        tpu.wait_dma2 semaphore(%run_scoped3A : memref<!tpu.dma_semaphore, #tpu.memory_space<semaphore_mem>>) src(%dma_wait3A_96 : memref<520x64xf32, #tpu.memory_space<hbm>>) dst(%dma_wait3A_92 : memref<520x64xf32, #tpu.memory_space<vmem_shared>>)
        tpu.yield
      }) : () -> ()
    } else {
    }
    %barrier3A = arith.constant 0 : index
    tpu.barrier barrier_id(%barrier3A)
    %mul3A = arith.constant 320 : i32
    %mul3A_6 = arith.muli %arg1, %mul3A : i32
    %add3A = arith.constant 0 : i32
    %add3A_7 = arith.addi %mul3A_6, %add3A : i32
    %multiple_of3A = tpu.assume_multiple %add3A_7, 8 : i32
    "tpu.region"() ({
      %run_scoped3A = tpu.sem_alloc : memref<!tpu.dma_semaphore, #tpu.memory_space<semaphore_mem>>
      %dma_start3A_84 = arith.constant 0 : i32
      %dma_start3A_85 = tpu.memref_slice %arg3[%multiple_of3A, %dma_start3A_84] : memref<5120x64xi32, #tpu.memory_space<hbm>> -> memref<80x64xi32, #tpu.memory_space<hbm>>
      %dma_start3A_86 = arith.constant 0 : i32
      %dma_start3A_87 = tpu.memref_slice %arg3[%multiple_of3A, %dma_start3A_86] : memref<5120x64xi32, #tpu.memory_space<hbm>> -> memref<80x64xi32, #tpu.memory_space<hbm>>
      tpu.enqueue_dma source(%dma_start3A_87 : memref<80x64xi32, #tpu.memory_space<hbm>>) target(%arg8 : memref<80x64xi32, #tpu.memory_space<vmem>>) target_semaphore(%run_scoped3A : memref<!tpu.dma_semaphore, #tpu.memory_space<semaphore_mem>>)
      %dma_wait3A = arith.constant 0 : i32
      %dma_wait3A_88 = tpu.memref_slice %arg3[%multiple_of3A, %dma_wait3A] : memref<5120x64xi32, #tpu.memory_space<hbm>> -> memref<80x64xi32, #tpu.memory_space<hbm>>
      %dma_wait3A_89 = arith.constant 0 : i32
      %dma_wait3A_90 = tpu.memref_slice %arg3[%multiple_of3A, %dma_wait3A_89] : memref<5120x64xi32, #tpu.memory_space<hbm>> -> memref<80x64xi32, #tpu.memory_space<hbm>>
      tpu.wait_dma2 semaphore(%run_scoped3A : memref<!tpu.dma_semaphore, #tpu.memory_space<semaphore_mem>>) src(%dma_wait3A_90 : memref<80x64xi32, #tpu.memory_space<hbm>>) dst(%arg8 : memref<80x64xi32, #tpu.memory_space<vmem>>)
      tpu.yield
    }) : () -> ()
    "tpu.region"() ({
      %run_scoped3A = tpu.sem_alloc : memref<!tpu.dma_semaphore, #tpu.memory_space<semaphore_mem>>
      %dma_start3A_84 = arith.constant 0 : i32
      %dma_start3A_85 = tpu.memref_slice %arg4[%multiple_of3A, %dma_start3A_84] : memref<5120x64xi32, #tpu.memory_space<hbm>> -> memref<80x64xi32, #tpu.memory_space<hbm>>
      %dma_start3A_86 = arith.constant 0 : i32
      %dma_start3A_87 = tpu.memref_slice %arg4[%multiple_of3A, %dma_start3A_86] : memref<5120x64xi32, #tpu.memory_space<hbm>> -> memref<80x64xi32, #tpu.memory_space<hbm>>
      tpu.enqueue_dma source(%dma_start3A_87 : memref<80x64xi32, #tpu.memory_space<hbm>>) target(%arg9 : memref<80x64xi32, #tpu.memory_space<vmem>>) target_semaphore(%run_scoped3A : memref<!tpu.dma_semaphore, #tpu.memory_space<semaphore_mem>>)
      %dma_wait3A = arith.constant 0 : i32
      %dma_wait3A_88 = tpu.memref_slice %arg4[%multiple_of3A, %dma_wait3A] : memref<5120x64xi32, #tpu.memory_space<hbm>> -> memref<80x64xi32, #tpu.memory_space<hbm>>
      %dma_wait3A_89 = arith.constant 0 : i32
      %dma_wait3A_90 = tpu.memref_slice %arg4[%multiple_of3A, %dma_wait3A_89] : memref<5120x64xi32, #tpu.memory_space<hbm>> -> memref<80x64xi32, #tpu.memory_space<hbm>>
      tpu.wait_dma2 semaphore(%run_scoped3A : memref<!tpu.dma_semaphore, #tpu.memory_space<semaphore_mem>>) src(%dma_wait3A_90 : memref<80x64xi32, #tpu.memory_space<hbm>>) dst(%arg9 : memref<80x64xi32, #tpu.memory_space<vmem>>)
      tpu.yield
    }) : () -> ()
    %dma_start3A = arith.constant 0 : i32
    %dma_start3A_8 = arith.constant 0 : i32
    %dma_start3A_9 = tpu.memref_slice %arg8[%dma_start3A, %dma_start3A_8] : memref<80x64xi32, #tpu.memory_space<vmem>> -> memref<1x64xi32, #tpu.memory_space<vmem>>
    %dma_start3A_10 = tpu.memref_squeeze %dma_start3A_9 : memref<1x64xi32, #tpu.memory_space<vmem>> -> memref<64xi32, #tpu.memory_space<vmem>>
    %dma_start3A_11 = arith.constant 0 : i32
    %dma_start3A_12 = arith.constant 0 : i32
    %dma_start3A_13 = tpu.memref_slice %arg6[%dma_start3A_11, %dma_start3A_12] : memref<10000x64xf32, #tpu.memory_space<vmem_shared>> -> memref<10000x64xf32, #tpu.memory_space<vmem_shared>>
    tpu.enqueue_indirect_dma source(%dma_start3A_13 : memref<10000x64xf32, #tpu.memory_space<vmem_shared>>) target(%arg10 : memref<64x64xf32, #tpu.memory_space<vmem>>) offsets(%dma_start3A_10 : memref<64xi32, #tpu.memory_space<vmem>>) semaphore(%arg12 : memref<!tpu.dma_semaphore, #tpu.memory_space<semaphore_mem>>)
    %scan3A = arith.constant 0 : i32
    %scan3A_14 = arith.constant 0 : i32
    %scan3A_15 = arith.constant 40 : i32
    %scan3A_16 = arith.addi %scan3A_14, %scan3A_15 : i32
    %scan3A_17 = arith.constant 1 : i32
    scf.for %scan3A_84 = %scan3A_14 to %scan3A_16 step %scan3A_17  : i32 {
      %mul3A_85 = arith.constant 2 : i32
      %mul3A_86 = arith.muli %mul3A_85, %scan3A_84 : i32
      %add3A_87 = arith.constant 1 : i32
      %add3A_88 = arith.addi %mul3A_86, %add3A_87 : i32
      %dma_start3A_89 = arith.constant 0 : i32
      %dma_start3A_90 = tpu.memref_slice %arg8[%add3A_88, %dma_start3A_89] : memref<80x64xi32, #tpu.memory_space<vmem>> -> memref<1x64xi32, #tpu.memory_space<vmem>>
      %dma_start3A_91 = tpu.memref_squeeze %dma_start3A_90 : memref<1x64xi32, #tpu.memory_space<vmem>> -> memref<64xi32, #tpu.memory_space<vmem>>
      %dma_start3A_92 = arith.constant 0 : i32
      %dma_start3A_93 = arith.constant 0 : i32
      %dma_start3A_94 = tpu.memref_slice %arg6[%dma_start3A_92, %dma_start3A_93] : memref<10000x64xf32, #tpu.memory_space<vmem_shared>> -> memref<10000x64xf32, #tpu.memory_space<vmem_shared>>
      tpu.enqueue_indirect_dma source(%dma_start3A_94 : memref<10000x64xf32, #tpu.memory_space<vmem_shared>>) target(%arg11 : memref<64x64xf32, #tpu.memory_space<vmem>>) offsets(%dma_start3A_91 : memref<64xi32, #tpu.memory_space<vmem>>) semaphore(%arg13 : memref<!tpu.dma_semaphore, #tpu.memory_space<semaphore_mem>>)
      %dma_wait3A = arith.constant 0 : i32
      %dma_wait3A_95 = tpu.memref_slice %arg8[%mul3A_86, %dma_wait3A] : memref<80x64xi32, #tpu.memory_space<vmem>> -> memref<1x64xi32, #tpu.memory_space<vmem>>
      %dma_wait3A_96 = tpu.memref_squeeze %dma_wait3A_95 : memref<1x64xi32, #tpu.memory_space<vmem>> -> memref<64xi32, #tpu.memory_space<vmem>>
      %dma_wait3A_97 = arith.constant 0 : i32
      %dma_wait3A_98 = arith.constant 0 : i32
      %dma_wait3A_99 = tpu.memref_slice %arg6[%dma_wait3A_97, %dma_wait3A_98] : memref<10000x64xf32, #tpu.memory_space<vmem_shared>> -> memref<10000x64xf32, #tpu.memory_space<vmem_shared>>
      tpu.wait_indirect_dma semaphore(%arg12 : memref<!tpu.dma_semaphore, #tpu.memory_space<semaphore_mem>>) src(%dma_wait3A_99 : memref<10000x64xf32, #tpu.memory_space<vmem_shared>>) dst(%arg10 : memref<64x64xf32, #tpu.memory_space<vmem>>)
      "tpu.region"() ({
        %run_scoped3A = tpu.sem_alloc : memref<!tpu.dma_semaphore, #tpu.memory_space<semaphore_mem>>
        %dma_start3A_117 = arith.constant 0 : i32
        %dma_start3A_118 = tpu.memref_slice %arg9[%mul3A_86, %dma_start3A_117] : memref<80x64xi32, #tpu.memory_space<vmem>> -> memref<1x64xi32, #tpu.memory_space<vmem>>
        %dma_start3A_119 = tpu.memref_squeeze %dma_start3A_118 : memref<1x64xi32, #tpu.memory_space<vmem>> -> memref<64xi32, #tpu.memory_space<vmem>>
        %dma_start3A_120 = arith.constant 0 : i32
        %dma_start3A_121 = arith.constant 0 : i32
        %dma_start3A_122 = tpu.memref_slice %arg7[%dma_start3A_120, %dma_start3A_121] : memref<10064x64xf32, #tpu.memory_space<vmem_shared>> -> memref<10064x64xf32, #tpu.memory_space<vmem_shared>>
        tpu.enqueue_indirect_dma source(%arg10 : memref<64x64xf32, #tpu.memory_space<vmem>>) target(%dma_start3A_122 : memref<10064x64xf32, #tpu.memory_space<vmem_shared>>) offsets(%dma_start3A_119 : memref<64xi32, #tpu.memory_space<vmem>>) semaphore(%run_scoped3A : memref<!tpu.dma_semaphore, #tpu.memory_space<semaphore_mem>>) {add = true}
        %dma_wait3A_123 = arith.constant 0 : i32
        %dma_wait3A_124 = tpu.memref_slice %arg9[%mul3A_86, %dma_wait3A_123] : memref<80x64xi32, #tpu.memory_space<vmem>> -> memref<1x64xi32, #tpu.memory_space<vmem>>
        %dma_wait3A_125 = tpu.memref_squeeze %dma_wait3A_124 : memref<1x64xi32, #tpu.memory_space<vmem>> -> memref<64xi32, #tpu.memory_space<vmem>>
        %dma_wait3A_126 = arith.constant 0 : i32
        %dma_wait3A_127 = arith.constant 0 : i32
        %dma_wait3A_128 = tpu.memref_slice %arg7[%dma_wait3A_126, %dma_wait3A_127] : memref<10064x64xf32, #tpu.memory_space<vmem_shared>> -> memref<10064x64xf32, #tpu.memory_space<vmem_shared>>
        tpu.wait_indirect_dma semaphore(%run_scoped3A : memref<!tpu.dma_semaphore, #tpu.memory_space<semaphore_mem>>) src(%arg10 : memref<64x64xf32, #tpu.memory_space<vmem>>) dst(%dma_wait3A_128 : memref<10064x64xf32, #tpu.memory_space<vmem_shared>>)
        tpu.yield
      }) : () -> ()
      %add3A_100 = arith.constant 2 : i32
      %add3A_101 = arith.addi %mul3A_86, %add3A_100 : i32
      %lt3A_102 = arith.constant 80 : i32
      %lt3A_103 = arith.cmpi slt, %add3A_101, %lt3A_102 : i32
      %convert_element_type3A_104 = arith.extui %lt3A_103 : i1 to i32
      %cond3A_105 = arith.constant 0 : i32
      %cond3A_106 = arith.cmpi ne, %convert_element_type3A_104, %cond3A_105 : i32
      scf.if %cond3A_106 {
        %add3A_117 = arith.constant 2 : i32
        %add3A_118 = arith.addi %mul3A_86, %add3A_117 : i32
        %dma_start3A_119 = arith.constant 0 : i32
        %dma_start3A_120 = tpu.memref_slice %arg8[%add3A_118, %dma_start3A_119] : memref<80x64xi32, #tpu.memory_space<vmem>> -> memref<1x64xi32, #tpu.memory_space<vmem>>
        %dma_start3A_121 = tpu.memref_squeeze %dma_start3A_120 : memref<1x64xi32, #tpu.memory_space<vmem>> -> memref<64xi32, #tpu.memory_space<vmem>>
        %dma_start3A_122 = arith.constant 0 : i32
        %dma_start3A_123 = arith.constant 0 : i32
        %dma_start3A_124 = tpu.memref_slice %arg6[%dma_start3A_122, %dma_start3A_123] : memref<10000x64xf32, #tpu.memory_space<vmem_shared>> -> memref<10000x64xf32, #tpu.memory_space<vmem_shared>>
        tpu.enqueue_indirect_dma source(%dma_start3A_124 : memref<10000x64xf32, #tpu.memory_space<vmem_shared>>) target(%arg10 : memref<64x64xf32, #tpu.memory_space<vmem>>) offsets(%dma_start3A_121 : memref<64xi32, #tpu.memory_space<vmem>>) semaphore(%arg12 : memref<!tpu.dma_semaphore, #tpu.memory_space<semaphore_mem>>)
      } else {
      }
      %add3A_107 = arith.constant 1 : i32
      %add3A_108 = arith.addi %mul3A_86, %add3A_107 : i32
      %dma_wait3A_109 = arith.constant 0 : i32
      %dma_wait3A_110 = tpu.memref_slice %arg8[%add3A_108, %dma_wait3A_109] : memref<80x64xi32, #tpu.memory_space<vmem>> -> memref<1x64xi32, #tpu.memory_space<vmem>>
      %dma_wait3A_111 = tpu.memref_squeeze %dma_wait3A_110 : memref<1x64xi32, #tpu.memory_space<vmem>> -> memref<64xi32, #tpu.memory_space<vmem>>
      %dma_wait3A_112 = arith.constant 0 : i32
      %dma_wait3A_113 = arith.constant 0 : i32
      %dma_wait3A_114 = tpu.memref_slice %arg6[%dma_wait3A_112, %dma_wait3A_113] : memref<10000x64xf32, #tpu.memory_space<vmem_shared>> -> memref<10000x64xf32, #tpu.memory_space<vmem_shared>>
      tpu.wait_indirect_dma semaphore(%arg13 : memref<!tpu.dma_semaphore, #tpu.memory_space<semaphore_mem>>) src(%dma_wait3A_114 : memref<10000x64xf32, #tpu.memory_space<vmem_shared>>) dst(%arg11 : memref<64x64xf32, #tpu.memory_space<vmem>>)
      %add3A_115 = arith.constant 1 : i32
      %add3A_116 = arith.addi %mul3A_86, %add3A_115 : i32
      "tpu.region"() ({
        %run_scoped3A = tpu.sem_alloc : memref<!tpu.dma_semaphore, #tpu.memory_space<semaphore_mem>>
        %dma_start3A_117 = arith.constant 0 : i32
        %dma_start3A_118 = tpu.memref_slice %arg9[%add3A_116, %dma_start3A_117] : memref<80x64xi32, #tpu.memory_space<vmem>> -> memref<1x64xi32, #tpu.memory_space<vmem>>
        %dma_start3A_119 = tpu.memref_squeeze %dma_start3A_118 : memref<1x64xi32, #tpu.memory_space<vmem>> -> memref<64xi32, #tpu.memory_space<vmem>>
        %dma_start3A_120 = arith.constant 0 : i32
        %dma_start3A_121 = arith.constant 0 : i32
        %dma_start3A_122 = tpu.memref_slice %arg7[%dma_start3A_120, %dma_start3A_121] : memref<10064x64xf32, #tpu.memory_space<vmem_shared>> -> memref<10064x64xf32, #tpu.memory_space<vmem_shared>>
        tpu.enqueue_indirect_dma source(%arg11 : memref<64x64xf32, #tpu.memory_space<vmem>>) target(%dma_start3A_122 : memref<10064x64xf32, #tpu.memory_space<vmem_shared>>) offsets(%dma_start3A_119 : memref<64xi32, #tpu.memory_space<vmem>>) semaphore(%run_scoped3A : memref<!tpu.dma_semaphore, #tpu.memory_space<semaphore_mem>>) {add = true}
        %dma_wait3A_123 = arith.constant 0 : i32
        %dma_wait3A_124 = tpu.memref_slice %arg9[%add3A_116, %dma_wait3A_123] : memref<80x64xi32, #tpu.memory_space<vmem>> -> memref<1x64xi32, #tpu.memory_space<vmem>>
        %dma_wait3A_125 = tpu.memref_squeeze %dma_wait3A_124 : memref<1x64xi32, #tpu.memory_space<vmem>> -> memref<64xi32, #tpu.memory_space<vmem>>
        %dma_wait3A_126 = arith.constant 0 : i32
        %dma_wait3A_127 = arith.constant 0 : i32
        %dma_wait3A_128 = tpu.memref_slice %arg7[%dma_wait3A_126, %dma_wait3A_127] : memref<10064x64xf32, #tpu.memory_space<vmem_shared>> -> memref<10064x64xf32, #tpu.memory_space<vmem_shared>>
        tpu.wait_indirect_dma semaphore(%run_scoped3A : memref<!tpu.dma_semaphore, #tpu.memory_space<semaphore_mem>>) src(%arg11 : memref<64x64xf32, #tpu.memory_space<vmem>>) dst(%dma_wait3A_128 : memref<10064x64xf32, #tpu.memory_space<vmem_shared>>)
        tpu.yield
      }) : () -> ()
    }
    %scan3A_18 = arith.constant 40 : i32
    %mul3A_19 = arith.constant 320 : i32
    %mul3A_20 = arith.muli %arg1, %mul3A_19 : i32
    %add3A_21 = arith.constant 80 : i32
    %add3A_22 = arith.addi %mul3A_20, %add3A_21 : i32
    %multiple_of3A_23 = tpu.assume_multiple %add3A_22, 8 : i32
    "tpu.region"() ({
      %run_scoped3A = tpu.sem_alloc : memref<!tpu.dma_semaphore, #tpu.memory_space<semaphore_mem>>
      %dma_start3A_84 = arith.constant 0 : i32
      %dma_start3A_85 = tpu.memref_slice %arg3[%multiple_of3A_23, %dma_start3A_84] : memref<5120x64xi32, #tpu.memory_space<hbm>> -> memref<80x64xi32, #tpu.memory_space<hbm>>
      %dma_start3A_86 = arith.constant 0 : i32
      %dma_start3A_87 = tpu.memref_slice %arg3[%multiple_of3A_23, %dma_start3A_86] : memref<5120x64xi32, #tpu.memory_space<hbm>> -> memref<80x64xi32, #tpu.memory_space<hbm>>
      tpu.enqueue_dma source(%dma_start3A_87 : memref<80x64xi32, #tpu.memory_space<hbm>>) target(%arg8 : memref<80x64xi32, #tpu.memory_space<vmem>>) target_semaphore(%run_scoped3A : memref<!tpu.dma_semaphore, #tpu.memory_space<semaphore_mem>>)
      %dma_wait3A = arith.constant 0 : i32
      %dma_wait3A_88 = tpu.memref_slice %arg3[%multiple_of3A_23, %dma_wait3A] : memref<5120x64xi32, #tpu.memory_space<hbm>> -> memref<80x64xi32, #tpu.memory_space<hbm>>
      %dma_wait3A_89 = arith.constant 0 : i32
      %dma_wait3A_90 = tpu.memref_slice %arg3[%multiple_of3A_23, %dma_wait3A_89] : memref<5120x64xi32, #tpu.memory_space<hbm>> -> memref<80x64xi32, #tpu.memory_space<hbm>>
      tpu.wait_dma2 semaphore(%run_scoped3A : memref<!tpu.dma_semaphore, #tpu.memory_space<semaphore_mem>>) src(%dma_wait3A_90 : memref<80x64xi32, #tpu.memory_space<hbm>>) dst(%arg8 : memref<80x64xi32, #tpu.memory_space<vmem>>)
      tpu.yield
    }) : () -> ()
    "tpu.region"() ({
      %run_scoped3A = tpu.sem_alloc : memref<!tpu.dma_semaphore, #tpu.memory_space<semaphore_mem>>
      %dma_start3A_84 = arith.constant 0 : i32
      %dma_start3A_85 = tpu.memref_slice %arg4[%multiple_of3A_23, %dma_start3A_84] : memref<5120x64xi32, #tpu.memory_space<hbm>> -> memref<80x64xi32, #tpu.memory_space<hbm>>
      %dma_start3A_86 = arith.constant 0 : i32
      %dma_start3A_87 = tpu.memref_slice %arg4[%multiple_of3A_23, %dma_start3A_86] : memref<5120x64xi32, #tpu.memory_space<hbm>> -> memref<80x64xi32, #tpu.memory_space<hbm>>
      tpu.enqueue_dma source(%dma_start3A_87 : memref<80x64xi32, #tpu.memory_space<hbm>>) target(%arg9 : memref<80x64xi32, #tpu.memory_space<vmem>>) target_semaphore(%run_scoped3A : memref<!tpu.dma_semaphore, #tpu.memory_space<semaphore_mem>>)
      %dma_wait3A = arith.constant 0 : i32
      %dma_wait3A_88 = tpu.memref_slice %arg4[%multiple_of3A_23, %dma_wait3A] : memref<5120x64xi32, #tpu.memory_space<hbm>> -> memref<80x64xi32, #tpu.memory_space<hbm>>
      %dma_wait3A_89 = arith.constant 0 : i32
      %dma_wait3A_90 = tpu.memref_slice %arg4[%multiple_of3A_23, %dma_wait3A_89] : memref<5120x64xi32, #tpu.memory_space<hbm>> -> memref<80x64xi32, #tpu.memory_space<hbm>>
      tpu.wait_dma2 semaphore(%run_scoped3A : memref<!tpu.dma_semaphore, #tpu.memory_space<semaphore_mem>>) src(%dma_wait3A_90 : memref<80x64xi32, #tpu.memory_space<hbm>>) dst(%arg9 : memref<80x64xi32, #tpu.memory_space<vmem>>)
      tpu.yield
    }) : () -> ()
    %dma_start3A_24 = arith.constant 0 : i32
    %dma_start3A_25 = arith.constant 0 : i32
    %dma_start3A_26 = tpu.memref_slice %arg8[%dma_start3A_24, %dma_start3A_25] : memref<80x64xi32, #tpu.memory_space<vmem>> -> memref<1x64xi32, #tpu.memory_space<vmem>>
    %dma_start3A_27 = tpu.memref_squeeze %dma_start3A_26 : memref<1x64xi32, #tpu.memory_space<vmem>> -> memref<64xi32, #tpu.memory_space<vmem>>
    %dma_start3A_28 = arith.constant 0 : i32
    %dma_start3A_29 = arith.constant 0 : i32
    %dma_start3A_30 = tpu.memref_slice %arg6[%dma_start3A_28, %dma_start3A_29] : memref<10000x64xf32, #tpu.memory_space<vmem_shared>> -> memref<10000x64xf32, #tpu.memory_space<vmem_shared>>
    tpu.enqueue_indirect_dma source(%dma_start3A_30 : memref<10000x64xf32, #tpu.memory_space<vmem_shared>>) target(%arg10 : memref<64x64xf32, #tpu.memory_space<vmem>>) offsets(%dma_start3A_27 : memref<64xi32, #tpu.memory_space<vmem>>) semaphore(%arg12 : memref<!tpu.dma_semaphore, #tpu.memory_space<semaphore_mem>>)
    %scan3A_31 = arith.constant 0 : i32
    %scan3A_32 = arith.constant 0 : i32
    %scan3A_33 = arith.constant 40 : i32
    %scan3A_34 = arith.addi %scan3A_32, %scan3A_33 : i32
    %scan3A_35 = arith.constant 1 : i32
    scf.for %scan3A_84 = %scan3A_32 to %scan3A_34 step %scan3A_35  : i32 {
      %mul3A_85 = arith.constant 2 : i32
      %mul3A_86 = arith.muli %mul3A_85, %scan3A_84 : i32
      %add3A_87 = arith.constant 1 : i32
      %add3A_88 = arith.addi %mul3A_86, %add3A_87 : i32
      %dma_start3A_89 = arith.constant 0 : i32
      %dma_start3A_90 = tpu.memref_slice %arg8[%add3A_88, %dma_start3A_89] : memref<80x64xi32, #tpu.memory_space<vmem>> -> memref<1x64xi32, #tpu.memory_space<vmem>>
      %dma_start3A_91 = tpu.memref_squeeze %dma_start3A_90 : memref<1x64xi32, #tpu.memory_space<vmem>> -> memref<64xi32, #tpu.memory_space<vmem>>
      %dma_start3A_92 = arith.constant 0 : i32
      %dma_start3A_93 = arith.constant 0 : i32
      %dma_start3A_94 = tpu.memref_slice %arg6[%dma_start3A_92, %dma_start3A_93] : memref<10000x64xf32, #tpu.memory_space<vmem_shared>> -> memref<10000x64xf32, #tpu.memory_space<vmem_shared>>
      tpu.enqueue_indirect_dma source(%dma_start3A_94 : memref<10000x64xf32, #tpu.memory_space<vmem_shared>>) target(%arg11 : memref<64x64xf32, #tpu.memory_space<vmem>>) offsets(%dma_start3A_91 : memref<64xi32, #tpu.memory_space<vmem>>) semaphore(%arg13 : memref<!tpu.dma_semaphore, #tpu.memory_space<semaphore_mem>>)
      %dma_wait3A = arith.constant 0 : i32
      %dma_wait3A_95 = tpu.memref_slice %arg8[%mul3A_86, %dma_wait3A] : memref<80x64xi32, #tpu.memory_space<vmem>> -> memref<1x64xi32, #tpu.memory_space<vmem>>
      %dma_wait3A_96 = tpu.memref_squeeze %dma_wait3A_95 : memref<1x64xi32, #tpu.memory_space<vmem>> -> memref<64xi32, #tpu.memory_space<vmem>>
      %dma_wait3A_97 = arith.constant 0 : i32
      %dma_wait3A_98 = arith.constant 0 : i32
      %dma_wait3A_99 = tpu.memref_slice %arg6[%dma_wait3A_97, %dma_wait3A_98] : memref<10000x64xf32, #tpu.memory_space<vmem_shared>> -> memref<10000x64xf32, #tpu.memory_space<vmem_shared>>
      tpu.wait_indirect_dma semaphore(%arg12 : memref<!tpu.dma_semaphore, #tpu.memory_space<semaphore_mem>>) src(%dma_wait3A_99 : memref<10000x64xf32, #tpu.memory_space<vmem_shared>>) dst(%arg10 : memref<64x64xf32, #tpu.memory_space<vmem>>)
      "tpu.region"() ({
        %run_scoped3A = tpu.sem_alloc : memref<!tpu.dma_semaphore, #tpu.memory_space<semaphore_mem>>
        %dma_start3A_117 = arith.constant 0 : i32
        %dma_start3A_118 = tpu.memref_slice %arg9[%mul3A_86, %dma_start3A_117] : memref<80x64xi32, #tpu.memory_space<vmem>> -> memref<1x64xi32, #tpu.memory_space<vmem>>
        %dma_start3A_119 = tpu.memref_squeeze %dma_start3A_118 : memref<1x64xi32, #tpu.memory_space<vmem>> -> memref<64xi32, #tpu.memory_space<vmem>>
        %dma_start3A_120 = arith.constant 0 : i32
        %dma_start3A_121 = arith.constant 0 : i32
        %dma_start3A_122 = tpu.memref_slice %arg7[%dma_start3A_120, %dma_start3A_121] : memref<10064x64xf32, #tpu.memory_space<vmem_shared>> -> memref<10064x64xf32, #tpu.memory_space<vmem_shared>>
        tpu.enqueue_indirect_dma source(%arg10 : memref<64x64xf32, #tpu.memory_space<vmem>>) target(%dma_start3A_122 : memref<10064x64xf32, #tpu.memory_space<vmem_shared>>) offsets(%dma_start3A_119 : memref<64xi32, #tpu.memory_space<vmem>>) semaphore(%run_scoped3A : memref<!tpu.dma_semaphore, #tpu.memory_space<semaphore_mem>>) {add = true}
        %dma_wait3A_123 = arith.constant 0 : i32
        %dma_wait3A_124 = tpu.memref_slice %arg9[%mul3A_86, %dma_wait3A_123] : memref<80x64xi32, #tpu.memory_space<vmem>> -> memref<1x64xi32, #tpu.memory_space<vmem>>
        %dma_wait3A_125 = tpu.memref_squeeze %dma_wait3A_124 : memref<1x64xi32, #tpu.memory_space<vmem>> -> memref<64xi32, #tpu.memory_space<vmem>>
        %dma_wait3A_126 = arith.constant 0 : i32
        %dma_wait3A_127 = arith.constant 0 : i32
        %dma_wait3A_128 = tpu.memref_slice %arg7[%dma_wait3A_126, %dma_wait3A_127] : memref<10064x64xf32, #tpu.memory_space<vmem_shared>> -> memref<10064x64xf32, #tpu.memory_space<vmem_shared>>
        tpu.wait_indirect_dma semaphore(%run_scoped3A : memref<!tpu.dma_semaphore, #tpu.memory_space<semaphore_mem>>) src(%arg10 : memref<64x64xf32, #tpu.memory_space<vmem>>) dst(%dma_wait3A_128 : memref<10064x64xf32, #tpu.memory_space<vmem_shared>>)
        tpu.yield
      }) : () -> ()
      %add3A_100 = arith.constant 2 : i32
      %add3A_101 = arith.addi %mul3A_86, %add3A_100 : i32
      %lt3A_102 = arith.constant 80 : i32
      %lt3A_103 = arith.cmpi slt, %add3A_101, %lt3A_102 : i32
      %convert_element_type3A_104 = arith.extui %lt3A_103 : i1 to i32
      %cond3A_105 = arith.constant 0 : i32
      %cond3A_106 = arith.cmpi ne, %convert_element_type3A_104, %cond3A_105 : i32
      scf.if %cond3A_106 {
        %add3A_117 = arith.constant 2 : i32
        %add3A_118 = arith.addi %mul3A_86, %add3A_117 : i32
        %dma_start3A_119 = arith.constant 0 : i32
        %dma_start3A_120 = tpu.memref_slice %arg8[%add3A_118, %dma_start3A_119] : memref<80x64xi32, #tpu.memory_space<vmem>> -> memref<1x64xi32, #tpu.memory_space<vmem>>
        %dma_start3A_121 = tpu.memref_squeeze %dma_start3A_120 : memref<1x64xi32, #tpu.memory_space<vmem>> -> memref<64xi32, #tpu.memory_space<vmem>>
        %dma_start3A_122 = arith.constant 0 : i32
        %dma_start3A_123 = arith.constant 0 : i32
        %dma_start3A_124 = tpu.memref_slice %arg6[%dma_start3A_122, %dma_start3A_123] : memref<10000x64xf32, #tpu.memory_space<vmem_shared>> -> memref<10000x64xf32, #tpu.memory_space<vmem_shared>>
        tpu.enqueue_indirect_dma source(%dma_start3A_124 : memref<10000x64xf32, #tpu.memory_space<vmem_shared>>) target(%arg10 : memref<64x64xf32, #tpu.memory_space<vmem>>) offsets(%dma_start3A_121 : memref<64xi32, #tpu.memory_space<vmem>>) semaphore(%arg12 : memref<!tpu.dma_semaphore, #tpu.memory_space<semaphore_mem>>)
      } else {
      }
      %add3A_107 = arith.constant 1 : i32
      %add3A_108 = arith.addi %mul3A_86, %add3A_107 : i32
      %dma_wait3A_109 = arith.constant 0 : i32
      %dma_wait3A_110 = tpu.memref_slice %arg8[%add3A_108, %dma_wait3A_109] : memref<80x64xi32, #tpu.memory_space<vmem>> -> memref<1x64xi32, #tpu.memory_space<vmem>>
      %dma_wait3A_111 = tpu.memref_squeeze %dma_wait3A_110 : memref<1x64xi32, #tpu.memory_space<vmem>> -> memref<64xi32, #tpu.memory_space<vmem>>
      %dma_wait3A_112 = arith.constant 0 : i32
      %dma_wait3A_113 = arith.constant 0 : i32
      %dma_wait3A_114 = tpu.memref_slice %arg6[%dma_wait3A_112, %dma_wait3A_113] : memref<10000x64xf32, #tpu.memory_space<vmem_shared>> -> memref<10000x64xf32, #tpu.memory_space<vmem_shared>>
      tpu.wait_indirect_dma semaphore(%arg13 : memref<!tpu.dma_semaphore, #tpu.memory_space<semaphore_mem>>) src(%dma_wait3A_114 : memref<10000x64xf32, #tpu.memory_space<vmem_shared>>) dst(%arg11 : memref<64x64xf32, #tpu.memory_space<vmem>>)
      %add3A_115 = arith.constant 1 : i32
      %add3A_116 = arith.addi %mul3A_86, %add3A_115 : i32
      "tpu.region"() ({
        %run_scoped3A = tpu.sem_alloc : memref<!tpu.dma_semaphore, #tpu.memory_space<semaphore_mem>>
        %dma_start3A_117 = arith.constant 0 : i32
        %dma_start3A_118 = tpu.memref_slice %arg9[%add3A_116, %dma_start3A_117] : memref<80x64xi32, #tpu.memory_space<vmem>> -> memref<1x64xi32, #tpu.memory_space<vmem>>
        %dma_start3A_119 = tpu.memref_squeeze %dma_start3A_118 : memref<1x64xi32, #tpu.memory_space<vmem>> -> memref<64xi32, #tpu.memory_space<vmem>>
        %dma_start3A_120 = arith.constant 0 : i32
        %dma_start3A_121 = arith.constant 0 : i32
        %dma_start3A_122 = tpu.memref_slice %arg7[%dma_start3A_120, %dma_start3A_121] : memref<10064x64xf32, #tpu.memory_space<vmem_shared>> -> memref<10064x64xf32, #tpu.memory_space<vmem_shared>>
        tpu.enqueue_indirect_dma source(%arg11 : memref<64x64xf32, #tpu.memory_space<vmem>>) target(%dma_start3A_122 : memref<10064x64xf32, #tpu.memory_space<vmem_shared>>) offsets(%dma_start3A_119 : memref<64xi32, #tpu.memory_space<vmem>>) semaphore(%run_scoped3A : memref<!tpu.dma_semaphore, #tpu.memory_space<semaphore_mem>>) {add = true}
        %dma_wait3A_123 = arith.constant 0 : i32
        %dma_wait3A_124 = tpu.memref_slice %arg9[%add3A_116, %dma_wait3A_123] : memref<80x64xi32, #tpu.memory_space<vmem>> -> memref<1x64xi32, #tpu.memory_space<vmem>>
        %dma_wait3A_125 = tpu.memref_squeeze %dma_wait3A_124 : memref<1x64xi32, #tpu.memory_space<vmem>> -> memref<64xi32, #tpu.memory_space<vmem>>
        %dma_wait3A_126 = arith.constant 0 : i32
        %dma_wait3A_127 = arith.constant 0 : i32
        %dma_wait3A_128 = tpu.memref_slice %arg7[%dma_wait3A_126, %dma_wait3A_127] : memref<10064x64xf32, #tpu.memory_space<vmem_shared>> -> memref<10064x64xf32, #tpu.memory_space<vmem_shared>>
        tpu.wait_indirect_dma semaphore(%run_scoped3A : memref<!tpu.dma_semaphore, #tpu.memory_space<semaphore_mem>>) src(%arg11 : memref<64x64xf32, #tpu.memory_space<vmem>>) dst(%dma_wait3A_128 : memref<10064x64xf32, #tpu.memory_space<vmem_shared>>)
        tpu.yield
      }) : () -> ()
    }
    %scan3A_36 = arith.constant 40 : i32
    %mul3A_37 = arith.constant 320 : i32
    %mul3A_38 = arith.muli %arg1, %mul3A_37 : i32
    %add3A_39 = arith.constant 160 : i32
    %add3A_40 = arith.addi %mul3A_38, %add3A_39 : i32
    %multiple_of3A_41 = tpu.assume_multiple %add3A_40, 8 : i32
    "tpu.region"() ({
      %run_scoped3A = tpu.sem_alloc : memref<!tpu.dma_semaphore, #tpu.memory_space<semaphore_mem>>
      %dma_start3A_84 = arith.constant 0 : i32
      %dma_start3A_85 = tpu.memref_slice %arg3[%multiple_of3A_41, %dma_start3A_84] : memref<5120x64xi32, #tpu.memory_space<hbm>> -> memref<80x64xi32, #tpu.memory_space<hbm>>
      %dma_start3A_86 = arith.constant 0 : i32
      %dma_start3A_87 = tpu.memref_slice %arg3[%multiple_of3A_41, %dma_start3A_86] : memref<5120x64xi32, #tpu.memory_space<hbm>> -> memref<80x64xi32, #tpu.memory_space<hbm>>
      tpu.enqueue_dma source(%dma_start3A_87 : memref<80x64xi32, #tpu.memory_space<hbm>>) target(%arg8 : memref<80x64xi32, #tpu.memory_space<vmem>>) target_semaphore(%run_scoped3A : memref<!tpu.dma_semaphore, #tpu.memory_space<semaphore_mem>>)
      %dma_wait3A = arith.constant 0 : i32
      %dma_wait3A_88 = tpu.memref_slice %arg3[%multiple_of3A_41, %dma_wait3A] : memref<5120x64xi32, #tpu.memory_space<hbm>> -> memref<80x64xi32, #tpu.memory_space<hbm>>
      %dma_wait3A_89 = arith.constant 0 : i32
      %dma_wait3A_90 = tpu.memref_slice %arg3[%multiple_of3A_41, %dma_wait3A_89] : memref<5120x64xi32, #tpu.memory_space<hbm>> -> memref<80x64xi32, #tpu.memory_space<hbm>>
      tpu.wait_dma2 semaphore(%run_scoped3A : memref<!tpu.dma_semaphore, #tpu.memory_space<semaphore_mem>>) src(%dma_wait3A_90 : memref<80x64xi32, #tpu.memory_space<hbm>>) dst(%arg8 : memref<80x64xi32, #tpu.memory_space<vmem>>)
      tpu.yield
    }) : () -> ()
    "tpu.region"() ({
      %run_scoped3A = tpu.sem_alloc : memref<!tpu.dma_semaphore, #tpu.memory_space<semaphore_mem>>
      %dma_start3A_84 = arith.constant 0 : i32
      %dma_start3A_85 = tpu.memref_slice %arg4[%multiple_of3A_41, %dma_start3A_84] : memref<5120x64xi32, #tpu.memory_space<hbm>> -> memref<80x64xi32, #tpu.memory_space<hbm>>
      %dma_start3A_86 = arith.constant 0 : i32
      %dma_start3A_87 = tpu.memref_slice %arg4[%multiple_of3A_41, %dma_start3A_86] : memref<5120x64xi32, #tpu.memory_space<hbm>> -> memref<80x64xi32, #tpu.memory_space<hbm>>
      tpu.enqueue_dma source(%dma_start3A_87 : memref<80x64xi32, #tpu.memory_space<hbm>>) target(%arg9 : memref<80x64xi32, #tpu.memory_space<vmem>>) target_semaphore(%run_scoped3A : memref<!tpu.dma_semaphore, #tpu.memory_space<semaphore_mem>>)
      %dma_wait3A = arith.constant 0 : i32
      %dma_wait3A_88 = tpu.memref_slice %arg4[%multiple_of3A_41, %dma_wait3A] : memref<5120x64xi32, #tpu.memory_space<hbm>> -> memref<80x64xi32, #tpu.memory_space<hbm>>
      %dma_wait3A_89 = arith.constant 0 : i32
      %dma_wait3A_90 = tpu.memref_slice %arg4[%multiple_of3A_41, %dma_wait3A_89] : memref<5120x64xi32, #tpu.memory_space<hbm>> -> memref<80x64xi32, #tpu.memory_space<hbm>>
      tpu.wait_dma2 semaphore(%run_scoped3A : memref<!tpu.dma_semaphore, #tpu.memory_space<semaphore_mem>>) src(%dma_wait3A_90 : memref<80x64xi32, #tpu.memory_space<hbm>>) dst(%arg9 : memref<80x64xi32, #tpu.memory_space<vmem>>)
      tpu.yield
    }) : () -> ()
    %dma_start3A_42 = arith.constant 0 : i32
    %dma_start3A_43 = arith.constant 0 : i32
    %dma_start3A_44 = tpu.memref_slice %arg8[%dma_start3A_42, %dma_start3A_43] : memref<80x64xi32, #tpu.memory_space<vmem>> -> memref<1x64xi32, #tpu.memory_space<vmem>>
    %dma_start3A_45 = tpu.memref_squeeze %dma_start3A_44 : memref<1x64xi32, #tpu.memory_space<vmem>> -> memref<64xi32, #tpu.memory_space<vmem>>
    %dma_start3A_46 = arith.constant 0 : i32
    %dma_start3A_47 = arith.constant 0 : i32
    %dma_start3A_48 = tpu.memref_slice %arg6[%dma_start3A_46, %dma_start3A_47] : memref<10000x64xf32, #tpu.memory_space<vmem_shared>> -> memref<10000x64xf32, #tpu.memory_space<vmem_shared>>
    tpu.enqueue_indirect_dma source(%dma_start3A_48 : memref<10000x64xf32, #tpu.memory_space<vmem_shared>>) target(%arg10 : memref<64x64xf32, #tpu.memory_space<vmem>>) offsets(%dma_start3A_45 : memref<64xi32, #tpu.memory_space<vmem>>) semaphore(%arg12 : memref<!tpu.dma_semaphore, #tpu.memory_space<semaphore_mem>>)
    %scan3A_49 = arith.constant 0 : i32
    %scan3A_50 = arith.constant 0 : i32
    %scan3A_51 = arith.constant 40 : i32
    %scan3A_52 = arith.addi %scan3A_50, %scan3A_51 : i32
    %scan3A_53 = arith.constant 1 : i32
    scf.for %scan3A_84 = %scan3A_50 to %scan3A_52 step %scan3A_53  : i32 {
      %mul3A_85 = arith.constant 2 : i32
      %mul3A_86 = arith.muli %mul3A_85, %scan3A_84 : i32
      %add3A_87 = arith.constant 1 : i32
      %add3A_88 = arith.addi %mul3A_86, %add3A_87 : i32
      %dma_start3A_89 = arith.constant 0 : i32
      %dma_start3A_90 = tpu.memref_slice %arg8[%add3A_88, %dma_start3A_89] : memref<80x64xi32, #tpu.memory_space<vmem>> -> memref<1x64xi32, #tpu.memory_space<vmem>>
      %dma_start3A_91 = tpu.memref_squeeze %dma_start3A_90 : memref<1x64xi32, #tpu.memory_space<vmem>> -> memref<64xi32, #tpu.memory_space<vmem>>
      %dma_start3A_92 = arith.constant 0 : i32
      %dma_start3A_93 = arith.constant 0 : i32
      %dma_start3A_94 = tpu.memref_slice %arg6[%dma_start3A_92, %dma_start3A_93] : memref<10000x64xf32, #tpu.memory_space<vmem_shared>> -> memref<10000x64xf32, #tpu.memory_space<vmem_shared>>
      tpu.enqueue_indirect_dma source(%dma_start3A_94 : memref<10000x64xf32, #tpu.memory_space<vmem_shared>>) target(%arg11 : memref<64x64xf32, #tpu.memory_space<vmem>>) offsets(%dma_start3A_91 : memref<64xi32, #tpu.memory_space<vmem>>) semaphore(%arg13 : memref<!tpu.dma_semaphore, #tpu.memory_space<semaphore_mem>>)
      %dma_wait3A = arith.constant 0 : i32
      %dma_wait3A_95 = tpu.memref_slice %arg8[%mul3A_86, %dma_wait3A] : memref<80x64xi32, #tpu.memory_space<vmem>> -> memref<1x64xi32, #tpu.memory_space<vmem>>
      %dma_wait3A_96 = tpu.memref_squeeze %dma_wait3A_95 : memref<1x64xi32, #tpu.memory_space<vmem>> -> memref<64xi32, #tpu.memory_space<vmem>>
      %dma_wait3A_97 = arith.constant 0 : i32
      %dma_wait3A_98 = arith.constant 0 : i32
      %dma_wait3A_99 = tpu.memref_slice %arg6[%dma_wait3A_97, %dma_wait3A_98] : memref<10000x64xf32, #tpu.memory_space<vmem_shared>> -> memref<10000x64xf32, #tpu.memory_space<vmem_shared>>
      tpu.wait_indirect_dma semaphore(%arg12 : memref<!tpu.dma_semaphore, #tpu.memory_space<semaphore_mem>>) src(%dma_wait3A_99 : memref<10000x64xf32, #tpu.memory_space<vmem_shared>>) dst(%arg10 : memref<64x64xf32, #tpu.memory_space<vmem>>)
      "tpu.region"() ({
        %run_scoped3A = tpu.sem_alloc : memref<!tpu.dma_semaphore, #tpu.memory_space<semaphore_mem>>
        %dma_start3A_117 = arith.constant 0 : i32
        %dma_start3A_118 = tpu.memref_slice %arg9[%mul3A_86, %dma_start3A_117] : memref<80x64xi32, #tpu.memory_space<vmem>> -> memref<1x64xi32, #tpu.memory_space<vmem>>
        %dma_start3A_119 = tpu.memref_squeeze %dma_start3A_118 : memref<1x64xi32, #tpu.memory_space<vmem>> -> memref<64xi32, #tpu.memory_space<vmem>>
        %dma_start3A_120 = arith.constant 0 : i32
        %dma_start3A_121 = arith.constant 0 : i32
        %dma_start3A_122 = tpu.memref_slice %arg7[%dma_start3A_120, %dma_start3A_121] : memref<10064x64xf32, #tpu.memory_space<vmem_shared>> -> memref<10064x64xf32, #tpu.memory_space<vmem_shared>>
        tpu.enqueue_indirect_dma source(%arg10 : memref<64x64xf32, #tpu.memory_space<vmem>>) target(%dma_start3A_122 : memref<10064x64xf32, #tpu.memory_space<vmem_shared>>) offsets(%dma_start3A_119 : memref<64xi32, #tpu.memory_space<vmem>>) semaphore(%run_scoped3A : memref<!tpu.dma_semaphore, #tpu.memory_space<semaphore_mem>>) {add = true}
        %dma_wait3A_123 = arith.constant 0 : i32
        %dma_wait3A_124 = tpu.memref_slice %arg9[%mul3A_86, %dma_wait3A_123] : memref<80x64xi32, #tpu.memory_space<vmem>> -> memref<1x64xi32, #tpu.memory_space<vmem>>
        %dma_wait3A_125 = tpu.memref_squeeze %dma_wait3A_124 : memref<1x64xi32, #tpu.memory_space<vmem>> -> memref<64xi32, #tpu.memory_space<vmem>>
        %dma_wait3A_126 = arith.constant 0 : i32
        %dma_wait3A_127 = arith.constant 0 : i32
        %dma_wait3A_128 = tpu.memref_slice %arg7[%dma_wait3A_126, %dma_wait3A_127] : memref<10064x64xf32, #tpu.memory_space<vmem_shared>> -> memref<10064x64xf32, #tpu.memory_space<vmem_shared>>
        tpu.wait_indirect_dma semaphore(%run_scoped3A : memref<!tpu.dma_semaphore, #tpu.memory_space<semaphore_mem>>) src(%arg10 : memref<64x64xf32, #tpu.memory_space<vmem>>) dst(%dma_wait3A_128 : memref<10064x64xf32, #tpu.memory_space<vmem_shared>>)
        tpu.yield
      }) : () -> ()
      %add3A_100 = arith.constant 2 : i32
      %add3A_101 = arith.addi %mul3A_86, %add3A_100 : i32
      %lt3A_102 = arith.constant 80 : i32
      %lt3A_103 = arith.cmpi slt, %add3A_101, %lt3A_102 : i32
      %convert_element_type3A_104 = arith.extui %lt3A_103 : i1 to i32
      %cond3A_105 = arith.constant 0 : i32
      %cond3A_106 = arith.cmpi ne, %convert_element_type3A_104, %cond3A_105 : i32
      scf.if %cond3A_106 {
        %add3A_117 = arith.constant 2 : i32
        %add3A_118 = arith.addi %mul3A_86, %add3A_117 : i32
        %dma_start3A_119 = arith.constant 0 : i32
        %dma_start3A_120 = tpu.memref_slice %arg8[%add3A_118, %dma_start3A_119] : memref<80x64xi32, #tpu.memory_space<vmem>> -> memref<1x64xi32, #tpu.memory_space<vmem>>
        %dma_start3A_121 = tpu.memref_squeeze %dma_start3A_120 : memref<1x64xi32, #tpu.memory_space<vmem>> -> memref<64xi32, #tpu.memory_space<vmem>>
        %dma_start3A_122 = arith.constant 0 : i32
        %dma_start3A_123 = arith.constant 0 : i32
        %dma_start3A_124 = tpu.memref_slice %arg6[%dma_start3A_122, %dma_start3A_123] : memref<10000x64xf32, #tpu.memory_space<vmem_shared>> -> memref<10000x64xf32, #tpu.memory_space<vmem_shared>>
        tpu.enqueue_indirect_dma source(%dma_start3A_124 : memref<10000x64xf32, #tpu.memory_space<vmem_shared>>) target(%arg10 : memref<64x64xf32, #tpu.memory_space<vmem>>) offsets(%dma_start3A_121 : memref<64xi32, #tpu.memory_space<vmem>>) semaphore(%arg12 : memref<!tpu.dma_semaphore, #tpu.memory_space<semaphore_mem>>)
      } else {
      }
      %add3A_107 = arith.constant 1 : i32
      %add3A_108 = arith.addi %mul3A_86, %add3A_107 : i32
      %dma_wait3A_109 = arith.constant 0 : i32
      %dma_wait3A_110 = tpu.memref_slice %arg8[%add3A_108, %dma_wait3A_109] : memref<80x64xi32, #tpu.memory_space<vmem>> -> memref<1x64xi32, #tpu.memory_space<vmem>>
      %dma_wait3A_111 = tpu.memref_squeeze %dma_wait3A_110 : memref<1x64xi32, #tpu.memory_space<vmem>> -> memref<64xi32, #tpu.memory_space<vmem>>
      %dma_wait3A_112 = arith.constant 0 : i32
      %dma_wait3A_113 = arith.constant 0 : i32
      %dma_wait3A_114 = tpu.memref_slice %arg6[%dma_wait3A_112, %dma_wait3A_113] : memref<10000x64xf32, #tpu.memory_space<vmem_shared>> -> memref<10000x64xf32, #tpu.memory_space<vmem_shared>>
      tpu.wait_indirect_dma semaphore(%arg13 : memref<!tpu.dma_semaphore, #tpu.memory_space<semaphore_mem>>) src(%dma_wait3A_114 : memref<10000x64xf32, #tpu.memory_space<vmem_shared>>) dst(%arg11 : memref<64x64xf32, #tpu.memory_space<vmem>>)
      %add3A_115 = arith.constant 1 : i32
      %add3A_116 = arith.addi %mul3A_86, %add3A_115 : i32
      "tpu.region"() ({
        %run_scoped3A = tpu.sem_alloc : memref<!tpu.dma_semaphore, #tpu.memory_space<semaphore_mem>>
        %dma_start3A_117 = arith.constant 0 : i32
        %dma_start3A_118 = tpu.memref_slice %arg9[%add3A_116, %dma_start3A_117] : memref<80x64xi32, #tpu.memory_space<vmem>> -> memref<1x64xi32, #tpu.memory_space<vmem>>
        %dma_start3A_119 = tpu.memref_squeeze %dma_start3A_118 : memref<1x64xi32, #tpu.memory_space<vmem>> -> memref<64xi32, #tpu.memory_space<vmem>>
        %dma_start3A_120 = arith.constant 0 : i32
        %dma_start3A_121 = arith.constant 0 : i32
        %dma_start3A_122 = tpu.memref_slice %arg7[%dma_start3A_120, %dma_start3A_121] : memref<10064x64xf32, #tpu.memory_space<vmem_shared>> -> memref<10064x64xf32, #tpu.memory_space<vmem_shared>>
        tpu.enqueue_indirect_dma source(%arg11 : memref<64x64xf32, #tpu.memory_space<vmem>>) target(%dma_start3A_122 : memref<10064x64xf32, #tpu.memory_space<vmem_shared>>) offsets(%dma_start3A_119 : memref<64xi32, #tpu.memory_space<vmem>>) semaphore(%run_scoped3A : memref<!tpu.dma_semaphore, #tpu.memory_space<semaphore_mem>>) {add = true}
        %dma_wait3A_123 = arith.constant 0 : i32
        %dma_wait3A_124 = tpu.memref_slice %arg9[%add3A_116, %dma_wait3A_123] : memref<80x64xi32, #tpu.memory_space<vmem>> -> memref<1x64xi32, #tpu.memory_space<vmem>>
        %dma_wait3A_125 = tpu.memref_squeeze %dma_wait3A_124 : memref<1x64xi32, #tpu.memory_space<vmem>> -> memref<64xi32, #tpu.memory_space<vmem>>
        %dma_wait3A_126 = arith.constant 0 : i32
        %dma_wait3A_127 = arith.constant 0 : i32
        %dma_wait3A_128 = tpu.memref_slice %arg7[%dma_wait3A_126, %dma_wait3A_127] : memref<10064x64xf32, #tpu.memory_space<vmem_shared>> -> memref<10064x64xf32, #tpu.memory_space<vmem_shared>>
        tpu.wait_indirect_dma semaphore(%run_scoped3A : memref<!tpu.dma_semaphore, #tpu.memory_space<semaphore_mem>>) src(%arg11 : memref<64x64xf32, #tpu.memory_space<vmem>>) dst(%dma_wait3A_128 : memref<10064x64xf32, #tpu.memory_space<vmem_shared>>)
        tpu.yield
      }) : () -> ()
    }
    %scan3A_54 = arith.constant 40 : i32
    %mul3A_55 = arith.constant 320 : i32
    %mul3A_56 = arith.muli %arg1, %mul3A_55 : i32
    %add3A_57 = arith.constant 240 : i32
    %add3A_58 = arith.addi %mul3A_56, %add3A_57 : i32
    %multiple_of3A_59 = tpu.assume_multiple %add3A_58, 8 : i32
    "tpu.region"() ({
      %run_scoped3A = tpu.sem_alloc : memref<!tpu.dma_semaphore, #tpu.memory_space<semaphore_mem>>
      %dma_start3A_84 = arith.constant 0 : i32
      %dma_start3A_85 = tpu.memref_slice %arg3[%multiple_of3A_59, %dma_start3A_84] : memref<5120x64xi32, #tpu.memory_space<hbm>> -> memref<80x64xi32, #tpu.memory_space<hbm>>
      %dma_start3A_86 = arith.constant 0 : i32
      %dma_start3A_87 = tpu.memref_slice %arg3[%multiple_of3A_59, %dma_start3A_86] : memref<5120x64xi32, #tpu.memory_space<hbm>> -> memref<80x64xi32, #tpu.memory_space<hbm>>
      tpu.enqueue_dma source(%dma_start3A_87 : memref<80x64xi32, #tpu.memory_space<hbm>>) target(%arg8 : memref<80x64xi32, #tpu.memory_space<vmem>>) target_semaphore(%run_scoped3A : memref<!tpu.dma_semaphore, #tpu.memory_space<semaphore_mem>>)
      %dma_wait3A = arith.constant 0 : i32
      %dma_wait3A_88 = tpu.memref_slice %arg3[%multiple_of3A_59, %dma_wait3A] : memref<5120x64xi32, #tpu.memory_space<hbm>> -> memref<80x64xi32, #tpu.memory_space<hbm>>
      %dma_wait3A_89 = arith.constant 0 : i32
      %dma_wait3A_90 = tpu.memref_slice %arg3[%multiple_of3A_59, %dma_wait3A_89] : memref<5120x64xi32, #tpu.memory_space<hbm>> -> memref<80x64xi32, #tpu.memory_space<hbm>>
      tpu.wait_dma2 semaphore(%run_scoped3A : memref<!tpu.dma_semaphore, #tpu.memory_space<semaphore_mem>>) src(%dma_wait3A_90 : memref<80x64xi32, #tpu.memory_space<hbm>>) dst(%arg8 : memref<80x64xi32, #tpu.memory_space<vmem>>)
      tpu.yield
    }) : () -> ()
    "tpu.region"() ({
      %run_scoped3A = tpu.sem_alloc : memref<!tpu.dma_semaphore, #tpu.memory_space<semaphore_mem>>
      %dma_start3A_84 = arith.constant 0 : i32
      %dma_start3A_85 = tpu.memref_slice %arg4[%multiple_of3A_59, %dma_start3A_84] : memref<5120x64xi32, #tpu.memory_space<hbm>> -> memref<80x64xi32, #tpu.memory_space<hbm>>
      %dma_start3A_86 = arith.constant 0 : i32
      %dma_start3A_87 = tpu.memref_slice %arg4[%multiple_of3A_59, %dma_start3A_86] : memref<5120x64xi32, #tpu.memory_space<hbm>> -> memref<80x64xi32, #tpu.memory_space<hbm>>
      tpu.enqueue_dma source(%dma_start3A_87 : memref<80x64xi32, #tpu.memory_space<hbm>>) target(%arg9 : memref<80x64xi32, #tpu.memory_space<vmem>>) target_semaphore(%run_scoped3A : memref<!tpu.dma_semaphore, #tpu.memory_space<semaphore_mem>>)
      %dma_wait3A = arith.constant 0 : i32
      %dma_wait3A_88 = tpu.memref_slice %arg4[%multiple_of3A_59, %dma_wait3A] : memref<5120x64xi32, #tpu.memory_space<hbm>> -> memref<80x64xi32, #tpu.memory_space<hbm>>
      %dma_wait3A_89 = arith.constant 0 : i32
      %dma_wait3A_90 = tpu.memref_slice %arg4[%multiple_of3A_59, %dma_wait3A_89] : memref<5120x64xi32, #tpu.memory_space<hbm>> -> memref<80x64xi32, #tpu.memory_space<hbm>>
      tpu.wait_dma2 semaphore(%run_scoped3A : memref<!tpu.dma_semaphore, #tpu.memory_space<semaphore_mem>>) src(%dma_wait3A_90 : memref<80x64xi32, #tpu.memory_space<hbm>>) dst(%arg9 : memref<80x64xi32, #tpu.memory_space<vmem>>)
      tpu.yield
    }) : () -> ()
    %dma_start3A_60 = arith.constant 0 : i32
    %dma_start3A_61 = arith.constant 0 : i32
    %dma_start3A_62 = tpu.memref_slice %arg8[%dma_start3A_60, %dma_start3A_61] : memref<80x64xi32, #tpu.memory_space<vmem>> -> memref<1x64xi32, #tpu.memory_space<vmem>>
    %dma_start3A_63 = tpu.memref_squeeze %dma_start3A_62 : memref<1x64xi32, #tpu.memory_space<vmem>> -> memref<64xi32, #tpu.memory_space<vmem>>
    %dma_start3A_64 = arith.constant 0 : i32
    %dma_start3A_65 = arith.constant 0 : i32
    %dma_start3A_66 = tpu.memref_slice %arg6[%dma_start3A_64, %dma_start3A_65] : memref<10000x64xf32, #tpu.memory_space<vmem_shared>> -> memref<10000x64xf32, #tpu.memory_space<vmem_shared>>
    tpu.enqueue_indirect_dma source(%dma_start3A_66 : memref<10000x64xf32, #tpu.memory_space<vmem_shared>>) target(%arg10 : memref<64x64xf32, #tpu.memory_space<vmem>>) offsets(%dma_start3A_63 : memref<64xi32, #tpu.memory_space<vmem>>) semaphore(%arg12 : memref<!tpu.dma_semaphore, #tpu.memory_space<semaphore_mem>>)
    %scan3A_67 = arith.constant 0 : i32
    %scan3A_68 = arith.constant 0 : i32
    %scan3A_69 = arith.constant 40 : i32
    %scan3A_70 = arith.addi %scan3A_68, %scan3A_69 : i32
    %scan3A_71 = arith.constant 1 : i32
    scf.for %scan3A_84 = %scan3A_68 to %scan3A_70 step %scan3A_71  : i32 {
      %mul3A_85 = arith.constant 2 : i32
      %mul3A_86 = arith.muli %mul3A_85, %scan3A_84 : i32
      %add3A_87 = arith.constant 1 : i32
      %add3A_88 = arith.addi %mul3A_86, %add3A_87 : i32
      %dma_start3A_89 = arith.constant 0 : i32
      %dma_start3A_90 = tpu.memref_slice %arg8[%add3A_88, %dma_start3A_89] : memref<80x64xi32, #tpu.memory_space<vmem>> -> memref<1x64xi32, #tpu.memory_space<vmem>>
      %dma_start3A_91 = tpu.memref_squeeze %dma_start3A_90 : memref<1x64xi32, #tpu.memory_space<vmem>> -> memref<64xi32, #tpu.memory_space<vmem>>
      %dma_start3A_92 = arith.constant 0 : i32
      %dma_start3A_93 = arith.constant 0 : i32
      %dma_start3A_94 = tpu.memref_slice %arg6[%dma_start3A_92, %dma_start3A_93] : memref<10000x64xf32, #tpu.memory_space<vmem_shared>> -> memref<10000x64xf32, #tpu.memory_space<vmem_shared>>
      tpu.enqueue_indirect_dma source(%dma_start3A_94 : memref<10000x64xf32, #tpu.memory_space<vmem_shared>>) target(%arg11 : memref<64x64xf32, #tpu.memory_space<vmem>>) offsets(%dma_start3A_91 : memref<64xi32, #tpu.memory_space<vmem>>) semaphore(%arg13 : memref<!tpu.dma_semaphore, #tpu.memory_space<semaphore_mem>>)
      %dma_wait3A = arith.constant 0 : i32
      %dma_wait3A_95 = tpu.memref_slice %arg8[%mul3A_86, %dma_wait3A] : memref<80x64xi32, #tpu.memory_space<vmem>> -> memref<1x64xi32, #tpu.memory_space<vmem>>
      %dma_wait3A_96 = tpu.memref_squeeze %dma_wait3A_95 : memref<1x64xi32, #tpu.memory_space<vmem>> -> memref<64xi32, #tpu.memory_space<vmem>>
      %dma_wait3A_97 = arith.constant 0 : i32
      %dma_wait3A_98 = arith.constant 0 : i32
      %dma_wait3A_99 = tpu.memref_slice %arg6[%dma_wait3A_97, %dma_wait3A_98] : memref<10000x64xf32, #tpu.memory_space<vmem_shared>> -> memref<10000x64xf32, #tpu.memory_space<vmem_shared>>
      tpu.wait_indirect_dma semaphore(%arg12 : memref<!tpu.dma_semaphore, #tpu.memory_space<semaphore_mem>>) src(%dma_wait3A_99 : memref<10000x64xf32, #tpu.memory_space<vmem_shared>>) dst(%arg10 : memref<64x64xf32, #tpu.memory_space<vmem>>)
      "tpu.region"() ({
        %run_scoped3A = tpu.sem_alloc : memref<!tpu.dma_semaphore, #tpu.memory_space<semaphore_mem>>
        %dma_start3A_117 = arith.constant 0 : i32
        %dma_start3A_118 = tpu.memref_slice %arg9[%mul3A_86, %dma_start3A_117] : memref<80x64xi32, #tpu.memory_space<vmem>> -> memref<1x64xi32, #tpu.memory_space<vmem>>
        %dma_start3A_119 = tpu.memref_squeeze %dma_start3A_118 : memref<1x64xi32, #tpu.memory_space<vmem>> -> memref<64xi32, #tpu.memory_space<vmem>>
        %dma_start3A_120 = arith.constant 0 : i32
        %dma_start3A_121 = arith.constant 0 : i32
        %dma_start3A_122 = tpu.memref_slice %arg7[%dma_start3A_120, %dma_start3A_121] : memref<10064x64xf32, #tpu.memory_space<vmem_shared>> -> memref<10064x64xf32, #tpu.memory_space<vmem_shared>>
        tpu.enqueue_indirect_dma source(%arg10 : memref<64x64xf32, #tpu.memory_space<vmem>>) target(%dma_start3A_122 : memref<10064x64xf32, #tpu.memory_space<vmem_shared>>) offsets(%dma_start3A_119 : memref<64xi32, #tpu.memory_space<vmem>>) semaphore(%run_scoped3A : memref<!tpu.dma_semaphore, #tpu.memory_space<semaphore_mem>>) {add = true}
        %dma_wait3A_123 = arith.constant 0 : i32
        %dma_wait3A_124 = tpu.memref_slice %arg9[%mul3A_86, %dma_wait3A_123] : memref<80x64xi32, #tpu.memory_space<vmem>> -> memref<1x64xi32, #tpu.memory_space<vmem>>
        %dma_wait3A_125 = tpu.memref_squeeze %dma_wait3A_124 : memref<1x64xi32, #tpu.memory_space<vmem>> -> memref<64xi32, #tpu.memory_space<vmem>>
        %dma_wait3A_126 = arith.constant 0 : i32
        %dma_wait3A_127 = arith.constant 0 : i32
        %dma_wait3A_128 = tpu.memref_slice %arg7[%dma_wait3A_126, %dma_wait3A_127] : memref<10064x64xf32, #tpu.memory_space<vmem_shared>> -> memref<10064x64xf32, #tpu.memory_space<vmem_shared>>
        tpu.wait_indirect_dma semaphore(%run_scoped3A : memref<!tpu.dma_semaphore, #tpu.memory_space<semaphore_mem>>) src(%arg10 : memref<64x64xf32, #tpu.memory_space<vmem>>) dst(%dma_wait3A_128 : memref<10064x64xf32, #tpu.memory_space<vmem_shared>>)
        tpu.yield
      }) : () -> ()
      %add3A_100 = arith.constant 2 : i32
      %add3A_101 = arith.addi %mul3A_86, %add3A_100 : i32
      %lt3A_102 = arith.constant 80 : i32
      %lt3A_103 = arith.cmpi slt, %add3A_101, %lt3A_102 : i32
      %convert_element_type3A_104 = arith.extui %lt3A_103 : i1 to i32
      %cond3A_105 = arith.constant 0 : i32
      %cond3A_106 = arith.cmpi ne, %convert_element_type3A_104, %cond3A_105 : i32
      scf.if %cond3A_106 {
        %add3A_117 = arith.constant 2 : i32
        %add3A_118 = arith.addi %mul3A_86, %add3A_117 : i32
        %dma_start3A_119 = arith.constant 0 : i32
        %dma_start3A_120 = tpu.memref_slice %arg8[%add3A_118, %dma_start3A_119] : memref<80x64xi32, #tpu.memory_space<vmem>> -> memref<1x64xi32, #tpu.memory_space<vmem>>
        %dma_start3A_121 = tpu.memref_squeeze %dma_start3A_120 : memref<1x64xi32, #tpu.memory_space<vmem>> -> memref<64xi32, #tpu.memory_space<vmem>>
        %dma_start3A_122 = arith.constant 0 : i32
        %dma_start3A_123 = arith.constant 0 : i32
        %dma_start3A_124 = tpu.memref_slice %arg6[%dma_start3A_122, %dma_start3A_123] : memref<10000x64xf32, #tpu.memory_space<vmem_shared>> -> memref<10000x64xf32, #tpu.memory_space<vmem_shared>>
        tpu.enqueue_indirect_dma source(%dma_start3A_124 : memref<10000x64xf32, #tpu.memory_space<vmem_shared>>) target(%arg10 : memref<64x64xf32, #tpu.memory_space<vmem>>) offsets(%dma_start3A_121 : memref<64xi32, #tpu.memory_space<vmem>>) semaphore(%arg12 : memref<!tpu.dma_semaphore, #tpu.memory_space<semaphore_mem>>)
      } else {
      }
      %add3A_107 = arith.constant 1 : i32
      %add3A_108 = arith.addi %mul3A_86, %add3A_107 : i32
      %dma_wait3A_109 = arith.constant 0 : i32
      %dma_wait3A_110 = tpu.memref_slice %arg8[%add3A_108, %dma_wait3A_109] : memref<80x64xi32, #tpu.memory_space<vmem>> -> memref<1x64xi32, #tpu.memory_space<vmem>>
      %dma_wait3A_111 = tpu.memref_squeeze %dma_wait3A_110 : memref<1x64xi32, #tpu.memory_space<vmem>> -> memref<64xi32, #tpu.memory_space<vmem>>
      %dma_wait3A_112 = arith.constant 0 : i32
      %dma_wait3A_113 = arith.constant 0 : i32
      %dma_wait3A_114 = tpu.memref_slice %arg6[%dma_wait3A_112, %dma_wait3A_113] : memref<10000x64xf32, #tpu.memory_space<vmem_shared>> -> memref<10000x64xf32, #tpu.memory_space<vmem_shared>>
      tpu.wait_indirect_dma semaphore(%arg13 : memref<!tpu.dma_semaphore, #tpu.memory_space<semaphore_mem>>) src(%dma_wait3A_114 : memref<10000x64xf32, #tpu.memory_space<vmem_shared>>) dst(%arg11 : memref<64x64xf32, #tpu.memory_space<vmem>>)
      %add3A_115 = arith.constant 1 : i32
      %add3A_116 = arith.addi %mul3A_86, %add3A_115 : i32
      "tpu.region"() ({
        %run_scoped3A = tpu.sem_alloc : memref<!tpu.dma_semaphore, #tpu.memory_space<semaphore_mem>>
        %dma_start3A_117 = arith.constant 0 : i32
        %dma_start3A_118 = tpu.memref_slice %arg9[%add3A_116, %dma_start3A_117] : memref<80x64xi32, #tpu.memory_space<vmem>> -> memref<1x64xi32, #tpu.memory_space<vmem>>
        %dma_start3A_119 = tpu.memref_squeeze %dma_start3A_118 : memref<1x64xi32, #tpu.memory_space<vmem>> -> memref<64xi32, #tpu.memory_space<vmem>>
        %dma_start3A_120 = arith.constant 0 : i32
        %dma_start3A_121 = arith.constant 0 : i32
        %dma_start3A_122 = tpu.memref_slice %arg7[%dma_start3A_120, %dma_start3A_121] : memref<10064x64xf32, #tpu.memory_space<vmem_shared>> -> memref<10064x64xf32, #tpu.memory_space<vmem_shared>>
        tpu.enqueue_indirect_dma source(%arg11 : memref<64x64xf32, #tpu.memory_space<vmem>>) target(%dma_start3A_122 : memref<10064x64xf32, #tpu.memory_space<vmem_shared>>) offsets(%dma_start3A_119 : memref<64xi32, #tpu.memory_space<vmem>>) semaphore(%run_scoped3A : memref<!tpu.dma_semaphore, #tpu.memory_space<semaphore_mem>>) {add = true}
        %dma_wait3A_123 = arith.constant 0 : i32
        %dma_wait3A_124 = tpu.memref_slice %arg9[%add3A_116, %dma_wait3A_123] : memref<80x64xi32, #tpu.memory_space<vmem>> -> memref<1x64xi32, #tpu.memory_space<vmem>>
        %dma_wait3A_125 = tpu.memref_squeeze %dma_wait3A_124 : memref<1x64xi32, #tpu.memory_space<vmem>> -> memref<64xi32, #tpu.memory_space<vmem>>
        %dma_wait3A_126 = arith.constant 0 : i32
        %dma_wait3A_127 = arith.constant 0 : i32
        %dma_wait3A_128 = tpu.memref_slice %arg7[%dma_wait3A_126, %dma_wait3A_127] : memref<10064x64xf32, #tpu.memory_space<vmem_shared>> -> memref<10064x64xf32, #tpu.memory_space<vmem_shared>>
        tpu.wait_indirect_dma semaphore(%run_scoped3A : memref<!tpu.dma_semaphore, #tpu.memory_space<semaphore_mem>>) src(%arg11 : memref<64x64xf32, #tpu.memory_space<vmem>>) dst(%dma_wait3A_128 : memref<10064x64xf32, #tpu.memory_space<vmem_shared>>)
        tpu.yield
      }) : () -> ()
    }
    %scan3A_72 = arith.constant 40 : i32
    %barrier3A_73 = arith.constant 0 : index
    tpu.barrier barrier_id(%barrier3A_73)
    %lt3A_74 = arith.constant 15 : i32
    %lt3A_75 = arith.cmpi slt, %arg1, %lt3A_74 : i32
    %convert_element_type3A_76 = arith.extui %lt3A_75 : i1 to i32
    %cond3A_77 = arith.constant 0 : i32
    %cond3A_78 = arith.cmpi ne, %convert_element_type3A_76, %cond3A_77 : i32
    scf.if %cond3A_78 {
      %mul3A_84 = arith.constant 632 : i32
      %mul3A_85 = arith.muli %arg1, %mul3A_84 : i32
      %multiple_of3A_86 = tpu.assume_multiple %mul3A_85, 8 : i32
      "tpu.region"() ({
        %run_scoped3A = tpu.sem_alloc : memref<!tpu.dma_semaphore, #tpu.memory_space<semaphore_mem>>
        %dma_start3A_87 = arith.constant 0 : i32
        %dma_start3A_88 = tpu.memref_slice %arg5[%arg0, %multiple_of3A_86, %dma_start3A_87] : memref<2x10000x64xf32, #tpu.memory_space<hbm>> -> memref<1x632x64xf32, #tpu.memory_space<hbm>>
        %dma_start3A_89 = tpu.memref_squeeze %dma_start3A_88 : memref<1x632x64xf32, #tpu.memory_space<hbm>> -> memref<632x64xf32, #tpu.memory_space<hbm>>
        %dma_start3A_90 = arith.constant 0 : i32
        %dma_start3A_91 = tpu.memref_slice %arg7[%multiple_of3A_86, %dma_start3A_90] : memref<10064x64xf32, #tpu.memory_space<vmem_shared>> -> memref<632x64xf32, #tpu.memory_space<vmem_shared>>
        tpu.enqueue_dma source(%dma_start3A_91 : memref<632x64xf32, #tpu.memory_space<vmem_shared>>) target(%dma_start3A_89 : memref<632x64xf32, #tpu.memory_space<hbm>>) target_semaphore(%run_scoped3A : memref<!tpu.dma_semaphore, #tpu.memory_space<semaphore_mem>>)
        %dma_wait3A = arith.constant 0 : i32
        %dma_wait3A_92 = tpu.memref_slice %arg5[%arg0, %multiple_of3A_86, %dma_wait3A] : memref<2x10000x64xf32, #tpu.memory_space<hbm>> -> memref<1x632x64xf32, #tpu.memory_space<hbm>>
        %dma_wait3A_93 = tpu.memref_squeeze %dma_wait3A_92 : memref<1x632x64xf32, #tpu.memory_space<hbm>> -> memref<632x64xf32, #tpu.memory_space<hbm>>
        %dma_wait3A_94 = arith.constant 0 : i32
        %dma_wait3A_95 = tpu.memref_slice %arg7[%multiple_of3A_86, %dma_wait3A_94] : memref<10064x64xf32, #tpu.memory_space<vmem_shared>> -> memref<632x64xf32, #tpu.memory_space<vmem_shared>>
        tpu.wait_dma2 semaphore(%run_scoped3A : memref<!tpu.dma_semaphore, #tpu.memory_space<semaphore_mem>>) src(%dma_wait3A_95 : memref<632x64xf32, #tpu.memory_space<vmem_shared>>) dst(%dma_wait3A_93 : memref<632x64xf32, #tpu.memory_space<hbm>>)
        tpu.yield
      }) : () -> ()
    } else {
    }
    %eq3A_79 = arith.constant 15 : i32
    %eq3A_80 = arith.cmpi eq, %arg1, %eq3A_79 : i32
    %convert_element_type3A_81 = arith.extui %eq3A_80 : i1 to i32
    %cond3A_82 = arith.constant 0 : i32
    %cond3A_83 = arith.cmpi ne, %convert_element_type3A_81, %cond3A_82 : i32
    scf.if %cond3A_83 {
      "tpu.region"() ({
        %run_scoped3A = tpu.sem_alloc : memref<!tpu.dma_semaphore, #tpu.memory_space<semaphore_mem>>
        %dma_start3A_84 = arith.constant 9480 : i32
        %dma_start3A_85 = arith.constant 0 : i32
        %dma_start3A_86 = tpu.memref_slice %arg5[%arg0, %dma_start3A_84, %dma_start3A_85] : memref<2x10000x64xf32, #tpu.memory_space<hbm>> -> memref<1x520x64xf32, #tpu.memory_space<hbm>>
        %dma_start3A_87 = tpu.memref_squeeze %dma_start3A_86 : memref<1x520x64xf32, #tpu.memory_space<hbm>> -> memref<520x64xf32, #tpu.memory_space<hbm>>
        %dma_start3A_88 = arith.constant 9480 : i32
        %dma_start3A_89 = arith.constant 0 : i32
        %dma_start3A_90 = tpu.memref_slice %arg7[%dma_start3A_88, %dma_start3A_89] : memref<10064x64xf32, #tpu.memory_space<vmem_shared>> -> memref<520x64xf32, #tpu.memory_space<vmem_shared>>
        tpu.enqueue_dma source(%dma_start3A_90 : memref<520x64xf32, #tpu.memory_space<vmem_shared>>) target(%dma_start3A_87 : memref<520x64xf32, #tpu.memory_space<hbm>>) target_semaphore(%run_scoped3A : memref<!tpu.dma_semaphore, #tpu.memory_space<semaphore_mem>>)
        %dma_wait3A = arith.constant 9480 : i32
        %dma_wait3A_91 = arith.constant 0 : i32
        %dma_wait3A_92 = tpu.memref_slice %arg5[%arg0, %dma_wait3A, %dma_wait3A_91] : memref<2x10000x64xf32, #tpu.memory_space<hbm>> -> memref<1x520x64xf32, #tpu.memory_space<hbm>>
        %dma_wait3A_93 = tpu.memref_squeeze %dma_wait3A_92 : memref<1x520x64xf32, #tpu.memory_space<hbm>> -> memref<520x64xf32, #tpu.memory_space<hbm>>
        %dma_wait3A_94 = arith.constant 9480 : i32
        %dma_wait3A_95 = arith.constant 0 : i32
        %dma_wait3A_96 = tpu.memref_slice %arg7[%dma_wait3A_94, %dma_wait3A_95] : memref<10064x64xf32, #tpu.memory_space<vmem_shared>> -> memref<520x64xf32, #tpu.memory_space<vmem_shared>>
        tpu.wait_dma2 semaphore(%run_scoped3A : memref<!tpu.dma_semaphore, #tpu.memory_space<semaphore_mem>>) src(%dma_wait3A_96 : memref<520x64xf32, #tpu.memory_space<vmem_shared>>) dst(%dma_wait3A_93 : memref<520x64xf32, #tpu.memory_space<hbm>>)
        tpu.yield
      }) : () -> ()
    } else {
    }
    return
  }
}

#map = affine_map<(d0, d1) -> (0, 0, 0)>
#map1 = affine_map<(d0, d1) -> (0, 0)>
module attributes {stable_mosaic.version = 14 : i64} {
  func.func @_agg_body(%arg0: i32, %arg1: i32, %arg2: memref<2x10000x64xf32, #tpu.memory_space<hbm>>, %arg3: memref<5120x64xi32, #tpu.memory_space<hbm>>, %arg4: memref<5120x64xi32, #tpu.memory_space<hbm>>, %arg5: memref<2x10000x64xf32, #tpu.memory_space<hbm>>, %arg6: memref<10000x64xf32, #tpu.memory_space<vmem_shared>>, %arg7: memref<10064x64xf32, #tpu.memory_space<vmem_shared>>, %arg8: memref<80x64xi32, #tpu.memory_space<vmem>>, %arg9: memref<80x64xi32, #tpu.memory_space<vmem>>, %arg10: memref<64x64xf32, #tpu.memory_space<vmem>>, %arg11: memref<64x64xf32, #tpu.memory_space<vmem>>, %arg12: memref<!tpu.dma_semaphore, #tpu.memory_space<semaphore_mem>>, %arg13: memref<!tpu.dma_semaphore, #tpu.memory_space<semaphore_mem>>) attributes {dimension_semantics = [#tpu.dimension_semantics<core_parallel>, #tpu.dimension_semantics<subcore_parallel>], iteration_bounds = array<i64: 2, 16>, scalar_prefetch = 0 : i64, scratch_operands = 8 : i64, tpu.core_type = #tpu.core_type<sc_vector_subcore>, window_params = [{transform_indices = #map}, {transform_indices = #map1}, {transform_indices = #map1}, {transform_indices = #map}]} {
    %lt3A = arith.constant 15 : i32
    %lt3A_0 = arith.cmpi slt, %arg1, %lt3A : i32
    %convert_element_type3A = arith.extui %lt3A_0 : i1 to i32
    %cond3A = arith.constant 0 : i32
    %cond3A_1 = arith.cmpi ne, %convert_element_type3A, %cond3A : i32
    scf.if %cond3A_1 {
      %mul3A_84 = arith.constant 632 : i32
      %mul3A_85 = arith.muli %arg1, %mul3A_84 : i32
      %multiple_of3A_86 = tpu.assume_multiple %mul3A_85, 8 : i32
      "tpu.region"() ({
        %run_scoped3A = tpu.sem_alloc : memref<!tpu.dma_semaphore, #tpu.memory_space<semaphore_mem>>
        %dma_start3A_87 = arith.constant 0 : i32
        %dma_start3A_88 = tpu.memref_slice %arg6[%multiple_of3A_86, %dma_start3A_87] : memref<10000x64xf32, #tpu.memory_space<vmem_shared>> -> memref<632x64xf32, #tpu.memory_space<vmem_shared>>
        %dma_start3A_89 = arith.constant 0 : i32
        %dma_start3A_90 = tpu.memref_slice %arg2[%arg0, %multiple_of3A_86, %dma_start3A_89] : memref<2x10000x64xf32, #tpu.memory_space<hbm>> -> memref<1x632x64xf32, #tpu.memory_space<hbm>>
        %dma_start3A_91 = tpu.memref_squeeze %dma_start3A_90 : memref<1x632x64xf32, #tpu.memory_space<hbm>> -> memref<632x64xf32, #tpu.memory_space<hbm>>
        tpu.enqueue_dma source(%dma_start3A_91 : memref<632x64xf32, #tpu.memory_space<hbm>>) target(%dma_start3A_88 : memref<632x64xf32, #tpu.memory_space<vmem_shared>>) target_semaphore(%run_scoped3A : memref<!tpu.dma_semaphore, #tpu.memory_space<semaphore_mem>>)
        %dma_wait3A = arith.constant 0 : i32
        %dma_wait3A_92 = tpu.memref_slice %arg6[%multiple_of3A_86, %dma_wait3A] : memref<10000x64xf32, #tpu.memory_space<vmem_shared>> -> memref<632x64xf32, #tpu.memory_space<vmem_shared>>
        %dma_wait3A_93 = arith.constant 0 : i32
        %dma_wait3A_94 = tpu.memref_slice %arg2[%arg0, %multiple_of3A_86, %dma_wait3A_93] : memref<2x10000x64xf32, #tpu.memory_space<hbm>> -> memref<1x632x64xf32, #tpu.memory_space<hbm>>
        %dma_wait3A_95 = tpu.memref_squeeze %dma_wait3A_94 : memref<1x632x64xf32, #tpu.memory_space<hbm>> -> memref<632x64xf32, #tpu.memory_space<hbm>>
        tpu.wait_dma2 semaphore(%run_scoped3A : memref<!tpu.dma_semaphore, #tpu.memory_space<semaphore_mem>>) src(%dma_wait3A_95 : memref<632x64xf32, #tpu.memory_space<hbm>>) dst(%dma_wait3A_92 : memref<632x64xf32, #tpu.memory_space<vmem_shared>>)
        tpu.yield
      }) : () -> ()
      "tpu.region"() ({
        %run_scoped3A = tpu.sem_alloc : memref<!tpu.dma_semaphore, #tpu.memory_space<semaphore_mem>>
        %dma_start3A_87 = arith.constant 0 : i32
        %dma_start3A_88 = tpu.memref_slice %arg7[%multiple_of3A_86, %dma_start3A_87] : memref<10064x64xf32, #tpu.memory_space<vmem_shared>> -> memref<632x64xf32, #tpu.memory_space<vmem_shared>>
        %dma_start3A_89 = arith.constant 0 : i32
        %dma_start3A_90 = tpu.memref_slice %arg2[%arg0, %multiple_of3A_86, %dma_start3A_89] : memref<2x10000x64xf32, #tpu.memory_space<hbm>> -> memref<1x632x64xf32, #tpu.memory_space<hbm>>
        %dma_start3A_91 = tpu.memref_squeeze %dma_start3A_90 : memref<1x632x64xf32, #tpu.memory_space<hbm>> -> memref<632x64xf32, #tpu.memory_space<hbm>>
        tpu.enqueue_dma source(%dma_start3A_91 : memref<632x64xf32, #tpu.memory_space<hbm>>) target(%dma_start3A_88 : memref<632x64xf32, #tpu.memory_space<vmem_shared>>) target_semaphore(%run_scoped3A : memref<!tpu.dma_semaphore, #tpu.memory_space<semaphore_mem>>)
        %dma_wait3A = arith.constant 0 : i32
        %dma_wait3A_92 = tpu.memref_slice %arg7[%multiple_of3A_86, %dma_wait3A] : memref<10064x64xf32, #tpu.memory_space<vmem_shared>> -> memref<632x64xf32, #tpu.memory_space<vmem_shared>>
        %dma_wait3A_93 = arith.constant 0 : i32
        %dma_wait3A_94 = tpu.memref_slice %arg2[%arg0, %multiple_of3A_86, %dma_wait3A_93] : memref<2x10000x64xf32, #tpu.memory_space<hbm>> -> memref<1x632x64xf32, #tpu.memory_space<hbm>>
        %dma_wait3A_95 = tpu.memref_squeeze %dma_wait3A_94 : memref<1x632x64xf32, #tpu.memory_space<hbm>> -> memref<632x64xf32, #tpu.memory_space<hbm>>
        tpu.wait_dma2 semaphore(%run_scoped3A : memref<!tpu.dma_semaphore, #tpu.memory_space<semaphore_mem>>) src(%dma_wait3A_95 : memref<632x64xf32, #tpu.memory_space<hbm>>) dst(%dma_wait3A_92 : memref<632x64xf32, #tpu.memory_space<vmem_shared>>)
        tpu.yield
      }) : () -> ()
    } else {
    }
    %eq3A = arith.constant 15 : i32
    %eq3A_2 = arith.cmpi eq, %arg1, %eq3A : i32
    %convert_element_type3A_3 = arith.extui %eq3A_2 : i1 to i32
    %cond3A_4 = arith.constant 0 : i32
    %cond3A_5 = arith.cmpi ne, %convert_element_type3A_3, %cond3A_4 : i32
    scf.if %cond3A_5 {
      "tpu.region"() ({
        %run_scoped3A = tpu.sem_alloc : memref<!tpu.dma_semaphore, #tpu.memory_space<semaphore_mem>>
        %dma_start3A_84 = arith.constant 9480 : i32
        %dma_start3A_85 = arith.constant 0 : i32
        %dma_start3A_86 = tpu.memref_slice %arg6[%dma_start3A_84, %dma_start3A_85] : memref<10000x64xf32, #tpu.memory_space<vmem_shared>> -> memref<520x64xf32, #tpu.memory_space<vmem_shared>>
        %dma_start3A_87 = arith.constant 9480 : i32
        %dma_start3A_88 = arith.constant 0 : i32
        %dma_start3A_89 = tpu.memref_slice %arg2[%arg0, %dma_start3A_87, %dma_start3A_88] : memref<2x10000x64xf32, #tpu.memory_space<hbm>> -> memref<1x520x64xf32, #tpu.memory_space<hbm>>
        %dma_start3A_90 = tpu.memref_squeeze %dma_start3A_89 : memref<1x520x64xf32, #tpu.memory_space<hbm>> -> memref<520x64xf32, #tpu.memory_space<hbm>>
        tpu.enqueue_dma source(%dma_start3A_90 : memref<520x64xf32, #tpu.memory_space<hbm>>) target(%dma_start3A_86 : memref<520x64xf32, #tpu.memory_space<vmem_shared>>) target_semaphore(%run_scoped3A : memref<!tpu.dma_semaphore, #tpu.memory_space<semaphore_mem>>)
        %dma_wait3A = arith.constant 9480 : i32
        %dma_wait3A_91 = arith.constant 0 : i32
        %dma_wait3A_92 = tpu.memref_slice %arg6[%dma_wait3A, %dma_wait3A_91] : memref<10000x64xf32, #tpu.memory_space<vmem_shared>> -> memref<520x64xf32, #tpu.memory_space<vmem_shared>>
        %dma_wait3A_93 = arith.constant 9480 : i32
        %dma_wait3A_94 = arith.constant 0 : i32
        %dma_wait3A_95 = tpu.memref_slice %arg2[%arg0, %dma_wait3A_93, %dma_wait3A_94] : memref<2x10000x64xf32, #tpu.memory_space<hbm>> -> memref<1x520x64xf32, #tpu.memory_space<hbm>>
        %dma_wait3A_96 = tpu.memref_squeeze %dma_wait3A_95 : memref<1x520x64xf32, #tpu.memory_space<hbm>> -> memref<520x64xf32, #tpu.memory_space<hbm>>
        tpu.wait_dma2 semaphore(%run_scoped3A : memref<!tpu.dma_semaphore, #tpu.memory_space<semaphore_mem>>) src(%dma_wait3A_96 : memref<520x64xf32, #tpu.memory_space<hbm>>) dst(%dma_wait3A_92 : memref<520x64xf32, #tpu.memory_space<vmem_shared>>)
        tpu.yield
      }) : () -> ()
      "tpu.region"() ({
        %run_scoped3A = tpu.sem_alloc : memref<!tpu.dma_semaphore, #tpu.memory_space<semaphore_mem>>
        %dma_start3A_84 = arith.constant 9480 : i32
        %dma_start3A_85 = arith.constant 0 : i32
        %dma_start3A_86 = tpu.memref_slice %arg7[%dma_start3A_84, %dma_start3A_85] : memref<10064x64xf32, #tpu.memory_space<vmem_shared>> -> memref<520x64xf32, #tpu.memory_space<vmem_shared>>
        %dma_start3A_87 = arith.constant 9480 : i32
        %dma_start3A_88 = arith.constant 0 : i32
        %dma_start3A_89 = tpu.memref_slice %arg2[%arg0, %dma_start3A_87, %dma_start3A_88] : memref<2x10000x64xf32, #tpu.memory_space<hbm>> -> memref<1x520x64xf32, #tpu.memory_space<hbm>>
        %dma_start3A_90 = tpu.memref_squeeze %dma_start3A_89 : memref<1x520x64xf32, #tpu.memory_space<hbm>> -> memref<520x64xf32, #tpu.memory_space<hbm>>
        tpu.enqueue_dma source(%dma_start3A_90 : memref<520x64xf32, #tpu.memory_space<hbm>>) target(%dma_start3A_86 : memref<520x64xf32, #tpu.memory_space<vmem_shared>>) target_semaphore(%run_scoped3A : memref<!tpu.dma_semaphore, #tpu.memory_space<semaphore_mem>>)
        %dma_wait3A = arith.constant 9480 : i32
        %dma_wait3A_91 = arith.constant 0 : i32
        %dma_wait3A_92 = tpu.memref_slice %arg7[%dma_wait3A, %dma_wait3A_91] : memref<10064x64xf32, #tpu.memory_space<vmem_shared>> -> memref<520x64xf32, #tpu.memory_space<vmem_shared>>
        %dma_wait3A_93 = arith.constant 9480 : i32
        %dma_wait3A_94 = arith.constant 0 : i32
        %dma_wait3A_95 = tpu.memref_slice %arg2[%arg0, %dma_wait3A_93, %dma_wait3A_94] : memref<2x10000x64xf32, #tpu.memory_space<hbm>> -> memref<1x520x64xf32, #tpu.memory_space<hbm>>
        %dma_wait3A_96 = tpu.memref_squeeze %dma_wait3A_95 : memref<1x520x64xf32, #tpu.memory_space<hbm>> -> memref<520x64xf32, #tpu.memory_space<hbm>>
        tpu.wait_dma2 semaphore(%run_scoped3A : memref<!tpu.dma_semaphore, #tpu.memory_space<semaphore_mem>>) src(%dma_wait3A_96 : memref<520x64xf32, #tpu.memory_space<hbm>>) dst(%dma_wait3A_92 : memref<520x64xf32, #tpu.memory_space<vmem_shared>>)
        tpu.yield
      }) : () -> ()
    } else {
    }
    %barrier3A = arith.constant 0 : index
    tpu.barrier barrier_id(%barrier3A)
    %mul3A = arith.constant 320 : i32
    %mul3A_6 = arith.muli %arg1, %mul3A : i32
    %add3A = arith.constant 0 : i32
    %add3A_7 = arith.addi %mul3A_6, %add3A : i32
    %multiple_of3A = tpu.assume_multiple %add3A_7, 8 : i32
    "tpu.region"() ({
      %run_scoped3A = tpu.sem_alloc : memref<!tpu.dma_semaphore, #tpu.memory_space<semaphore_mem>>
      %dma_start3A_84 = arith.constant 0 : i32
      %dma_start3A_85 = tpu.memref_slice %arg3[%multiple_of3A, %dma_start3A_84] : memref<5120x64xi32, #tpu.memory_space<hbm>> -> memref<80x64xi32, #tpu.memory_space<hbm>>
      %dma_start3A_86 = arith.constant 0 : i32
      %dma_start3A_87 = tpu.memref_slice %arg3[%multiple_of3A, %dma_start3A_86] : memref<5120x64xi32, #tpu.memory_space<hbm>> -> memref<80x64xi32, #tpu.memory_space<hbm>>
      tpu.enqueue_dma source(%dma_start3A_87 : memref<80x64xi32, #tpu.memory_space<hbm>>) target(%arg8 : memref<80x64xi32, #tpu.memory_space<vmem>>) target_semaphore(%run_scoped3A : memref<!tpu.dma_semaphore, #tpu.memory_space<semaphore_mem>>)
      %dma_wait3A = arith.constant 0 : i32
      %dma_wait3A_88 = tpu.memref_slice %arg3[%multiple_of3A, %dma_wait3A] : memref<5120x64xi32, #tpu.memory_space<hbm>> -> memref<80x64xi32, #tpu.memory_space<hbm>>
      %dma_wait3A_89 = arith.constant 0 : i32
      %dma_wait3A_90 = tpu.memref_slice %arg3[%multiple_of3A, %dma_wait3A_89] : memref<5120x64xi32, #tpu.memory_space<hbm>> -> memref<80x64xi32, #tpu.memory_space<hbm>>
      tpu.wait_dma2 semaphore(%run_scoped3A : memref<!tpu.dma_semaphore, #tpu.memory_space<semaphore_mem>>) src(%dma_wait3A_90 : memref<80x64xi32, #tpu.memory_space<hbm>>) dst(%arg8 : memref<80x64xi32, #tpu.memory_space<vmem>>)
      tpu.yield
    }) : () -> ()
    "tpu.region"() ({
      %run_scoped3A = tpu.sem_alloc : memref<!tpu.dma_semaphore, #tpu.memory_space<semaphore_mem>>
      %dma_start3A_84 = arith.constant 0 : i32
      %dma_start3A_85 = tpu.memref_slice %arg4[%multiple_of3A, %dma_start3A_84] : memref<5120x64xi32, #tpu.memory_space<hbm>> -> memref<80x64xi32, #tpu.memory_space<hbm>>
      %dma_start3A_86 = arith.constant 0 : i32
      %dma_start3A_87 = tpu.memref_slice %arg4[%multiple_of3A, %dma_start3A_86] : memref<5120x64xi32, #tpu.memory_space<hbm>> -> memref<80x64xi32, #tpu.memory_space<hbm>>
      tpu.enqueue_dma source(%dma_start3A_87 : memref<80x64xi32, #tpu.memory_space<hbm>>) target(%arg9 : memref<80x64xi32, #tpu.memory_space<vmem>>) target_semaphore(%run_scoped3A : memref<!tpu.dma_semaphore, #tpu.memory_space<semaphore_mem>>)
      %dma_wait3A = arith.constant 0 : i32
      %dma_wait3A_88 = tpu.memref_slice %arg4[%multiple_of3A, %dma_wait3A] : memref<5120x64xi32, #tpu.memory_space<hbm>> -> memref<80x64xi32, #tpu.memory_space<hbm>>
      %dma_wait3A_89 = arith.constant 0 : i32
      %dma_wait3A_90 = tpu.memref_slice %arg4[%multiple_of3A, %dma_wait3A_89] : memref<5120x64xi32, #tpu.memory_space<hbm>> -> memref<80x64xi32, #tpu.memory_space<hbm>>
      tpu.wait_dma2 semaphore(%run_scoped3A : memref<!tpu.dma_semaphore, #tpu.memory_space<semaphore_mem>>) src(%dma_wait3A_90 : memref<80x64xi32, #tpu.memory_space<hbm>>) dst(%arg9 : memref<80x64xi32, #tpu.memory_space<vmem>>)
      tpu.yield
    }) : () -> ()
    %dma_start3A = arith.constant 0 : i32
    %dma_start3A_8 = arith.constant 0 : i32
    %dma_start3A_9 = tpu.memref_slice %arg8[%dma_start3A, %dma_start3A_8] : memref<80x64xi32, #tpu.memory_space<vmem>> -> memref<1x64xi32, #tpu.memory_space<vmem>>
    %dma_start3A_10 = tpu.memref_squeeze %dma_start3A_9 : memref<1x64xi32, #tpu.memory_space<vmem>> -> memref<64xi32, #tpu.memory_space<vmem>>
    %dma_start3A_11 = arith.constant 0 : i32
    %dma_start3A_12 = arith.constant 0 : i32
    %dma_start3A_13 = tpu.memref_slice %arg6[%dma_start3A_11, %dma_start3A_12] : memref<10000x64xf32, #tpu.memory_space<vmem_shared>> -> memref<10000x64xf32, #tpu.memory_space<vmem_shared>>
    tpu.enqueue_indirect_dma source(%dma_start3A_13 : memref<10000x64xf32, #tpu.memory_space<vmem_shared>>) target(%arg10 : memref<64x64xf32, #tpu.memory_space<vmem>>) offsets(%dma_start3A_10 : memref<64xi32, #tpu.memory_space<vmem>>) semaphore(%arg12 : memref<!tpu.dma_semaphore, #tpu.memory_space<semaphore_mem>>)
    %scan3A = arith.constant 0 : i32
    %scan3A_14 = arith.constant 0 : i32
    %scan3A_15 = arith.constant 40 : i32
    %scan3A_16 = arith.addi %scan3A_14, %scan3A_15 : i32
    %scan3A_17 = arith.constant 1 : i32
    scf.for %scan3A_84 = %scan3A_14 to %scan3A_16 step %scan3A_17  : i32 {
      %mul3A_85 = arith.constant 2 : i32
      %mul3A_86 = arith.muli %mul3A_85, %scan3A_84 : i32
      %add3A_87 = arith.constant 1 : i32
      %add3A_88 = arith.addi %mul3A_86, %add3A_87 : i32
      %dma_start3A_89 = arith.constant 0 : i32
      %dma_start3A_90 = tpu.memref_slice %arg8[%add3A_88, %dma_start3A_89] : memref<80x64xi32, #tpu.memory_space<vmem>> -> memref<1x64xi32, #tpu.memory_space<vmem>>
      %dma_start3A_91 = tpu.memref_squeeze %dma_start3A_90 : memref<1x64xi32, #tpu.memory_space<vmem>> -> memref<64xi32, #tpu.memory_space<vmem>>
      %dma_start3A_92 = arith.constant 0 : i32
      %dma_start3A_93 = arith.constant 0 : i32
      %dma_start3A_94 = tpu.memref_slice %arg6[%dma_start3A_92, %dma_start3A_93] : memref<10000x64xf32, #tpu.memory_space<vmem_shared>> -> memref<10000x64xf32, #tpu.memory_space<vmem_shared>>
      tpu.enqueue_indirect_dma source(%dma_start3A_94 : memref<10000x64xf32, #tpu.memory_space<vmem_shared>>) target(%arg11 : memref<64x64xf32, #tpu.memory_space<vmem>>) offsets(%dma_start3A_91 : memref<64xi32, #tpu.memory_space<vmem>>) semaphore(%arg13 : memref<!tpu.dma_semaphore, #tpu.memory_space<semaphore_mem>>)
      %dma_wait3A = arith.constant 0 : i32
      %dma_wait3A_95 = tpu.memref_slice %arg8[%mul3A_86, %dma_wait3A] : memref<80x64xi32, #tpu.memory_space<vmem>> -> memref<1x64xi32, #tpu.memory_space<vmem>>
      %dma_wait3A_96 = tpu.memref_squeeze %dma_wait3A_95 : memref<1x64xi32, #tpu.memory_space<vmem>> -> memref<64xi32, #tpu.memory_space<vmem>>
      %dma_wait3A_97 = arith.constant 0 : i32
      %dma_wait3A_98 = arith.constant 0 : i32
      %dma_wait3A_99 = tpu.memref_slice %arg6[%dma_wait3A_97, %dma_wait3A_98] : memref<10000x64xf32, #tpu.memory_space<vmem_shared>> -> memref<10000x64xf32, #tpu.memory_space<vmem_shared>>
      tpu.wait_indirect_dma semaphore(%arg12 : memref<!tpu.dma_semaphore, #tpu.memory_space<semaphore_mem>>) src(%dma_wait3A_99 : memref<10000x64xf32, #tpu.memory_space<vmem_shared>>) dst(%arg10 : memref<64x64xf32, #tpu.memory_space<vmem>>)
      "tpu.region"() ({
        %run_scoped3A = tpu.sem_alloc : memref<!tpu.dma_semaphore, #tpu.memory_space<semaphore_mem>>
        %dma_start3A_117 = arith.constant 0 : i32
        %dma_start3A_118 = tpu.memref_slice %arg9[%mul3A_86, %dma_start3A_117] : memref<80x64xi32, #tpu.memory_space<vmem>> -> memref<1x64xi32, #tpu.memory_space<vmem>>
        %dma_start3A_119 = tpu.memref_squeeze %dma_start3A_118 : memref<1x64xi32, #tpu.memory_space<vmem>> -> memref<64xi32, #tpu.memory_space<vmem>>
        %dma_start3A_120 = arith.constant 0 : i32
        %dma_start3A_121 = arith.constant 0 : i32
        %dma_start3A_122 = tpu.memref_slice %arg7[%dma_start3A_120, %dma_start3A_121] : memref<10064x64xf32, #tpu.memory_space<vmem_shared>> -> memref<10064x64xf32, #tpu.memory_space<vmem_shared>>
        tpu.enqueue_indirect_dma source(%arg10 : memref<64x64xf32, #tpu.memory_space<vmem>>) target(%dma_start3A_122 : memref<10064x64xf32, #tpu.memory_space<vmem_shared>>) offsets(%dma_start3A_119 : memref<64xi32, #tpu.memory_space<vmem>>) semaphore(%run_scoped3A : memref<!tpu.dma_semaphore, #tpu.memory_space<semaphore_mem>>) {add = true}
        %dma_wait3A_123 = arith.constant 0 : i32
        %dma_wait3A_124 = tpu.memref_slice %arg9[%mul3A_86, %dma_wait3A_123] : memref<80x64xi32, #tpu.memory_space<vmem>> -> memref<1x64xi32, #tpu.memory_space<vmem>>
        %dma_wait3A_125 = tpu.memref_squeeze %dma_wait3A_124 : memref<1x64xi32, #tpu.memory_space<vmem>> -> memref<64xi32, #tpu.memory_space<vmem>>
        %dma_wait3A_126 = arith.constant 0 : i32
        %dma_wait3A_127 = arith.constant 0 : i32
        %dma_wait3A_128 = tpu.memref_slice %arg7[%dma_wait3A_126, %dma_wait3A_127] : memref<10064x64xf32, #tpu.memory_space<vmem_shared>> -> memref<10064x64xf32, #tpu.memory_space<vmem_shared>>
        tpu.wait_indirect_dma semaphore(%run_scoped3A : memref<!tpu.dma_semaphore, #tpu.memory_space<semaphore_mem>>) src(%arg10 : memref<64x64xf32, #tpu.memory_space<vmem>>) dst(%dma_wait3A_128 : memref<10064x64xf32, #tpu.memory_space<vmem_shared>>)
        tpu.yield
      }) : () -> ()
      %add3A_100 = arith.constant 2 : i32
      %add3A_101 = arith.addi %mul3A_86, %add3A_100 : i32
      %lt3A_102 = arith.constant 80 : i32
      %lt3A_103 = arith.cmpi slt, %add3A_101, %lt3A_102 : i32
      %convert_element_type3A_104 = arith.extui %lt3A_103 : i1 to i32
      %cond3A_105 = arith.constant 0 : i32
      %cond3A_106 = arith.cmpi ne, %convert_element_type3A_104, %cond3A_105 : i32
      scf.if %cond3A_106 {
        %add3A_117 = arith.constant 2 : i32
        %add3A_118 = arith.addi %mul3A_86, %add3A_117 : i32
        %dma_start3A_119 = arith.constant 0 : i32
        %dma_start3A_120 = tpu.memref_slice %arg8[%add3A_118, %dma_start3A_119] : memref<80x64xi32, #tpu.memory_space<vmem>> -> memref<1x64xi32, #tpu.memory_space<vmem>>
        %dma_start3A_121 = tpu.memref_squeeze %dma_start3A_120 : memref<1x64xi32, #tpu.memory_space<vmem>> -> memref<64xi32, #tpu.memory_space<vmem>>
        %dma_start3A_122 = arith.constant 0 : i32
        %dma_start3A_123 = arith.constant 0 : i32
        %dma_start3A_124 = tpu.memref_slice %arg6[%dma_start3A_122, %dma_start3A_123] : memref<10000x64xf32, #tpu.memory_space<vmem_shared>> -> memref<10000x64xf32, #tpu.memory_space<vmem_shared>>
        tpu.enqueue_indirect_dma source(%dma_start3A_124 : memref<10000x64xf32, #tpu.memory_space<vmem_shared>>) target(%arg10 : memref<64x64xf32, #tpu.memory_space<vmem>>) offsets(%dma_start3A_121 : memref<64xi32, #tpu.memory_space<vmem>>) semaphore(%arg12 : memref<!tpu.dma_semaphore, #tpu.memory_space<semaphore_mem>>)
      } else {
      }
      %add3A_107 = arith.constant 1 : i32
      %add3A_108 = arith.addi %mul3A_86, %add3A_107 : i32
      %dma_wait3A_109 = arith.constant 0 : i32
      %dma_wait3A_110 = tpu.memref_slice %arg8[%add3A_108, %dma_wait3A_109] : memref<80x64xi32, #tpu.memory_space<vmem>> -> memref<1x64xi32, #tpu.memory_space<vmem>>
      %dma_wait3A_111 = tpu.memref_squeeze %dma_wait3A_110 : memref<1x64xi32, #tpu.memory_space<vmem>> -> memref<64xi32, #tpu.memory_space<vmem>>
      %dma_wait3A_112 = arith.constant 0 : i32
      %dma_wait3A_113 = arith.constant 0 : i32
      %dma_wait3A_114 = tpu.memref_slice %arg6[%dma_wait3A_112, %dma_wait3A_113] : memref<10000x64xf32, #tpu.memory_space<vmem_shared>> -> memref<10000x64xf32, #tpu.memory_space<vmem_shared>>
      tpu.wait_indirect_dma semaphore(%arg13 : memref<!tpu.dma_semaphore, #tpu.memory_space<semaphore_mem>>) src(%dma_wait3A_114 : memref<10000x64xf32, #tpu.memory_space<vmem_shared>>) dst(%arg11 : memref<64x64xf32, #tpu.memory_space<vmem>>)
      %add3A_115 = arith.constant 1 : i32
      %add3A_116 = arith.addi %mul3A_86, %add3A_115 : i32
      "tpu.region"() ({
        %run_scoped3A = tpu.sem_alloc : memref<!tpu.dma_semaphore, #tpu.memory_space<semaphore_mem>>
        %dma_start3A_117 = arith.constant 0 : i32
        %dma_start3A_118 = tpu.memref_slice %arg9[%add3A_116, %dma_start3A_117] : memref<80x64xi32, #tpu.memory_space<vmem>> -> memref<1x64xi32, #tpu.memory_space<vmem>>
        %dma_start3A_119 = tpu.memref_squeeze %dma_start3A_118 : memref<1x64xi32, #tpu.memory_space<vmem>> -> memref<64xi32, #tpu.memory_space<vmem>>
        %dma_start3A_120 = arith.constant 0 : i32
        %dma_start3A_121 = arith.constant 0 : i32
        %dma_start3A_122 = tpu.memref_slice %arg7[%dma_start3A_120, %dma_start3A_121] : memref<10064x64xf32, #tpu.memory_space<vmem_shared>> -> memref<10064x64xf32, #tpu.memory_space<vmem_shared>>
        tpu.enqueue_indirect_dma source(%arg11 : memref<64x64xf32, #tpu.memory_space<vmem>>) target(%dma_start3A_122 : memref<10064x64xf32, #tpu.memory_space<vmem_shared>>) offsets(%dma_start3A_119 : memref<64xi32, #tpu.memory_space<vmem>>) semaphore(%run_scoped3A : memref<!tpu.dma_semaphore, #tpu.memory_space<semaphore_mem>>) {add = true}
        %dma_wait3A_123 = arith.constant 0 : i32
        %dma_wait3A_124 = tpu.memref_slice %arg9[%add3A_116, %dma_wait3A_123] : memref<80x64xi32, #tpu.memory_space<vmem>> -> memref<1x64xi32, #tpu.memory_space<vmem>>
        %dma_wait3A_125 = tpu.memref_squeeze %dma_wait3A_124 : memref<1x64xi32, #tpu.memory_space<vmem>> -> memref<64xi32, #tpu.memory_space<vmem>>
        %dma_wait3A_126 = arith.constant 0 : i32
        %dma_wait3A_127 = arith.constant 0 : i32
        %dma_wait3A_128 = tpu.memref_slice %arg7[%dma_wait3A_126, %dma_wait3A_127] : memref<10064x64xf32, #tpu.memory_space<vmem_shared>> -> memref<10064x64xf32, #tpu.memory_space<vmem_shared>>
        tpu.wait_indirect_dma semaphore(%run_scoped3A : memref<!tpu.dma_semaphore, #tpu.memory_space<semaphore_mem>>) src(%arg11 : memref<64x64xf32, #tpu.memory_space<vmem>>) dst(%dma_wait3A_128 : memref<10064x64xf32, #tpu.memory_space<vmem_shared>>)
        tpu.yield
      }) : () -> ()
    }
    %scan3A_18 = arith.constant 40 : i32
    %mul3A_19 = arith.constant 320 : i32
    %mul3A_20 = arith.muli %arg1, %mul3A_19 : i32
    %add3A_21 = arith.constant 80 : i32
    %add3A_22 = arith.addi %mul3A_20, %add3A_21 : i32
    %multiple_of3A_23 = tpu.assume_multiple %add3A_22, 8 : i32
    "tpu.region"() ({
      %run_scoped3A = tpu.sem_alloc : memref<!tpu.dma_semaphore, #tpu.memory_space<semaphore_mem>>
      %dma_start3A_84 = arith.constant 0 : i32
      %dma_start3A_85 = tpu.memref_slice %arg3[%multiple_of3A_23, %dma_start3A_84] : memref<5120x64xi32, #tpu.memory_space<hbm>> -> memref<80x64xi32, #tpu.memory_space<hbm>>
      %dma_start3A_86 = arith.constant 0 : i32
      %dma_start3A_87 = tpu.memref_slice %arg3[%multiple_of3A_23, %dma_start3A_86] : memref<5120x64xi32, #tpu.memory_space<hbm>> -> memref<80x64xi32, #tpu.memory_space<hbm>>
      tpu.enqueue_dma source(%dma_start3A_87 : memref<80x64xi32, #tpu.memory_space<hbm>>) target(%arg8 : memref<80x64xi32, #tpu.memory_space<vmem>>) target_semaphore(%run_scoped3A : memref<!tpu.dma_semaphore, #tpu.memory_space<semaphore_mem>>)
      %dma_wait3A = arith.constant 0 : i32
      %dma_wait3A_88 = tpu.memref_slice %arg3[%multiple_of3A_23, %dma_wait3A] : memref<5120x64xi32, #tpu.memory_space<hbm>> -> memref<80x64xi32, #tpu.memory_space<hbm>>
      %dma_wait3A_89 = arith.constant 0 : i32
      %dma_wait3A_90 = tpu.memref_slice %arg3[%multiple_of3A_23, %dma_wait3A_89] : memref<5120x64xi32, #tpu.memory_space<hbm>> -> memref<80x64xi32, #tpu.memory_space<hbm>>
      tpu.wait_dma2 semaphore(%run_scoped3A : memref<!tpu.dma_semaphore, #tpu.memory_space<semaphore_mem>>) src(%dma_wait3A_90 : memref<80x64xi32, #tpu.memory_space<hbm>>) dst(%arg8 : memref<80x64xi32, #tpu.memory_space<vmem>>)
      tpu.yield
    }) : () -> ()
    "tpu.region"() ({
      %run_scoped3A = tpu.sem_alloc : memref<!tpu.dma_semaphore, #tpu.memory_space<semaphore_mem>>
      %dma_start3A_84 = arith.constant 0 : i32
      %dma_start3A_85 = tpu.memref_slice %arg4[%multiple_of3A_23, %dma_start3A_84] : memref<5120x64xi32, #tpu.memory_space<hbm>> -> memref<80x64xi32, #tpu.memory_space<hbm>>
      %dma_start3A_86 = arith.constant 0 : i32
      %dma_start3A_87 = tpu.memref_slice %arg4[%multiple_of3A_23, %dma_start3A_86] : memref<5120x64xi32, #tpu.memory_space<hbm>> -> memref<80x64xi32, #tpu.memory_space<hbm>>
      tpu.enqueue_dma source(%dma_start3A_87 : memref<80x64xi32, #tpu.memory_space<hbm>>) target(%arg9 : memref<80x64xi32, #tpu.memory_space<vmem>>) target_semaphore(%run_scoped3A : memref<!tpu.dma_semaphore, #tpu.memory_space<semaphore_mem>>)
      %dma_wait3A = arith.constant 0 : i32
      %dma_wait3A_88 = tpu.memref_slice %arg4[%multiple_of3A_23, %dma_wait3A] : memref<5120x64xi32, #tpu.memory_space<hbm>> -> memref<80x64xi32, #tpu.memory_space<hbm>>
      %dma_wait3A_89 = arith.constant 0 : i32
      %dma_wait3A_90 = tpu.memref_slice %arg4[%multiple_of3A_23, %dma_wait3A_89] : memref<5120x64xi32, #tpu.memory_space<hbm>> -> memref<80x64xi32, #tpu.memory_space<hbm>>
      tpu.wait_dma2 semaphore(%run_scoped3A : memref<!tpu.dma_semaphore, #tpu.memory_space<semaphore_mem>>) src(%dma_wait3A_90 : memref<80x64xi32, #tpu.memory_space<hbm>>) dst(%arg9 : memref<80x64xi32, #tpu.memory_space<vmem>>)
      tpu.yield
    }) : () -> ()
    %dma_start3A_24 = arith.constant 0 : i32
    %dma_start3A_25 = arith.constant 0 : i32
    %dma_start3A_26 = tpu.memref_slice %arg8[%dma_start3A_24, %dma_start3A_25] : memref<80x64xi32, #tpu.memory_space<vmem>> -> memref<1x64xi32, #tpu.memory_space<vmem>>
    %dma_start3A_27 = tpu.memref_squeeze %dma_start3A_26 : memref<1x64xi32, #tpu.memory_space<vmem>> -> memref<64xi32, #tpu.memory_space<vmem>>
    %dma_start3A_28 = arith.constant 0 : i32
    %dma_start3A_29 = arith.constant 0 : i32
    %dma_start3A_30 = tpu.memref_slice %arg6[%dma_start3A_28, %dma_start3A_29] : memref<10000x64xf32, #tpu.memory_space<vmem_shared>> -> memref<10000x64xf32, #tpu.memory_space<vmem_shared>>
    tpu.enqueue_indirect_dma source(%dma_start3A_30 : memref<10000x64xf32, #tpu.memory_space<vmem_shared>>) target(%arg10 : memref<64x64xf32, #tpu.memory_space<vmem>>) offsets(%dma_start3A_27 : memref<64xi32, #tpu.memory_space<vmem>>) semaphore(%arg12 : memref<!tpu.dma_semaphore, #tpu.memory_space<semaphore_mem>>)
    %scan3A_31 = arith.constant 0 : i32
    %scan3A_32 = arith.constant 0 : i32
    %scan3A_33 = arith.constant 40 : i32
    %scan3A_34 = arith.addi %scan3A_32, %scan3A_33 : i32
    %scan3A_35 = arith.constant 1 : i32
    scf.for %scan3A_84 = %scan3A_32 to %scan3A_34 step %scan3A_35  : i32 {
      %mul3A_85 = arith.constant 2 : i32
      %mul3A_86 = arith.muli %mul3A_85, %scan3A_84 : i32
      %add3A_87 = arith.constant 1 : i32
      %add3A_88 = arith.addi %mul3A_86, %add3A_87 : i32
      %dma_start3A_89 = arith.constant 0 : i32
      %dma_start3A_90 = tpu.memref_slice %arg8[%add3A_88, %dma_start3A_89] : memref<80x64xi32, #tpu.memory_space<vmem>> -> memref<1x64xi32, #tpu.memory_space<vmem>>
      %dma_start3A_91 = tpu.memref_squeeze %dma_start3A_90 : memref<1x64xi32, #tpu.memory_space<vmem>> -> memref<64xi32, #tpu.memory_space<vmem>>
      %dma_start3A_92 = arith.constant 0 : i32
      %dma_start3A_93 = arith.constant 0 : i32
      %dma_start3A_94 = tpu.memref_slice %arg6[%dma_start3A_92, %dma_start3A_93] : memref<10000x64xf32, #tpu.memory_space<vmem_shared>> -> memref<10000x64xf32, #tpu.memory_space<vmem_shared>>
      tpu.enqueue_indirect_dma source(%dma_start3A_94 : memref<10000x64xf32, #tpu.memory_space<vmem_shared>>) target(%arg11 : memref<64x64xf32, #tpu.memory_space<vmem>>) offsets(%dma_start3A_91 : memref<64xi32, #tpu.memory_space<vmem>>) semaphore(%arg13 : memref<!tpu.dma_semaphore, #tpu.memory_space<semaphore_mem>>)
      %dma_wait3A = arith.constant 0 : i32
      %dma_wait3A_95 = tpu.memref_slice %arg8[%mul3A_86, %dma_wait3A] : memref<80x64xi32, #tpu.memory_space<vmem>> -> memref<1x64xi32, #tpu.memory_space<vmem>>
      %dma_wait3A_96 = tpu.memref_squeeze %dma_wait3A_95 : memref<1x64xi32, #tpu.memory_space<vmem>> -> memref<64xi32, #tpu.memory_space<vmem>>
      %dma_wait3A_97 = arith.constant 0 : i32
      %dma_wait3A_98 = arith.constant 0 : i32
      %dma_wait3A_99 = tpu.memref_slice %arg6[%dma_wait3A_97, %dma_wait3A_98] : memref<10000x64xf32, #tpu.memory_space<vmem_shared>> -> memref<10000x64xf32, #tpu.memory_space<vmem_shared>>
      tpu.wait_indirect_dma semaphore(%arg12 : memref<!tpu.dma_semaphore, #tpu.memory_space<semaphore_mem>>) src(%dma_wait3A_99 : memref<10000x64xf32, #tpu.memory_space<vmem_shared>>) dst(%arg10 : memref<64x64xf32, #tpu.memory_space<vmem>>)
      "tpu.region"() ({
        %run_scoped3A = tpu.sem_alloc : memref<!tpu.dma_semaphore, #tpu.memory_space<semaphore_mem>>
        %dma_start3A_117 = arith.constant 0 : i32
        %dma_start3A_118 = tpu.memref_slice %arg9[%mul3A_86, %dma_start3A_117] : memref<80x64xi32, #tpu.memory_space<vmem>> -> memref<1x64xi32, #tpu.memory_space<vmem>>
        %dma_start3A_119 = tpu.memref_squeeze %dma_start3A_118 : memref<1x64xi32, #tpu.memory_space<vmem>> -> memref<64xi32, #tpu.memory_space<vmem>>
        %dma_start3A_120 = arith.constant 0 : i32
        %dma_start3A_121 = arith.constant 0 : i32
        %dma_start3A_122 = tpu.memref_slice %arg7[%dma_start3A_120, %dma_start3A_121] : memref<10064x64xf32, #tpu.memory_space<vmem_shared>> -> memref<10064x64xf32, #tpu.memory_space<vmem_shared>>
        tpu.enqueue_indirect_dma source(%arg10 : memref<64x64xf32, #tpu.memory_space<vmem>>) target(%dma_start3A_122 : memref<10064x64xf32, #tpu.memory_space<vmem_shared>>) offsets(%dma_start3A_119 : memref<64xi32, #tpu.memory_space<vmem>>) semaphore(%run_scoped3A : memref<!tpu.dma_semaphore, #tpu.memory_space<semaphore_mem>>) {add = true}
        %dma_wait3A_123 = arith.constant 0 : i32
        %dma_wait3A_124 = tpu.memref_slice %arg9[%mul3A_86, %dma_wait3A_123] : memref<80x64xi32, #tpu.memory_space<vmem>> -> memref<1x64xi32, #tpu.memory_space<vmem>>
        %dma_wait3A_125 = tpu.memref_squeeze %dma_wait3A_124 : memref<1x64xi32, #tpu.memory_space<vmem>> -> memref<64xi32, #tpu.memory_space<vmem>>
        %dma_wait3A_126 = arith.constant 0 : i32
        %dma_wait3A_127 = arith.constant 0 : i32
        %dma_wait3A_128 = tpu.memref_slice %arg7[%dma_wait3A_126, %dma_wait3A_127] : memref<10064x64xf32, #tpu.memory_space<vmem_shared>> -> memref<10064x64xf32, #tpu.memory_space<vmem_shared>>
        tpu.wait_indirect_dma semaphore(%run_scoped3A : memref<!tpu.dma_semaphore, #tpu.memory_space<semaphore_mem>>) src(%arg10 : memref<64x64xf32, #tpu.memory_space<vmem>>) dst(%dma_wait3A_128 : memref<10064x64xf32, #tpu.memory_space<vmem_shared>>)
        tpu.yield
      }) : () -> ()
      %add3A_100 = arith.constant 2 : i32
      %add3A_101 = arith.addi %mul3A_86, %add3A_100 : i32
      %lt3A_102 = arith.constant 80 : i32
      %lt3A_103 = arith.cmpi slt, %add3A_101, %lt3A_102 : i32
      %convert_element_type3A_104 = arith.extui %lt3A_103 : i1 to i32
      %cond3A_105 = arith.constant 0 : i32
      %cond3A_106 = arith.cmpi ne, %convert_element_type3A_104, %cond3A_105 : i32
      scf.if %cond3A_106 {
        %add3A_117 = arith.constant 2 : i32
        %add3A_118 = arith.addi %mul3A_86, %add3A_117 : i32
        %dma_start3A_119 = arith.constant 0 : i32
        %dma_start3A_120 = tpu.memref_slice %arg8[%add3A_118, %dma_start3A_119] : memref<80x64xi32, #tpu.memory_space<vmem>> -> memref<1x64xi32, #tpu.memory_space<vmem>>
        %dma_start3A_121 = tpu.memref_squeeze %dma_start3A_120 : memref<1x64xi32, #tpu.memory_space<vmem>> -> memref<64xi32, #tpu.memory_space<vmem>>
        %dma_start3A_122 = arith.constant 0 : i32
        %dma_start3A_123 = arith.constant 0 : i32
        %dma_start3A_124 = tpu.memref_slice %arg6[%dma_start3A_122, %dma_start3A_123] : memref<10000x64xf32, #tpu.memory_space<vmem_shared>> -> memref<10000x64xf32, #tpu.memory_space<vmem_shared>>
        tpu.enqueue_indirect_dma source(%dma_start3A_124 : memref<10000x64xf32, #tpu.memory_space<vmem_shared>>) target(%arg10 : memref<64x64xf32, #tpu.memory_space<vmem>>) offsets(%dma_start3A_121 : memref<64xi32, #tpu.memory_space<vmem>>) semaphore(%arg12 : memref<!tpu.dma_semaphore, #tpu.memory_space<semaphore_mem>>)
      } else {
      }
      %add3A_107 = arith.constant 1 : i32
      %add3A_108 = arith.addi %mul3A_86, %add3A_107 : i32
      %dma_wait3A_109 = arith.constant 0 : i32
      %dma_wait3A_110 = tpu.memref_slice %arg8[%add3A_108, %dma_wait3A_109] : memref<80x64xi32, #tpu.memory_space<vmem>> -> memref<1x64xi32, #tpu.memory_space<vmem>>
      %dma_wait3A_111 = tpu.memref_squeeze %dma_wait3A_110 : memref<1x64xi32, #tpu.memory_space<vmem>> -> memref<64xi32, #tpu.memory_space<vmem>>
      %dma_wait3A_112 = arith.constant 0 : i32
      %dma_wait3A_113 = arith.constant 0 : i32
      %dma_wait3A_114 = tpu.memref_slice %arg6[%dma_wait3A_112, %dma_wait3A_113] : memref<10000x64xf32, #tpu.memory_space<vmem_shared>> -> memref<10000x64xf32, #tpu.memory_space<vmem_shared>>
      tpu.wait_indirect_dma semaphore(%arg13 : memref<!tpu.dma_semaphore, #tpu.memory_space<semaphore_mem>>) src(%dma_wait3A_114 : memref<10000x64xf32, #tpu.memory_space<vmem_shared>>) dst(%arg11 : memref<64x64xf32, #tpu.memory_space<vmem>>)
      %add3A_115 = arith.constant 1 : i32
      %add3A_116 = arith.addi %mul3A_86, %add3A_115 : i32
      "tpu.region"() ({
        %run_scoped3A = tpu.sem_alloc : memref<!tpu.dma_semaphore, #tpu.memory_space<semaphore_mem>>
        %dma_start3A_117 = arith.constant 0 : i32
        %dma_start3A_118 = tpu.memref_slice %arg9[%add3A_116, %dma_start3A_117] : memref<80x64xi32, #tpu.memory_space<vmem>> -> memref<1x64xi32, #tpu.memory_space<vmem>>
        %dma_start3A_119 = tpu.memref_squeeze %dma_start3A_118 : memref<1x64xi32, #tpu.memory_space<vmem>> -> memref<64xi32, #tpu.memory_space<vmem>>
        %dma_start3A_120 = arith.constant 0 : i32
        %dma_start3A_121 = arith.constant 0 : i32
        %dma_start3A_122 = tpu.memref_slice %arg7[%dma_start3A_120, %dma_start3A_121] : memref<10064x64xf32, #tpu.memory_space<vmem_shared>> -> memref<10064x64xf32, #tpu.memory_space<vmem_shared>>
        tpu.enqueue_indirect_dma source(%arg11 : memref<64x64xf32, #tpu.memory_space<vmem>>) target(%dma_start3A_122 : memref<10064x64xf32, #tpu.memory_space<vmem_shared>>) offsets(%dma_start3A_119 : memref<64xi32, #tpu.memory_space<vmem>>) semaphore(%run_scoped3A : memref<!tpu.dma_semaphore, #tpu.memory_space<semaphore_mem>>) {add = true}
        %dma_wait3A_123 = arith.constant 0 : i32
        %dma_wait3A_124 = tpu.memref_slice %arg9[%add3A_116, %dma_wait3A_123] : memref<80x64xi32, #tpu.memory_space<vmem>> -> memref<1x64xi32, #tpu.memory_space<vmem>>
        %dma_wait3A_125 = tpu.memref_squeeze %dma_wait3A_124 : memref<1x64xi32, #tpu.memory_space<vmem>> -> memref<64xi32, #tpu.memory_space<vmem>>
        %dma_wait3A_126 = arith.constant 0 : i32
        %dma_wait3A_127 = arith.constant 0 : i32
        %dma_wait3A_128 = tpu.memref_slice %arg7[%dma_wait3A_126, %dma_wait3A_127] : memref<10064x64xf32, #tpu.memory_space<vmem_shared>> -> memref<10064x64xf32, #tpu.memory_space<vmem_shared>>
        tpu.wait_indirect_dma semaphore(%run_scoped3A : memref<!tpu.dma_semaphore, #tpu.memory_space<semaphore_mem>>) src(%arg11 : memref<64x64xf32, #tpu.memory_space<vmem>>) dst(%dma_wait3A_128 : memref<10064x64xf32, #tpu.memory_space<vmem_shared>>)
        tpu.yield
      }) : () -> ()
    }
    %scan3A_36 = arith.constant 40 : i32
    %mul3A_37 = arith.constant 320 : i32
    %mul3A_38 = arith.muli %arg1, %mul3A_37 : i32
    %add3A_39 = arith.constant 160 : i32
    %add3A_40 = arith.addi %mul3A_38, %add3A_39 : i32
    %multiple_of3A_41 = tpu.assume_multiple %add3A_40, 8 : i32
    "tpu.region"() ({
      %run_scoped3A = tpu.sem_alloc : memref<!tpu.dma_semaphore, #tpu.memory_space<semaphore_mem>>
      %dma_start3A_84 = arith.constant 0 : i32
      %dma_start3A_85 = tpu.memref_slice %arg3[%multiple_of3A_41, %dma_start3A_84] : memref<5120x64xi32, #tpu.memory_space<hbm>> -> memref<80x64xi32, #tpu.memory_space<hbm>>
      %dma_start3A_86 = arith.constant 0 : i32
      %dma_start3A_87 = tpu.memref_slice %arg3[%multiple_of3A_41, %dma_start3A_86] : memref<5120x64xi32, #tpu.memory_space<hbm>> -> memref<80x64xi32, #tpu.memory_space<hbm>>
      tpu.enqueue_dma source(%dma_start3A_87 : memref<80x64xi32, #tpu.memory_space<hbm>>) target(%arg8 : memref<80x64xi32, #tpu.memory_space<vmem>>) target_semaphore(%run_scoped3A : memref<!tpu.dma_semaphore, #tpu.memory_space<semaphore_mem>>)
      %dma_wait3A = arith.constant 0 : i32
      %dma_wait3A_88 = tpu.memref_slice %arg3[%multiple_of3A_41, %dma_wait3A] : memref<5120x64xi32, #tpu.memory_space<hbm>> -> memref<80x64xi32, #tpu.memory_space<hbm>>
      %dma_wait3A_89 = arith.constant 0 : i32
      %dma_wait3A_90 = tpu.memref_slice %arg3[%multiple_of3A_41, %dma_wait3A_89] : memref<5120x64xi32, #tpu.memory_space<hbm>> -> memref<80x64xi32, #tpu.memory_space<hbm>>
      tpu.wait_dma2 semaphore(%run_scoped3A : memref<!tpu.dma_semaphore, #tpu.memory_space<semaphore_mem>>) src(%dma_wait3A_90 : memref<80x64xi32, #tpu.memory_space<hbm>>) dst(%arg8 : memref<80x64xi32, #tpu.memory_space<vmem>>)
      tpu.yield
    }) : () -> ()
    "tpu.region"() ({
      %run_scoped3A = tpu.sem_alloc : memref<!tpu.dma_semaphore, #tpu.memory_space<semaphore_mem>>
      %dma_start3A_84 = arith.constant 0 : i32
      %dma_start3A_85 = tpu.memref_slice %arg4[%multiple_of3A_41, %dma_start3A_84] : memref<5120x64xi32, #tpu.memory_space<hbm>> -> memref<80x64xi32, #tpu.memory_space<hbm>>
      %dma_start3A_86 = arith.constant 0 : i32
      %dma_start3A_87 = tpu.memref_slice %arg4[%multiple_of3A_41, %dma_start3A_86] : memref<5120x64xi32, #tpu.memory_space<hbm>> -> memref<80x64xi32, #tpu.memory_space<hbm>>
      tpu.enqueue_dma source(%dma_start3A_87 : memref<80x64xi32, #tpu.memory_space<hbm>>) target(%arg9 : memref<80x64xi32, #tpu.memory_space<vmem>>) target_semaphore(%run_scoped3A : memref<!tpu.dma_semaphore, #tpu.memory_space<semaphore_mem>>)
      %dma_wait3A = arith.constant 0 : i32
      %dma_wait3A_88 = tpu.memref_slice %arg4[%multiple_of3A_41, %dma_wait3A] : memref<5120x64xi32, #tpu.memory_space<hbm>> -> memref<80x64xi32, #tpu.memory_space<hbm>>
      %dma_wait3A_89 = arith.constant 0 : i32
      %dma_wait3A_90 = tpu.memref_slice %arg4[%multiple_of3A_41, %dma_wait3A_89] : memref<5120x64xi32, #tpu.memory_space<hbm>> -> memref<80x64xi32, #tpu.memory_space<hbm>>
      tpu.wait_dma2 semaphore(%run_scoped3A : memref<!tpu.dma_semaphore, #tpu.memory_space<semaphore_mem>>) src(%dma_wait3A_90 : memref<80x64xi32, #tpu.memory_space<hbm>>) dst(%arg9 : memref<80x64xi32, #tpu.memory_space<vmem>>)
      tpu.yield
    }) : () -> ()
    %dma_start3A_42 = arith.constant 0 : i32
    %dma_start3A_43 = arith.constant 0 : i32
    %dma_start3A_44 = tpu.memref_slice %arg8[%dma_start3A_42, %dma_start3A_43] : memref<80x64xi32, #tpu.memory_space<vmem>> -> memref<1x64xi32, #tpu.memory_space<vmem>>
    %dma_start3A_45 = tpu.memref_squeeze %dma_start3A_44 : memref<1x64xi32, #tpu.memory_space<vmem>> -> memref<64xi32, #tpu.memory_space<vmem>>
    %dma_start3A_46 = arith.constant 0 : i32
    %dma_start3A_47 = arith.constant 0 : i32
    %dma_start3A_48 = tpu.memref_slice %arg6[%dma_start3A_46, %dma_start3A_47] : memref<10000x64xf32, #tpu.memory_space<vmem_shared>> -> memref<10000x64xf32, #tpu.memory_space<vmem_shared>>
    tpu.enqueue_indirect_dma source(%dma_start3A_48 : memref<10000x64xf32, #tpu.memory_space<vmem_shared>>) target(%arg10 : memref<64x64xf32, #tpu.memory_space<vmem>>) offsets(%dma_start3A_45 : memref<64xi32, #tpu.memory_space<vmem>>) semaphore(%arg12 : memref<!tpu.dma_semaphore, #tpu.memory_space<semaphore_mem>>)
    %scan3A_49 = arith.constant 0 : i32
    %scan3A_50 = arith.constant 0 : i32
    %scan3A_51 = arith.constant 40 : i32
    %scan3A_52 = arith.addi %scan3A_50, %scan3A_51 : i32
    %scan3A_53 = arith.constant 1 : i32
    scf.for %scan3A_84 = %scan3A_50 to %scan3A_52 step %scan3A_53  : i32 {
      %mul3A_85 = arith.constant 2 : i32
      %mul3A_86 = arith.muli %mul3A_85, %scan3A_84 : i32
      %add3A_87 = arith.constant 1 : i32
      %add3A_88 = arith.addi %mul3A_86, %add3A_87 : i32
      %dma_start3A_89 = arith.constant 0 : i32
      %dma_start3A_90 = tpu.memref_slice %arg8[%add3A_88, %dma_start3A_89] : memref<80x64xi32, #tpu.memory_space<vmem>> -> memref<1x64xi32, #tpu.memory_space<vmem>>
      %dma_start3A_91 = tpu.memref_squeeze %dma_start3A_90 : memref<1x64xi32, #tpu.memory_space<vmem>> -> memref<64xi32, #tpu.memory_space<vmem>>
      %dma_start3A_92 = arith.constant 0 : i32
      %dma_start3A_93 = arith.constant 0 : i32
      %dma_start3A_94 = tpu.memref_slice %arg6[%dma_start3A_92, %dma_start3A_93] : memref<10000x64xf32, #tpu.memory_space<vmem_shared>> -> memref<10000x64xf32, #tpu.memory_space<vmem_shared>>
      tpu.enqueue_indirect_dma source(%dma_start3A_94 : memref<10000x64xf32, #tpu.memory_space<vmem_shared>>) target(%arg11 : memref<64x64xf32, #tpu.memory_space<vmem>>) offsets(%dma_start3A_91 : memref<64xi32, #tpu.memory_space<vmem>>) semaphore(%arg13 : memref<!tpu.dma_semaphore, #tpu.memory_space<semaphore_mem>>)
      %dma_wait3A = arith.constant 0 : i32
      %dma_wait3A_95 = tpu.memref_slice %arg8[%mul3A_86, %dma_wait3A] : memref<80x64xi32, #tpu.memory_space<vmem>> -> memref<1x64xi32, #tpu.memory_space<vmem>>
      %dma_wait3A_96 = tpu.memref_squeeze %dma_wait3A_95 : memref<1x64xi32, #tpu.memory_space<vmem>> -> memref<64xi32, #tpu.memory_space<vmem>>
      %dma_wait3A_97 = arith.constant 0 : i32
      %dma_wait3A_98 = arith.constant 0 : i32
      %dma_wait3A_99 = tpu.memref_slice %arg6[%dma_wait3A_97, %dma_wait3A_98] : memref<10000x64xf32, #tpu.memory_space<vmem_shared>> -> memref<10000x64xf32, #tpu.memory_space<vmem_shared>>
      tpu.wait_indirect_dma semaphore(%arg12 : memref<!tpu.dma_semaphore, #tpu.memory_space<semaphore_mem>>) src(%dma_wait3A_99 : memref<10000x64xf32, #tpu.memory_space<vmem_shared>>) dst(%arg10 : memref<64x64xf32, #tpu.memory_space<vmem>>)
      "tpu.region"() ({
        %run_scoped3A = tpu.sem_alloc : memref<!tpu.dma_semaphore, #tpu.memory_space<semaphore_mem>>
        %dma_start3A_117 = arith.constant 0 : i32
        %dma_start3A_118 = tpu.memref_slice %arg9[%mul3A_86, %dma_start3A_117] : memref<80x64xi32, #tpu.memory_space<vmem>> -> memref<1x64xi32, #tpu.memory_space<vmem>>
        %dma_start3A_119 = tpu.memref_squeeze %dma_start3A_118 : memref<1x64xi32, #tpu.memory_space<vmem>> -> memref<64xi32, #tpu.memory_space<vmem>>
        %dma_start3A_120 = arith.constant 0 : i32
        %dma_start3A_121 = arith.constant 0 : i32
        %dma_start3A_122 = tpu.memref_slice %arg7[%dma_start3A_120, %dma_start3A_121] : memref<10064x64xf32, #tpu.memory_space<vmem_shared>> -> memref<10064x64xf32, #tpu.memory_space<vmem_shared>>
        tpu.enqueue_indirect_dma source(%arg10 : memref<64x64xf32, #tpu.memory_space<vmem>>) target(%dma_start3A_122 : memref<10064x64xf32, #tpu.memory_space<vmem_shared>>) offsets(%dma_start3A_119 : memref<64xi32, #tpu.memory_space<vmem>>) semaphore(%run_scoped3A : memref<!tpu.dma_semaphore, #tpu.memory_space<semaphore_mem>>) {add = true}
        %dma_wait3A_123 = arith.constant 0 : i32
        %dma_wait3A_124 = tpu.memref_slice %arg9[%mul3A_86, %dma_wait3A_123] : memref<80x64xi32, #tpu.memory_space<vmem>> -> memref<1x64xi32, #tpu.memory_space<vmem>>
        %dma_wait3A_125 = tpu.memref_squeeze %dma_wait3A_124 : memref<1x64xi32, #tpu.memory_space<vmem>> -> memref<64xi32, #tpu.memory_space<vmem>>
        %dma_wait3A_126 = arith.constant 0 : i32
        %dma_wait3A_127 = arith.constant 0 : i32
        %dma_wait3A_128 = tpu.memref_slice %arg7[%dma_wait3A_126, %dma_wait3A_127] : memref<10064x64xf32, #tpu.memory_space<vmem_shared>> -> memref<10064x64xf32, #tpu.memory_space<vmem_shared>>
        tpu.wait_indirect_dma semaphore(%run_scoped3A : memref<!tpu.dma_semaphore, #tpu.memory_space<semaphore_mem>>) src(%arg10 : memref<64x64xf32, #tpu.memory_space<vmem>>) dst(%dma_wait3A_128 : memref<10064x64xf32, #tpu.memory_space<vmem_shared>>)
        tpu.yield
      }) : () -> ()
      %add3A_100 = arith.constant 2 : i32
      %add3A_101 = arith.addi %mul3A_86, %add3A_100 : i32
      %lt3A_102 = arith.constant 80 : i32
      %lt3A_103 = arith.cmpi slt, %add3A_101, %lt3A_102 : i32
      %convert_element_type3A_104 = arith.extui %lt3A_103 : i1 to i32
      %cond3A_105 = arith.constant 0 : i32
      %cond3A_106 = arith.cmpi ne, %convert_element_type3A_104, %cond3A_105 : i32
      scf.if %cond3A_106 {
        %add3A_117 = arith.constant 2 : i32
        %add3A_118 = arith.addi %mul3A_86, %add3A_117 : i32
        %dma_start3A_119 = arith.constant 0 : i32
        %dma_start3A_120 = tpu.memref_slice %arg8[%add3A_118, %dma_start3A_119] : memref<80x64xi32, #tpu.memory_space<vmem>> -> memref<1x64xi32, #tpu.memory_space<vmem>>
        %dma_start3A_121 = tpu.memref_squeeze %dma_start3A_120 : memref<1x64xi32, #tpu.memory_space<vmem>> -> memref<64xi32, #tpu.memory_space<vmem>>
        %dma_start3A_122 = arith.constant 0 : i32
        %dma_start3A_123 = arith.constant 0 : i32
        %dma_start3A_124 = tpu.memref_slice %arg6[%dma_start3A_122, %dma_start3A_123] : memref<10000x64xf32, #tpu.memory_space<vmem_shared>> -> memref<10000x64xf32, #tpu.memory_space<vmem_shared>>
        tpu.enqueue_indirect_dma source(%dma_start3A_124 : memref<10000x64xf32, #tpu.memory_space<vmem_shared>>) target(%arg10 : memref<64x64xf32, #tpu.memory_space<vmem>>) offsets(%dma_start3A_121 : memref<64xi32, #tpu.memory_space<vmem>>) semaphore(%arg12 : memref<!tpu.dma_semaphore, #tpu.memory_space<semaphore_mem>>)
      } else {
      }
      %add3A_107 = arith.constant 1 : i32
      %add3A_108 = arith.addi %mul3A_86, %add3A_107 : i32
      %dma_wait3A_109 = arith.constant 0 : i32
      %dma_wait3A_110 = tpu.memref_slice %arg8[%add3A_108, %dma_wait3A_109] : memref<80x64xi32, #tpu.memory_space<vmem>> -> memref<1x64xi32, #tpu.memory_space<vmem>>
      %dma_wait3A_111 = tpu.memref_squeeze %dma_wait3A_110 : memref<1x64xi32, #tpu.memory_space<vmem>> -> memref<64xi32, #tpu.memory_space<vmem>>
      %dma_wait3A_112 = arith.constant 0 : i32
      %dma_wait3A_113 = arith.constant 0 : i32
      %dma_wait3A_114 = tpu.memref_slice %arg6[%dma_wait3A_112, %dma_wait3A_113] : memref<10000x64xf32, #tpu.memory_space<vmem_shared>> -> memref<10000x64xf32, #tpu.memory_space<vmem_shared>>
      tpu.wait_indirect_dma semaphore(%arg13 : memref<!tpu.dma_semaphore, #tpu.memory_space<semaphore_mem>>) src(%dma_wait3A_114 : memref<10000x64xf32, #tpu.memory_space<vmem_shared>>) dst(%arg11 : memref<64x64xf32, #tpu.memory_space<vmem>>)
      %add3A_115 = arith.constant 1 : i32
      %add3A_116 = arith.addi %mul3A_86, %add3A_115 : i32
      "tpu.region"() ({
        %run_scoped3A = tpu.sem_alloc : memref<!tpu.dma_semaphore, #tpu.memory_space<semaphore_mem>>
        %dma_start3A_117 = arith.constant 0 : i32
        %dma_start3A_118 = tpu.memref_slice %arg9[%add3A_116, %dma_start3A_117] : memref<80x64xi32, #tpu.memory_space<vmem>> -> memref<1x64xi32, #tpu.memory_space<vmem>>
        %dma_start3A_119 = tpu.memref_squeeze %dma_start3A_118 : memref<1x64xi32, #tpu.memory_space<vmem>> -> memref<64xi32, #tpu.memory_space<vmem>>
        %dma_start3A_120 = arith.constant 0 : i32
        %dma_start3A_121 = arith.constant 0 : i32
        %dma_start3A_122 = tpu.memref_slice %arg7[%dma_start3A_120, %dma_start3A_121] : memref<10064x64xf32, #tpu.memory_space<vmem_shared>> -> memref<10064x64xf32, #tpu.memory_space<vmem_shared>>
        tpu.enqueue_indirect_dma source(%arg11 : memref<64x64xf32, #tpu.memory_space<vmem>>) target(%dma_start3A_122 : memref<10064x64xf32, #tpu.memory_space<vmem_shared>>) offsets(%dma_start3A_119 : memref<64xi32, #tpu.memory_space<vmem>>) semaphore(%run_scoped3A : memref<!tpu.dma_semaphore, #tpu.memory_space<semaphore_mem>>) {add = true}
        %dma_wait3A_123 = arith.constant 0 : i32
        %dma_wait3A_124 = tpu.memref_slice %arg9[%add3A_116, %dma_wait3A_123] : memref<80x64xi32, #tpu.memory_space<vmem>> -> memref<1x64xi32, #tpu.memory_space<vmem>>
        %dma_wait3A_125 = tpu.memref_squeeze %dma_wait3A_124 : memref<1x64xi32, #tpu.memory_space<vmem>> -> memref<64xi32, #tpu.memory_space<vmem>>
        %dma_wait3A_126 = arith.constant 0 : i32
        %dma_wait3A_127 = arith.constant 0 : i32
        %dma_wait3A_128 = tpu.memref_slice %arg7[%dma_wait3A_126, %dma_wait3A_127] : memref<10064x64xf32, #tpu.memory_space<vmem_shared>> -> memref<10064x64xf32, #tpu.memory_space<vmem_shared>>
        tpu.wait_indirect_dma semaphore(%run_scoped3A : memref<!tpu.dma_semaphore, #tpu.memory_space<semaphore_mem>>) src(%arg11 : memref<64x64xf32, #tpu.memory_space<vmem>>) dst(%dma_wait3A_128 : memref<10064x64xf32, #tpu.memory_space<vmem_shared>>)
        tpu.yield
      }) : () -> ()
    }
    %scan3A_54 = arith.constant 40 : i32
    %mul3A_55 = arith.constant 320 : i32
    %mul3A_56 = arith.muli %arg1, %mul3A_55 : i32
    %add3A_57 = arith.constant 240 : i32
    %add3A_58 = arith.addi %mul3A_56, %add3A_57 : i32
    %multiple_of3A_59 = tpu.assume_multiple %add3A_58, 8 : i32
    "tpu.region"() ({
      %run_scoped3A = tpu.sem_alloc : memref<!tpu.dma_semaphore, #tpu.memory_space<semaphore_mem>>
      %dma_start3A_84 = arith.constant 0 : i32
      %dma_start3A_85 = tpu.memref_slice %arg3[%multiple_of3A_59, %dma_start3A_84] : memref<5120x64xi32, #tpu.memory_space<hbm>> -> memref<80x64xi32, #tpu.memory_space<hbm>>
      %dma_start3A_86 = arith.constant 0 : i32
      %dma_start3A_87 = tpu.memref_slice %arg3[%multiple_of3A_59, %dma_start3A_86] : memref<5120x64xi32, #tpu.memory_space<hbm>> -> memref<80x64xi32, #tpu.memory_space<hbm>>
      tpu.enqueue_dma source(%dma_start3A_87 : memref<80x64xi32, #tpu.memory_space<hbm>>) target(%arg8 : memref<80x64xi32, #tpu.memory_space<vmem>>) target_semaphore(%run_scoped3A : memref<!tpu.dma_semaphore, #tpu.memory_space<semaphore_mem>>)
      %dma_wait3A = arith.constant 0 : i32
      %dma_wait3A_88 = tpu.memref_slice %arg3[%multiple_of3A_59, %dma_wait3A] : memref<5120x64xi32, #tpu.memory_space<hbm>> -> memref<80x64xi32, #tpu.memory_space<hbm>>
      %dma_wait3A_89 = arith.constant 0 : i32
      %dma_wait3A_90 = tpu.memref_slice %arg3[%multiple_of3A_59, %dma_wait3A_89] : memref<5120x64xi32, #tpu.memory_space<hbm>> -> memref<80x64xi32, #tpu.memory_space<hbm>>
      tpu.wait_dma2 semaphore(%run_scoped3A : memref<!tpu.dma_semaphore, #tpu.memory_space<semaphore_mem>>) src(%dma_wait3A_90 : memref<80x64xi32, #tpu.memory_space<hbm>>) dst(%arg8 : memref<80x64xi32, #tpu.memory_space<vmem>>)
      tpu.yield
    }) : () -> ()
    "tpu.region"() ({
      %run_scoped3A = tpu.sem_alloc : memref<!tpu.dma_semaphore, #tpu.memory_space<semaphore_mem>>
      %dma_start3A_84 = arith.constant 0 : i32
      %dma_start3A_85 = tpu.memref_slice %arg4[%multiple_of3A_59, %dma_start3A_84] : memref<5120x64xi32, #tpu.memory_space<hbm>> -> memref<80x64xi32, #tpu.memory_space<hbm>>
      %dma_start3A_86 = arith.constant 0 : i32
      %dma_start3A_87 = tpu.memref_slice %arg4[%multiple_of3A_59, %dma_start3A_86] : memref<5120x64xi32, #tpu.memory_space<hbm>> -> memref<80x64xi32, #tpu.memory_space<hbm>>
      tpu.enqueue_dma source(%dma_start3A_87 : memref<80x64xi32, #tpu.memory_space<hbm>>) target(%arg9 : memref<80x64xi32, #tpu.memory_space<vmem>>) target_semaphore(%run_scoped3A : memref<!tpu.dma_semaphore, #tpu.memory_space<semaphore_mem>>)
      %dma_wait3A = arith.constant 0 : i32
      %dma_wait3A_88 = tpu.memref_slice %arg4[%multiple_of3A_59, %dma_wait3A] : memref<5120x64xi32, #tpu.memory_space<hbm>> -> memref<80x64xi32, #tpu.memory_space<hbm>>
      %dma_wait3A_89 = arith.constant 0 : i32
      %dma_wait3A_90 = tpu.memref_slice %arg4[%multiple_of3A_59, %dma_wait3A_89] : memref<5120x64xi32, #tpu.memory_space<hbm>> -> memref<80x64xi32, #tpu.memory_space<hbm>>
      tpu.wait_dma2 semaphore(%run_scoped3A : memref<!tpu.dma_semaphore, #tpu.memory_space<semaphore_mem>>) src(%dma_wait3A_90 : memref<80x64xi32, #tpu.memory_space<hbm>>) dst(%arg9 : memref<80x64xi32, #tpu.memory_space<vmem>>)
      tpu.yield
    }) : () -> ()
    %dma_start3A_60 = arith.constant 0 : i32
    %dma_start3A_61 = arith.constant 0 : i32
    %dma_start3A_62 = tpu.memref_slice %arg8[%dma_start3A_60, %dma_start3A_61] : memref<80x64xi32, #tpu.memory_space<vmem>> -> memref<1x64xi32, #tpu.memory_space<vmem>>
    %dma_start3A_63 = tpu.memref_squeeze %dma_start3A_62 : memref<1x64xi32, #tpu.memory_space<vmem>> -> memref<64xi32, #tpu.memory_space<vmem>>
    %dma_start3A_64 = arith.constant 0 : i32
    %dma_start3A_65 = arith.constant 0 : i32
    %dma_start3A_66 = tpu.memref_slice %arg6[%dma_start3A_64, %dma_start3A_65] : memref<10000x64xf32, #tpu.memory_space<vmem_shared>> -> memref<10000x64xf32, #tpu.memory_space<vmem_shared>>
    tpu.enqueue_indirect_dma source(%dma_start3A_66 : memref<10000x64xf32, #tpu.memory_space<vmem_shared>>) target(%arg10 : memref<64x64xf32, #tpu.memory_space<vmem>>) offsets(%dma_start3A_63 : memref<64xi32, #tpu.memory_space<vmem>>) semaphore(%arg12 : memref<!tpu.dma_semaphore, #tpu.memory_space<semaphore_mem>>)
    %scan3A_67 = arith.constant 0 : i32
    %scan3A_68 = arith.constant 0 : i32
    %scan3A_69 = arith.constant 40 : i32
    %scan3A_70 = arith.addi %scan3A_68, %scan3A_69 : i32
    %scan3A_71 = arith.constant 1 : i32
    scf.for %scan3A_84 = %scan3A_68 to %scan3A_70 step %scan3A_71  : i32 {
      %mul3A_85 = arith.constant 2 : i32
      %mul3A_86 = arith.muli %mul3A_85, %scan3A_84 : i32
      %add3A_87 = arith.constant 1 : i32
      %add3A_88 = arith.addi %mul3A_86, %add3A_87 : i32
      %dma_start3A_89 = arith.constant 0 : i32
      %dma_start3A_90 = tpu.memref_slice %arg8[%add3A_88, %dma_start3A_89] : memref<80x64xi32, #tpu.memory_space<vmem>> -> memref<1x64xi32, #tpu.memory_space<vmem>>
      %dma_start3A_91 = tpu.memref_squeeze %dma_start3A_90 : memref<1x64xi32, #tpu.memory_space<vmem>> -> memref<64xi32, #tpu.memory_space<vmem>>
      %dma_start3A_92 = arith.constant 0 : i32
      %dma_start3A_93 = arith.constant 0 : i32
      %dma_start3A_94 = tpu.memref_slice %arg6[%dma_start3A_92, %dma_start3A_93] : memref<10000x64xf32, #tpu.memory_space<vmem_shared>> -> memref<10000x64xf32, #tpu.memory_space<vmem_shared>>
      tpu.enqueue_indirect_dma source(%dma_start3A_94 : memref<10000x64xf32, #tpu.memory_space<vmem_shared>>) target(%arg11 : memref<64x64xf32, #tpu.memory_space<vmem>>) offsets(%dma_start3A_91 : memref<64xi32, #tpu.memory_space<vmem>>) semaphore(%arg13 : memref<!tpu.dma_semaphore, #tpu.memory_space<semaphore_mem>>)
      %dma_wait3A = arith.constant 0 : i32
      %dma_wait3A_95 = tpu.memref_slice %arg8[%mul3A_86, %dma_wait3A] : memref<80x64xi32, #tpu.memory_space<vmem>> -> memref<1x64xi32, #tpu.memory_space<vmem>>
      %dma_wait3A_96 = tpu.memref_squeeze %dma_wait3A_95 : memref<1x64xi32, #tpu.memory_space<vmem>> -> memref<64xi32, #tpu.memory_space<vmem>>
      %dma_wait3A_97 = arith.constant 0 : i32
      %dma_wait3A_98 = arith.constant 0 : i32
      %dma_wait3A_99 = tpu.memref_slice %arg6[%dma_wait3A_97, %dma_wait3A_98] : memref<10000x64xf32, #tpu.memory_space<vmem_shared>> -> memref<10000x64xf32, #tpu.memory_space<vmem_shared>>
      tpu.wait_indirect_dma semaphore(%arg12 : memref<!tpu.dma_semaphore, #tpu.memory_space<semaphore_mem>>) src(%dma_wait3A_99 : memref<10000x64xf32, #tpu.memory_space<vmem_shared>>) dst(%arg10 : memref<64x64xf32, #tpu.memory_space<vmem>>)
      "tpu.region"() ({
        %run_scoped3A = tpu.sem_alloc : memref<!tpu.dma_semaphore, #tpu.memory_space<semaphore_mem>>
        %dma_start3A_117 = arith.constant 0 : i32
        %dma_start3A_118 = tpu.memref_slice %arg9[%mul3A_86, %dma_start3A_117] : memref<80x64xi32, #tpu.memory_space<vmem>> -> memref<1x64xi32, #tpu.memory_space<vmem>>
        %dma_start3A_119 = tpu.memref_squeeze %dma_start3A_118 : memref<1x64xi32, #tpu.memory_space<vmem>> -> memref<64xi32, #tpu.memory_space<vmem>>
        %dma_start3A_120 = arith.constant 0 : i32
        %dma_start3A_121 = arith.constant 0 : i32
        %dma_start3A_122 = tpu.memref_slice %arg7[%dma_start3A_120, %dma_start3A_121] : memref<10064x64xf32, #tpu.memory_space<vmem_shared>> -> memref<10064x64xf32, #tpu.memory_space<vmem_shared>>
        tpu.enqueue_indirect_dma source(%arg10 : memref<64x64xf32, #tpu.memory_space<vmem>>) target(%dma_start3A_122 : memref<10064x64xf32, #tpu.memory_space<vmem_shared>>) offsets(%dma_start3A_119 : memref<64xi32, #tpu.memory_space<vmem>>) semaphore(%run_scoped3A : memref<!tpu.dma_semaphore, #tpu.memory_space<semaphore_mem>>) {add = true}
        %dma_wait3A_123 = arith.constant 0 : i32
        %dma_wait3A_124 = tpu.memref_slice %arg9[%mul3A_86, %dma_wait3A_123] : memref<80x64xi32, #tpu.memory_space<vmem>> -> memref<1x64xi32, #tpu.memory_space<vmem>>
        %dma_wait3A_125 = tpu.memref_squeeze %dma_wait3A_124 : memref<1x64xi32, #tpu.memory_space<vmem>> -> memref<64xi32, #tpu.memory_space<vmem>>
        %dma_wait3A_126 = arith.constant 0 : i32
        %dma_wait3A_127 = arith.constant 0 : i32
        %dma_wait3A_128 = tpu.memref_slice %arg7[%dma_wait3A_126, %dma_wait3A_127] : memref<10064x64xf32, #tpu.memory_space<vmem_shared>> -> memref<10064x64xf32, #tpu.memory_space<vmem_shared>>
        tpu.wait_indirect_dma semaphore(%run_scoped3A : memref<!tpu.dma_semaphore, #tpu.memory_space<semaphore_mem>>) src(%arg10 : memref<64x64xf32, #tpu.memory_space<vmem>>) dst(%dma_wait3A_128 : memref<10064x64xf32, #tpu.memory_space<vmem_shared>>)
        tpu.yield
      }) : () -> ()
      %add3A_100 = arith.constant 2 : i32
      %add3A_101 = arith.addi %mul3A_86, %add3A_100 : i32
      %lt3A_102 = arith.constant 80 : i32
      %lt3A_103 = arith.cmpi slt, %add3A_101, %lt3A_102 : i32
      %convert_element_type3A_104 = arith.extui %lt3A_103 : i1 to i32
      %cond3A_105 = arith.constant 0 : i32
      %cond3A_106 = arith.cmpi ne, %convert_element_type3A_104, %cond3A_105 : i32
      scf.if %cond3A_106 {
        %add3A_117 = arith.constant 2 : i32
        %add3A_118 = arith.addi %mul3A_86, %add3A_117 : i32
        %dma_start3A_119 = arith.constant 0 : i32
        %dma_start3A_120 = tpu.memref_slice %arg8[%add3A_118, %dma_start3A_119] : memref<80x64xi32, #tpu.memory_space<vmem>> -> memref<1x64xi32, #tpu.memory_space<vmem>>
        %dma_start3A_121 = tpu.memref_squeeze %dma_start3A_120 : memref<1x64xi32, #tpu.memory_space<vmem>> -> memref<64xi32, #tpu.memory_space<vmem>>
        %dma_start3A_122 = arith.constant 0 : i32
        %dma_start3A_123 = arith.constant 0 : i32
        %dma_start3A_124 = tpu.memref_slice %arg6[%dma_start3A_122, %dma_start3A_123] : memref<10000x64xf32, #tpu.memory_space<vmem_shared>> -> memref<10000x64xf32, #tpu.memory_space<vmem_shared>>
        tpu.enqueue_indirect_dma source(%dma_start3A_124 : memref<10000x64xf32, #tpu.memory_space<vmem_shared>>) target(%arg10 : memref<64x64xf32, #tpu.memory_space<vmem>>) offsets(%dma_start3A_121 : memref<64xi32, #tpu.memory_space<vmem>>) semaphore(%arg12 : memref<!tpu.dma_semaphore, #tpu.memory_space<semaphore_mem>>)
      } else {
      }
      %add3A_107 = arith.constant 1 : i32
      %add3A_108 = arith.addi %mul3A_86, %add3A_107 : i32
      %dma_wait3A_109 = arith.constant 0 : i32
      %dma_wait3A_110 = tpu.memref_slice %arg8[%add3A_108, %dma_wait3A_109] : memref<80x64xi32, #tpu.memory_space<vmem>> -> memref<1x64xi32, #tpu.memory_space<vmem>>
      %dma_wait3A_111 = tpu.memref_squeeze %dma_wait3A_110 : memref<1x64xi32, #tpu.memory_space<vmem>> -> memref<64xi32, #tpu.memory_space<vmem>>
      %dma_wait3A_112 = arith.constant 0 : i32
      %dma_wait3A_113 = arith.constant 0 : i32
      %dma_wait3A_114 = tpu.memref_slice %arg6[%dma_wait3A_112, %dma_wait3A_113] : memref<10000x64xf32, #tpu.memory_space<vmem_shared>> -> memref<10000x64xf32, #tpu.memory_space<vmem_shared>>
      tpu.wait_indirect_dma semaphore(%arg13 : memref<!tpu.dma_semaphore, #tpu.memory_space<semaphore_mem>>) src(%dma_wait3A_114 : memref<10000x64xf32, #tpu.memory_space<vmem_shared>>) dst(%arg11 : memref<64x64xf32, #tpu.memory_space<vmem>>)
      %add3A_115 = arith.constant 1 : i32
      %add3A_116 = arith.addi %mul3A_86, %add3A_115 : i32
      "tpu.region"() ({
        %run_scoped3A = tpu.sem_alloc : memref<!tpu.dma_semaphore, #tpu.memory_space<semaphore_mem>>
        %dma_start3A_117 = arith.constant 0 : i32
        %dma_start3A_118 = tpu.memref_slice %arg9[%add3A_116, %dma_start3A_117] : memref<80x64xi32, #tpu.memory_space<vmem>> -> memref<1x64xi32, #tpu.memory_space<vmem>>
        %dma_start3A_119 = tpu.memref_squeeze %dma_start3A_118 : memref<1x64xi32, #tpu.memory_space<vmem>> -> memref<64xi32, #tpu.memory_space<vmem>>
        %dma_start3A_120 = arith.constant 0 : i32
        %dma_start3A_121 = arith.constant 0 : i32
        %dma_start3A_122 = tpu.memref_slice %arg7[%dma_start3A_120, %dma_start3A_121] : memref<10064x64xf32, #tpu.memory_space<vmem_shared>> -> memref<10064x64xf32, #tpu.memory_space<vmem_shared>>
        tpu.enqueue_indirect_dma source(%arg11 : memref<64x64xf32, #tpu.memory_space<vmem>>) target(%dma_start3A_122 : memref<10064x64xf32, #tpu.memory_space<vmem_shared>>) offsets(%dma_start3A_119 : memref<64xi32, #tpu.memory_space<vmem>>) semaphore(%run_scoped3A : memref<!tpu.dma_semaphore, #tpu.memory_space<semaphore_mem>>) {add = true}
        %dma_wait3A_123 = arith.constant 0 : i32
        %dma_wait3A_124 = tpu.memref_slice %arg9[%add3A_116, %dma_wait3A_123] : memref<80x64xi32, #tpu.memory_space<vmem>> -> memref<1x64xi32, #tpu.memory_space<vmem>>
        %dma_wait3A_125 = tpu.memref_squeeze %dma_wait3A_124 : memref<1x64xi32, #tpu.memory_space<vmem>> -> memref<64xi32, #tpu.memory_space<vmem>>
        %dma_wait3A_126 = arith.constant 0 : i32
        %dma_wait3A_127 = arith.constant 0 : i32
        %dma_wait3A_128 = tpu.memref_slice %arg7[%dma_wait3A_126, %dma_wait3A_127] : memref<10064x64xf32, #tpu.memory_space<vmem_shared>> -> memref<10064x64xf32, #tpu.memory_space<vmem_shared>>
        tpu.wait_indirect_dma semaphore(%run_scoped3A : memref<!tpu.dma_semaphore, #tpu.memory_space<semaphore_mem>>) src(%arg11 : memref<64x64xf32, #tpu.memory_space<vmem>>) dst(%dma_wait3A_128 : memref<10064x64xf32, #tpu.memory_space<vmem_shared>>)
        tpu.yield
      }) : () -> ()
    }
    %scan3A_72 = arith.constant 40 : i32
    %barrier3A_73 = arith.constant 0 : index
    tpu.barrier barrier_id(%barrier3A_73)
    %lt3A_74 = arith.constant 15 : i32
    %lt3A_75 = arith.cmpi slt, %arg1, %lt3A_74 : i32
    %convert_element_type3A_76 = arith.extui %lt3A_75 : i1 to i32
    %cond3A_77 = arith.constant 0 : i32
    %cond3A_78 = arith.cmpi ne, %convert_element_type3A_76, %cond3A_77 : i32
    scf.if %cond3A_78 {
      %mul3A_84 = arith.constant 632 : i32
      %mul3A_85 = arith.muli %arg1, %mul3A_84 : i32
      %multiple_of3A_86 = tpu.assume_multiple %mul3A_85, 8 : i32
      "tpu.region"() ({
        %run_scoped3A = tpu.sem_alloc : memref<!tpu.dma_semaphore, #tpu.memory_space<semaphore_mem>>
        %dma_start3A_87 = arith.constant 0 : i32
        %dma_start3A_88 = tpu.memref_slice %arg5[%arg0, %multiple_of3A_86, %dma_start3A_87] : memref<2x10000x64xf32, #tpu.memory_space<hbm>> -> memref<1x632x64xf32, #tpu.memory_space<hbm>>
        %dma_start3A_89 = tpu.memref_squeeze %dma_start3A_88 : memref<1x632x64xf32, #tpu.memory_space<hbm>> -> memref<632x64xf32, #tpu.memory_space<hbm>>
        %dma_start3A_90 = arith.constant 0 : i32
        %dma_start3A_91 = tpu.memref_slice %arg7[%multiple_of3A_86, %dma_start3A_90] : memref<10064x64xf32, #tpu.memory_space<vmem_shared>> -> memref<632x64xf32, #tpu.memory_space<vmem_shared>>
        tpu.enqueue_dma source(%dma_start3A_91 : memref<632x64xf32, #tpu.memory_space<vmem_shared>>) target(%dma_start3A_89 : memref<632x64xf32, #tpu.memory_space<hbm>>) target_semaphore(%run_scoped3A : memref<!tpu.dma_semaphore, #tpu.memory_space<semaphore_mem>>)
        %dma_wait3A = arith.constant 0 : i32
        %dma_wait3A_92 = tpu.memref_slice %arg5[%arg0, %multiple_of3A_86, %dma_wait3A] : memref<2x10000x64xf32, #tpu.memory_space<hbm>> -> memref<1x632x64xf32, #tpu.memory_space<hbm>>
        %dma_wait3A_93 = tpu.memref_squeeze %dma_wait3A_92 : memref<1x632x64xf32, #tpu.memory_space<hbm>> -> memref<632x64xf32, #tpu.memory_space<hbm>>
        %dma_wait3A_94 = arith.constant 0 : i32
        %dma_wait3A_95 = tpu.memref_slice %arg7[%multiple_of3A_86, %dma_wait3A_94] : memref<10064x64xf32, #tpu.memory_space<vmem_shared>> -> memref<632x64xf32, #tpu.memory_space<vmem_shared>>
        tpu.wait_dma2 semaphore(%run_scoped3A : memref<!tpu.dma_semaphore, #tpu.memory_space<semaphore_mem>>) src(%dma_wait3A_95 : memref<632x64xf32, #tpu.memory_space<vmem_shared>>) dst(%dma_wait3A_93 : memref<632x64xf32, #tpu.memory_space<hbm>>)
        tpu.yield
      }) : () -> ()
    } else {
    }
    %eq3A_79 = arith.constant 15 : i32
    %eq3A_80 = arith.cmpi eq, %arg1, %eq3A_79 : i32
    %convert_element_type3A_81 = arith.extui %eq3A_80 : i1 to i32
    %cond3A_82 = arith.constant 0 : i32
    %cond3A_83 = arith.cmpi ne, %convert_element_type3A_81, %cond3A_82 : i32
    scf.if %cond3A_83 {
      "tpu.region"() ({
        %run_scoped3A = tpu.sem_alloc : memref<!tpu.dma_semaphore, #tpu.memory_space<semaphore_mem>>
        %dma_start3A_84 = arith.constant 9480 : i32
        %dma_start3A_85 = arith.constant 0 : i32
        %dma_start3A_86 = tpu.memref_slice %arg5[%arg0, %dma_start3A_84, %dma_start3A_85] : memref<2x10000x64xf32, #tpu.memory_space<hbm>> -> memref<1x520x64xf32, #tpu.memory_space<hbm>>
        %dma_start3A_87 = tpu.memref_squeeze %dma_start3A_86 : memref<1x520x64xf32, #tpu.memory_space<hbm>> -> memref<520x64xf32, #tpu.memory_space<hbm>>
        %dma_start3A_88 = arith.constant 9480 : i32
        %dma_start3A_89 = arith.constant 0 : i32
        %dma_start3A_90 = tpu.memref_slice %arg7[%dma_start3A_88, %dma_start3A_89] : memref<10064x64xf32, #tpu.memory_space<vmem_shared>> -> memref<520x64xf32, #tpu.memory_space<vmem_shared>>
        tpu.enqueue_dma source(%dma_start3A_90 : memref<520x64xf32, #tpu.memory_space<vmem_shared>>) target(%dma_start3A_87 : memref<520x64xf32, #tpu.memory_space<hbm>>) target_semaphore(%run_scoped3A : memref<!tpu.dma_semaphore, #tpu.memory_space<semaphore_mem>>)
        %dma_wait3A = arith.constant 9480 : i32
        %dma_wait3A_91 = arith.constant 0 : i32
        %dma_wait3A_92 = tpu.memref_slice %arg5[%arg0, %dma_wait3A, %dma_wait3A_91] : memref<2x10000x64xf32, #tpu.memory_space<hbm>> -> memref<1x520x64xf32, #tpu.memory_space<hbm>>
        %dma_wait3A_93 = tpu.memref_squeeze %dma_wait3A_92 : memref<1x520x64xf32, #tpu.memory_space<hbm>> -> memref<520x64xf32, #tpu.memory_space<hbm>>
        %dma_wait3A_94 = arith.constant 9480 : i32
        %dma_wait3A_95 = arith.constant 0 : i32
        %dma_wait3A_96 = tpu.memref_slice %arg7[%dma_wait3A_94, %dma_wait3A_95] : memref<10064x64xf32, #tpu.memory_space<vmem_shared>> -> memref<520x64xf32, #tpu.memory_space<vmem_shared>>
        tpu.wait_dma2 semaphore(%run_scoped3A : memref<!tpu.dma_semaphore, #tpu.memory_space<semaphore_mem>>) src(%dma_wait3A_96 : memref<520x64xf32, #tpu.memory_space<vmem_shared>>) dst(%dma_wait3A_93 : memref<520x64xf32, #tpu.memory_space<hbm>>)
        tpu.yield
      }) : () -> ()
    } else {
    }
    return
  }
}

module attributes {stable_mosaic.version = 14 : i64} {
  func.func @_mlp_body(%arg0: i32, %arg1: i32, %arg2: memref<2x2000x64xf32, #tpu.memory_space<vmem>>, %arg3: memref<128x128xf32, #tpu.memory_space<vmem>>, %arg4: memref<1x128xf32, #tpu.memory_space<vmem>>, %arg5: memref<2x128xf32, #tpu.memory_space<vmem>>, %arg6: memref<128x128xf32, #tpu.memory_space<vmem>>, %arg7: memref<1x128xf32, #tpu.memory_space<vmem>>, %arg8: memref<2x2000x64xf32, #tpu.memory_space<vmem>>, %arg9: memref<1x128xf32, #tpu.memory_space<vmem>>, %arg10: memref<10000x128xf32, #tpu.memory_space<vmem>>, %arg11: memref<2x128xf32, #tpu.memory_space<vmem>>, %arg12: memref<1x128xf32, #tpu.memory_space<vmem>>) attributes {dimension_semantics = [#tpu.dimension_semantics<arbitrary>, #tpu.dimension_semantics<arbitrary>], iteration_bounds = array<i64: 2, 5>, scalar_prefetch = 0 : i64, scratch_operands = 3 : i64, tpu.core_type = #tpu.core_type<tc>, window_params = [{transform_indices = @transform_0, window_bounds = array<i64: 2, 2000, 64>}, {pipeline_mode = #tpu.pipeline_mode<synchronous>, transform_indices = @transform_1, window_bounds = array<i64: 128, 128>}, {pipeline_mode = #tpu.pipeline_mode<synchronous>, transform_indices = @transform_2, window_bounds = array<i64: 1, 128>}, {pipeline_mode = #tpu.pipeline_mode<synchronous>, transform_indices = @transform_3, window_bounds = array<i64: 2, 128>}, {pipeline_mode = #tpu.pipeline_mode<synchronous>, transform_indices = @transform_4, window_bounds = array<i64: 128, 128>}, {pipeline_mode = #tpu.pipeline_mode<synchronous>, transform_indices = @transform_5, window_bounds = array<i64: 1, 128>}, {transform_indices = @transform_6, window_bounds = array<i64: 2, 2000, 64>}, {pipeline_mode = #tpu.pipeline_mode<synchronous>, transform_indices = @transform_7, window_bounds = array<i64: 1, 128>}]} {
    %eq3A = arith.constant 0 : i32
    %eq3A_0 = arith.cmpi eq, %arg0, %eq3A : i32
    %convert_element_type3A = arith.extui %eq3A_0 : i1 to i32
    %cond3A = arith.constant 0 : i32
    %cond3A_1 = arith.cmpi ne, %convert_element_type3A, %cond3A : i32
    scf.if %cond3A_1 {
      %get3A = arith.constant 0 : index
      %get3A_7 = arith.constant 0 : index
      %get3A_8 = arith.constant 0 : index
      %get3A_9 = vector.load %arg2[%get3A, %get3A_7, %get3A_8] : memref<2x2000x64xf32, #tpu.memory_space<vmem>>, vector<1x2000x64xf32>
      %get3A_10 = vector.shape_cast %get3A_9 : vector<1x2000x64xf32> to vector<2000x64xf32>
      %get3A_11 = arith.constant 1 : index
      %get3A_12 = arith.constant 0 : index
      %get3A_13 = arith.constant 0 : index
      %get3A_14 = vector.load %arg2[%get3A_11, %get3A_12, %get3A_13] : memref<2x2000x64xf32, #tpu.memory_space<vmem>>, vector<1x2000x64xf32>
      %get3A_15 = vector.shape_cast %get3A_14 : vector<1x2000x64xf32> to vector<2000x64xf32>
      %concatenate3A = tpu.concatenate %get3A_10, %get3A_15 in 1 : vector<2000x64xf32>, vector<2000x64xf32> -> vector<2000x128xf32>
      %get3A_16 = arith.constant 0 : index
      %get3A_17 = arith.constant 0 : index
      %get3A_18 = vector.load %arg3[%get3A_16, %get3A_17] : memref<128x128xf32, #tpu.memory_space<vmem>>, vector<128x128xf32>
      %dot_general3A = arith.constant dense<0.000000e+00> : vector<2000x128xf32>
      %dot_general3A_19 = tpu.matmul %concatenate3A, %get3A_18, %dot_general3A {dimension_numbers = #tpu.dot_dimension_numbers<[1], [0], [0], [1], [0, 0, 1, 1], [], []>, transpose_lhs_hint = false} : vector<2000x128xf32>, vector<128x128xf32>, vector<2000x128xf32> -> vector<2000x128xf32>
      %get3A_20 = arith.constant 0 : index
      %get3A_21 = arith.constant 0 : index
      %get3A_22 = vector.load %arg4[%get3A_20, %get3A_21] : memref<1x128xf32, #tpu.memory_space<vmem>>, vector<1x128xf32>
      %add3A = vector.broadcast %get3A_22 : vector<1x128xf32> to vector<2000x128xf32>
      %add3A_23 = arith.addf %dot_general3A_19, %add3A : vector<2000x128xf32>
      %mul3A = arith.constant 2000 : i32
      %mul3A_24 = arith.muli %arg1, %mul3A : i32
      %swap3A = arith.index_cast %mul3A_24 : i32 to index
      %swap3A_25 = arith.constant 0 : index
      %swap3A_26 = vector.load %arg10[%swap3A, %swap3A_25] : memref<10000x128xf32, #tpu.memory_space<vmem>>, vector<2000x128xf32>
      tpu.vector_store %arg10[%swap3A, %swap3A_25], %add3A_23 {strides = array<i32>} : memref<10000x128xf32, #tpu.memory_space<vmem>>, vector<2000x128xf32>,
      %reduce_sum3A = arith.constant dense<0.000000e+00> : vector<128xf32>
      %reduce_sum3A_27 = vector.multi_reduction <add>, %add3A_23, %reduce_sum3A [0] : vector<2000x128xf32> to vector<128xf32>
      %broadcast_in_dim3A = vector.shape_cast %reduce_sum3A_27 : vector<128xf32> to vector<1x128xf32>
      %mul3A_28 = arith.mulf %add3A_23, %add3A_23 : vector<2000x128xf32>
      %reduce_sum3A_29 = arith.constant dense<0.000000e+00> : vector<128xf32>
      %reduce_sum3A_30 = vector.multi_reduction <add>, %mul3A_28, %reduce_sum3A_29 [0] : vector<2000x128xf32> to vector<128xf32>
      %broadcast_in_dim3A_31 = vector.shape_cast %reduce_sum3A_30 : vector<128xf32> to vector<1x128xf32>
      %eq3A_32 = arith.constant 0 : i32
      %eq3A_33 = arith.cmpi eq, %arg1, %eq3A_32 : i32
      %convert_element_type3A_34 = arith.extui %eq3A_33 : i1 to i32
      %cond3A_35 = arith.constant 0 : i32
      %cond3A_36 = arith.cmpi ne, %convert_element_type3A_34, %cond3A_35 : i32
      scf.if %cond3A_36 {
        %broadcast_in_dim3A_45 = arith.constant 0.000000e+00 : f32
        %broadcast_in_dim3A_46 = vector.broadcast %broadcast_in_dim3A_45 : f32 to vector<2x128xf32>
        %swap3A_47 = arith.constant 0 : index
        %swap3A_48 = arith.constant 0 : index
        %swap3A_49 = vector.load %arg11[%swap3A_47, %swap3A_48] : memref<2x128xf32, #tpu.memory_space<vmem>>, vector<2x128xf32>
        tpu.vector_store %arg11[%swap3A_47, %swap3A_48], %broadcast_in_dim3A_46 {strides = array<i32>} : memref<2x128xf32, #tpu.memory_space<vmem>>, vector<2x128xf32>,
      } else {
      }
      %get3A_37 = arith.constant 0 : index
      %get3A_38 = arith.constant 0 : index
      %get3A_39 = vector.load %arg11[%get3A_37, %get3A_38] : memref<2x128xf32, #tpu.memory_space<vmem>>, vector<2x128xf32>
      %concatenate3A_40 = tpu.concatenate %broadcast_in_dim3A, %broadcast_in_dim3A_31 in 0 : vector<1x128xf32>, vector<1x128xf32> -> vector<2x128xf32>
      %add3A_41 = arith.addf %get3A_39, %concatenate3A_40 : vector<2x128xf32>
      %swap3A_42 = arith.constant 0 : index
      %swap3A_43 = arith.constant 0 : index
      %swap3A_44 = vector.load %arg11[%swap3A_42, %swap3A_43] : memref<2x128xf32, #tpu.memory_space<vmem>>, vector<2x128xf32>
      tpu.vector_store %arg11[%swap3A_42, %swap3A_43], %add3A_41 {strides = array<i32>} : memref<2x128xf32, #tpu.memory_space<vmem>>, vector<2x128xf32>,
    } else {
    }
    %eq3A_2 = arith.constant 1 : i32
    %eq3A_3 = arith.cmpi eq, %arg0, %eq3A_2 : i32
    %convert_element_type3A_4 = arith.extui %eq3A_3 : i1 to i32
    %cond3A_5 = arith.constant 0 : i32
    %cond3A_6 = arith.cmpi ne, %convert_element_type3A_4, %cond3A_5 : i32
    scf.if %cond3A_6 {
      %get3A = arith.constant 0 : index
      %get3A_7 = arith.constant 0 : index
      %get3A_8 = vector.load %arg11[%get3A, %get3A_7] : memref<2x128xf32, #tpu.memory_space<vmem>>, vector<1x128xf32>
      %mul3A = arith.constant 9.99999974E-5 : f32
      %mul3A_9 = vector.broadcast %mul3A : f32 to vector<1x128xf32>
      %mul3A_10 = arith.mulf %get3A_8, %mul3A_9 : vector<1x128xf32>
      %get3A_11 = arith.constant 1 : index
      %get3A_12 = arith.constant 0 : index
      %get3A_13 = vector.load %arg11[%get3A_11, %get3A_12] : memref<2x128xf32, #tpu.memory_space<vmem>>, vector<1x128xf32>
      %mul3A_14 = arith.constant 9.99999974E-5 : f32
      %mul3A_15 = vector.broadcast %mul3A_14 : f32 to vector<1x128xf32>
      %mul3A_16 = arith.mulf %get3A_13, %mul3A_15 : vector<1x128xf32>
      %mul3A_17 = arith.mulf %mul3A_10, %mul3A_10 : vector<1x128xf32>
      %sub3A = arith.subf %mul3A_16, %mul3A_17 : vector<1x128xf32>
      %add3A = arith.constant 9.99999974E-6 : f32
      %add3A_18 = vector.broadcast %add3A : f32 to vector<1x128xf32>
      %add3A_19 = arith.addf %sub3A, %add3A_18 : vector<1x128xf32>
      %rsqrt3A = math.rsqrt %add3A_19 : vector<1x128xf32>
      %get3A_20 = arith.constant 0 : index
      %get3A_21 = arith.constant 0 : index
      %get3A_22 = vector.load %arg5[%get3A_20, %get3A_21] : memref<2x128xf32, #tpu.memory_space<vmem>>, vector<1x128xf32>
      %mul3A_23 = arith.mulf %get3A_22, %rsqrt3A : vector<1x128xf32>
      %get3A_24 = arith.constant 1 : index
      %get3A_25 = arith.constant 0 : index
      %get3A_26 = vector.load %arg5[%get3A_24, %get3A_25] : memref<2x128xf32, #tpu.memory_space<vmem>>, vector<1x128xf32>
      %mul3A_27 = arith.mulf %mul3A_10, %mul3A_23 : vector<1x128xf32>
      %sub3A_28 = arith.subf %get3A_26, %mul3A_27 : vector<1x128xf32>
      %mul3A_29 = arith.constant 2000 : i32
      %mul3A_30 = arith.muli %arg1, %mul3A_29 : i32
      %get3A_31 = arith.index_cast %mul3A_30 : i32 to index
      %get3A_32 = arith.constant 0 : index
      %get3A_33 = vector.load %arg10[%get3A_31, %get3A_32] : memref<10000x128xf32, #tpu.memory_space<vmem>>, vector<2000x128xf32>
      %mul3A_34 = vector.broadcast %mul3A_23 : vector<1x128xf32> to vector<2000x128xf32>
      %mul3A_35 = arith.mulf %get3A_33, %mul3A_34 : vector<2000x128xf32>
      %add3A_36 = vector.broadcast %sub3A_28 : vector<1x128xf32> to vector<2000x128xf32>
      %add3A_37 = arith.addf %mul3A_35, %add3A_36 : vector<2000x128xf32>
      %max3A = arith.constant 0.000000e+00 : f32
      %max3A_38 = vector.broadcast %max3A : f32 to vector<2000x128xf32>
      %max3A_39 = arith.maximumf %add3A_37, %max3A_38 : vector<2000x128xf32>
      %get3A_40 = arith.constant 0 : index
      %get3A_41 = arith.constant 0 : index
      %get3A_42 = vector.load %arg6[%get3A_40, %get3A_41] : memref<128x128xf32, #tpu.memory_space<vmem>>, vector<128x128xf32>
      %dot_general3A = arith.constant dense<0.000000e+00> : vector<2000x128xf32>
      %dot_general3A_43 = tpu.matmul %max3A_39, %get3A_42, %dot_general3A {dimension_numbers = #tpu.dot_dimension_numbers<[1], [0], [0], [1], [0, 0, 1, 1], [], []>, transpose_lhs_hint = false} : vector<2000x128xf32>, vector<128x128xf32>, vector<2000x128xf32> -> vector<2000x128xf32>
      %get3A_44 = arith.constant 0 : index
      %get3A_45 = arith.constant 0 : index
      %get3A_46 = vector.load %arg7[%get3A_44, %get3A_45] : memref<1x128xf32, #tpu.memory_space<vmem>>, vector<1x128xf32>
      %add3A_47 = vector.broadcast %get3A_46 : vector<1x128xf32> to vector<2000x128xf32>
      %add3A_48 = arith.addf %dot_general3A_43, %add3A_47 : vector<2000x128xf32>
      %max3A_49 = arith.constant 0.000000e+00 : f32
      %max3A_50 = vector.broadcast %max3A_49 : f32 to vector<2000x128xf32>
      %max3A_51 = arith.maximumf %add3A_48, %max3A_50 : vector<2000x128xf32>
      %slice3A = vector.extract_strided_slice %max3A_51 {offsets = [0, 0], sizes = [2000, 64], strides = [1, 1]} : vector<2000x128xf32> to vector<2000x64xf32>
      %swap3A = arith.constant 0 : index
      %swap3A_52 = arith.constant 0 : index
      %swap3A_53 = arith.constant 0 : index
      %swap3A_54 = vector.load %arg8[%swap3A, %swap3A_52, %swap3A_53] : memref<2x2000x64xf32, #tpu.memory_space<vmem>>, vector<1x2000x64xf32>
      %swap3A_55 = vector.shape_cast %swap3A_54 : vector<1x2000x64xf32> to vector<2000x64xf32>
      %swap3A_56 = vector.shape_cast %slice3A : vector<2000x64xf32> to vector<1x2000x64xf32>
      tpu.vector_store %arg8[%swap3A, %swap3A_52, %swap3A_53], %swap3A_56 {strides = array<i32>} : memref<2x2000x64xf32, #tpu.memory_space<vmem>>, vector<1x2000x64xf32>,
      %slice3A_57 = vector.extract_strided_slice %max3A_51 {offsets = [0, 64], sizes = [2000, 64], strides = [1, 1]} : vector<2000x128xf32> to vector<2000x64xf32>
      %swap3A_58 = arith.constant 1 : index
      %swap3A_59 = arith.constant 0 : index
      %swap3A_60 = arith.constant 0 : index
      %swap3A_61 = vector.load %arg8[%swap3A_58, %swap3A_59, %swap3A_60] : memref<2x2000x64xf32, #tpu.memory_space<vmem>>, vector<1x2000x64xf32>
      %swap3A_62 = vector.shape_cast %swap3A_61 : vector<1x2000x64xf32> to vector<2000x64xf32>
      %swap3A_63 = vector.shape_cast %slice3A_57 : vector<2000x64xf32> to vector<1x2000x64xf32>
      tpu.vector_store %arg8[%swap3A_58, %swap3A_59, %swap3A_60], %swap3A_63 {strides = array<i32>} : memref<2x2000x64xf32, #tpu.memory_space<vmem>>, vector<1x2000x64xf32>,
      %eq3A_64 = arith.constant 0 : i32
      %eq3A_65 = arith.cmpi eq, %arg1, %eq3A_64 : i32
      %convert_element_type3A_66 = arith.extui %eq3A_65 : i1 to i32
      %cond3A_67 = arith.constant 0 : i32
      %cond3A_68 = arith.cmpi ne, %convert_element_type3A_66, %cond3A_67 : i32
      scf.if %cond3A_68 {
        %broadcast_in_dim3A_82 = arith.constant 0.000000e+00 : f32
        %broadcast_in_dim3A_83 = vector.broadcast %broadcast_in_dim3A_82 : f32 to vector<1x128xf32>
        %swap3A_84 = arith.constant 0 : index
        %swap3A_85 = arith.constant 0 : index
        %swap3A_86 = vector.load %arg12[%swap3A_84, %swap3A_85] : memref<1x128xf32, #tpu.memory_space<vmem>>, vector<1x128xf32>
        tpu.vector_store %arg12[%swap3A_84, %swap3A_85], %broadcast_in_dim3A_83 {strides = array<i32>} : memref<1x128xf32, #tpu.memory_space<vmem>>, vector<1x128xf32>,
      } else {
      }
      %get3A_69 = arith.constant 0 : index
      %get3A_70 = arith.constant 0 : index
      %get3A_71 = vector.load %arg12[%get3A_69, %get3A_70] : memref<1x128xf32, #tpu.memory_space<vmem>>, vector<1x128xf32>
      %reduce_sum3A = arith.constant dense<0.000000e+00> : vector<128xf32>
      %reduce_sum3A_72 = vector.multi_reduction <add>, %max3A_51, %reduce_sum3A [0] : vector<2000x128xf32> to vector<128xf32>
      %broadcast_in_dim3A = vector.shape_cast %reduce_sum3A_72 : vector<128xf32> to vector<1x128xf32>
      %add3A_73 = arith.addf %get3A_71, %broadcast_in_dim3A : vector<1x128xf32>
      %swap3A_74 = arith.constant 0 : index
      %swap3A_75 = arith.constant 0 : index
      %swap3A_76 = vector.load %arg12[%swap3A_74, %swap3A_75] : memref<1x128xf32, #tpu.memory_space<vmem>>, vector<1x128xf32>
      tpu.vector_store %arg12[%swap3A_74, %swap3A_75], %add3A_73 {strides = array<i32>} : memref<1x128xf32, #tpu.memory_space<vmem>>, vector<1x128xf32>,
      %eq3A_77 = arith.constant 4 : i32
      %eq3A_78 = arith.cmpi eq, %arg1, %eq3A_77 : i32
      %convert_element_type3A_79 = arith.extui %eq3A_78 : i1 to i32
      %cond3A_80 = arith.constant 0 : i32
      %cond3A_81 = arith.cmpi ne, %convert_element_type3A_79, %cond3A_80 : i32
      scf.if %cond3A_81 {
        %get3A_82 = arith.constant 0 : index
        %get3A_83 = arith.constant 0 : index
        %get3A_84 = vector.load %arg12[%get3A_82, %get3A_83] : memref<1x128xf32, #tpu.memory_space<vmem>>, vector<1x128xf32>
        %swap3A_85 = arith.constant 0 : index
        %swap3A_86 = arith.constant 0 : index
        %swap3A_87 = vector.load %arg9[%swap3A_85, %swap3A_86] : memref<1x128xf32, #tpu.memory_space<vmem>>, vector<1x128xf32>
        tpu.vector_store %arg9[%swap3A_85, %swap3A_86], %get3A_84 {strides = array<i32>} : memref<1x128xf32, #tpu.memory_space<vmem>>, vector<1x128xf32>,
      } else {
      }
    } else {
    }
    return
  }
  func.func @transform_0(%arg0: i32, %arg1: i32) -> (i32, i32, i32) {
    %sub3A = arith.constant 1 : i32
    %sub3A_0 = arith.subi %sub3A, %arg0 : i32
    %mul3A = arith.muli %arg1, %sub3A_0 : i32
    %mul3A_1 = arith.constant 4 : i32
    %mul3A_2 = arith.muli %mul3A_1, %arg0 : i32
    %add3A = arith.addi %mul3A, %mul3A_2 : i32
    %c0_i32 = arith.constant 0 : i32
    %c0_i32_3 = arith.constant 0 : i32
    %c0_i32_4 = arith.constant 0 : i32
    return %c0_i32, %add3A, %c0_i32_3 : i32, i32, i32
  }
  func.func @transform_1(%arg0: i32, %arg1: i32) -> (i32, i32) {
    %c0_i32 = arith.constant 0 : i32
    %c0_i32_0 = arith.constant 0 : i32
    %c0_i32_1 = arith.constant 0 : i32
    return %c0_i32, %c0_i32_0 : i32, i32
  }
  func.func @transform_2(%arg0: i32, %arg1: i32) -> (i32, i32) {
    %c0_i32 = arith.constant 0 : i32
    %c0_i32_0 = arith.constant 0 : i32
    %c0_i32_1 = arith.constant 0 : i32
    return %c0_i32, %c0_i32_0 : i32, i32
  }
  func.func @transform_3(%arg0: i32, %arg1: i32) -> (i32, i32) {
    %c0_i32 = arith.constant 0 : i32
    %c0_i32_0 = arith.constant 0 : i32
    %c0_i32_1 = arith.constant 0 : i32
    return %c0_i32, %c0_i32_0 : i32, i32
  }
  func.func @transform_4(%arg0: i32, %arg1: i32) -> (i32, i32) {
    %c0_i32 = arith.constant 0 : i32
    %c0_i32_0 = arith.constant 0 : i32
    %c0_i32_1 = arith.constant 0 : i32
    return %c0_i32, %c0_i32_0 : i32, i32
  }
  func.func @transform_5(%arg0: i32, %arg1: i32) -> (i32, i32) {
    %c0_i32 = arith.constant 0 : i32
    %c0_i32_0 = arith.constant 0 : i32
    %c0_i32_1 = arith.constant 0 : i32
    return %c0_i32, %c0_i32_0 : i32, i32
  }
  func.func @transform_6(%arg0: i32, %arg1: i32) -> (i32, i32, i32) {
    %mul3A = arith.muli %arg1, %arg0 : i32
    %c0_i32 = arith.constant 0 : i32
    %c0_i32_0 = arith.constant 0 : i32
    %c0_i32_1 = arith.constant 0 : i32
    return %c0_i32, %mul3A, %c0_i32_0 : i32, i32, i32
  }
  func.func @transform_7(%arg0: i32, %arg1: i32) -> (i32, i32) {
    %c0_i32 = arith.constant 0 : i32
    %c0_i32_0 = arith.constant 0 : i32
    %c0_i32_1 = arith.constant 0 : i32
    return %c0_i32, %c0_i32_0 : i32, i32
  }
}

module attributes {stable_mosaic.version = 14 : i64} {
  func.func @_head_body(%arg0: memref<1x128xf32, #tpu.memory_space<vmem>>, %arg1: memref<1x128xf32, #tpu.memory_space<vmem>>, %arg2: memref<1x128xf32, #tpu.memory_space<vmem>>, %arg3: memref<384x40xf32, #tpu.memory_space<vmem>>, %arg4: memref<1x40xf32, #tpu.memory_space<vmem>>, %arg5: memref<1x40xf32, #tpu.memory_space<vmem>>) attributes {dimension_semantics = [], scalar_prefetch = 0 : i64, scratch_operands = 0 : i64, tpu.core_type = #tpu.core_type<tc>} {
    %get3A = arith.constant 0 : index
    %get3A_0 = arith.constant 0 : index
    %get3A_1 = vector.load %arg0[%get3A, %get3A_0] : memref<1x128xf32, #tpu.memory_space<vmem>>, vector<1x128xf32>
    %get3A_2 = arith.constant 0 : index
    %get3A_3 = arith.constant 0 : index
    %get3A_4 = vector.load %arg3[%get3A_2, %get3A_3] : memref<384x40xf32, #tpu.memory_space<vmem>>, vector<128x40xf32>
    %dot_general3A = arith.constant dense<0.000000e+00> : vector<1x40xf32>
    %dot_general3A_5 = tpu.matmul %get3A_1, %get3A_4, %dot_general3A {dimension_numbers = #tpu.dot_dimension_numbers<[1], [0], [0], [1], [0, 0, 1, 1], [], []>, transpose_lhs_hint = false} : vector<1x128xf32>, vector<128x40xf32>, vector<1x40xf32> -> vector<1x40xf32>
    %get3A_6 = arith.constant 0 : index
    %get3A_7 = arith.constant 0 : index
    %get3A_8 = vector.load %arg1[%get3A_6, %get3A_7] : memref<1x128xf32, #tpu.memory_space<vmem>>, vector<1x128xf32>
    %get3A_9 = arith.constant 128 : index
    %get3A_10 = arith.constant 0 : index
    %get3A_11 = vector.load %arg3[%get3A_9, %get3A_10] : memref<384x40xf32, #tpu.memory_space<vmem>>, vector<128x40xf32>
    %dot_general3A_12 = arith.constant dense<0.000000e+00> : vector<1x40xf32>
    %dot_general3A_13 = tpu.matmul %get3A_8, %get3A_11, %dot_general3A_12 {dimension_numbers = #tpu.dot_dimension_numbers<[1], [0], [0], [1], [0, 0, 1, 1], [], []>, transpose_lhs_hint = false} : vector<1x128xf32>, vector<128x40xf32>, vector<1x40xf32> -> vector<1x40xf32>
    %add3A = arith.addf %dot_general3A_5, %dot_general3A_13 : vector<1x40xf32>
    %get3A_14 = arith.constant 0 : index
    %get3A_15 = arith.constant 0 : index
    %get3A_16 = vector.load %arg2[%get3A_14, %get3A_15] : memref<1x128xf32, #tpu.memory_space<vmem>>, vector<1x128xf32>
    %get3A_17 = arith.constant 256 : index
    %get3A_18 = arith.constant 0 : index
    %get3A_19 = vector.load %arg3[%get3A_17, %get3A_18] : memref<384x40xf32, #tpu.memory_space<vmem>>, vector<128x40xf32>
    %dot_general3A_20 = arith.constant dense<0.000000e+00> : vector<1x40xf32>
    %dot_general3A_21 = tpu.matmul %get3A_16, %get3A_19, %dot_general3A_20 {dimension_numbers = #tpu.dot_dimension_numbers<[1], [0], [0], [1], [0, 0, 1, 1], [], []>, transpose_lhs_hint = false} : vector<1x128xf32>, vector<128x40xf32>, vector<1x40xf32> -> vector<1x40xf32>
    %add3A_22 = arith.addf %add3A, %dot_general3A_21 : vector<1x40xf32>
    %get3A_23 = arith.constant 0 : index
    %get3A_24 = arith.constant 0 : index
    %get3A_25 = vector.load %arg4[%get3A_23, %get3A_24] : memref<1x40xf32, #tpu.memory_space<vmem>>, vector<1x40xf32>
    %add3A_26 = arith.addf %add3A_22, %get3A_25 : vector<1x40xf32>
    %swap3A = arith.constant 0 : index
    %swap3A_27 = arith.constant 0 : index
    %swap3A_28 = vector.load %arg5[%swap3A, %swap3A_27] : memref<1x40xf32, #tpu.memory_space<vmem>>, vector<1x40xf32>
    tpu.vector_store %arg5[%swap3A, %swap3A_27], %add3A_26 {strides = array<i32>} : memref<1x40xf32, #tpu.memory_space<vmem>>, vector<1x40xf32>,
    return
  }
}

module attributes {stable_mosaic.version = 14 : i64} {
  func.func @_mlp_body(%arg0: i32, %arg1: i32, %arg2: memref<2x2000x64xf32, #tpu.memory_space<vmem>>, %arg3: memref<128x128xf32, #tpu.memory_space<vmem>>, %arg4: memref<1x128xf32, #tpu.memory_space<vmem>>, %arg5: memref<2x128xf32, #tpu.memory_space<vmem>>, %arg6: memref<128x128xf32, #tpu.memory_space<vmem>>, %arg7: memref<1x128xf32, #tpu.memory_space<vmem>>, %arg8: memref<2x2000x64xf32, #tpu.memory_space<vmem>>, %arg9: memref<1x128xf32, #tpu.memory_space<vmem>>, %arg10: memref<10000x128xf32, #tpu.memory_space<vmem>>, %arg11: memref<2x128xf32, #tpu.memory_space<vmem>>, %arg12: memref<1x128xf32, #tpu.memory_space<vmem>>) attributes {dimension_semantics = [#tpu.dimension_semantics<arbitrary>, #tpu.dimension_semantics<arbitrary>], iteration_bounds = array<i64: 2, 5>, scalar_prefetch = 0 : i64, scratch_operands = 3 : i64, tpu.core_type = #tpu.core_type<tc>, window_params = [{transform_indices = @transform_0, window_bounds = array<i64: 2, 2000, 64>}, {pipeline_mode = #tpu.pipeline_mode<synchronous>, transform_indices = @transform_1, window_bounds = array<i64: 128, 128>}, {pipeline_mode = #tpu.pipeline_mode<synchronous>, transform_indices = @transform_2, window_bounds = array<i64: 1, 128>}, {pipeline_mode = #tpu.pipeline_mode<synchronous>, transform_indices = @transform_3, window_bounds = array<i64: 2, 128>}, {pipeline_mode = #tpu.pipeline_mode<synchronous>, transform_indices = @transform_4, window_bounds = array<i64: 128, 128>}, {pipeline_mode = #tpu.pipeline_mode<synchronous>, transform_indices = @transform_5, window_bounds = array<i64: 1, 128>}, {transform_indices = @transform_6, window_bounds = array<i64: 2, 2000, 64>}, {pipeline_mode = #tpu.pipeline_mode<synchronous>, transform_indices = @transform_7, window_bounds = array<i64: 1, 128>}]} {
    %eq3A = arith.constant 0 : i32
    %eq3A_0 = arith.cmpi eq, %arg0, %eq3A : i32
    %convert_element_type3A = arith.extui %eq3A_0 : i1 to i32
    %cond3A = arith.constant 0 : i32
    %cond3A_1 = arith.cmpi ne, %convert_element_type3A, %cond3A : i32
    scf.if %cond3A_1 {
      %get3A = arith.constant 0 : index
      %get3A_7 = arith.constant 0 : index
      %get3A_8 = arith.constant 0 : index
      %get3A_9 = vector.load %arg2[%get3A, %get3A_7, %get3A_8] : memref<2x2000x64xf32, #tpu.memory_space<vmem>>, vector<1x2000x64xf32>
      %get3A_10 = vector.shape_cast %get3A_9 : vector<1x2000x64xf32> to vector<2000x64xf32>
      %get3A_11 = arith.constant 1 : index
      %get3A_12 = arith.constant 0 : index
      %get3A_13 = arith.constant 0 : index
      %get3A_14 = vector.load %arg2[%get3A_11, %get3A_12, %get3A_13] : memref<2x2000x64xf32, #tpu.memory_space<vmem>>, vector<1x2000x64xf32>
      %get3A_15 = vector.shape_cast %get3A_14 : vector<1x2000x64xf32> to vector<2000x64xf32>
      %concatenate3A = tpu.concatenate %get3A_10, %get3A_15 in 1 : vector<2000x64xf32>, vector<2000x64xf32> -> vector<2000x128xf32>
      %get3A_16 = arith.constant 0 : index
      %get3A_17 = arith.constant 0 : index
      %get3A_18 = vector.load %arg3[%get3A_16, %get3A_17] : memref<128x128xf32, #tpu.memory_space<vmem>>, vector<128x128xf32>
      %dot_general3A = arith.constant dense<0.000000e+00> : vector<2000x128xf32>
      %dot_general3A_19 = tpu.matmul %concatenate3A, %get3A_18, %dot_general3A {dimension_numbers = #tpu.dot_dimension_numbers<[1], [0], [0], [1], [0, 0, 1, 1], [], []>, transpose_lhs_hint = false} : vector<2000x128xf32>, vector<128x128xf32>, vector<2000x128xf32> -> vector<2000x128xf32>
      %get3A_20 = arith.constant 0 : index
      %get3A_21 = arith.constant 0 : index
      %get3A_22 = vector.load %arg4[%get3A_20, %get3A_21] : memref<1x128xf32, #tpu.memory_space<vmem>>, vector<1x128xf32>
      %add3A = vector.broadcast %get3A_22 : vector<1x128xf32> to vector<2000x128xf32>
      %add3A_23 = arith.addf %dot_general3A_19, %add3A : vector<2000x128xf32>
      %mul3A = arith.constant 2000 : i32
      %mul3A_24 = arith.muli %arg1, %mul3A : i32
      %swap3A = arith.index_cast %mul3A_24 : i32 to index
      %swap3A_25 = arith.constant 0 : index
      %swap3A_26 = vector.load %arg10[%swap3A, %swap3A_25] : memref<10000x128xf32, #tpu.memory_space<vmem>>, vector<2000x128xf32>
      tpu.vector_store %arg10[%swap3A, %swap3A_25], %add3A_23 {strides = array<i32>} : memref<10000x128xf32, #tpu.memory_space<vmem>>, vector<2000x128xf32>,
      %reduce_sum3A = arith.constant dense<0.000000e+00> : vector<128xf32>
      %reduce_sum3A_27 = vector.multi_reduction <add>, %add3A_23, %reduce_sum3A [0] : vector<2000x128xf32> to vector<128xf32>
      %broadcast_in_dim3A = vector.shape_cast %reduce_sum3A_27 : vector<128xf32> to vector<1x128xf32>
      %mul3A_28 = arith.mulf %add3A_23, %add3A_23 : vector<2000x128xf32>
      %reduce_sum3A_29 = arith.constant dense<0.000000e+00> : vector<128xf32>
      %reduce_sum3A_30 = vector.multi_reduction <add>, %mul3A_28, %reduce_sum3A_29 [0] : vector<2000x128xf32> to vector<128xf32>
      %broadcast_in_dim3A_31 = vector.shape_cast %reduce_sum3A_30 : vector<128xf32> to vector<1x128xf32>
      %eq3A_32 = arith.constant 0 : i32
      %eq3A_33 = arith.cmpi eq, %arg1, %eq3A_32 : i32
      %convert_element_type3A_34 = arith.extui %eq3A_33 : i1 to i32
      %cond3A_35 = arith.constant 0 : i32
      %cond3A_36 = arith.cmpi ne, %convert_element_type3A_34, %cond3A_35 : i32
      scf.if %cond3A_36 {
        %broadcast_in_dim3A_45 = arith.constant 0.000000e+00 : f32
        %broadcast_in_dim3A_46 = vector.broadcast %broadcast_in_dim3A_45 : f32 to vector<2x128xf32>
        %swap3A_47 = arith.constant 0 : index
        %swap3A_48 = arith.constant 0 : index
        %swap3A_49 = vector.load %arg11[%swap3A_47, %swap3A_48] : memref<2x128xf32, #tpu.memory_space<vmem>>, vector<2x128xf32>
        tpu.vector_store %arg11[%swap3A_47, %swap3A_48], %broadcast_in_dim3A_46 {strides = array<i32>} : memref<2x128xf32, #tpu.memory_space<vmem>>, vector<2x128xf32>,
      } else {
      }
      %get3A_37 = arith.constant 0 : index
      %get3A_38 = arith.constant 0 : index
      %get3A_39 = vector.load %arg11[%get3A_37, %get3A_38] : memref<2x128xf32, #tpu.memory_space<vmem>>, vector<2x128xf32>
      %concatenate3A_40 = tpu.concatenate %broadcast_in_dim3A, %broadcast_in_dim3A_31 in 0 : vector<1x128xf32>, vector<1x128xf32> -> vector<2x128xf32>
      %add3A_41 = arith.addf %get3A_39, %concatenate3A_40 : vector<2x128xf32>
      %swap3A_42 = arith.constant 0 : index
      %swap3A_43 = arith.constant 0 : index
      %swap3A_44 = vector.load %arg11[%swap3A_42, %swap3A_43] : memref<2x128xf32, #tpu.memory_space<vmem>>, vector<2x128xf32>
      tpu.vector_store %arg11[%swap3A_42, %swap3A_43], %add3A_41 {strides = array<i32>} : memref<2x128xf32, #tpu.memory_space<vmem>>, vector<2x128xf32>,
    } else {
    }
    %eq3A_2 = arith.constant 1 : i32
    %eq3A_3 = arith.cmpi eq, %arg0, %eq3A_2 : i32
    %convert_element_type3A_4 = arith.extui %eq3A_3 : i1 to i32
    %cond3A_5 = arith.constant 0 : i32
    %cond3A_6 = arith.cmpi ne, %convert_element_type3A_4, %cond3A_5 : i32
    scf.if %cond3A_6 {
      %get3A = arith.constant 0 : index
      %get3A_7 = arith.constant 0 : index
      %get3A_8 = vector.load %arg11[%get3A, %get3A_7] : memref<2x128xf32, #tpu.memory_space<vmem>>, vector<1x128xf32>
      %mul3A = arith.constant 9.99999974E-5 : f32
      %mul3A_9 = vector.broadcast %mul3A : f32 to vector<1x128xf32>
      %mul3A_10 = arith.mulf %get3A_8, %mul3A_9 : vector<1x128xf32>
      %get3A_11 = arith.constant 1 : index
      %get3A_12 = arith.constant 0 : index
      %get3A_13 = vector.load %arg11[%get3A_11, %get3A_12] : memref<2x128xf32, #tpu.memory_space<vmem>>, vector<1x128xf32>
      %mul3A_14 = arith.constant 9.99999974E-5 : f32
      %mul3A_15 = vector.broadcast %mul3A_14 : f32 to vector<1x128xf32>
      %mul3A_16 = arith.mulf %get3A_13, %mul3A_15 : vector<1x128xf32>
      %mul3A_17 = arith.mulf %mul3A_10, %mul3A_10 : vector<1x128xf32>
      %sub3A = arith.subf %mul3A_16, %mul3A_17 : vector<1x128xf32>
      %add3A = arith.constant 9.99999974E-6 : f32
      %add3A_18 = vector.broadcast %add3A : f32 to vector<1x128xf32>
      %add3A_19 = arith.addf %sub3A, %add3A_18 : vector<1x128xf32>
      %rsqrt3A = math.rsqrt %add3A_19 : vector<1x128xf32>
      %get3A_20 = arith.constant 0 : index
      %get3A_21 = arith.constant 0 : index
      %get3A_22 = vector.load %arg5[%get3A_20, %get3A_21] : memref<2x128xf32, #tpu.memory_space<vmem>>, vector<1x128xf32>
      %mul3A_23 = arith.mulf %get3A_22, %rsqrt3A : vector<1x128xf32>
      %get3A_24 = arith.constant 1 : index
      %get3A_25 = arith.constant 0 : index
      %get3A_26 = vector.load %arg5[%get3A_24, %get3A_25] : memref<2x128xf32, #tpu.memory_space<vmem>>, vector<1x128xf32>
      %mul3A_27 = arith.mulf %mul3A_10, %mul3A_23 : vector<1x128xf32>
      %sub3A_28 = arith.subf %get3A_26, %mul3A_27 : vector<1x128xf32>
      %mul3A_29 = arith.constant 2000 : i32
      %mul3A_30 = arith.muli %arg1, %mul3A_29 : i32
      %get3A_31 = arith.index_cast %mul3A_30 : i32 to index
      %get3A_32 = arith.constant 0 : index
      %get3A_33 = vector.load %arg10[%get3A_31, %get3A_32] : memref<10000x128xf32, #tpu.memory_space<vmem>>, vector<2000x128xf32>
      %mul3A_34 = vector.broadcast %mul3A_23 : vector<1x128xf32> to vector<2000x128xf32>
      %mul3A_35 = arith.mulf %get3A_33, %mul3A_34 : vector<2000x128xf32>
      %add3A_36 = vector.broadcast %sub3A_28 : vector<1x128xf32> to vector<2000x128xf32>
      %add3A_37 = arith.addf %mul3A_35, %add3A_36 : vector<2000x128xf32>
      %max3A = arith.constant 0.000000e+00 : f32
      %max3A_38 = vector.broadcast %max3A : f32 to vector<2000x128xf32>
      %max3A_39 = arith.maximumf %add3A_37, %max3A_38 : vector<2000x128xf32>
      %get3A_40 = arith.constant 0 : index
      %get3A_41 = arith.constant 0 : index
      %get3A_42 = vector.load %arg6[%get3A_40, %get3A_41] : memref<128x128xf32, #tpu.memory_space<vmem>>, vector<128x128xf32>
      %dot_general3A = arith.constant dense<0.000000e+00> : vector<2000x128xf32>
      %dot_general3A_43 = tpu.matmul %max3A_39, %get3A_42, %dot_general3A {dimension_numbers = #tpu.dot_dimension_numbers<[1], [0], [0], [1], [0, 0, 1, 1], [], []>, transpose_lhs_hint = false} : vector<2000x128xf32>, vector<128x128xf32>, vector<2000x128xf32> -> vector<2000x128xf32>
      %get3A_44 = arith.constant 0 : index
      %get3A_45 = arith.constant 0 : index
      %get3A_46 = vector.load %arg7[%get3A_44, %get3A_45] : memref<1x128xf32, #tpu.memory_space<vmem>>, vector<1x128xf32>
      %add3A_47 = vector.broadcast %get3A_46 : vector<1x128xf32> to vector<2000x128xf32>
      %add3A_48 = arith.addf %dot_general3A_43, %add3A_47 : vector<2000x128xf32>
      %max3A_49 = arith.constant 0.000000e+00 : f32
      %max3A_50 = vector.broadcast %max3A_49 : f32 to vector<2000x128xf32>
      %max3A_51 = arith.maximumf %add3A_48, %max3A_50 : vector<2000x128xf32>
      %slice3A = vector.extract_strided_slice %max3A_51 {offsets = [0, 0], sizes = [2000, 64], strides = [1, 1]} : vector<2000x128xf32> to vector<2000x64xf32>
      %swap3A = arith.constant 0 : index
      %swap3A_52 = arith.constant 0 : index
      %swap3A_53 = arith.constant 0 : index
      %swap3A_54 = vector.load %arg8[%swap3A, %swap3A_52, %swap3A_53] : memref<2x2000x64xf32, #tpu.memory_space<vmem>>, vector<1x2000x64xf32>
      %swap3A_55 = vector.shape_cast %swap3A_54 : vector<1x2000x64xf32> to vector<2000x64xf32>
      %swap3A_56 = vector.shape_cast %slice3A : vector<2000x64xf32> to vector<1x2000x64xf32>
      tpu.vector_store %arg8[%swap3A, %swap3A_52, %swap3A_53], %swap3A_56 {strides = array<i32>} : memref<2x2000x64xf32, #tpu.memory_space<vmem>>, vector<1x2000x64xf32>,
      %slice3A_57 = vector.extract_strided_slice %max3A_51 {offsets = [0, 64], sizes = [2000, 64], strides = [1, 1]} : vector<2000x128xf32> to vector<2000x64xf32>
      %swap3A_58 = arith.constant 1 : index
      %swap3A_59 = arith.constant 0 : index
      %swap3A_60 = arith.constant 0 : index
      %swap3A_61 = vector.load %arg8[%swap3A_58, %swap3A_59, %swap3A_60] : memref<2x2000x64xf32, #tpu.memory_space<vmem>>, vector<1x2000x64xf32>
      %swap3A_62 = vector.shape_cast %swap3A_61 : vector<1x2000x64xf32> to vector<2000x64xf32>
      %swap3A_63 = vector.shape_cast %slice3A_57 : vector<2000x64xf32> to vector<1x2000x64xf32>
      tpu.vector_store %arg8[%swap3A_58, %swap3A_59, %swap3A_60], %swap3A_63 {strides = array<i32>} : memref<2x2000x64xf32, #tpu.memory_space<vmem>>, vector<1x2000x64xf32>,
      %eq3A_64 = arith.constant 0 : i32
      %eq3A_65 = arith.cmpi eq, %arg1, %eq3A_64 : i32
      %convert_element_type3A_66 = arith.extui %eq3A_65 : i1 to i32
      %cond3A_67 = arith.constant 0 : i32
      %cond3A_68 = arith.cmpi ne, %convert_element_type3A_66, %cond3A_67 : i32
      scf.if %cond3A_68 {
        %broadcast_in_dim3A_82 = arith.constant 0.000000e+00 : f32
        %broadcast_in_dim3A_83 = vector.broadcast %broadcast_in_dim3A_82 : f32 to vector<1x128xf32>
        %swap3A_84 = arith.constant 0 : index
        %swap3A_85 = arith.constant 0 : index
        %swap3A_86 = vector.load %arg12[%swap3A_84, %swap3A_85] : memref<1x128xf32, #tpu.memory_space<vmem>>, vector<1x128xf32>
        tpu.vector_store %arg12[%swap3A_84, %swap3A_85], %broadcast_in_dim3A_83 {strides = array<i32>} : memref<1x128xf32, #tpu.memory_space<vmem>>, vector<1x128xf32>,
      } else {
      }
      %get3A_69 = arith.constant 0 : index
      %get3A_70 = arith.constant 0 : index
      %get3A_71 = vector.load %arg12[%get3A_69, %get3A_70] : memref<1x128xf32, #tpu.memory_space<vmem>>, vector<1x128xf32>
      %reduce_sum3A = arith.constant dense<0.000000e+00> : vector<128xf32>
      %reduce_sum3A_72 = vector.multi_reduction <add>, %max3A_51, %reduce_sum3A [0] : vector<2000x128xf32> to vector<128xf32>
      %broadcast_in_dim3A = vector.shape_cast %reduce_sum3A_72 : vector<128xf32> to vector<1x128xf32>
      %add3A_73 = arith.addf %get3A_71, %broadcast_in_dim3A : vector<1x128xf32>
      %swap3A_74 = arith.constant 0 : index
      %swap3A_75 = arith.constant 0 : index
      %swap3A_76 = vector.load %arg12[%swap3A_74, %swap3A_75] : memref<1x128xf32, #tpu.memory_space<vmem>>, vector<1x128xf32>
      tpu.vector_store %arg12[%swap3A_74, %swap3A_75], %add3A_73 {strides = array<i32>} : memref<1x128xf32, #tpu.memory_space<vmem>>, vector<1x128xf32>,
      %eq3A_77 = arith.constant 4 : i32
      %eq3A_78 = arith.cmpi eq, %arg1, %eq3A_77 : i32
      %convert_element_type3A_79 = arith.extui %eq3A_78 : i1 to i32
      %cond3A_80 = arith.constant 0 : i32
      %cond3A_81 = arith.cmpi ne, %convert_element_type3A_79, %cond3A_80 : i32
      scf.if %cond3A_81 {
        %get3A_82 = arith.constant 0 : index
        %get3A_83 = arith.constant 0 : index
        %get3A_84 = vector.load %arg12[%get3A_82, %get3A_83] : memref<1x128xf32, #tpu.memory_space<vmem>>, vector<1x128xf32>
        %swap3A_85 = arith.constant 0 : index
        %swap3A_86 = arith.constant 0 : index
        %swap3A_87 = vector.load %arg9[%swap3A_85, %swap3A_86] : memref<1x128xf32, #tpu.memory_space<vmem>>, vector<1x128xf32>
        tpu.vector_store %arg9[%swap3A_85, %swap3A_86], %get3A_84 {strides = array<i32>} : memref<1x128xf32, #tpu.memory_space<vmem>>, vector<1x128xf32>,
      } else {
      }
    } else {
    }
    return
  }
  func.func @transform_0(%arg0: i32, %arg1: i32) -> (i32, i32, i32) {
    %sub3A = arith.constant 1 : i32
    %sub3A_0 = arith.subi %sub3A, %arg0 : i32
    %mul3A = arith.muli %arg1, %sub3A_0 : i32
    %mul3A_1 = arith.constant 4 : i32
    %mul3A_2 = arith.muli %mul3A_1, %arg0 : i32
    %add3A = arith.addi %mul3A, %mul3A_2 : i32
    %c0_i32 = arith.constant 0 : i32
    %c0_i32_3 = arith.constant 0 : i32
    %c0_i32_4 = arith.constant 0 : i32
    return %c0_i32, %add3A, %c0_i32_3 : i32, i32, i32
  }
  func.func @transform_1(%arg0: i32, %arg1: i32) -> (i32, i32) {
    %c0_i32 = arith.constant 0 : i32
    %c0_i32_0 = arith.constant 0 : i32
    %c0_i32_1 = arith.constant 0 : i32
    return %c0_i32, %c0_i32_0 : i32, i32
  }
  func.func @transform_2(%arg0: i32, %arg1: i32) -> (i32, i32) {
    %c0_i32 = arith.constant 0 : i32
    %c0_i32_0 = arith.constant 0 : i32
    %c0_i32_1 = arith.constant 0 : i32
    return %c0_i32, %c0_i32_0 : i32, i32
  }
  func.func @transform_3(%arg0: i32, %arg1: i32) -> (i32, i32) {
    %c0_i32 = arith.constant 0 : i32
    %c0_i32_0 = arith.constant 0 : i32
    %c0_i32_1 = arith.constant 0 : i32
    return %c0_i32, %c0_i32_0 : i32, i32
  }
  func.func @transform_4(%arg0: i32, %arg1: i32) -> (i32, i32) {
    %c0_i32 = arith.constant 0 : i32
    %c0_i32_0 = arith.constant 0 : i32
    %c0_i32_1 = arith.constant 0 : i32
    return %c0_i32, %c0_i32_0 : i32, i32
  }
  func.func @transform_5(%arg0: i32, %arg1: i32) -> (i32, i32) {
    %c0_i32 = arith.constant 0 : i32
    %c0_i32_0 = arith.constant 0 : i32
    %c0_i32_1 = arith.constant 0 : i32
    return %c0_i32, %c0_i32_0 : i32, i32
  }
  func.func @transform_6(%arg0: i32, %arg1: i32) -> (i32, i32, i32) {
    %mul3A = arith.muli %arg1, %arg0 : i32
    %c0_i32 = arith.constant 0 : i32
    %c0_i32_0 = arith.constant 0 : i32
    %c0_i32_1 = arith.constant 0 : i32
    return %c0_i32, %mul3A, %c0_i32_0 : i32, i32, i32
  }
  func.func @transform_7(%arg0: i32, %arg1: i32) -> (i32, i32) {
    %c0_i32 = arith.constant 0 : i32
    %c0_i32_0 = arith.constant 0 : i32
    %c0_i32_1 = arith.constant 0 : i32
    return %c0_i32, %c0_i32_0 : i32, i32
  }
}

</mosaic_0001>

<sc_bundles>
// kernel: kernel.12.cloned.1.call-start
scs
__scs_entry_jumppad:
0x0: {  	(pc) =	sbr.rel $0x88, $3  }
0x1: {  	(tag) =	ssettag $0x0;
	lr =	simm.s32 $0x1  }
0x2: {  	[smem:$0x3F8B] =	sst lr;
	_ =	strace $0xD0000000  }
0x3: {  	_ = 	snop  }
0x4: {  	_ = 	snop  }
0x5: {  	_ = 	snop  }
0x6: {  	_ = 	snop  }
0x7: {  	_ = 	snop  }
__scs_overlays_trampoline_lowered:
0x8: {  	[smem:$0x3F9A] =	sst s0  }
0x9: {  	[smem:$0x3F9B] =	sst s1  }
0xa: {  	[smem:$0x3F9C] =	sst s2  }
0xb: {  	[smem:$0x3F9D] =	sst s3  }
0xc: {  	[smem:$0x3F9E] =	sst s4  }
0xd: {  	[smem:$0x3F9F] =	sst s5  }
0xe: {  	[smem:$0x3FA0] =	sst s6  }
0xf: {  	[smem:$0x3FA1] =	sst s7  }
0x10: {  	[smem:$0x3FA2] =	sst s8  }
0x11: {  	[smem:$0x3FA3] =	sst s9;
	s0 =	simm.s32 @!p0 $0x0  }
0x12: {  	s1 =	sld [smem:$0x3F89];
	s0 =	simm.s32 @p0 $0x1  }
0x13: {  	[smem:$0x3FA4] =	sst s0;
	s0 =	simm.s32 @!p1 $0x0  }
0x14: {  	s2 =	sld [smem:$0x3F88];
	s0 =	simm.s32 @p1 $0x1  }
0x15: {  	[smem:$0x3FA5] =	sst s0;
	s0 =	simm.s32 @!p2 $0x0  }
0x16: {  	s3 =	sld [smem:$0x3FDB];
	s0 =	simm.s32 @p2 $0x1  }
0x17: {  	s4 =	simm.s32 $0x1BF5;
	[smem:$0x3FA7] =	sst s0  }
0x18: {  	s0 =	sld [smem:$0x3F8A];
	_ =	swait.ge [sflag:s4], $0x0  }
0x19: {  	s7 =	sld [smem:$0x3F8B]  }
0x1a: {  	s8 =	sadd.s32 $0xFFFFE003, lr  }
0x1b: {  	s9 =	sadd.s32 $0xFFFFFEF7, lr;
	s5 =	simm.s32 $0xFFFFFFFF;
	p2 =	slt.u32 s8, $0xFFFFF086  }
0x1c: {  	p1 =	slt.u32 s9, $0xF7A;
	s5 =	simm.s32 @!p2 $0x0  }
0x1d: {  	s5 =	simm.s32 @p1 $0x1;
	p0 =	seq.s32 s7, s2  }
0x1e: {  	s7 =	smul.u32 @!p0 $0xF7A, s2;
	p2 =	seq.s32 @!p0 s5, $0x0  }
0x1f: {  	s9 =	smul.u32 $0xF7A, s1;
	s8 =	simm.s32 @!p0 $0x1BF5;
	p2 =	por !p2, p0  }
0x20: {  	[sflag:s8] =	ssyncset.s32 @!p0 $0xFFFFF086;
	s6 =	sadd.s32 @!p0 s3, s7;
	s7 =	simm.s32 @!p0 $0x108  }
0x21: {  	s3 =	sadd.s32 s3, s9;
	s6 =	sadd.s32 @!p0 $0x88, s6;
	s7 =	simm.s32 @p2 $0x1082  }
0x22: {  	[simem:s7], [sflag:s8] =	dma.local @!p0 [hbm:s6], $0xF7A  }
0x23: {  	s9 =	sor.u32 $0xD0000000, s2;
	s6 =	simm.s32 $0x108;
	_ =	swait.ge @!p0 [sflag:s8], $0x0  }
0x24: {  	s3 =	sadd.s32 $0x88, s3;
	s6 =	simm.s32 @!p1 $0x1082;
	[sflag:s4] =	ssyncset.s32 $0xFFFFF086  }
0x25: {  	[simem:s6], [sflag:s4] =	dma.local [hbm:s3], $0xF7A  }
0x26: {  	[smem:$0x3F8B] =	sst s1;
	(tag) =	ssettag s2;
	_ =	strace s9  }
0x27: {  	s1 =	sld [smem:$0x3F9B]  }
0x28: {  	s2 =	sld [smem:$0x3F9C]  }
0x29: {  	s4 =	sld [smem:$0x3F9E]  }
0x2a: {  	p0 =	seq.s32 s5, $0x0;
	s5 =	sld [smem:$0x3F9F]  }
0x2b: {  	s6 =	sld [smem:$0x3FA0]  }
0x2c: {  	s7 =	sld [smem:$0x3FA1]  }
0x2d: {  	s3 =	simm.s32 $0x108;
	s8 =	sld [smem:$0x3FA2]  }
0x2e: {  	s3 =	simm.s32 @!p0 $0x1082;
	s9 =	sld [smem:$0x3FA3]  }
0x2f: {  	lr =	sadd.s32 s0, s3;
	s0 =	sld [smem:$0x3F9A]  }
0x30: {  	s3 =	sld [smem:$0x3F9D]  }
0x31: {  	[smem:$0x3FA6] =	sst s10  }
0x32: {  	s10 =	sld [smem:$0x3FA4];
	_ =	sdelay $0x3  }
0x33: {  	p0 =	seq.s32 s10, $0x1;
	s10 =	sld [smem:$0x3FA6];
	_ =	sdelay $0x3  }
0x34: {  	[smem:$0x3FA6] =	sst s10  }
0x35: {  	s10 =	sld [smem:$0x3FA5];
	_ =	sdelay $0x3  }
0x36: {  	p1 =	seq.s32 s10, $0x1;
	s10 =	sld [smem:$0x3FA6];
	_ =	sdelay $0x3  }
0x37: {  	[smem:$0x3FA6] =	sst s10  }
0x38: {  	s10 =	sld [smem:$0x3FA7]  }
0x39: {  	_ = 	snop;
	(pc) =	sbr.ind lr, $3  }
0x3a: {  	_ = 	snop  }
0x3b: {  	_ = 	snop  }
0x3c: {  	p2 =	seq.s32 s10, $0x1;
	s10 =	sld [smem:$0x3FA6]  }
0x3d: {  	_ =	shalt  }
0x3e: {  	_ =	shalt  }
0x3f: {  	_ =	shalt  }
0x40: {  	_ =	shalt  }
0x41: {  	_ =	shalt  }
0x42: {  	_ =	shalt  }
0x43: {  	_ =	shalt  }
0x44: {  	_ =	shalt  }
0x45: {  	_ =	shalt  }
0x46: {  	_ =	shalt  }
0x47: {  	_ =	shalt  }
0x48: {  	_ =	shalt  }
0x49: {  	_ =	shalt  }
0x4a: {  	_ =	shalt  }
0x4b: {  	_ =	shalt  }
0x4c: {  	_ =	shalt  }
0x4d: {  	_ =	shalt  }
0x4e: {  	_ =	shalt  }
0x4f: {  	_ =	shalt  }
0x50: {  	_ =	shalt  }
0x51: {  	_ =	shalt  }
0x52: {  	_ =	shalt  }
0x53: {  	_ =	shalt  }
0x54: {  	_ =	shalt  }
0x55: {  	_ =	shalt  }
0x56: {  	_ =	shalt  }
0x57: {  	_ =	shalt  }
0x58: {  	_ =	shalt  }
0x59: {  	_ =	shalt  }
0x5a: {  	_ =	shalt  }
0x5b: {  	_ =	shalt  }
0x5c: {  	_ =	shalt  }
0x5d: {  	_ =	shalt  }
0x5e: {  	_ =	shalt  }
0x5f: {  	_ =	shalt  }
0x60: {  	_ =	shalt  }
0x61: {  	_ =	shalt  }
0x62: {  	_ =	shalt  }
0x63: {  	_ =	shalt  }
0x64: {  	_ =	shalt  }
0x65: {  	_ =	shalt  }
0x66: {  	_ =	shalt  }
0x67: {  	_ =	shalt  }
0x68: {  	_ =	shalt  }
0x69: {  	_ =	shalt  }
0x6a: {  	_ =	shalt  }
0x6b: {  	_ =	shalt  }
0x6c: {  	_ =	shalt  }
0x6d: {  	_ =	shalt  }
0x6e: {  	_ =	shalt  }
0x6f: {  	_ =	shalt  }
0x70: {  	_ =	shalt  }
0x71: {  	_ =	shalt  }
0x72: {  	_ =	shalt  }
0x73: {  	_ =	shalt  }
0x74: {  	_ =	shalt  }
0x75: {  	_ =	shalt  }
0x76: {  	_ =	shalt  }
0x77: {  	_ =	shalt  }
0x78: {  	_ =	shalt  }
0x79: {  	_ =	shalt  }
0x7a: {  	_ =	shalt  }
0x7b: {  	_ =	shalt  }
0x7c: {  	_ =	shalt  }
0x7d: {  	_ =	shalt  }
0x7e: {  	_ =	shalt  }
0x7f: {  	_ =	shalt  }
0x80: {  	_ =	shalt  }
0x81: {  	_ =	shalt  }
0x82: {  	_ =	shalt  }
0x83: {  	_ =	shalt  }
0x84: {  	_ =	shalt  }
0x85: {  	_ =	shalt  }
0x86: {  	_ =	shalt  }
0x87: {  	_ =	shalt  }
.Lfunc_end0:
.L_simem_size_0:
called_computation.1_lowered:
.L_overlay_start_0:
0x88: {  	s2 =	sld [smem:$0x3FD9]  }
0x89: {  	s3 =	sld [smem:$0x3FFE];
	_ =	sdelay $0x1  }
0x8a: {  	s1 =	srdreg.scid  }
0x8b: {  	s0 =	sand.u32 $0x1, s1  }
0x8c: {  	s16 =	sshll.u32 s0, $0xA;
	s2 =	sadd.s32 s3, s2  }
0x8d: {  	s2 =	sadd.s32 s2, s16  }
0x8e: {  	[smem:$0x3FB2] =	sst s2  }
0x8f: {  	_ = 	snop  }
0x90: {  	(tm) =	ssettm $0x1  }
0x91: {  	s17 =	sld [smem:$0x3FFB];
	_ =	sdelay $0x3  }
0x92: {  	_ =	strace s17  }
0x93: {  	s2 =	sld [smem:$0x3FFC];
	_ =	sdelay $0x3  }
0x94: {  	_ =	strace s2  }
0x95: {  	s2 =	sld [smem:$0x3FFD];
	_ =	sdelay $0x3  }
0x96: {  	_ =	strace s2  }
0x97: {  	_ =	strace $0x8FFFFFFF  }
0x98: {  	s18 =	sld [smem:$0x3FDB];
	_ =	sdelay $0x1  }
0x99: {  	s19 =	simm.s32 $_scs_section_size  }
0x9a: {  	s4 =	simm.s32 $_size__tile_overlayer_lowered;
	s5 =	simm.s32 $_tile_overlayer_lowered  }
0x9b: {  	s22 =	simm.s32 $0x1BFF;
	s21 =	sshll.u32 s5, $0x1;
	s2 =	sadd.s32 s19, s18  }
0x9c: {  	s6 =	simm.s32 $0x0;
	s20 =	sshll.u32 s4, $0x1;
	s4 =	sadd.s32 s21, s2  }
0x9d: {  	[timem:s6], [sflag:s22] =	dma.local [hbm:s4], s20  }
0x9e: {  	_ =	swait.ge [sflag:s22], s20  }
0x9f: {  	s3 =	ssub.s32 $0x0, s20;
	[sflag:s22] =	ssyncset.done $0x0  }
0xa0: {  	[sflag:s22] =	ssyncadd.s32 s3;
	_ =	sdelay $0x1  }
0xa1: {  	s23 =	simm.s32 $0x1B8B  }
0xa2: {  	_ =	swait.ge [sflag:s23], $0x1  }
0xa3: {  	[sflag:s23] =	ssyncset.done $0x0  }
0xa4: {  	s25 =	simm.s32 $0x1B8E;
	s24 =	sld [smem:$0x3FFE];
	[sflag:s23] =	ssyncadd.s32 $0xFFFFFFFF  }
0xa5: {  	s26 =	simm.s32 $execute0_lowered;
	[smem:$0x3FD2] =	sst s25  }
0xa6: {  	s4 =	sshll.u32 s26, $0x1;
	_ =	strace $0x80000049;
	[dreg:$0x1] =	wrdreg $0xFFFFFFFF  }
0xa7: {  	s28 =	simm.s32 $_size_execute0_lowered;
	s2 =	sadd.s32 s2, s4;
	[dreg:$0x0] =	wrdreg $0x0  }
0xa8: {  	s4 =	sshll.u32 s28, $0x1;
	[dreg:$0x2] =	wrdreg s2  }
0xa9: {  	[dreg:$0x3] =	wrdreg s4  }
0xaa: {  	[dreg:$0x4] =	wrdreg $0xC0  }
0xab: {  	_ =	task [dreg:s6], $0x5FFFF  }
0xac: {  	[dreg:$0x1] =	wrdreg $0xFFFFFFFF  }
0xad: {  	[dreg:$0x0] =	wrdreg $0x60  }
0xae: {  	[dreg:$0x2] =	wrdreg s24  }
0xaf: {  	[dreg:$0x3] =	wrdreg $0x0  }
0xb0: {  	[dreg:$0x4] =	wrdreg $0x9C400  }
0xb1: {  	[dreg:$0x5] =	wrdreg $0x9  }
0xb2: {  	_ =	task.clear_ibuf [dreg:s6], $0x6FFFF;
	_ =	strace $0x90000049  }
0xb3: {  	s29 =	simm.s32 $0x9;
	_ =	strace $0x8000004B  }
0xb4: {  	_ =	swait.ge [sflag:s29], $0x1  }
0xb5: {  	[sflag:s29] =	ssyncadd.s32 $0xFFFFFFFF  }
0xb6: {  	_ =	strace $0x9000004B  }
0xb7: {  	_ =	sfence  }
0xb8: {  	s30 =	sld [smem:$0x0];
	_ =	sdelay $0x2  }
0xb9: {  	s31 =	sshll.u32 s1, $0xD;
	s1 =	sshrl.u32 s1, $0x2  }
0xba: {  	s3 =	sand.u32 $0x4000, s31;
	s1 =	sadd.s32 s1, s30  }
0xbb: {  	s0 =	sor.u32 s3, s0;
	s1 =	sshll.u32 s1, $0x11  }
0xbc: {  	s0 =	sor.u32 s1, s0  }
0xbd: {  	s0 =	sadd.s32 $0x8F2B, s0  }
0xbe: {  	[sflag:s0] =	ssyncadd.remote.s32 $0x1  }
0xbf: {  	_ =	sfence.sel $0xFFFF  }
0xc0: {  	[dreg:$0x0] =	wrdreg $0xFFFFFFFF;
	(pc) =	sbr.abs _section_cstart, $3  }
0xc1: {  	[dreg:$0x1] =	wrdreg $0xFFFFFFFF  }
0xc2: {  	_ =	task.clear_ibuf [dreg:s6], $0x2FFFF;
	_ =	strace $0x9FFFFFFF  }
0xc3: {  	(tm) =	ssettm $0x7FFFFFFF  }
tec
execute0_lowered:
.L_overlay_start_1:
0x0: {  	(tag) =	ssettag $0x1  }
0x1: {  	s0 =	rddreg [dreg:$0x0]  }
0x2: {  	s1 =	rddreg [dreg:$0x1]  }
0x3: {  	s2 =	rddreg [dreg:$0x2];
	s4 =	simm.s32 $0x0  }
0x4: {  	s3 =	srdreg.scid;
	s17 =	stileid.u32;
	s28 =	simm.s32 $0x18980  }
0x5: {  	s29 =	simm.s32 $0x1A980;
	s30 =	simm.s32 $0x1;
	s31 =	simm.s32 $0x2  }
0x6: {  	[smem:$0x7FF] =	sst s4;
	s3 =	sand.u32 $0x1, s3;
	s6 =	smul.u32 $0x13C00, s17  }
0x7: {  	s7 =	sadd.s32 $0x2C000, s0;
	s8 =	sadd.s32 $0x4000, s0;
	s9 =	sadd.s32 $0x18000, s0  }
0x8: {  	s0 =	sadd.s32 $0x7A200, s0;
	s12 =	smul.u32 $0xA000, s17;
	s19 =	sadd.s32 $0x128400, s1  }
0x9: {  	s13 =	smul.u32 $0x1400, s17;
	s15 =	sadd.s32 $0x128400, s2;
	p0 =	seq.s32 s17, $0xF  }
0xa: {  	s14 =	smul.u32 $0x138800, s3;
	_ =	strace $0x8000004A;
	s3 =	ssub.s32 $0x2, s3  }
0xb: {  	[dreg:$0x4] =	wrdreg s15;
	s19 =	sshrl.u32 @p0 s19, $0x3;
	s5 =	sshrl.u32 s3, $0x1  }
0xc: {  	s11 =	sadd.s32 s6, s1;
	s21 =	sadd.s32 s6, s2;
	s18 =	sadd.s32 s8, s13  }
0xd: {  	s20 =	sadd.s32 s9, s13;
	s10 =	sadd.s32 s6, s14;
	s3 =	ssub.s32 s3, s5  }
0xe: {  	s4 =	sshrl.u32 s14, $0x3;
	s14 =	sshrl.u32 s12, $0x3;
	[dreg:$0x5] =	wrdreg s18  }
0xf: {  	[dreg:$0x6] =	wrdreg s20;
	s20 =	sshrl.u32 @!p0 s11, $0x3;
	s21 =	sshrl.u32 @!p0 s21, $0x3  }
0x10: {  	s10 =	sshrl.u32 s10, $0x3;
	s4 =	sadd.s32 $0x25080, s4;
	s16 =	sadd.s32 $0x500, s14  }
0x11: {  	s23 =	sadd.s32 $0xA00, s14;
	s25 =	sadd.s32 $0xF00, s14;
	s18 =	smax.u32 s3, $0x1  }
0x12: {  	s3 =	simm.s32 $0x18880;
	s5 =	sadd.s32 s7, s10;
	s6 =	sadd.s32 s7, s4  }
0x13: {  	s22 =	sadd.s32 s8, s16;
	s7 =	sadd.s32 s9, s16;
	s16 =	smul.u32 $0x4F000, s17  }
0x14: {  	s24 =	sadd.s32 s8, s23;
	s8 =	sadd.s32 s8, s25;
	[dreg:$0x7] =	wrdreg s22  }
0x15: {  	s15 =	sadd.s32 s9, s25;
	s17 =	sadd.s32 s0, s4;
	[dreg:$0x8] =	wrdreg s7  }
0x16: {  	s4 =	simm.s32 $0x18900;
	[dreg:$0x9] =	wrdreg s24;
	s7 =	sadd.s32 s9, s23  }
0x17: {  	[dreg:$0xb] =	wrdreg s8;
	s22 =	simm.s32 $0x13980;
	s23 =	simm.s32 $0x3  }
0x18: {  	s24 =	simm.s32 $0x16180;
	[dreg:$0xa] =	wrdreg s7;
	s26 =	sshrl.u32 s16, $0x2  }
0x19: {  	s16 =	sadd.s32 s0, s10;
	s0 =	simm.s32 $0x16100;
	s7 =	sadd.s32 s26, s2  }
0x1a: {  	s26 =	simm.s32 $0x40;
	s25 =	sshrl.u32 @!p0 s7, $0x3;
	s7 =	simm.s32 $0x0  }
.LBB2_1:
0x1b: {  	s9 =	simm.s32 @p0 $0x1FC3;
	s10 =	simm.s32 @p0 $0x3  }
0x1c: {  	[spmem:s19], [sflag:s9] =	dma.local @p0 [hbm:s6], $0x2080  }
0x1d: {  	_ =	swait.ge @p0 [sflag:s10], $0x2080  }
0x1e: {  	[sflag:s10] =	ssyncset.done @p0 $0x0;
	s8 =	rddreg [dreg:$0x4]  }
0x1f: {  	[sflag:s10] =	ssyncadd.s32 @p0 $0xFFFFDF80;
	s8 =	sshrl.u32 @p0 s8, $0x3  }
0x20: {  	[spmem:s8], [sflag:s9] =	dma.local @p0 [hbm:s6], $0x2080  }
0x21: {  	s9 =	stileid.u32;
	_ =	swait.ge @p0 [sflag:s10], $0x2080  }
0x22: {  	s9 =	sshll.u32 @!p0 s9, $0x6;
	[sflag:s10] =	ssyncset.done @p0 $0x0  }
0x23: {  	s9 =	sor.u32 @!p0 $0x1C03, s9;
	[sflag:s10] =	ssyncadd.s32 @p0 $0xFFFFDF80;
	s10 =	simm.s32 @!p0 $0x3  }
0x24: {  	[spmem:s20], [sflag:s9] =	dma.local @!p0 [hbm:s5], $0x2780  }
0x25: {  	_ =	swait.ge @!p0 [sflag:s10], $0x2780  }
0x26: {  	[sflag:s10] =	ssyncset.done @!p0 $0x0  }
0x27: {  	[sflag:s10] =	ssyncadd.s32 @!p0 $0xFFFFD880  }
0x28: {  	[spmem:s21], [sflag:s9] =	dma.local @!p0 [hbm:s5], $0x2780  }
0x29: {  	_ =	swait.ge @!p0 [sflag:s10], $0x2780  }
0x2a: {  	[sflag:s10] =	ssyncset.done @!p0 $0x0  }
0x2b: {  	[sflag:s10] =	ssyncadd.s32 @!p0 $0xFFFFD880  }
0x2c: {  	[bflag:$0x0] =	sbarrier.arrive $0xFFFF  }
0x2d: {  	s13 =	simm.s32 $0x0;
	s11 =	rddreg [dreg:$0x5]  }
0x2e: {  	[tilespmem:s22], [sflag:$0x3] =	stream.linear.gather [hbm4b:s11+s13], $0x2800, $0x38;
	[tilespmem:$0x1C980] =	vst v63  }
0x2f: {  	_ =	swait.ge [sflag:s23], $0x2800  }
0x30: {  	[sflag:s23] =	ssyncset.done $0x0  }
0x31: {  	s14 =	rddreg [dreg:$0x6];
	[sflag:s23] =	ssyncadd.s32 $0xFFFFD800  }
0x32: {  	[tilespmem:s24], [sflag:$0x3] =	stream.linear.gather [hbm4b:s14+s13], $0x2800, $0x38;
	[tilespmem:$0x1C980] =	vst v63  }
0x33: {  	_ =	swait.ge [sflag:s23], $0x2800  }
0x34: {  	[sflag:s23] =	ssyncset.done $0x0  }
0x35: {  	[sflag:s23] =	ssyncadd.s32 $0xFFFFD800  }
0x36: {  	[tilespmem:s28], [sflag:$0x1] =	stream.indirect.gather [spmem:s1], $0x40, s22, s26, $0xb8;
	[tilespmem:$0x1C980] =	vst v63  }
0x37: {  	s11 =	simm.s32 $0x13A00  }
0x38: {  	[tilespmem:s29], [sflag:$0x2] =	stream.indirect.gather [spmem:s1], $0x40, s11, s26, $0xb8;
	[tilespmem:$0x1C980] =	vst v63  }
0x39: {  	_ =	swait.ge [sflag:s30], $0x1000  }
0x3a: {  	[sflag:s30] =	ssyncset.done $0x0  }
0x3b: {  	s12 =	simm.s32 $0x16180;
	[sflag:s30] =	ssyncadd.s32 $0xFFFFF000  }
0x3c: {  	[spmem:s2] =	stream.indirect.scatter.add.f32 [tilespmem:s28], [sflag:$0x3], $0x40, s12, s26, $0xb8;
	[tilespmem:$0x1C980] =	vst v63  }
0x3d: {  	_ =	swait.ge [sflag:s23], $0x1000  }
0x3e: {  	[sflag:s23] =	ssyncset.done $0x0  }
0x3f: {  	s13 =	simm.s32 $0x13A80;
	[sflag:s23] =	ssyncadd.s32 $0xFFFFF000  }
0x40: {  	[tilespmem:s28], [sflag:$0x1] =	stream.indirect.gather [spmem:s1], $0x40, s13, s26, $0xb8;
	[tilespmem:$0x1C980] =	vst v63  }
0x41: {  	_ =	swait.ge [sflag:s31], $0x1000  }
0x42: {  	[sflag:s31] =	ssyncset.done $0x0  }
0x43: {  	s14 =	simm.s32 $0x16200;
	[sflag:s31] =	ssyncadd.s32 $0xFFFFF000  }
0x44: {  	[spmem:s2] =	stream.indirect.scatter.add.f32 [tilespmem:s29], [sflag:$0x3], $0x40, s14, s26, $0xb8;
	[tilespmem:$0x1C980] =	vst v63  }
0x45: {  	_ =	swait.ge [sflag:s23], $0x1000  }
0x46: {  	s10 =	simm.s32 $0x100;
	s11 =	simm.s32 $0x800;
	[sflag:s23] =	ssyncset.done $0x0  }
.LBB2_2:
0x47: {  	s12 =	sadd.s32 $0x13A00, s10  }
0x48: {  	[sflag:s23] =	ssyncadd.s32 $0xFFFFF000;
	s13 =	smov.u32 s11;
	s14 =	sadd.s32 $0x400, s11  }
0x49: {  	[tilespmem:s29], [sflag:$0x2] =	stream.indirect.gather [spmem:s1], $0x40, s12, s26, $0xb8;
	[tilespmem:$0x1C980] =	vst v63  }
0x4a: {  	p1 =	sne.s32 s11, $0x9800;
	_ =	swait.ge [sflag:s30], $0x1000  }
0x4b: {  	[sflag:s30] =	ssyncset.done $0x0  }
0x4c: {  	s11 =	sadd.s32 $0x16180, s10;
	[sflag:s30] =	ssyncadd.s32 $0xFFFFF000  }
0x4d: {  	[spmem:s2] =	stream.indirect.scatter.add.f32 [tilespmem:s28], [sflag:$0x3], $0x40, s11, s26, $0xb8;
	[tilespmem:$0x1C980] =	vst v63  }
0x4e: {  	_ =	swait.ge [sflag:s23], $0x1000  }
0x4f: {  	[sflag:s23] =	ssyncset.done $0x0  }
0x50: {  	s11 =	sadd.s32 $0x13A80, s10;
	[sflag:s23] =	ssyncadd.s32 $0xFFFFF000  }
0x51: {  	[tilespmem:s28], [sflag:$0x1] =	stream.indirect.gather [spmem:s1], $0x40, s11, s26, $0xb8;
	[tilespmem:$0x1C980] =	vst v63  }
0x52: {  	_ =	swait.ge [sflag:s31], $0x1000  }
.Ltmp0:
0x53: {  	[sflag:s31] =	ssyncset.done $0x0;
	(pc) =	sbr.rel @p1 .LBB2_2-.Ltmp0, $4  }
0x54: {  	s10 =	sadd.s32 $0x16200, s10;
	[sflag:s31] =	ssyncadd.s32 $0xFFFFF000  }
0x55: {  	[spmem:s2] =	stream.indirect.scatter.add.f32 [tilespmem:s29], [sflag:$0x3], $0x40, s10, s26, $0xb8;
	[tilespmem:$0x1C980] =	vst v63  }
0x56: {  	_ =	swait.ge [sflag:s23], $0x1000  }
0x57: {  	s11 =	smov.u32 s14;
	s10 =	sshra.s32 s13, $0x2;
	[sflag:s23] =	ssyncset.done $0x0  }
0x58: {  	s11 =	sadd.s32 $0x13A00, s10;
	[sflag:s23] =	ssyncadd.s32 $0xFFFFF000  }
0x59: {  	[tilespmem:s29], [sflag:$0x2] =	stream.indirect.gather [spmem:s1], $0x40, s11, s26, $0xb8;
	[tilespmem:$0x1C980] =	vst v63  }
0x5a: {  	_ =	swait.ge [sflag:s30], $0x1000  }
0x5b: {  	[sflag:s30] =	ssyncset.done $0x0  }
0x5c: {  	s13 =	sadd.s32 $0x16180, s10;
	[sflag:s30] =	ssyncadd.s32 $0xFFFFF000  }
0x5d: {  	[spmem:s2] =	stream.indirect.scatter.add.f32 [tilespmem:s28], [sflag:$0x3], $0x40, s13, s26, $0xb8;
	[tilespmem:$0x1C980] =	vst v63  }
0x5e: {  	_ =	swait.ge [sflag:s23], $0x1000  }
0x5f: {  	[sflag:s23] =	ssyncset.done $0x0  }
0x60: {  	s14 =	sadd.s32 $0x13A80, s10;
	[sflag:s23] =	ssyncadd.s32 $0xFFFFF000  }
0x61: {  	[tilespmem:s28], [sflag:$0x1] =	stream.indirect.gather [spmem:s1], $0x40, s14, s26, $0xb8;
	[tilespmem:$0x1C980] =	vst v63  }
0x62: {  	_ =	swait.ge [sflag:s31], $0x1000  }
0x63: {  	[sflag:s31] =	ssyncset.done $0x0  }
0x64: {  	s11 =	sadd.s32 $0x16200, s10;
	[sflag:s31] =	ssyncadd.s32 $0xFFFFF000  }
0x65: {  	[spmem:s2] =	stream.indirect.scatter.add.f32 [tilespmem:s29], [sflag:$0x3], $0x40, s11, s26, $0xb8;
	[tilespmem:$0x1C980] =	vst v63  }
0x66: {  	_ =	swait.ge [sflag:s23], $0x1000  }
0x67: {  	[sflag:s23] =	ssyncset.done $0x0  }
0x68: {  	[sflag:s23] =	ssyncadd.s32 $0xFFFFF000  }
0x69: {  	[tilespmem:s29], [sflag:$0x2] =	stream.indirect.gather [spmem:s1], $0x40, s0, s26, $0xb8;
	[tilespmem:$0x1C980] =	vst v63  }
0x6a: {  	_ =	swait.ge [sflag:s30], $0x1000  }
0x6b: {  	[sflag:s30] =	ssyncset.done $0x0  }
0x6c: {  	[sflag:s30] =	ssyncadd.s32 $0xFFFFF000  }
0x6d: {  	[spmem:s2] =	stream.indirect.scatter.add.f32 [tilespmem:s28], [sflag:$0x3], $0x40, s3, s26, $0xb8;
	[tilespmem:$0x1C980] =	vst v63  }
0x6e: {  	_ =	swait.ge [sflag:s23], $0x1000  }
0x6f: {  	[sflag:s23] =	ssyncset.done $0x0  }
0x70: {  	[sflag:s23] =	ssyncadd.s32 $0xFFFFF000  }
0x71: {  	_ =	swait.ge [sflag:s31], $0x1000  }
0x72: {  	[sflag:s31] =	ssyncset.done $0x0  }
0x73: {  	[sflag:s31] =	ssyncadd.s32 $0xFFFFF000  }
0x74: {  	[spmem:s2] =	stream.indirect.scatter.add.f32 [tilespmem:s29], [sflag:$0x3], $0x40, s4, s26, $0xb8;
	[tilespmem:$0x1C980] =	vst v63  }
0x75: {  	_ =	swait.ge [sflag:s23], $0x1000  }
0x76: {  	[sflag:s23] =	ssyncset.done $0x0  }
0x77: {  	s12 =	simm.s32 $0x0;
	s13 =	rddreg [dreg:$0x7];
	[sflag:s23] =	ssyncadd.s32 $0xFFFFF000  }
0x78: {  	[tilespmem:s22], [sflag:$0x3] =	stream.linear.gather [hbm4b:s13+s12], $0x2800, $0x38;
	[tilespmem:$0x1C980] =	vst v63  }
0x79: {  	_ =	swait.ge [sflag:s23], $0x2800  }
0x7a: {  	[sflag:s23] =	ssyncset.done $0x0  }
0x7b: {  	s14 =	rddreg [dreg:$0x8];
	[sflag:s23] =	ssyncadd.s32 $0xFFFFD800  }
0x7c: {  	[tilespmem:s24], [sflag:$0x3] =	stream.linear.gather [hbm4b:s14+s12], $0x2800, $0x38;
	[tilespmem:$0x1C980] =	vst v63  }
0x7d: {  	_ =	swait.ge [sflag:s23], $0x2800  }
0x7e: {  	[sflag:s23] =	ssyncset.done $0x0  }
0x7f: {  	[sflag:s23] =	ssyncadd.s32 $0xFFFFD800  }
0x80: {  	[tilespmem:s28], [sflag:$0x1] =	stream.indirect.gather [spmem:s1], $0x40, s22, s26, $0xb8;
	[tilespmem:$0x1C980] =	vst v63  }
0x81: {  	s11 =	simm.s32 $0x13A00  }
0x82: {  	[tilespmem:s29], [sflag:$0x2] =	stream.indirect.gather [spmem:s1], $0x40, s11, s26, $0xb8;
	[tilespmem:$0x1C980] =	vst v63  }
0x83: {  	_ =	swait.ge [sflag:s30], $0x1000  }
0x84: {  	[sflag:s30] =	ssyncset.done $0x0  }
0x85: {  	s12 =	simm.s32 $0x16180;
	[sflag:s30] =	ssyncadd.s32 $0xFFFFF000  }
0x86: {  	[spmem:s2] =	stream.indirect.scatter.add.f32 [tilespmem:s28], [sflag:$0x3], $0x40, s12, s26, $0xb8;
	[tilespmem:$0x1C980] =	vst v63  }
0x87: {  	_ =	swait.ge [sflag:s23], $0x1000  }
0x88: {  	[sflag:s23] =	ssyncset.done $0x0  }
0x89: {  	s13 =	simm.s32 $0x13A80;
	[sflag:s23] =	ssyncadd.s32 $0xFFFFF000  }
0x8a: {  	[tilespmem:s28], [sflag:$0x1] =	stream.indirect.gather [spmem:s1], $0x40, s13, s26, $0xb8;
	[tilespmem:$0x1C980] =	vst v63  }
0x8b: {  	_ =	swait.ge [sflag:s31], $0x1000  }
0x8c: {  	[sflag:s31] =	ssyncset.done $0x0  }
0x8d: {  	s14 =	simm.s32 $0x16200;
	[sflag:s31] =	ssyncadd.s32 $0xFFFFF000  }
0x8e: {  	[spmem:s2] =	stream.indirect.scatter.add.f32 [tilespmem:s29], [sflag:$0x3], $0x40, s14, s26, $0xb8;
	[tilespmem:$0x1C980] =	vst v63  }
0x8f: {  	_ =	swait.ge [sflag:s23], $0x1000  }
0x90: {  	s10 =	simm.s32 $0x100;
	s11 =	simm.s32 $0x800;
	[sflag:s23] =	ssyncset.done $0x0  }
.LBB2_4:
0x91: {  	s12 =	sadd.s32 $0x13A00, s10  }
0x92: {  	[sflag:s23] =	ssyncadd.s32 $0xFFFFF000;
	s13 =	smov.u32 s11;
	s14 =	sadd.s32 $0x400, s11  }
0x93: {  	[tilespmem:s29], [sflag:$0x2] =	stream.indirect.gather [spmem:s1], $0x40, s12, s26, $0xb8;
	[tilespmem:$0x1C980] =	vst v63  }
0x94: {  	p1 =	sne.s32 s11, $0x9800;
	_ =	swait.ge [sflag:s30], $0x1000  }
0x95: {  	[sflag:s30] =	ssyncset.done $0x0  }
0x96: {  	s11 =	sadd.s32 $0x16180, s10;
	[sflag:s30] =	ssyncadd.s32 $0xFFFFF000  }
0x97: {  	[spmem:s2] =	stream.indirect.scatter.add.f32 [tilespmem:s28], [sflag:$0x3], $0x40, s11, s26, $0xb8;
	[tilespmem:$0x1C980] =	vst v63  }
0x98: {  	_ =	swait.ge [sflag:s23], $0x1000  }
0x99: {  	[sflag:s23] =	ssyncset.done $0x0  }
0x9a: {  	s11 =	sadd.s32 $0x13A80, s10;
	[sflag:s23] =	ssyncadd.s32 $0xFFFFF000  }
0x9b: {  	[tilespmem:s28], [sflag:$0x1] =	stream.indirect.gather [spmem:s1], $0x40, s11, s26, $0xb8;
	[tilespmem:$0x1C980] =	vst v63  }
0x9c: {  	_ =	swait.ge [sflag:s31], $0x1000  }
.Ltmp1:
0x9d: {  	[sflag:s31] =	ssyncset.done $0x0;
	(pc) =	sbr.rel @p1 .LBB2_4-.Ltmp1, $4  }
0x9e: {  	s10 =	sadd.s32 $0x16200, s10;
	[sflag:s31] =	ssyncadd.s32 $0xFFFFF000  }
0x9f: {  	[spmem:s2] =	stream.indirect.scatter.add.f32 [tilespmem:s29], [sflag:$0x3], $0x40, s10, s26, $0xb8;
	[tilespmem:$0x1C980] =	vst v63  }
0xa0: {  	_ =	swait.ge [sflag:s23], $0x1000  }
0xa1: {  	s11 =	smov.u32 s14;
	s10 =	sshra.s32 s13, $0x2;
	[sflag:s23] =	ssyncset.done $0x0  }
0xa2: {  	s11 =	sadd.s32 $0x13A00, s10;
	[sflag:s23] =	ssyncadd.s32 $0xFFFFF000  }
0xa3: {  	[tilespmem:s29], [sflag:$0x2] =	stream.indirect.gather [spmem:s1], $0x40, s11, s26, $0xb8;
	[tilespmem:$0x1C980] =	vst v63  }
0xa4: {  	_ =	swait.ge [sflag:s30], $0x1000  }
0xa5: {  	[sflag:s30] =	ssyncset.done $0x0  }
0xa6: {  	s13 =	sadd.s32 $0x16180, s10;
	[sflag:s30] =	ssyncadd.s32 $0xFFFFF000  }
0xa7: {  	[spmem:s2] =	stream.indirect.scatter.add.f32 [tilespmem:s28], [sflag:$0x3], $0x40, s13, s26, $0xb8;
	[tilespmem:$0x1C980] =	vst v63  }
0xa8: {  	_ =	swait.ge [sflag:s23], $0x1000  }
0xa9: {  	[sflag:s23] =	ssyncset.done $0x0  }
0xaa: {  	s14 =	sadd.s32 $0x13A80, s10;
	[sflag:s23] =	ssyncadd.s32 $0xFFFFF000  }
0xab: {  	[tilespmem:s28], [sflag:$0x1] =	stream.indirect.gather [spmem:s1], $0x40, s14, s26, $0xb8;
	[tilespmem:$0x1C980] =	vst v63  }
0xac: {  	_ =	swait.ge [sflag:s31], $0x1000  }
0xad: {  	[sflag:s31] =	ssyncset.done $0x0  }
0xae: {  	s11 =	sadd.s32 $0x16200, s10;
	[sflag:s31] =	ssyncadd.s32 $0xFFFFF000  }
0xaf: {  	[spmem:s2] =	stream.indirect.scatter.add.f32 [tilespmem:s29], [sflag:$0x3], $0x40, s11, s26, $0xb8;
	[tilespmem:$0x1C980] =	vst v63  }
0xb0: {  	_ =	swait.ge [sflag:s23], $0x1000  }
0xb1: {  	[sflag:s23] =	ssyncset.done $0x0  }
0xb2: {  	[sflag:s23] =	ssyncadd.s32 $0xFFFFF000  }
0xb3: {  	[tilespmem:s29], [sflag:$0x2] =	stream.indirect.gather [spmem:s1], $0x40, s0, s26, $0xb8;
	[tilespmem:$0x1C980] =	vst v63  }
0xb4: {  	_ =	swait.ge [sflag:s30], $0x1000  }
0xb5: {  	[sflag:s30] =	ssyncset.done $0x0  }
0xb6: {  	[sflag:s30] =	ssyncadd.s32 $0xFFFFF000  }
0xb7: {  	[spmem:s2] =	stream.indirect.scatter.add.f32 [tilespmem:s28], [sflag:$0x3], $0x40, s3, s26, $0xb8;
	[tilespmem:$0x1C980] =	vst v63  }
0xb8: {  	_ =	swait.ge [sflag:s23], $0x1000  }
0xb9: {  	[sflag:s23] =	ssyncset.done $0x0  }
0xba: {  	[sflag:s23] =	ssyncadd.s32 $0xFFFFF000  }
0xbb: {  	_ =	swait.ge [sflag:s31], $0x1000  }
0xbc: {  	[sflag:s31] =	ssyncset.done $0x0  }
0xbd: {  	[sflag:s31] =	ssyncadd.s32 $0xFFFFF000  }
0xbe: {  	[spmem:s2] =	stream.indirect.scatter.add.f32 [tilespmem:s29], [sflag:$0x3], $0x40, s4, s26, $0xb8;
	[tilespmem:$0x1C980] =	vst v63  }
0xbf: {  	_ =	swait.ge [sflag:s23], $0x1000  }
0xc0: {  	[sflag:s23] =	ssyncset.done $0x0  }
0xc1: {  	s12 =	simm.s32 $0x0;
	s13 =	rddreg [dreg:$0x9];
	[sflag:s23] =	ssyncadd.s32 $0xFFFFF000  }
0xc2: {  	[tilespmem:s22], [sflag:$0x3] =	stream.linear.gather [hbm4b:s13+s12], $0x2800, $0x38;
	[tilespmem:$0x1C980] =	vst v63  }
0xc3: {  	_ =	swait.ge [sflag:s23], $0x2800  }
0xc4: {  	[sflag:s23] =	ssyncset.done $0x0  }
0xc5: {  	s14 =	rddreg [dreg:$0xa];
	[sflag:s23] =	ssyncadd.s32 $0xFFFFD800  }
0xc6: {  	[tilespmem:s24], [sflag:$0x3] =	stream.linear.gather [hbm4b:s14+s12], $0x2800, $0x38;
	[tilespmem:$0x1C980] =	vst v63  }
0xc7: {  	_ =	swait.ge [sflag:s23], $0x2800  }
0xc8: {  	[sflag:s23] =	ssyncset.done $0x0  }
0xc9: {  	[sflag:s23] =	ssyncadd.s32 $0xFFFFD800  }
0xca: {  	[tilespmem:s28], [sflag:$0x1] =	stream.indirect.gather [spmem:s1], $0x40, s22, s26, $0xb8;
	[tilespmem:$0x1C980] =	vst v63  }
0xcb: {  	s11 =	simm.s32 $0x13A00  }
0xcc: {  	[tilespmem:s29], [sflag:$0x2] =	stream.indirect.gather [spmem:s1], $0x40, s11, s26, $0xb8;
	[tilespmem:$0x1C980] =	vst v63  }
0xcd: {  	_ =	swait.ge [sflag:s30], $0x1000  }
0xce: {  	[sflag:s30] =	ssyncset.done $0x0  }
0xcf: {  	s12 =	simm.s32 $0x16180;
	[sflag:s30] =	ssyncadd.s32 $0xFFFFF000  }
0xd0: {  	[spmem:s2] =	stream.indirect.scatter.add.f32 [tilespmem:s28], [sflag:$0x3], $0x40, s12, s26, $0xb8;
	[tilespmem:$0x1C980] =	vst v63  }
0xd1: {  	_ =	swait.ge [sflag:s23], $0x1000  }
0xd2: {  	[sflag:s23] =	ssyncset.done $0x0  }
0xd3: {  	s13 =	simm.s32 $0x13A80;
	[sflag:s23] =	ssyncadd.s32 $0xFFFFF000  }
0xd4: {  	[tilespmem:s28], [sflag:$0x1] =	stream.indirect.gather [spmem:s1], $0x40, s13, s26, $0xb8;
	[tilespmem:$0x1C980] =	vst v63  }
0xd5: {  	_ =	swait.ge [sflag:s31], $0x1000  }
0xd6: {  	[sflag:s31] =	ssyncset.done $0x0  }
0xd7: {  	s14 =	simm.s32 $0x16200;
	[sflag:s31] =	ssyncadd.s32 $0xFFFFF000  }
0xd8: {  	[spmem:s2] =	stream.indirect.scatter.add.f32 [tilespmem:s29], [sflag:$0x3], $0x40, s14, s26, $0xb8;
	[tilespmem:$0x1C980] =	vst v63  }
0xd9: {  	_ =	swait.ge [sflag:s23], $0x1000  }
0xda: {  	s10 =	simm.s32 $0x100;
	s11 =	simm.s32 $0x800;
	[sflag:s23] =	ssyncset.done $0x0  }
.LBB2_6:
0xdb: {  	s12 =	sadd.s32 $0x13A00, s10  }
0xdc: {  	[sflag:s23] =	ssyncadd.s32 $0xFFFFF000;
	s13 =	smov.u32 s11;
	s14 =	sadd.s32 $0x400, s11  }
0xdd: {  	[tilespmem:s29], [sflag:$0x2] =	stream.indirect.gather [spmem:s1], $0x40, s12, s26, $0xb8;
	[tilespmem:$0x1C980] =	vst v63  }
0xde: {  	p1 =	sne.s32 s11, $0x9800;
	_ =	swait.ge [sflag:s30], $0x1000  }
0xdf: {  	[sflag:s30] =	ssyncset.done $0x0  }
0xe0: {  	s11 =	sadd.s32 $0x16180, s10;
	[sflag:s30] =	ssyncadd.s32 $0xFFFFF000  }
0xe1: {  	[spmem:s2] =	stream.indirect.scatter.add.f32 [tilespmem:s28], [sflag:$0x3], $0x40, s11, s26, $0xb8;
	[tilespmem:$0x1C980] =	vst v63  }
0xe2: {  	_ =	swait.ge [sflag:s23], $0x1000  }
0xe3: {  	[sflag:s23] =	ssyncset.done $0x0  }
0xe4: {  	s11 =	sadd.s32 $0x13A80, s10;
	[sflag:s23] =	ssyncadd.s32 $0xFFFFF000  }
0xe5: {  	[tilespmem:s28], [sflag:$0x1] =	stream.indirect.gather [spmem:s1], $0x40, s11, s26, $0xb8;
	[tilespmem:$0x1C980] =	vst v63  }
0xe6: {  	_ =	swait.ge [sflag:s31], $0x1000  }
.Ltmp2:
0xe7: {  	[sflag:s31] =	ssyncset.done $0x0;
	(pc) =	sbr.rel @p1 .LBB2_6-.Ltmp2, $4  }
0xe8: {  	s10 =	sadd.s32 $0x16200, s10;
	[sflag:s31] =	ssyncadd.s32 $0xFFFFF000  }
0xe9: {  	[spmem:s2] =	stream.indirect.scatter.add.f32 [tilespmem:s29], [sflag:$0x3], $0x40, s10, s26, $0xb8;
	[tilespmem:$0x1C980] =	vst v63  }
0xea: {  	_ =	swait.ge [sflag:s23], $0x1000  }
0xeb: {  	s11 =	smov.u32 s14;
	s10 =	sshra.s32 s13, $0x2;
	[sflag:s23] =	ssyncset.done $0x0  }
0xec: {  	s11 =	sadd.s32 $0x13A00, s10;
	[sflag:s23] =	ssyncadd.s32 $0xFFFFF000  }
0xed: {  	[tilespmem:s29], [sflag:$0x2] =	stream.indirect.gather [spmem:s1], $0x40, s11, s26, $0xb8;
	[tilespmem:$0x1C980] =	vst v63  }
0xee: {  	_ =	swait.ge [sflag:s30], $0x1000  }
0xef: {  	[sflag:s30] =	ssyncset.done $0x0  }
0xf0: {  	s13 =	sadd.s32 $0x16180, s10;
	[sflag:s30] =	ssyncadd.s32 $0xFFFFF000  }
0xf1: {  	[spmem:s2] =	stream.indirect.scatter.add.f32 [tilespmem:s28], [sflag:$0x3], $0x40, s13, s26, $0xb8;
	[tilespmem:$0x1C980] =	vst v63  }
0xf2: {  	_ =	swait.ge [sflag:s23], $0x1000  }
0xf3: {  	[sflag:s23] =	ssyncset.done $0x0  }
0xf4: {  	s14 =	sadd.s32 $0x13A80, s10;
	[sflag:s23] =	ssyncadd.s32 $0xFFFFF000  }
0xf5: {  	[tilespmem:s28], [sflag:$0x1] =	stream.indirect.gather [spmem:s1], $0x40, s14, s26, $0xb8;
	[tilespmem:$0x1C980] =	vst v63  }
0xf6: {  	_ =	swait.ge [sflag:s31], $0x1000  }
0xf7: {  	[sflag:s31] =	ssyncset.done $0x0  }
0xf8: {  	s12 =	sadd.s32 $0x16200, s10;
	[sflag:s31] =	ssyncadd.s32 $0xFFFFF000  }
0xf9: {  	[spmem:s2] =	stream.indirect.scatter.add.f32 [tilespmem:s29], [sflag:$0x3], $0x40, s12, s26, $0xb8;
	[tilespmem:$0x1C980] =	vst v63  }
0xfa: {  	_ =	swait.ge [sflag:s23], $0x1000  }
0xfb: {  	[sflag:s23] =	ssyncset.done $0x0  }
0xfc: {  	[sflag:s23] =	ssyncadd.s32 $0xFFFFF000  }
0xfd: {  	[tilespmem:s29], [sflag:$0x2] =	stream.indirect.gather [spmem:s1], $0x40, s0, s26, $0xb8;
	[tilespmem:$0x1C980] =	vst v63  }
0xfe: {  	_ =	swait.ge [sflag:s30], $0x1000  }
0xff: {  	[sflag:s30] =	ssyncset.done $0x0  }
0x100: {  	[sflag:s30] =	ssyncadd.s32 $0xFFFFF000  }
0x101: {  	[spmem:s2] =	stream.indirect.scatter.add.f32 [tilespmem:s28], [sflag:$0x3], $0x40, s3, s26, $0xb8;
	[tilespmem:$0x1C980] =	vst v63  }
0x102: {  	_ =	swait.ge [sflag:s23], $0x1000  }
0x103: {  	[sflag:s23] =	ssyncset.done $0x0  }
0x104: {  	[sflag:s23] =	ssyncadd.s32 $0xFFFFF000  }
0x105: {  	_ =	swait.ge [sflag:s31], $0x1000  }
0x106: {  	[sflag:s31] =	ssyncset.done $0x0  }
0x107: {  	[sflag:s31] =	ssyncadd.s32 $0xFFFFF000  }
0x108: {  	[spmem:s2] =	stream.indirect.scatter.add.f32 [tilespmem:s29], [sflag:$0x3], $0x40, s4, s26, $0xb8;
	[tilespmem:$0x1C980] =	vst v63  }
0x109: {  	_ =	swait.ge [sflag:s23], $0x1000  }
0x10a: {  	[sflag:s23] =	ssyncset.done $0x0  }
0x10b: {  	s13 =	simm.s32 $0x0;
	s14 =	rddreg [dreg:$0xb];
	[sflag:s23] =	ssyncadd.s32 $0xFFFFF000  }
0x10c: {  	[tilespmem:s22], [sflag:$0x3] =	stream.linear.gather [hbm4b:s14+s13], $0x2800, $0x38;
	[tilespmem:$0x1C980] =	vst v63  }
0x10d: {  	_ =	swait.ge [sflag:s23], $0x2800  }
0x10e: {  	[sflag:s23] =	ssyncset.done $0x0  }
0x10f: {  	[sflag:s23] =	ssyncadd.s32 $0xFFFFD800  }
0x110: {  	[tilespmem:s24], [sflag:$0x3] =	stream.linear.gather [hbm4b:s15+s13], $0x2800, $0x38;
	[tilespmem:$0x1C980] =	vst v63  }
0x111: {  	_ =	swait.ge [sflag:s23], $0x2800  }
0x112: {  	[sflag:s23] =	ssyncset.done $0x0  }
0x113: {  	[sflag:s23] =	ssyncadd.s32 $0xFFFFD800  }
0x114: {  	[tilespmem:s28], [sflag:$0x1] =	stream.indirect.gather [spmem:s1], $0x40, s22, s26, $0xb8;
	[tilespmem:$0x1C980] =	vst v63  }
0x115: {  	s11 =	simm.s32 $0x13A00  }
0x116: {  	[tilespmem:s29], [sflag:$0x2] =	stream.indirect.gather [spmem:s1], $0x40, s11, s26, $0xb8;
	[tilespmem:$0x1C980] =	vst v63  }
0x117: {  	_ =	swait.ge [sflag:s30], $0x1000  }
0x118: {  	[sflag:s30] =	ssyncset.done $0x0  }
0x119: {  	s12 =	simm.s32 $0x16180;
	[sflag:s30] =	ssyncadd.s32 $0xFFFFF000  }
0x11a: {  	[spmem:s2] =	stream.indirect.scatter.add.f32 [tilespmem:s28], [sflag:$0x3], $0x40, s12, s26, $0xb8;
	[tilespmem:$0x1C980] =	vst v63  }
0x11b: {  	_ =	swait.ge [sflag:s23], $0x1000  }
0x11c: {  	[sflag:s23] =	ssyncset.done $0x0  }
0x11d: {  	s13 =	simm.s32 $0x13A80;
	[sflag:s23] =	ssyncadd.s32 $0xFFFFF000  }
0x11e: {  	[tilespmem:s28], [sflag:$0x1] =	stream.indirect.gather [spmem:s1], $0x40, s13, s26, $0xb8;
	[tilespmem:$0x1C980] =	vst v63  }
0x11f: {  	_ =	swait.ge [sflag:s31], $0x1000  }
0x120: {  	[sflag:s31] =	ssyncset.done $0x0  }
0x121: {  	s14 =	simm.s32 $0x16200;
	[sflag:s31] =	ssyncadd.s32 $0xFFFFF000  }
0x122: {  	[spmem:s2] =	stream.indirect.scatter.add.f32 [tilespmem:s29], [sflag:$0x3], $0x40, s14, s26, $0xb8;
	[tilespmem:$0x1C980] =	vst v63  }
0x123: {  	_ =	swait.ge [sflag:s23], $0x1000  }
0x124: {  	s10 =	simm.s32 $0x100;
	s11 =	simm.s32 $0x800;
	[sflag:s23] =	ssyncset.done $0x0  }
.LBB2_8:
0x125: {  	s12 =	sadd.s32 $0x13A00, s10  }
0x126: {  	[sflag:s23] =	ssyncadd.s32 $0xFFFFF000;
	s13 =	smov.u32 s11;
	s14 =	sadd.s32 $0x400, s11  }
0x127: {  	[tilespmem:s29], [sflag:$0x2] =	stream.indirect.gather [spmem:s1], $0x40, s12, s26, $0xb8;
	[tilespmem:$0x1C980] =	vst v63  }
0x128: {  	p1 =	sne.s32 s11, $0x9800;
	_ =	swait.ge [sflag:s30], $0x1000  }
0x129: {  	[sflag:s30] =	ssyncset.done $0x0  }
0x12a: {  	s11 =	sadd.s32 $0x16180, s10;
	[sflag:s30] =	ssyncadd.s32 $0xFFFFF000  }
0x12b: {  	[spmem:s2] =	stream.indirect.scatter.add.f32 [tilespmem:s28], [sflag:$0x3], $0x40, s11, s26, $0xb8;
	[tilespmem:$0x1C980] =	vst v63  }
0x12c: {  	_ =	swait.ge [sflag:s23], $0x1000  }
0x12d: {  	[sflag:s23] =	ssyncset.done $0x0  }
0x12e: {  	s11 =	sadd.s32 $0x13A80, s10;
	[sflag:s23] =	ssyncadd.s32 $0xFFFFF000  }
0x12f: {  	[tilespmem:s28], [sflag:$0x1] =	stream.indirect.gather [spmem:s1], $0x40, s11, s26, $0xb8;
	[tilespmem:$0x1C980] =	vst v63  }
0x130: {  	_ =	swait.ge [sflag:s31], $0x1000  }
.Ltmp3:
0x131: {  	[sflag:s31] =	ssyncset.done $0x0;
	(pc) =	sbr.rel @p1 .LBB2_8-.Ltmp3, $4  }
0x132: {  	s10 =	sadd.s32 $0x16200, s10;
	[sflag:s31] =	ssyncadd.s32 $0xFFFFF000  }
0x133: {  	[spmem:s2] =	stream.indirect.scatter.add.f32 [tilespmem:s29], [sflag:$0x3], $0x40, s10, s26, $0xb8;
	[tilespmem:$0x1C980] =	vst v63  }
0x134: {  	_ =	swait.ge [sflag:s23], $0x1000  }
0x135: {  	s11 =	smov.u32 s14;
	s10 =	sshra.s32 s13, $0x2;
	[sflag:s23] =	ssyncset.done $0x0  }
0x136: {  	s11 =	sadd.s32 $0x13A00, s10;
	[sflag:s23] =	ssyncadd.s32 $0xFFFFF000  }
0x137: {  	[tilespmem:s29], [sflag:$0x2] =	stream.indirect.gather [spmem:s1], $0x40, s11, s26, $0xb8;
	[tilespmem:$0x1C980] =	vst v63  }
0x138: {  	_ =	swait.ge [sflag:s30], $0x1000  }
0x139: {  	[sflag:s30] =	ssyncset.done $0x0  }
0x13a: {  	s12 =	sadd.s32 $0x16180, s10;
	[sflag:s30] =	ssyncadd.s32 $0xFFFFF000  }
0x13b: {  	[spmem:s2] =	stream.indirect.scatter.add.f32 [tilespmem:s28], [sflag:$0x3], $0x40, s12, s26, $0xb8;
	[tilespmem:$0x1C980] =	vst v63  }
0x13c: {  	_ =	swait.ge [sflag:s23], $0x1000  }
0x13d: {  	[sflag:s23] =	ssyncset.done $0x0  }
0x13e: {  	s13 =	sadd.s32 $0x13A80, s10;
	[sflag:s23] =	ssyncadd.s32 $0xFFFFF000  }
0x13f: {  	[tilespmem:s28], [sflag:$0x1] =	stream.indirect.gather [spmem:s1], $0x40, s13, s26, $0xb8;
	[tilespmem:$0x1C980] =	vst v63  }
0x140: {  	_ =	swait.ge [sflag:s31], $0x1000  }
0x141: {  	[sflag:s31] =	ssyncset.done $0x0  }
0x142: {  	s14 =	sadd.s32 $0x16200, s10;
	[sflag:s31] =	ssyncadd.s32 $0xFFFFF000  }
0x143: {  	[spmem:s2] =	stream.indirect.scatter.add.f32 [tilespmem:s29], [sflag:$0x3], $0x40, s14, s26, $0xb8;
	[tilespmem:$0x1C980] =	vst v63  }
0x144: {  	_ =	swait.ge [sflag:s23], $0x1000  }
0x145: {  	[sflag:s23] =	ssyncset.done $0x0  }
0x146: {  	[sflag:s23] =	ssyncadd.s32 $0xFFFFF000  }
0x147: {  	[tilespmem:s29], [sflag:$0x2] =	stream.indirect.gather [spmem:s1], $0x40, s0, s26, $0xb8;
	[tilespmem:$0x1C980] =	vst v63  }
0x148: {  	_ =	swait.ge [sflag:s30], $0x1000  }
0x149: {  	[sflag:s30] =	ssyncset.done $0x0  }
0x14a: {  	[sflag:s30] =	ssyncadd.s32 $0xFFFFF000  }
0x14b: {  	[spmem:s2] =	stream.indirect.scatter.add.f32 [tilespmem:s28], [sflag:$0x3], $0x40, s3, s26, $0xb8;
	[tilespmem:$0x1C980] =	vst v63  }
0x14c: {  	_ =	swait.ge [sflag:s23], $0x1000  }
0x14d: {  	[sflag:s23] =	ssyncset.done $0x0  }
0x14e: {  	[sflag:s23] =	ssyncadd.s32 $0xFFFFF000  }
0x14f: {  	_ =	swait.ge [sflag:s31], $0x1000  }
0x150: {  	[sflag:s31] =	ssyncset.done $0x0  }
0x151: {  	[sflag:s31] =	ssyncadd.s32 $0xFFFFF000  }
0x152: {  	[spmem:s2] =	stream.indirect.scatter.add.f32 [tilespmem:s29], [sflag:$0x3], $0x40, s4, s26, $0xb8;
	[tilespmem:$0x1C980] =	vst v63  }
0x153: {  	_ =	swait.ge [sflag:s23], $0x1000  }
0x154: {  	[sflag:s23] =	ssyncset.done $0x0  }
0x155: {  	[sflag:s23] =	ssyncadd.s32 $0xFFFFF000  }
0x156: {  	s10 =	simm.s32 @p0 $0x1FC3;
	[bflag:$0x0] =	sbarrier.arrive $0xFFFF  }
0x157: {  	[hbm:s17], [sflag:s10] =	dma.local @p0 [spmem:s8], $0x2080  }
0x158: {  	s8 =	simm.s32 @p0 $0x3  }
0x159: {  	s7 =	sadd.s32 $0x1, s7;
	_ =	swait.ge @p0 [sflag:s8], $0x2080  }
0x15a: {  	p1 =	sne.s32 s7, s18;
	[sflag:s8] =	ssyncset.done @p0 $0x0  }
.Ltmp4:
0x15b: {  	[sflag:s8] =	ssyncadd.s32 @p0 $0xFFFFDF80;
	s8 =	simm.s32 @!p0 $0x3;
	(pc) =	sbr.rel @p1 .LBB2_1-.Ltmp4, $4  }
0x15c: {  	[hbm:s16], [sflag:s9] =	dma.local @!p0 [spmem:s25], $0x2780  }
0x15d: {  	_ =	swait.ge @!p0 [sflag:s8], $0x2780  }
0x15e: {  	[sflag:s8] =	ssyncset.done @!p0 $0x0  }
0x15f: {  	[sflag:s8] =	ssyncadd.s32 @!p0 $0xFFFFD880  }
0x160: {  	_ =	sfence.sel $0x180000  }
0x161: {  	[bflag:$0x0] =	sbarrier.arrive $0xFFFF  }
0x162: {  	_ =	strace $0x9000004A  }
0x163: {  	s0 =	stileid.u32;
	[bflag:$0x2] =	sbarrier.arrive $0xFFFF  }
0x164: {  	p0 =	sne.s32 s0, $0x0;
	s0 =	rddreg [dreg:$0x3]  }
0x165: {  	s0 =	sadd.s32 @!p0 $0x100000, s0  }
0x166: {  	[sflag:s0] =	ssyncadd.tile.s32 @!p0 $0x1;
	_ =	shalt  }
.Lfunc_end2:
_tile_overlayer_lowered:
.L_overlay_start_2:
0x167: {  	(tag) =	ssettag $0x2  }
0x168: {  	s0 =	rddreg [dreg:$0x0];
	s2 =	stileid.u32  }
0x169: {  	s1 =	rddreg [dreg:$0x1];
	p0 =	sne.s32 s2, $0x0  }
0x16a: {  	s3 =	rddreg [dreg:$0x2];
	[bflag:$0x3] =	sbarrier.arrive $0xFFFF;
	s2 =	simm.s32 @!p0 $0x1C03  }
0x16b: {  	[timem:s3], [sflag:s2] =	dma.local @!p0 [hbm:s0], s1  }
0x16c: {  	s0 =	simm.s32 @!p0 $0x3  }
0x16d: {  	_ =	swait.ge @!p0 [sflag:s0], s1  }
0x16e: {  	s1 =	ssub.s32 @!p0 $0x0, s1;
	[sflag:s0] =	ssyncset.done @!p0 $0x0  }
0x16f: {  	[sflag:s0] =	ssyncadd.s32 @!p0 s1  }
0x170: {  	[bflag:$0x3] =	sbarrier.arrive $0xFFFF  }
0x171: {  	_ =	shalt  }

// kernel: kernel.15.cloned.1.call-start
scs
__scs_entry_jumppad:
0x0: {  	(pc) =	sbr.rel $0x88, $3  }
0x1: {  	(tag) =	ssettag $0x0;
	lr =	simm.s32 $0x1  }
0x2: {  	[smem:$0x3F8B] =	sst lr;
	_ =	strace $0xD0000000  }
0x3: {  	_ = 	snop  }
0x4: {  	_ = 	snop  }
0x5: {  	_ = 	snop  }
0x6: {  	_ = 	snop  }
0x7: {  	_ = 	snop  }
__scs_overlays_trampoline_lowered:
0x8: {  	[smem:$0x3F9A] =	sst s0  }
0x9: {  	[smem:$0x3F9B] =	sst s1  }
0xa: {  	[smem:$0x3F9C] =	sst s2  }
0xb: {  	[smem:$0x3F9D] =	sst s3  }
0xc: {  	[smem:$0x3F9E] =	sst s4  }
0xd: {  	[smem:$0x3F9F] =	sst s5  }
0xe: {  	[smem:$0x3FA0] =	sst s6  }
0xf: {  	[smem:$0x3FA1] =	sst s7  }
0x10: {  	[smem:$0x3FA2] =	sst s8  }
0x11: {  	[smem:$0x3FA3] =	sst s9;
	s0 =	simm.s32 @!p0 $0x0  }
0x12: {  	s1 =	sld [smem:$0x3F89];
	s0 =	simm.s32 @p0 $0x1  }
0x13: {  	[smem:$0x3FA4] =	sst s0;
	s0 =	simm.s32 @!p1 $0x0  }
0x14: {  	s2 =	sld [smem:$0x3F88];
	s0 =	simm.s32 @p1 $0x1  }
0x15: {  	[smem:$0x3FA5] =	sst s0;
	s0 =	simm.s32 @!p2 $0x0  }
0x16: {  	s3 =	sld [smem:$0x3FDB];
	s0 =	simm.s32 @p2 $0x1  }
0x17: {  	s4 =	simm.s32 $0x1BF5;
	[smem:$0x3FA7] =	sst s0  }
0x18: {  	s0 =	sld [smem:$0x3F8A];
	_ =	swait.ge [sflag:s4], $0x0  }
0x19: {  	s7 =	sld [smem:$0x3F8B]  }
0x1a: {  	s8 =	sadd.s32 $0xFFFFE003, lr  }
0x1b: {  	s9 =	sadd.s32 $0xFFFFFEF7, lr;
	s5 =	simm.s32 $0xFFFFFFFF;
	p2 =	slt.u32 s8, $0xFFFFF086  }
0x1c: {  	p1 =	slt.u32 s9, $0xF7A;
	s5 =	simm.s32 @!p2 $0x0  }
0x1d: {  	s5 =	simm.s32 @p1 $0x1;
	p0 =	seq.s32 s7, s2  }
0x1e: {  	s7 =	smul.u32 @!p0 $0xF7A, s2;
	p2 =	seq.s32 @!p0 s5, $0x0  }
0x1f: {  	s9 =	smul.u32 $0xF7A, s1;
	s8 =	simm.s32 @!p0 $0x1BF5;
	p2 =	por !p2, p0  }
0x20: {  	[sflag:s8] =	ssyncset.s32 @!p0 $0xFFFFF086;
	s6 =	sadd.s32 @!p0 s3, s7;
	s7 =	simm.s32 @!p0 $0x108  }
0x21: {  	s3 =	sadd.s32 s3, s9;
	s6 =	sadd.s32 @!p0 $0x88, s6;
	s7 =	simm.s32 @p2 $0x1082  }
0x22: {  	[simem:s7], [sflag:s8] =	dma.local @!p0 [hbm:s6], $0xF7A  }
0x23: {  	s9 =	sor.u32 $0xD0000000, s2;
	s6 =	simm.s32 $0x108;
	_ =	swait.ge @!p0 [sflag:s8], $0x0  }
0x24: {  	s3 =	sadd.s32 $0x88, s3;
	s6 =	simm.s32 @!p1 $0x1082;
	[sflag:s4] =	ssyncset.s32 $0xFFFFF086  }
0x25: {  	[simem:s6], [sflag:s4] =	dma.local [hbm:s3], $0xF7A  }
0x26: {  	[smem:$0x3F8B] =	sst s1;
	(tag) =	ssettag s2;
	_ =	strace s9  }
0x27: {  	s1 =	sld [smem:$0x3F9B]  }
0x28: {  	s2 =	sld [smem:$0x3F9C]  }
0x29: {  	s4 =	sld [smem:$0x3F9E]  }
0x2a: {  	p0 =	seq.s32 s5, $0x0;
	s5 =	sld [smem:$0x3F9F]  }
0x2b: {  	s6 =	sld [smem:$0x3FA0]  }
0x2c: {  	s7 =	sld [smem:$0x3FA1]  }
0x2d: {  	s3 =	simm.s32 $0x108;
	s8 =	sld [smem:$0x3FA2]  }
0x2e: {  	s3 =	simm.s32 @!p0 $0x1082;
	s9 =	sld [smem:$0x3FA3]  }
0x2f: {  	lr =	sadd.s32 s0, s3;
	s0 =	sld [smem:$0x3F9A]  }
0x30: {  	s3 =	sld [smem:$0x3F9D]  }
0x31: {  	[smem:$0x3FA6] =	sst s10  }
0x32: {  	s10 =	sld [smem:$0x3FA4];
	_ =	sdelay $0x3  }
0x33: {  	p0 =	seq.s32 s10, $0x1;
	s10 =	sld [smem:$0x3FA6];
	_ =	sdelay $0x3  }
0x34: {  	[smem:$0x3FA6] =	sst s10  }
0x35: {  	s10 =	sld [smem:$0x3FA5];
	_ =	sdelay $0x3  }
0x36: {  	p1 =	seq.s32 s10, $0x1;
	s10 =	sld [smem:$0x3FA6];
	_ =	sdelay $0x3  }
0x37: {  	[smem:$0x3FA6] =	sst s10  }
0x38: {  	s10 =	sld [smem:$0x3FA7]  }
0x39: {  	_ = 	snop;
	(pc) =	sbr.ind lr, $3  }
0x3a: {  	_ = 	snop  }
0x3b: {  	_ = 	snop  }
0x3c: {  	p2 =	seq.s32 s10, $0x1;
	s10 =	sld [smem:$0x3FA6]  }
0x3d: {  	_ =	shalt  }
0x3e: {  	_ =	shalt  }
0x3f: {  	_ =	shalt  }
0x40: {  	_ =	shalt  }
0x41: {  	_ =	shalt  }
0x42: {  	_ =	shalt  }
0x43: {  	_ =	shalt  }
0x44: {  	_ =	shalt  }
0x45: {  	_ =	shalt  }
0x46: {  	_ =	shalt  }
0x47: {  	_ =	shalt  }
0x48: {  	_ =	shalt  }
0x49: {  	_ =	shalt  }
0x4a: {  	_ =	shalt  }
0x4b: {  	_ =	shalt  }
0x4c: {  	_ =	shalt  }
0x4d: {  	_ =	shalt  }
0x4e: {  	_ =	shalt  }
0x4f: {  	_ =	shalt  }
0x50: {  	_ =	shalt  }
0x51: {  	_ =	shalt  }
0x52: {  	_ =	shalt  }
0x53: {  	_ =	shalt  }
0x54: {  	_ =	shalt  }
0x55: {  	_ =	shalt  }
0x56: {  	_ =	shalt  }
0x57: {  	_ =	shalt  }
0x58: {  	_ =	shalt  }
0x59: {  	_ =	shalt  }
0x5a: {  	_ =	shalt  }
0x5b: {  	_ =	shalt  }
0x5c: {  	_ =	shalt  }
0x5d: {  	_ =	shalt  }
0x5e: {  	_ =	shalt  }
0x5f: {  	_ =	shalt  }
0x60: {  	_ =	shalt  }
0x61: {  	_ =	shalt  }
0x62: {  	_ =	shalt  }
0x63: {  	_ =	shalt  }
0x64: {  	_ =	shalt  }
0x65: {  	_ =	shalt  }
0x66: {  	_ =	shalt  }
0x67: {  	_ =	shalt  }
0x68: {  	_ =	shalt  }
0x69: {  	_ =	shalt  }
0x6a: {  	_ =	shalt  }
0x6b: {  	_ =	shalt  }
0x6c: {  	_ =	shalt  }
0x6d: {  	_ =	shalt  }
0x6e: {  	_ =	shalt  }
0x6f: {  	_ =	shalt  }
0x70: {  	_ =	shalt  }
0x71: {  	_ =	shalt  }
0x72: {  	_ =	shalt  }
0x73: {  	_ =	shalt  }
0x74: {  	_ =	shalt  }
0x75: {  	_ =	shalt  }
0x76: {  	_ =	shalt  }
0x77: {  	_ =	shalt  }
0x78: {  	_ =	shalt  }
0x79: {  	_ =	shalt  }
0x7a: {  	_ =	shalt  }
0x7b: {  	_ =	shalt  }
0x7c: {  	_ =	shalt  }
0x7d: {  	_ =	shalt  }
0x7e: {  	_ =	shalt  }
0x7f: {  	_ =	shalt  }
0x80: {  	_ =	shalt  }
0x81: {  	_ =	shalt  }
0x82: {  	_ =	shalt  }
0x83: {  	_ =	shalt  }
0x84: {  	_ =	shalt  }
0x85: {  	_ =	shalt  }
0x86: {  	_ =	shalt  }
0x87: {  	_ =	shalt  }
.Lfunc_end0:
.L_simem_size_0:
called_computation.2_lowered:
.L_overlay_start_0:
0x88: {  	s2 =	sld [smem:$0x3FD9]  }
0x89: {  	s3 =	sld [smem:$0x3FFE];
	_ =	sdelay $0x1  }
0x8a: {  	s1 =	srdreg.scid  }
0x8b: {  	s0 =	sand.u32 $0x1, s1  }
0x8c: {  	s16 =	sshll.u32 s0, $0xA;
	s2 =	sadd.s32 s3, s2  }
0x8d: {  	s2 =	sadd.s32 s2, s16  }
0x8e: {  	[smem:$0x3FB2] =	sst s2  }
0x8f: {  	_ = 	snop  }
0x90: {  	(tm) =	ssettm $0x1  }
0x91: {  	s17 =	sld [smem:$0x3FFB];
	_ =	sdelay $0x3  }
0x92: {  	_ =	strace s17  }
0x93: {  	s2 =	sld [smem:$0x3FFC];
	_ =	sdelay $0x3  }
0x94: {  	_ =	strace s2  }
0x95: {  	s2 =	sld [smem:$0x3FFD];
	_ =	sdelay $0x3  }
0x96: {  	_ =	strace s2  }
0x97: {  	_ =	strace $0x8FFFFFFF  }
0x98: {  	s18 =	sld [smem:$0x3FDB];
	_ =	sdelay $0x1  }
0x99: {  	s19 =	simm.s32 $_scs_section_size  }
0x9a: {  	s4 =	simm.s32 $_size__tile_overlayer_lowered;
	s5 =	simm.s32 $_tile_overlayer_lowered  }
0x9b: {  	s22 =	simm.s32 $0x1BFF;
	s21 =	sshll.u32 s5, $0x1;
	s2 =	sadd.s32 s19, s18  }
0x9c: {  	s6 =	simm.s32 $0x0;
	s20 =	sshll.u32 s4, $0x1;
	s4 =	sadd.s32 s21, s2  }
0x9d: {  	[timem:s6], [sflag:s22] =	dma.local [hbm:s4], s20  }
0x9e: {  	_ =	swait.ge [sflag:s22], s20  }
0x9f: {  	s3 =	ssub.s32 $0x0, s20;
	[sflag:s22] =	ssyncset.done $0x0  }
0xa0: {  	[sflag:s22] =	ssyncadd.s32 s3;
	_ =	sdelay $0x1  }
0xa1: {  	s23 =	simm.s32 $0x1B8B  }
0xa2: {  	_ =	swait.ge [sflag:s23], $0x1  }
0xa3: {  	[sflag:s23] =	ssyncset.done $0x0  }
0xa4: {  	s25 =	simm.s32 $0x1B8E;
	s24 =	sld [smem:$0x3FFE];
	[sflag:s23] =	ssyncadd.s32 $0xFFFFFFFF  }
0xa5: {  	s26 =	simm.s32 $execute0_lowered;
	[smem:$0x3FD2] =	sst s25  }
0xa6: {  	s4 =	sshll.u32 s26, $0x1;
	_ =	strace $0x8000004C;
	[dreg:$0x1] =	wrdreg $0xFFFFFFFF  }
0xa7: {  	s28 =	simm.s32 $_size_execute0_lowered;
	s2 =	sadd.s32 s2, s4;
	[dreg:$0x0] =	wrdreg $0x0  }
0xa8: {  	s4 =	sshll.u32 s28, $0x1;
	[dreg:$0x2] =	wrdreg s2  }
0xa9: {  	[dreg:$0x3] =	wrdreg s4  }
0xaa: {  	[dreg:$0x4] =	wrdreg $0xC0  }
0xab: {  	_ =	task [dreg:s6], $0x5FFFF  }
0xac: {  	[dreg:$0x1] =	wrdreg $0xFFFFFFFF  }
0xad: {  	[dreg:$0x0] =	wrdreg $0x60  }
0xae: {  	[dreg:$0x2] =	wrdreg s24  }
0xaf: {  	[dreg:$0x3] =	wrdreg $0x0  }
0xb0: {  	[dreg:$0x4] =	wrdreg $0x9C400  }
0xb1: {  	[dreg:$0x5] =	wrdreg $0x9  }
0xb2: {  	_ =	task.clear_ibuf [dreg:s6], $0x6FFFF;
	_ =	strace $0x9000004C  }
0xb3: {  	s29 =	simm.s32 $0x9;
	_ =	strace $0x8000004E  }
0xb4: {  	_ =	swait.ge [sflag:s29], $0x1  }
0xb5: {  	[sflag:s29] =	ssyncadd.s32 $0xFFFFFFFF  }
0xb6: {  	_ =	strace $0x9000004E  }
0xb7: {  	_ =	sfence  }
0xb8: {  	s30 =	sld [smem:$0x0];
	_ =	sdelay $0x2  }
0xb9: {  	s31 =	sshll.u32 s1, $0xD;
	s1 =	sshrl.u32 s1, $0x2  }
0xba: {  	s3 =	sand.u32 $0x4000, s31;
	s1 =	sadd.s32 s1, s30  }
0xbb: {  	s0 =	sor.u32 s3, s0;
	s1 =	sshll.u32 s1, $0x11  }
0xbc: {  	s0 =	sor.u32 s1, s0  }
0xbd: {  	s0 =	sadd.s32 $0x8F2B, s0  }
0xbe: {  	[sflag:s0] =	ssyncadd.remote.s32 $0x1  }
0xbf: {  	_ =	sfence.sel $0xFFFF  }
0xc0: {  	[dreg:$0x0] =	wrdreg $0xFFFFFFFF;
	(pc) =	sbr.abs _section_cstart, $3  }
0xc1: {  	[dreg:$0x1] =	wrdreg $0xFFFFFFFF  }
0xc2: {  	_ =	task.clear_ibuf [dreg:s6], $0x2FFFF;
	_ =	strace $0x9FFFFFFF  }
0xc3: {  	(tm) =	ssettm $0x7FFFFFFF  }
tec
execute0_lowered:
.L_overlay_start_1:
0x0: {  	(tag) =	ssettag $0x1  }
0x1: {  	s0 =	rddreg [dreg:$0x0]  }
0x2: {  	s1 =	rddreg [dreg:$0x1]  }
0x3: {  	s2 =	rddreg [dreg:$0x2];
	s4 =	simm.s32 $0x0  }
0x4: {  	s3 =	srdreg.scid;
	s17 =	stileid.u32;
	s28 =	simm.s32 $0x18980  }
0x5: {  	s29 =	simm.s32 $0x1A980;
	s30 =	simm.s32 $0x1;
	s31 =	simm.s32 $0x2  }
0x6: {  	[smem:$0x7FF] =	sst s4;
	s3 =	sand.u32 $0x1, s3;
	s6 =	smul.u32 $0x13C00, s17  }
0x7: {  	s7 =	sadd.s32 $0x2C000, s0;
	s8 =	sadd.s32 $0x4000, s0;
	s9 =	sadd.s32 $0x18000, s0  }
0x8: {  	s0 =	sadd.s32 $0x7A200, s0;
	s12 =	smul.u32 $0xA000, s17;
	s19 =	sadd.s32 $0x128400, s1  }
0x9: {  	s13 =	smul.u32 $0x1400, s17;
	s15 =	sadd.s32 $0x128400, s2;
	p0 =	seq.s32 s17, $0xF  }
0xa: {  	s14 =	smul.u32 $0x138800, s3;
	_ =	strace $0x8000004D;
	s3 =	ssub.s32 $0x2, s3  }
0xb: {  	[dreg:$0x4] =	wrdreg s15;
	s19 =	sshrl.u32 @p0 s19, $0x3;
	s5 =	sshrl.u32 s3, $0x1  }
0xc: {  	s11 =	sadd.s32 s6, s1;
	s21 =	sadd.s32 s6, s2;
	s18 =	sadd.s32 s8, s13  }
0xd: {  	s20 =	sadd.s32 s9, s13;
	s10 =	sadd.s32 s6, s14;
	s3 =	ssub.s32 s3, s5  }
0xe: {  	s4 =	sshrl.u32 s14, $0x3;
	s14 =	sshrl.u32 s12, $0x3;
	[dreg:$0x5] =	wrdreg s18  }
0xf: {  	[dreg:$0x6] =	wrdreg s20;
	s20 =	sshrl.u32 @!p0 s11, $0x3;
	s21 =	sshrl.u32 @!p0 s21, $0x3  }
0x10: {  	s10 =	sshrl.u32 s10, $0x3;
	s4 =	sadd.s32 $0x25080, s4;
	s16 =	sadd.s32 $0x500, s14  }
0x11: {  	s23 =	sadd.s32 $0xA00, s14;
	s25 =	sadd.s32 $0xF00, s14;
	s18 =	smax.u32 s3, $0x1  }
0x12: {  	s3 =	simm.s32 $0x18880;
	s5 =	sadd.s32 s7, s10;
	s6 =	sadd.s32 s7, s4  }
0x13: {  	s22 =	sadd.s32 s8, s16;
	s7 =	sadd.s32 s9, s16;
	s16 =	smul.u32 $0x4F000, s17  }
0x14: {  	s24 =	sadd.s32 s8, s23;
	s8 =	sadd.s32 s8, s25;
	[dreg:$0x7] =	wrdreg s22  }
0x15: {  	s15 =	sadd.s32 s9, s25;
	s17 =	sadd.s32 s0, s4;
	[dreg:$0x8] =	wrdreg s7  }
0x16: {  	s4 =	simm.s32 $0x18900;
	[dreg:$0x9] =	wrdreg s24;
	s7 =	sadd.s32 s9, s23  }
0x17: {  	[dreg:$0xb] =	wrdreg s8;
	s22 =	simm.s32 $0x13980;
	s23 =	simm.s32 $0x3  }
0x18: {  	s24 =	simm.s32 $0x16180;
	[dreg:$0xa] =	wrdreg s7;
	s26 =	sshrl.u32 s16, $0x2  }
0x19: {  	s16 =	sadd.s32 s0, s10;
	s0 =	simm.s32 $0x16100;
	s7 =	sadd.s32 s26, s2  }
0x1a: {  	s26 =	simm.s32 $0x40;
	s25 =	sshrl.u32 @!p0 s7, $0x3;
	s7 =	simm.s32 $0x0  }
.LBB2_1:
0x1b: {  	s9 =	simm.s32 @p0 $0x1FC3;
	s10 =	simm.s32 @p0 $0x3  }
0x1c: {  	[spmem:s19], [sflag:s9] =	dma.local @p0 [hbm:s6], $0x2080  }
0x1d: {  	_ =	swait.ge @p0 [sflag:s10], $0x2080  }
0x1e: {  	[sflag:s10] =	ssyncset.done @p0 $0x0;
	s8 =	rddreg [dreg:$0x4]  }
0x1f: {  	[sflag:s10] =	ssyncadd.s32 @p0 $0xFFFFDF80;
	s8 =	sshrl.u32 @p0 s8, $0x3  }
0x20: {  	[spmem:s8], [sflag:s9] =	dma.local @p0 [hbm:s6], $0x2080  }
0x21: {  	s9 =	stileid.u32;
	_ =	swait.ge @p0 [sflag:s10], $0x2080  }
0x22: {  	s9 =	sshll.u32 @!p0 s9, $0x6;
	[sflag:s10] =	ssyncset.done @p0 $0x0  }
0x23: {  	s9 =	sor.u32 @!p0 $0x1C03, s9;
	[sflag:s10] =	ssyncadd.s32 @p0 $0xFFFFDF80;
	s10 =	simm.s32 @!p0 $0x3  }
0x24: {  	[spmem:s20], [sflag:s9] =	dma.local @!p0 [hbm:s5], $0x2780  }
0x25: {  	_ =	swait.ge @!p0 [sflag:s10], $0x2780  }
0x26: {  	[sflag:s10] =	ssyncset.done @!p0 $0x0  }
0x27: {  	[sflag:s10] =	ssyncadd.s32 @!p0 $0xFFFFD880  }
0x28: {  	[spmem:s21], [sflag:s9] =	dma.local @!p0 [hbm:s5], $0x2780  }
0x29: {  	_ =	swait.ge @!p0 [sflag:s10], $0x2780  }
0x2a: {  	[sflag:s10] =	ssyncset.done @!p0 $0x0  }
0x2b: {  	[sflag:s10] =	ssyncadd.s32 @!p0 $0xFFFFD880  }
0x2c: {  	[bflag:$0x0] =	sbarrier.arrive $0xFFFF  }
0x2d: {  	s13 =	simm.s32 $0x0;
	s11 =	rddreg [dreg:$0x5]  }
0x2e: {  	[tilespmem:s22], [sflag:$0x3] =	stream.linear.gather [hbm4b:s11+s13], $0x2800, $0x38;
	[tilespmem:$0x1C980] =	vst v63  }
0x2f: {  	_ =	swait.ge [sflag:s23], $0x2800  }
0x30: {  	[sflag:s23] =	ssyncset.done $0x0  }
0x31: {  	s14 =	rddreg [dreg:$0x6];
	[sflag:s23] =	ssyncadd.s32 $0xFFFFD800  }
0x32: {  	[tilespmem:s24], [sflag:$0x3] =	stream.linear.gather [hbm4b:s14+s13], $0x2800, $0x38;
	[tilespmem:$0x1C980] =	vst v63  }
0x33: {  	_ =	swait.ge [sflag:s23], $0x2800  }
0x34: {  	[sflag:s23] =	ssyncset.done $0x0  }
0x35: {  	[sflag:s23] =	ssyncadd.s32 $0xFFFFD800  }
0x36: {  	[tilespmem:s28], [sflag:$0x1] =	stream.indirect.gather [spmem:s1], $0x40, s22, s26, $0xb8;
	[tilespmem:$0x1C980] =	vst v63  }
0x37: {  	s11 =	simm.s32 $0x13A00  }
0x38: {  	[tilespmem:s29], [sflag:$0x2] =	stream.indirect.gather [spmem:s1], $0x40, s11, s26, $0xb8;
	[tilespmem:$0x1C980] =	vst v63  }
0x39: {  	_ =	swait.ge [sflag:s30], $0x1000  }
0x3a: {  	[sflag:s30] =	ssyncset.done $0x0  }
0x3b: {  	s12 =	simm.s32 $0x16180;
	[sflag:s30] =	ssyncadd.s32 $0xFFFFF000  }
0x3c: {  	[spmem:s2] =	stream.indirect.scatter.add.f32 [tilespmem:s28], [sflag:$0x3], $0x40, s12, s26, $0xb8;
	[tilespmem:$0x1C980] =	vst v63  }
0x3d: {  	_ =	swait.ge [sflag:s23], $0x1000  }
0x3e: {  	[sflag:s23] =	ssyncset.done $0x0  }
0x3f: {  	s13 =	simm.s32 $0x13A80;
	[sflag:s23] =	ssyncadd.s32 $0xFFFFF000  }
0x40: {  	[tilespmem:s28], [sflag:$0x1] =	stream.indirect.gather [spmem:s1], $0x40, s13, s26, $0xb8;
	[tilespmem:$0x1C980] =	vst v63  }
0x41: {  	_ =	swait.ge [sflag:s31], $0x1000  }
0x42: {  	[sflag:s31] =	ssyncset.done $0x0  }
0x43: {  	s14 =	simm.s32 $0x16200;
	[sflag:s31] =	ssyncadd.s32 $0xFFFFF000  }
0x44: {  	[spmem:s2] =	stream.indirect.scatter.add.f32 [tilespmem:s29], [sflag:$0x3], $0x40, s14, s26, $0xb8;
	[tilespmem:$0x1C980] =	vst v63  }
0x45: {  	_ =	swait.ge [sflag:s23], $0x1000  }
0x46: {  	s10 =	simm.s32 $0x100;
	s11 =	simm.s32 $0x800;
	[sflag:s23] =	ssyncset.done $0x0  }
.LBB2_2:
0x47: {  	s12 =	sadd.s32 $0x13A00, s10  }
0x48: {  	[sflag:s23] =	ssyncadd.s32 $0xFFFFF000;
	s13 =	smov.u32 s11;
	s14 =	sadd.s32 $0x400, s11  }
0x49: {  	[tilespmem:s29], [sflag:$0x2] =	stream.indirect.gather [spmem:s1], $0x40, s12, s26, $0xb8;
	[tilespmem:$0x1C980] =	vst v63  }
0x4a: {  	p1 =	sne.s32 s11, $0x9800;
	_ =	swait.ge [sflag:s30], $0x1000  }
0x4b: {  	[sflag:s30] =	ssyncset.done $0x0  }
0x4c: {  	s11 =	sadd.s32 $0x16180, s10;
	[sflag:s30] =	ssyncadd.s32 $0xFFFFF000  }
0x4d: {  	[spmem:s2] =	stream.indirect.scatter.add.f32 [tilespmem:s28], [sflag:$0x3], $0x40, s11, s26, $0xb8;
	[tilespmem:$0x1C980] =	vst v63  }
0x4e: {  	_ =	swait.ge [sflag:s23], $0x1000  }
0x4f: {  	[sflag:s23] =	ssyncset.done $0x0  }
0x50: {  	s11 =	sadd.s32 $0x13A80, s10;
	[sflag:s23] =	ssyncadd.s32 $0xFFFFF000  }
0x51: {  	[tilespmem:s28], [sflag:$0x1] =	stream.indirect.gather [spmem:s1], $0x40, s11, s26, $0xb8;
	[tilespmem:$0x1C980] =	vst v63  }
0x52: {  	_ =	swait.ge [sflag:s31], $0x1000  }
.Ltmp0:
0x53: {  	[sflag:s31] =	ssyncset.done $0x0;
	(pc) =	sbr.rel @p1 .LBB2_2-.Ltmp0, $4  }
0x54: {  	s10 =	sadd.s32 $0x16200, s10;
	[sflag:s31] =	ssyncadd.s32 $0xFFFFF000  }
0x55: {  	[spmem:s2] =	stream.indirect.scatter.add.f32 [tilespmem:s29], [sflag:$0x3], $0x40, s10, s26, $0xb8;
	[tilespmem:$0x1C980] =	vst v63  }
0x56: {  	_ =	swait.ge [sflag:s23], $0x1000  }
0x57: {  	s11 =	smov.u32 s14;
	s10 =	sshra.s32 s13, $0x2;
	[sflag:s23] =	ssyncset.done $0x0  }
0x58: {  	s11 =	sadd.s32 $0x13A00, s10;
	[sflag:s23] =	ssyncadd.s32 $0xFFFFF000  }
0x59: {  	[tilespmem:s29], [sflag:$0x2] =	stream.indirect.gather [spmem:s1], $0x40, s11, s26, $0xb8;
	[tilespmem:$0x1C980] =	vst v63  }
0x5a: {  	_ =	swait.ge [sflag:s30], $0x1000  }
0x5b: {  	[sflag:s30] =	ssyncset.done $0x0  }
0x5c: {  	s13 =	sadd.s32 $0x16180, s10;
	[sflag:s30] =	ssyncadd.s32 $0xFFFFF000  }
0x5d: {  	[spmem:s2] =	stream.indirect.scatter.add.f32 [tilespmem:s28], [sflag:$0x3], $0x40, s13, s26, $0xb8;
	[tilespmem:$0x1C980] =	vst v63  }
0x5e: {  	_ =	swait.ge [sflag:s23], $0x1000  }
0x5f: {  	[sflag:s23] =	ssyncset.done $0x0  }
0x60: {  	s14 =	sadd.s32 $0x13A80, s10;
	[sflag:s23] =	ssyncadd.s32 $0xFFFFF000  }
0x61: {  	[tilespmem:s28], [sflag:$0x1] =	stream.indirect.gather [spmem:s1], $0x40, s14, s26, $0xb8;
	[tilespmem:$0x1C980] =	vst v63  }
0x62: {  	_ =	swait.ge [sflag:s31], $0x1000  }
0x63: {  	[sflag:s31] =	ssyncset.done $0x0  }
0x64: {  	s11 =	sadd.s32 $0x16200, s10;
	[sflag:s31] =	ssyncadd.s32 $0xFFFFF000  }
0x65: {  	[spmem:s2] =	stream.indirect.scatter.add.f32 [tilespmem:s29], [sflag:$0x3], $0x40, s11, s26, $0xb8;
	[tilespmem:$0x1C980] =	vst v63  }
0x66: {  	_ =	swait.ge [sflag:s23], $0x1000  }
0x67: {  	[sflag:s23] =	ssyncset.done $0x0  }
0x68: {  	[sflag:s23] =	ssyncadd.s32 $0xFFFFF000  }
0x69: {  	[tilespmem:s29], [sflag:$0x2] =	stream.indirect.gather [spmem:s1], $0x40, s0, s26, $0xb8;
	[tilespmem:$0x1C980] =	vst v63  }
0x6a: {  	_ =	swait.ge [sflag:s30], $0x1000  }
0x6b: {  	[sflag:s30] =	ssyncset.done $0x0  }
0x6c: {  	[sflag:s30] =	ssyncadd.s32 $0xFFFFF000  }
0x6d: {  	[spmem:s2] =	stream.indirect.scatter.add.f32 [tilespmem:s28], [sflag:$0x3], $0x40, s3, s26, $0xb8;
	[tilespmem:$0x1C980] =	vst v63  }
0x6e: {  	_ =	swait.ge [sflag:s23], $0x1000  }
0x6f: {  	[sflag:s23] =	ssyncset.done $0x0  }
0x70: {  	[sflag:s23] =	ssyncadd.s32 $0xFFFFF000  }
0x71: {  	_ =	swait.ge [sflag:s31], $0x1000  }
0x72: {  	[sflag:s31] =	ssyncset.done $0x0  }
0x73: {  	[sflag:s31] =	ssyncadd.s32 $0xFFFFF000  }
0x74: {  	[spmem:s2] =	stream.indirect.scatter.add.f32 [tilespmem:s29], [sflag:$0x3], $0x40, s4, s26, $0xb8;
	[tilespmem:$0x1C980] =	vst v63  }
0x75: {  	_ =	swait.ge [sflag:s23], $0x1000  }
0x76: {  	[sflag:s23] =	ssyncset.done $0x0  }
0x77: {  	s12 =	simm.s32 $0x0;
	s13 =	rddreg [dreg:$0x7];
	[sflag:s23] =	ssyncadd.s32 $0xFFFFF000  }
0x78: {  	[tilespmem:s22], [sflag:$0x3] =	stream.linear.gather [hbm4b:s13+s12], $0x2800, $0x38;
	[tilespmem:$0x1C980] =	vst v63  }
0x79: {  	_ =	swait.ge [sflag:s23], $0x2800  }
0x7a: {  	[sflag:s23] =	ssyncset.done $0x0  }
0x7b: {  	s14 =	rddreg [dreg:$0x8];
	[sflag:s23] =	ssyncadd.s32 $0xFFFFD800  }
0x7c: {  	[tilespmem:s24], [sflag:$0x3] =	stream.linear.gather [hbm4b:s14+s12], $0x2800, $0x38;
	[tilespmem:$0x1C980] =	vst v63  }
0x7d: {  	_ =	swait.ge [sflag:s23], $0x2800  }
0x7e: {  	[sflag:s23] =	ssyncset.done $0x0  }
0x7f: {  	[sflag:s23] =	ssyncadd.s32 $0xFFFFD800  }
0x80: {  	[tilespmem:s28], [sflag:$0x1] =	stream.indirect.gather [spmem:s1], $0x40, s22, s26, $0xb8;
	[tilespmem:$0x1C980] =	vst v63  }
0x81: {  	s11 =	simm.s32 $0x13A00  }
0x82: {  	[tilespmem:s29], [sflag:$0x2] =	stream.indirect.gather [spmem:s1], $0x40, s11, s26, $0xb8;
	[tilespmem:$0x1C980] =	vst v63  }
0x83: {  	_ =	swait.ge [sflag:s30], $0x1000  }
0x84: {  	[sflag:s30] =	ssyncset.done $0x0  }
0x85: {  	s12 =	simm.s32 $0x16180;
	[sflag:s30] =	ssyncadd.s32 $0xFFFFF000  }
0x86: {  	[spmem:s2] =	stream.indirect.scatter.add.f32 [tilespmem:s28], [sflag:$0x3], $0x40, s12, s26, $0xb8;
	[tilespmem:$0x1C980] =	vst v63  }
0x87: {  	_ =	swait.ge [sflag:s23], $0x1000  }
0x88: {  	[sflag:s23] =	ssyncset.done $0x0  }
0x89: {  	s13 =	simm.s32 $0x13A80;
	[sflag:s23] =	ssyncadd.s32 $0xFFFFF000  }
0x8a: {  	[tilespmem:s28], [sflag:$0x1] =	stream.indirect.gather [spmem:s1], $0x40, s13, s26, $0xb8;
	[tilespmem:$0x1C980] =	vst v63  }
0x8b: {  	_ =	swait.ge [sflag:s31], $0x1000  }
0x8c: {  	[sflag:s31] =	ssyncset.done $0x0  }
0x8d: {  	s14 =	simm.s32 $0x16200;
	[sflag:s31] =	ssyncadd.s32 $0xFFFFF000  }
0x8e: {  	[spmem:s2] =	stream.indirect.scatter.add.f32 [tilespmem:s29], [sflag:$0x3], $0x40, s14, s26, $0xb8;
	[tilespmem:$0x1C980] =	vst v63  }
0x8f: {  	_ =	swait.ge [sflag:s23], $0x1000  }
0x90: {  	s10 =	simm.s32 $0x100;
	s11 =	simm.s32 $0x800;
	[sflag:s23] =	ssyncset.done $0x0  }
.LBB2_4:
0x91: {  	s12 =	sadd.s32 $0x13A00, s10  }
0x92: {  	[sflag:s23] =	ssyncadd.s32 $0xFFFFF000;
	s13 =	smov.u32 s11;
	s14 =	sadd.s32 $0x400, s11  }
0x93: {  	[tilespmem:s29], [sflag:$0x2] =	stream.indirect.gather [spmem:s1], $0x40, s12, s26, $0xb8;
	[tilespmem:$0x1C980] =	vst v63  }
0x94: {  	p1 =	sne.s32 s11, $0x9800;
	_ =	swait.ge [sflag:s30], $0x1000  }
0x95: {  	[sflag:s30] =	ssyncset.done $0x0  }
0x96: {  	s11 =	sadd.s32 $0x16180, s10;
	[sflag:s30] =	ssyncadd.s32 $0xFFFFF000  }
0x97: {  	[spmem:s2] =	stream.indirect.scatter.add.f32 [tilespmem:s28], [sflag:$0x3], $0x40, s11, s26, $0xb8;
	[tilespmem:$0x1C980] =	vst v63  }
0x98: {  	_ =	swait.ge [sflag:s23], $0x1000  }
0x99: {  	[sflag:s23] =	ssyncset.done $0x0  }
0x9a: {  	s11 =	sadd.s32 $0x13A80, s10;
	[sflag:s23] =	ssyncadd.s32 $0xFFFFF000  }
0x9b: {  	[tilespmem:s28], [sflag:$0x1] =	stream.indirect.gather [spmem:s1], $0x40, s11, s26, $0xb8;
	[tilespmem:$0x1C980] =	vst v63  }
0x9c: {  	_ =	swait.ge [sflag:s31], $0x1000  }
.Ltmp1:
0x9d: {  	[sflag:s31] =	ssyncset.done $0x0;
	(pc) =	sbr.rel @p1 .LBB2_4-.Ltmp1, $4  }
0x9e: {  	s10 =	sadd.s32 $0x16200, s10;
	[sflag:s31] =	ssyncadd.s32 $0xFFFFF000  }
0x9f: {  	[spmem:s2] =	stream.indirect.scatter.add.f32 [tilespmem:s29], [sflag:$0x3], $0x40, s10, s26, $0xb8;
	[tilespmem:$0x1C980] =	vst v63  }
0xa0: {  	_ =	swait.ge [sflag:s23], $0x1000  }
0xa1: {  	s11 =	smov.u32 s14;
	s10 =	sshra.s32 s13, $0x2;
	[sflag:s23] =	ssyncset.done $0x0  }
0xa2: {  	s11 =	sadd.s32 $0x13A00, s10;
	[sflag:s23] =	ssyncadd.s32 $0xFFFFF000  }
0xa3: {  	[tilespmem:s29], [sflag:$0x2] =	stream.indirect.gather [spmem:s1], $0x40, s11, s26, $0xb8;
	[tilespmem:$0x1C980] =	vst v63  }
0xa4: {  	_ =	swait.ge [sflag:s30], $0x1000  }
0xa5: {  	[sflag:s30] =	ssyncset.done $0x0  }
0xa6: {  	s13 =	sadd.s32 $0x16180, s10;
	[sflag:s30] =	ssyncadd.s32 $0xFFFFF000  }
0xa7: {  	[spmem:s2] =	stream.indirect.scatter.add.f32 [tilespmem:s28], [sflag:$0x3], $0x40, s13, s26, $0xb8;
	[tilespmem:$0x1C980] =	vst v63  }
0xa8: {  	_ =	swait.ge [sflag:s23], $0x1000  }
0xa9: {  	[sflag:s23] =	ssyncset.done $0x0  }
0xaa: {  	s14 =	sadd.s32 $0x13A80, s10;
	[sflag:s23] =	ssyncadd.s32 $0xFFFFF000  }
0xab: {  	[tilespmem:s28], [sflag:$0x1] =	stream.indirect.gather [spmem:s1], $0x40, s14, s26, $0xb8;
	[tilespmem:$0x1C980] =	vst v63  }
0xac: {  	_ =	swait.ge [sflag:s31], $0x1000  }
0xad: {  	[sflag:s31] =	ssyncset.done $0x0  }
0xae: {  	s11 =	sadd.s32 $0x16200, s10;
	[sflag:s31] =	ssyncadd.s32 $0xFFFFF000  }
0xaf: {  	[spmem:s2] =	stream.indirect.scatter.add.f32 [tilespmem:s29], [sflag:$0x3], $0x40, s11, s26, $0xb8;
	[tilespmem:$0x1C980] =	vst v63  }
0xb0: {  	_ =	swait.ge [sflag:s23], $0x1000  }
0xb1: {  	[sflag:s23] =	ssyncset.done $0x0  }
0xb2: {  	[sflag:s23] =	ssyncadd.s32 $0xFFFFF000  }
0xb3: {  	[tilespmem:s29], [sflag:$0x2] =	stream.indirect.gather [spmem:s1], $0x40, s0, s26, $0xb8;
	[tilespmem:$0x1C980] =	vst v63  }
0xb4: {  	_ =	swait.ge [sflag:s30], $0x1000  }
0xb5: {  	[sflag:s30] =	ssyncset.done $0x0  }
0xb6: {  	[sflag:s30] =	ssyncadd.s32 $0xFFFFF000  }
0xb7: {  	[spmem:s2] =	stream.indirect.scatter.add.f32 [tilespmem:s28], [sflag:$0x3], $0x40, s3, s26, $0xb8;
	[tilespmem:$0x1C980] =	vst v63  }
0xb8: {  	_ =	swait.ge [sflag:s23], $0x1000  }
0xb9: {  	[sflag:s23] =	ssyncset.done $0x0  }
0xba: {  	[sflag:s23] =	ssyncadd.s32 $0xFFFFF000  }
0xbb: {  	_ =	swait.ge [sflag:s31], $0x1000  }
0xbc: {  	[sflag:s31] =	ssyncset.done $0x0  }
0xbd: {  	[sflag:s31] =	ssyncadd.s32 $0xFFFFF000  }
0xbe: {  	[spmem:s2] =	stream.indirect.scatter.add.f32 [tilespmem:s29], [sflag:$0x3], $0x40, s4, s26, $0xb8;
	[tilespmem:$0x1C980] =	vst v63  }
0xbf: {  	_ =	swait.ge [sflag:s23], $0x1000  }
0xc0: {  	[sflag:s23] =	ssyncset.done $0x0  }
0xc1: {  	s12 =	simm.s32 $0x0;
	s13 =	rddreg [dreg:$0x9];
	[sflag:s23] =	ssyncadd.s32 $0xFFFFF000  }
0xc2: {  	[tilespmem:s22], [sflag:$0x3] =	stream.linear.gather [hbm4b:s13+s12], $0x2800, $0x38;
	[tilespmem:$0x1C980] =	vst v63  }
0xc3: {  	_ =	swait.ge [sflag:s23], $0x2800  }
0xc4: {  	[sflag:s23] =	ssyncset.done $0x0  }
0xc5: {  	s14 =	rddreg [dreg:$0xa];
	[sflag:s23] =	ssyncadd.s32 $0xFFFFD800  }
0xc6: {  	[tilespmem:s24], [sflag:$0x3] =	stream.linear.gather [hbm4b:s14+s12], $0x2800, $0x38;
	[tilespmem:$0x1C980] =	vst v63  }
0xc7: {  	_ =	swait.ge [sflag:s23], $0x2800  }
0xc8: {  	[sflag:s23] =	ssyncset.done $0x0  }
0xc9: {  	[sflag:s23] =	ssyncadd.s32 $0xFFFFD800  }
0xca: {  	[tilespmem:s28], [sflag:$0x1] =	stream.indirect.gather [spmem:s1], $0x40, s22, s26, $0xb8;
	[tilespmem:$0x1C980] =	vst v63  }
0xcb: {  	s11 =	simm.s32 $0x13A00  }
0xcc: {  	[tilespmem:s29], [sflag:$0x2] =	stream.indirect.gather [spmem:s1], $0x40, s11, s26, $0xb8;
	[tilespmem:$0x1C980] =	vst v63  }
0xcd: {  	_ =	swait.ge [sflag:s30], $0x1000  }
0xce: {  	[sflag:s30] =	ssyncset.done $0x0  }
0xcf: {  	s12 =	simm.s32 $0x16180;
	[sflag:s30] =	ssyncadd.s32 $0xFFFFF000  }
0xd0: {  	[spmem:s2] =	stream.indirect.scatter.add.f32 [tilespmem:s28], [sflag:$0x3], $0x40, s12, s26, $0xb8;
	[tilespmem:$0x1C980] =	vst v63  }
0xd1: {  	_ =	swait.ge [sflag:s23], $0x1000  }
0xd2: {  	[sflag:s23] =	ssyncset.done $0x0  }
0xd3: {  	s13 =	simm.s32 $0x13A80;
	[sflag:s23] =	ssyncadd.s32 $0xFFFFF000  }
0xd4: {  	[tilespmem:s28], [sflag:$0x1] =	stream.indirect.gather [spmem:s1], $0x40, s13, s26, $0xb8;
	[tilespmem:$0x1C980] =	vst v63  }
0xd5: {  	_ =	swait.ge [sflag:s31], $0x1000  }
0xd6: {  	[sflag:s31] =	ssyncset.done $0x0  }
0xd7: {  	s14 =	simm.s32 $0x16200;
	[sflag:s31] =	ssyncadd.s32 $0xFFFFF000  }
0xd8: {  	[spmem:s2] =	stream.indirect.scatter.add.f32 [tilespmem:s29], [sflag:$0x3], $0x40, s14, s26, $0xb8;
	[tilespmem:$0x1C980] =	vst v63  }
0xd9: {  	_ =	swait.ge [sflag:s23], $0x1000  }
0xda: {  	s10 =	simm.s32 $0x100;
	s11 =	simm.s32 $0x800;
	[sflag:s23] =	ssyncset.done $0x0  }
.LBB2_6:
0xdb: {  	s12 =	sadd.s32 $0x13A00, s10  }
0xdc: {  	[sflag:s23] =	ssyncadd.s32 $0xFFFFF000;
	s13 =	smov.u32 s11;
	s14 =	sadd.s32 $0x400, s11  }
0xdd: {  	[tilespmem:s29], [sflag:$0x2] =	stream.indirect.gather [spmem:s1], $0x40, s12, s26, $0xb8;
	[tilespmem:$0x1C980] =	vst v63  }
0xde: {  	p1 =	sne.s32 s11, $0x9800;
	_ =	swait.ge [sflag:s30], $0x1000  }
0xdf: {  	[sflag:s30] =	ssyncset.done $0x0  }
0xe0: {  	s11 =	sadd.s32 $0x16180, s10;
	[sflag:s30] =	ssyncadd.s32 $0xFFFFF000  }
0xe1: {  	[spmem:s2] =	stream.indirect.scatter.add.f32 [tilespmem:s28], [sflag:$0x3], $0x40, s11, s26, $0xb8;
	[tilespmem:$0x1C980] =	vst v63  }
0xe2: {  	_ =	swait.ge [sflag:s23], $0x1000  }
0xe3: {  	[sflag:s23] =	ssyncset.done $0x0  }
0xe4: {  	s11 =	sadd.s32 $0x13A80, s10;
	[sflag:s23] =	ssyncadd.s32 $0xFFFFF000  }
0xe5: {  	[tilespmem:s28], [sflag:$0x1] =	stream.indirect.gather [spmem:s1], $0x40, s11, s26, $0xb8;
	[tilespmem:$0x1C980] =	vst v63  }
0xe6: {  	_ =	swait.ge [sflag:s31], $0x1000  }
.Ltmp2:
0xe7: {  	[sflag:s31] =	ssyncset.done $0x0;
	(pc) =	sbr.rel @p1 .LBB2_6-.Ltmp2, $4  }
0xe8: {  	s10 =	sadd.s32 $0x16200, s10;
	[sflag:s31] =	ssyncadd.s32 $0xFFFFF000  }
0xe9: {  	[spmem:s2] =	stream.indirect.scatter.add.f32 [tilespmem:s29], [sflag:$0x3], $0x40, s10, s26, $0xb8;
	[tilespmem:$0x1C980] =	vst v63  }
0xea: {  	_ =	swait.ge [sflag:s23], $0x1000  }
0xeb: {  	s11 =	smov.u32 s14;
	s10 =	sshra.s32 s13, $0x2;
	[sflag:s23] =	ssyncset.done $0x0  }
0xec: {  	s11 =	sadd.s32 $0x13A00, s10;
	[sflag:s23] =	ssyncadd.s32 $0xFFFFF000  }
0xed: {  	[tilespmem:s29], [sflag:$0x2] =	stream.indirect.gather [spmem:s1], $0x40, s11, s26, $0xb8;
	[tilespmem:$0x1C980] =	vst v63  }
0xee: {  	_ =	swait.ge [sflag:s30], $0x1000  }
0xef: {  	[sflag:s30] =	ssyncset.done $0x0  }
0xf0: {  	s13 =	sadd.s32 $0x16180, s10;
	[sflag:s30] =	ssyncadd.s32 $0xFFFFF000  }
0xf1: {  	[spmem:s2] =	stream.indirect.scatter.add.f32 [tilespmem:s28], [sflag:$0x3], $0x40, s13, s26, $0xb8;
	[tilespmem:$0x1C980] =	vst v63  }
0xf2: {  	_ =	swait.ge [sflag:s23], $0x1000  }
0xf3: {  	[sflag:s23] =	ssyncset.done $0x0  }
0xf4: {  	s14 =	sadd.s32 $0x13A80, s10;
	[sflag:s23] =	ssyncadd.s32 $0xFFFFF000  }
0xf5: {  	[tilespmem:s28], [sflag:$0x1] =	stream.indirect.gather [spmem:s1], $0x40, s14, s26, $0xb8;
	[tilespmem:$0x1C980] =	vst v63  }
0xf6: {  	_ =	swait.ge [sflag:s31], $0x1000  }
0xf7: {  	[sflag:s31] =	ssyncset.done $0x0  }
0xf8: {  	s12 =	sadd.s32 $0x16200, s10;
	[sflag:s31] =	ssyncadd.s32 $0xFFFFF000  }
0xf9: {  	[spmem:s2] =	stream.indirect.scatter.add.f32 [tilespmem:s29], [sflag:$0x3], $0x40, s12, s26, $0xb8;
	[tilespmem:$0x1C980] =	vst v63  }
0xfa: {  	_ =	swait.ge [sflag:s23], $0x1000  }
0xfb: {  	[sflag:s23] =	ssyncset.done $0x0  }
0xfc: {  	[sflag:s23] =	ssyncadd.s32 $0xFFFFF000  }
0xfd: {  	[tilespmem:s29], [sflag:$0x2] =	stream.indirect.gather [spmem:s1], $0x40, s0, s26, $0xb8;
	[tilespmem:$0x1C980] =	vst v63  }
0xfe: {  	_ =	swait.ge [sflag:s30], $0x1000  }
0xff: {  	[sflag:s30] =	ssyncset.done $0x0  }
0x100: {  	[sflag:s30] =	ssyncadd.s32 $0xFFFFF000  }
0x101: {  	[spmem:s2] =	stream.indirect.scatter.add.f32 [tilespmem:s28], [sflag:$0x3], $0x40, s3, s26, $0xb8;
	[tilespmem:$0x1C980] =	vst v63  }
0x102: {  	_ =	swait.ge [sflag:s23], $0x1000  }
0x103: {  	[sflag:s23] =	ssyncset.done $0x0  }
0x104: {  	[sflag:s23] =	ssyncadd.s32 $0xFFFFF000  }
0x105: {  	_ =	swait.ge [sflag:s31], $0x1000  }
0x106: {  	[sflag:s31] =	ssyncset.done $0x0  }
0x107: {  	[sflag:s31] =	ssyncadd.s32 $0xFFFFF000  }
0x108: {  	[spmem:s2] =	stream.indirect.scatter.add.f32 [tilespmem:s29], [sflag:$0x3], $0x40, s4, s26, $0xb8;
	[tilespmem:$0x1C980] =	vst v63  }
0x109: {  	_ =	swait.ge [sflag:s23], $0x1000  }
0x10a: {  	[sflag:s23] =	ssyncset.done $0x0  }
0x10b: {  	s13 =	simm.s32 $0x0;
	s14 =	rddreg [dreg:$0xb];
	[sflag:s23] =	ssyncadd.s32 $0xFFFFF000  }
0x10c: {  	[tilespmem:s22], [sflag:$0x3] =	stream.linear.gather [hbm4b:s14+s13], $0x2800, $0x38;
	[tilespmem:$0x1C980] =	vst v63  }
0x10d: {  	_ =	swait.ge [sflag:s23], $0x2800  }
0x10e: {  	[sflag:s23] =	ssyncset.done $0x0  }
0x10f: {  	[sflag:s23] =	ssyncadd.s32 $0xFFFFD800  }
0x110: {  	[tilespmem:s24], [sflag:$0x3] =	stream.linear.gather [hbm4b:s15+s13], $0x2800, $0x38;
	[tilespmem:$0x1C980] =	vst v63  }
0x111: {  	_ =	swait.ge [sflag:s23], $0x2800  }
0x112: {  	[sflag:s23] =	ssyncset.done $0x0  }
0x113: {  	[sflag:s23] =	ssyncadd.s32 $0xFFFFD800  }
0x114: {  	[tilespmem:s28], [sflag:$0x1] =	stream.indirect.gather [spmem:s1], $0x40, s22, s26, $0xb8;
	[tilespmem:$0x1C980] =	vst v63  }
0x115: {  	s11 =	simm.s32 $0x13A00  }
0x116: {  	[tilespmem:s29], [sflag:$0x2] =	stream.indirect.gather [spmem:s1], $0x40, s11, s26, $0xb8;
	[tilespmem:$0x1C980] =	vst v63  }
0x117: {  	_ =	swait.ge [sflag:s30], $0x1000  }
0x118: {  	[sflag:s30] =	ssyncset.done $0x0  }
0x119: {  	s12 =	simm.s32 $0x16180;
	[sflag:s30] =	ssyncadd.s32 $0xFFFFF000  }
0x11a: {  	[spmem:s2] =	stream.indirect.scatter.add.f32 [tilespmem:s28], [sflag:$0x3], $0x40, s12, s26, $0xb8;
	[tilespmem:$0x1C980] =	vst v63  }
0x11b: {  	_ =	swait.ge [sflag:s23], $0x1000  }
0x11c: {  	[sflag:s23] =	ssyncset.done $0x0  }
0x11d: {  	s13 =	simm.s32 $0x13A80;
	[sflag:s23] =	ssyncadd.s32 $0xFFFFF000  }
0x11e: {  	[tilespmem:s28], [sflag:$0x1] =	stream.indirect.gather [spmem:s1], $0x40, s13, s26, $0xb8;
	[tilespmem:$0x1C980] =	vst v63  }
0x11f: {  	_ =	swait.ge [sflag:s31], $0x1000  }
0x120: {  	[sflag:s31] =	ssyncset.done $0x0  }
0x121: {  	s14 =	simm.s32 $0x16200;
	[sflag:s31] =	ssyncadd.s32 $0xFFFFF000  }
0x122: {  	[spmem:s2] =	stream.indirect.scatter.add.f32 [tilespmem:s29], [sflag:$0x3], $0x40, s14, s26, $0xb8;
	[tilespmem:$0x1C980] =	vst v63  }
0x123: {  	_ =	swait.ge [sflag:s23], $0x1000  }
0x124: {  	s10 =	simm.s32 $0x100;
	s11 =	simm.s32 $0x800;
	[sflag:s23] =	ssyncset.done $0x0  }
.LBB2_8:
0x125: {  	s12 =	sadd.s32 $0x13A00, s10  }
0x126: {  	[sflag:s23] =	ssyncadd.s32 $0xFFFFF000;
	s13 =	smov.u32 s11;
	s14 =	sadd.s32 $0x400, s11  }
0x127: {  	[tilespmem:s29], [sflag:$0x2] =	stream.indirect.gather [spmem:s1], $0x40, s12, s26, $0xb8;
	[tilespmem:$0x1C980] =	vst v63  }
0x128: {  	p1 =	sne.s32 s11, $0x9800;
	_ =	swait.ge [sflag:s30], $0x1000  }
0x129: {  	[sflag:s30] =	ssyncset.done $0x0  }
0x12a: {  	s11 =	sadd.s32 $0x16180, s10;
	[sflag:s30] =	ssyncadd.s32 $0xFFFFF000  }
0x12b: {  	[spmem:s2] =	stream.indirect.scatter.add.f32 [tilespmem:s28], [sflag:$0x3], $0x40, s11, s26, $0xb8;
	[tilespmem:$0x1C980] =	vst v63  }
0x12c: {  	_ =	swait.ge [sflag:s23], $0x1000  }
0x12d: {  	[sflag:s23] =	ssyncset.done $0x0  }
0x12e: {  	s11 =	sadd.s32 $0x13A80, s10;
	[sflag:s23] =	ssyncadd.s32 $0xFFFFF000  }
0x12f: {  	[tilespmem:s28], [sflag:$0x1] =	stream.indirect.gather [spmem:s1], $0x40, s11, s26, $0xb8;
	[tilespmem:$0x1C980] =	vst v63  }
0x130: {  	_ =	swait.ge [sflag:s31], $0x1000  }
.Ltmp3:
0x131: {  	[sflag:s31] =	ssyncset.done $0x0;
	(pc) =	sbr.rel @p1 .LBB2_8-.Ltmp3, $4  }
0x132: {  	s10 =	sadd.s32 $0x16200, s10;
	[sflag:s31] =	ssyncadd.s32 $0xFFFFF000  }
0x133: {  	[spmem:s2] =	stream.indirect.scatter.add.f32 [tilespmem:s29], [sflag:$0x3], $0x40, s10, s26, $0xb8;
	[tilespmem:$0x1C980] =	vst v63  }
0x134: {  	_ =	swait.ge [sflag:s23], $0x1000  }
0x135: {  	s11 =	smov.u32 s14;
	s10 =	sshra.s32 s13, $0x2;
	[sflag:s23] =	ssyncset.done $0x0  }
0x136: {  	s11 =	sadd.s32 $0x13A00, s10;
	[sflag:s23] =	ssyncadd.s32 $0xFFFFF000  }
0x137: {  	[tilespmem:s29], [sflag:$0x2] =	stream.indirect.gather [spmem:s1], $0x40, s11, s26, $0xb8;
	[tilespmem:$0x1C980] =	vst v63  }
0x138: {  	_ =	swait.ge [sflag:s30], $0x1000  }
0x139: {  	[sflag:s30] =	ssyncset.done $0x0  }
0x13a: {  	s12 =	sadd.s32 $0x16180, s10;
	[sflag:s30] =	ssyncadd.s32 $0xFFFFF000  }
0x13b: {  	[spmem:s2] =	stream.indirect.scatter.add.f32 [tilespmem:s28], [sflag:$0x3], $0x40, s12, s26, $0xb8;
	[tilespmem:$0x1C980] =	vst v63  }
0x13c: {  	_ =	swait.ge [sflag:s23], $0x1000  }
0x13d: {  	[sflag:s23] =	ssyncset.done $0x0  }
0x13e: {  	s13 =	sadd.s32 $0x13A80, s10;
	[sflag:s23] =	ssyncadd.s32 $0xFFFFF000  }
0x13f: {  	[tilespmem:s28], [sflag:$0x1] =	stream.indirect.gather [spmem:s1], $0x40, s13, s26, $0xb8;
	[tilespmem:$0x1C980] =	vst v63  }
0x140: {  	_ =	swait.ge [sflag:s31], $0x1000  }
0x141: {  	[sflag:s31] =	ssyncset.done $0x0  }
0x142: {  	s14 =	sadd.s32 $0x16200, s10;
	[sflag:s31] =	ssyncadd.s32 $0xFFFFF000  }
0x143: {  	[spmem:s2] =	stream.indirect.scatter.add.f32 [tilespmem:s29], [sflag:$0x3], $0x40, s14, s26, $0xb8;
	[tilespmem:$0x1C980] =	vst v63  }
0x144: {  	_ =	swait.ge [sflag:s23], $0x1000  }
0x145: {  	[sflag:s23] =	ssyncset.done $0x0  }
0x146: {  	[sflag:s23] =	ssyncadd.s32 $0xFFFFF000  }
0x147: {  	[tilespmem:s29], [sflag:$0x2] =	stream.indirect.gather [spmem:s1], $0x40, s0, s26, $0xb8;
	[tilespmem:$0x1C980] =	vst v63  }
0x148: {  	_ =	swait.ge [sflag:s30], $0x1000  }
0x149: {  	[sflag:s30] =	ssyncset.done $0x0  }
0x14a: {  	[sflag:s30] =	ssyncadd.s32 $0xFFFFF000  }
0x14b: {  	[spmem:s2] =	stream.indirect.scatter.add.f32 [tilespmem:s28], [sflag:$0x3], $0x40, s3, s26, $0xb8;
	[tilespmem:$0x1C980] =	vst v63  }
0x14c: {  	_ =	swait.ge [sflag:s23], $0x1000  }
0x14d: {  	[sflag:s23] =	ssyncset.done $0x0  }
0x14e: {  	[sflag:s23] =	ssyncadd.s32 $0xFFFFF000  }
0x14f: {  	_ =	swait.ge [sflag:s31], $0x1000  }
0x150: {  	[sflag:s31] =	ssyncset.done $0x0  }
0x151: {  	[sflag:s31] =	ssyncadd.s32 $0xFFFFF000  }
0x152: {  	[spmem:s2] =	stream.indirect.scatter.add.f32 [tilespmem:s29], [sflag:$0x3], $0x40, s4, s26, $0xb8;
	[tilespmem:$0x1C980] =	vst v63  }
0x153: {  	_ =	swait.ge [sflag:s23], $0x1000  }
0x154: {  	[sflag:s23] =	ssyncset.done $0x0  }
0x155: {  	[sflag:s23] =	ssyncadd.s32 $0xFFFFF000  }
0x156: {  	s10 =	simm.s32 @p0 $0x1FC3;
	[bflag:$0x0] =	sbarrier.arrive $0xFFFF  }
0x157: {  	[hbm:s17], [sflag:s10] =	dma.local @p0 [spmem:s8], $0x2080  }
0x158: {  	s8 =	simm.s32 @p0 $0x3  }
0x159: {  	s7 =	sadd.s32 $0x1, s7;
	_ =	swait.ge @p0 [sflag:s8], $0x2080  }
0x15a: {  	p1 =	sne.s32 s7, s18;
	[sflag:s8] =	ssyncset.done @p0 $0x0  }
.Ltmp4:
0x15b: {  	[sflag:s8] =	ssyncadd.s32 @p0 $0xFFFFDF80;
	s8 =	simm.s32 @!p0 $0x3;
	(pc) =	sbr.rel @p1 .LBB2_1-.Ltmp4, $4  }
0x15c: {  	[hbm:s16], [sflag:s9] =	dma.local @!p0 [spmem:s25], $0x2780  }
0x15d: {  	_ =	swait.ge @!p0 [sflag:s8], $0x2780  }
0x15e: {  	[sflag:s8] =	ssyncset.done @!p0 $0x0  }
0x15f: {  	[sflag:s8] =	ssyncadd.s32 @!p0 $0xFFFFD880  }
0x160: {  	_ =	sfence.sel $0x180000  }
0x161: {  	[bflag:$0x0] =	sbarrier.arrive $0xFFFF  }
0x162: {  	_ =	strace $0x9000004D  }
0x163: {  	s0 =	stileid.u32;
	[bflag:$0x2] =	sbarrier.arrive $0xFFFF  }
0x164: {  	p0 =	sne.s32 s0, $0x0;
	s0 =	rddreg [dreg:$0x3]  }
0x165: {  	s0 =	sadd.s32 @!p0 $0x100000, s0  }
0x166: {  	[sflag:s0] =	ssyncadd.tile.s32 @!p0 $0x1;
	_ =	shalt  }
.Lfunc_end2:
_tile_overlayer_lowered:
.L_overlay_start_2:
0x167: {  	(tag) =	ssettag $0x2  }
0x168: {  	s0 =	rddreg [dreg:$0x0];
	s2 =	stileid.u32  }
0x169: {  	s1 =	rddreg [dreg:$0x1];
	p0 =	sne.s32 s2, $0x0  }
0x16a: {  	s3 =	rddreg [dreg:$0x2];
	[bflag:$0x3] =	sbarrier.arrive $0xFFFF;
	s2 =	simm.s32 @!p0 $0x1C03  }
0x16b: {  	[timem:s3], [sflag:s2] =	dma.local @!p0 [hbm:s0], s1  }
0x16c: {  	s0 =	simm.s32 @!p0 $0x3  }
0x16d: {  	_ =	swait.ge @!p0 [sflag:s0], s1  }
0x16e: {  	s1 =	ssub.s32 @!p0 $0x0, s1;
	[sflag:s0] =	ssyncset.done @!p0 $0x0  }
0x16f: {  	[sflag:s0] =	ssyncadd.s32 @!p0 s1  }
0x170: {  	[bflag:$0x3] =	sbarrier.arrive $0xFFFF  }
0x171: {  	_ =	shalt  }

// kernel: kernel.9.cloned.1.call-start
scs
__scs_entry_jumppad:
0x0: {  	(pc) =	sbr.rel $0x88, $3  }
0x1: {  	(tag) =	ssettag $0x0;
	lr =	simm.s32 $0x1  }
0x2: {  	[smem:$0x3F8B] =	sst lr;
	_ =	strace $0xD0000000  }
0x3: {  	_ = 	snop  }
0x4: {  	_ = 	snop  }
0x5: {  	_ = 	snop  }
0x6: {  	_ = 	snop  }
0x7: {  	_ = 	snop  }
__scs_overlays_trampoline_lowered:
0x8: {  	[smem:$0x3F9A] =	sst s0  }
0x9: {  	[smem:$0x3F9B] =	sst s1  }
0xa: {  	[smem:$0x3F9C] =	sst s2  }
0xb: {  	[smem:$0x3F9D] =	sst s3  }
0xc: {  	[smem:$0x3F9E] =	sst s4  }
0xd: {  	[smem:$0x3F9F] =	sst s5  }
0xe: {  	[smem:$0x3FA0] =	sst s6  }
0xf: {  	[smem:$0x3FA1] =	sst s7  }
0x10: {  	[smem:$0x3FA2] =	sst s8  }
0x11: {  	[smem:$0x3FA3] =	sst s9;
	s0 =	simm.s32 @!p0 $0x0  }
0x12: {  	s1 =	sld [smem:$0x3F89];
	s0 =	simm.s32 @p0 $0x1  }
0x13: {  	[smem:$0x3FA4] =	sst s0;
	s0 =	simm.s32 @!p1 $0x0  }
0x14: {  	s2 =	sld [smem:$0x3F88];
	s0 =	simm.s32 @p1 $0x1  }
0x15: {  	[smem:$0x3FA5] =	sst s0;
	s0 =	simm.s32 @!p2 $0x0  }
0x16: {  	s3 =	sld [smem:$0x3FDB];
	s0 =	simm.s32 @p2 $0x1  }
0x17: {  	s4 =	simm.s32 $0x1BF5;
	[smem:$0x3FA7] =	sst s0  }
0x18: {  	s0 =	sld [smem:$0x3F8A];
	_ =	swait.ge [sflag:s4], $0x0  }
0x19: {  	s7 =	sld [smem:$0x3F8B]  }
0x1a: {  	s8 =	sadd.s32 $0xFFFFE003, lr  }
0x1b: {  	s9 =	sadd.s32 $0xFFFFFEF7, lr;
	s5 =	simm.s32 $0xFFFFFFFF;
	p2 =	slt.u32 s8, $0xFFFFF086  }
0x1c: {  	p1 =	slt.u32 s9, $0xF7A;
	s5 =	simm.s32 @!p2 $0x0  }
0x1d: {  	s5 =	simm.s32 @p1 $0x1;
	p0 =	seq.s32 s7, s2  }
0x1e: {  	s7 =	smul.u32 @!p0 $0xF7A, s2;
	p2 =	seq.s32 @!p0 s5, $0x0  }
0x1f: {  	s9 =	smul.u32 $0xF7A, s1;
	s8 =	simm.s32 @!p0 $0x1BF5;
	p2 =	por !p2, p0  }
0x20: {  	[sflag:s8] =	ssyncset.s32 @!p0 $0xFFFFF086;
	s6 =	sadd.s32 @!p0 s3, s7;
	s7 =	simm.s32 @!p0 $0x108  }
0x21: {  	s3 =	sadd.s32 s3, s9;
	s6 =	sadd.s32 @!p0 $0x88, s6;
	s7 =	simm.s32 @p2 $0x1082  }
0x22: {  	[simem:s7], [sflag:s8] =	dma.local @!p0 [hbm:s6], $0xF7A  }
0x23: {  	s9 =	sor.u32 $0xD0000000, s2;
	s6 =	simm.s32 $0x108;
	_ =	swait.ge @!p0 [sflag:s8], $0x0  }
0x24: {  	s3 =	sadd.s32 $0x88, s3;
	s6 =	simm.s32 @!p1 $0x1082;
	[sflag:s4] =	ssyncset.s32 $0xFFFFF086  }
0x25: {  	[simem:s6], [sflag:s4] =	dma.local [hbm:s3], $0xF7A  }
0x26: {  	[smem:$0x3F8B] =	sst s1;
	(tag) =	ssettag s2;
	_ =	strace s9  }
0x27: {  	s1 =	sld [smem:$0x3F9B]  }
0x28: {  	s2 =	sld [smem:$0x3F9C]  }
0x29: {  	s4 =	sld [smem:$0x3F9E]  }
0x2a: {  	p0 =	seq.s32 s5, $0x0;
	s5 =	sld [smem:$0x3F9F]  }
0x2b: {  	s6 =	sld [smem:$0x3FA0]  }
0x2c: {  	s7 =	sld [smem:$0x3FA1]  }
0x2d: {  	s3 =	simm.s32 $0x108;
	s8 =	sld [smem:$0x3FA2]  }
0x2e: {  	s3 =	simm.s32 @!p0 $0x1082;
	s9 =	sld [smem:$0x3FA3]  }
0x2f: {  	lr =	sadd.s32 s0, s3;
	s0 =	sld [smem:$0x3F9A]  }
0x30: {  	s3 =	sld [smem:$0x3F9D]  }
0x31: {  	[smem:$0x3FA6] =	sst s10  }
0x32: {  	s10 =	sld [smem:$0x3FA4];
	_ =	sdelay $0x3  }
0x33: {  	p0 =	seq.s32 s10, $0x1;
	s10 =	sld [smem:$0x3FA6];
	_ =	sdelay $0x3  }
0x34: {  	[smem:$0x3FA6] =	sst s10  }
0x35: {  	s10 =	sld [smem:$0x3FA5];
	_ =	sdelay $0x3  }
0x36: {  	p1 =	seq.s32 s10, $0x1;
	s10 =	sld [smem:$0x3FA6];
	_ =	sdelay $0x3  }
0x37: {  	[smem:$0x3FA6] =	sst s10  }
0x38: {  	s10 =	sld [smem:$0x3FA7]  }
0x39: {  	_ = 	snop;
	(pc) =	sbr.ind lr, $3  }
0x3a: {  	_ = 	snop  }
0x3b: {  	_ = 	snop  }
0x3c: {  	p2 =	seq.s32 s10, $0x1;
	s10 =	sld [smem:$0x3FA6]  }
0x3d: {  	_ =	shalt  }
0x3e: {  	_ =	shalt  }
0x3f: {  	_ =	shalt  }
0x40: {  	_ =	shalt  }
0x41: {  	_ =	shalt  }
0x42: {  	_ =	shalt  }
0x43: {  	_ =	shalt  }
0x44: {  	_ =	shalt  }
0x45: {  	_ =	shalt  }
0x46: {  	_ =	shalt  }
0x47: {  	_ =	shalt  }
0x48: {  	_ =	shalt  }
0x49: {  	_ =	shalt  }
0x4a: {  	_ =	shalt  }
0x4b: {  	_ =	shalt  }
0x4c: {  	_ =	shalt  }
0x4d: {  	_ =	shalt  }
0x4e: {  	_ =	shalt  }
0x4f: {  	_ =	shalt  }
0x50: {  	_ =	shalt  }
0x51: {  	_ =	shalt  }
0x52: {  	_ =	shalt  }
0x53: {  	_ =	shalt  }
0x54: {  	_ =	shalt  }
0x55: {  	_ =	shalt  }
0x56: {  	_ =	shalt  }
0x57: {  	_ =	shalt  }
0x58: {  	_ =	shalt  }
0x59: {  	_ =	shalt  }
0x5a: {  	_ =	shalt  }
0x5b: {  	_ =	shalt  }
0x5c: {  	_ =	shalt  }
0x5d: {  	_ =	shalt  }
0x5e: {  	_ =	shalt  }
0x5f: {  	_ =	shalt  }
0x60: {  	_ =	shalt  }
0x61: {  	_ =	shalt  }
0x62: {  	_ =	shalt  }
0x63: {  	_ =	shalt  }
0x64: {  	_ =	shalt  }
0x65: {  	_ =	shalt  }
0x66: {  	_ =	shalt  }
0x67: {  	_ =	shalt  }
0x68: {  	_ =	shalt  }
0x69: {  	_ =	shalt  }
0x6a: {  	_ =	shalt  }
0x6b: {  	_ =	shalt  }
0x6c: {  	_ =	shalt  }
0x6d: {  	_ =	shalt  }
0x6e: {  	_ =	shalt  }
0x6f: {  	_ =	shalt  }
0x70: {  	_ =	shalt  }
0x71: {  	_ =	shalt  }
0x72: {  	_ =	shalt  }
0x73: {  	_ =	shalt  }
0x74: {  	_ =	shalt  }
0x75: {  	_ =	shalt  }
0x76: {  	_ =	shalt  }
0x77: {  	_ =	shalt  }
0x78: {  	_ =	shalt  }
0x79: {  	_ =	shalt  }
0x7a: {  	_ =	shalt  }
0x7b: {  	_ =	shalt  }
0x7c: {  	_ =	shalt  }
0x7d: {  	_ =	shalt  }
0x7e: {  	_ =	shalt  }
0x7f: {  	_ =	shalt  }
0x80: {  	_ =	shalt  }
0x81: {  	_ =	shalt  }
0x82: {  	_ =	shalt  }
0x83: {  	_ =	shalt  }
0x84: {  	_ =	shalt  }
0x85: {  	_ =	shalt  }
0x86: {  	_ =	shalt  }
0x87: {  	_ =	shalt  }
.Lfunc_end0:
.L_simem_size_0:
called_computation_lowered:
.L_overlay_start_0:
0x88: {  	s2 =	sld [smem:$0x3FD9]  }
0x89: {  	s3 =	sld [smem:$0x3FFE];
	_ =	sdelay $0x1  }
0x8a: {  	s1 =	srdreg.scid  }
0x8b: {  	s0 =	sand.u32 $0x1, s1  }
0x8c: {  	s16 =	sshll.u32 s0, $0xA;
	s2 =	sadd.s32 s3, s2  }
0x8d: {  	s2 =	sadd.s32 s2, s16  }
0x8e: {  	[smem:$0x3FB2] =	sst s2  }
0x8f: {  	_ = 	snop  }
0x90: {  	(tm) =	ssettm $0x1  }
0x91: {  	s17 =	sld [smem:$0x3FFB];
	_ =	sdelay $0x3  }
0x92: {  	_ =	strace s17  }
0x93: {  	s2 =	sld [smem:$0x3FFC];
	_ =	sdelay $0x3  }
0x94: {  	_ =	strace s2  }
0x95: {  	s2 =	sld [smem:$0x3FFD];
	_ =	sdelay $0x3  }
0x96: {  	_ =	strace s2  }
0x97: {  	_ =	strace $0x8FFFFFFF  }
0x98: {  	s18 =	sld [smem:$0x3FDB];
	_ =	sdelay $0x1  }
0x99: {  	s19 =	simm.s32 $_scs_section_size  }
0x9a: {  	s4 =	simm.s32 $_size__tile_overlayer_lowered;
	s5 =	simm.s32 $_tile_overlayer_lowered  }
0x9b: {  	s22 =	simm.s32 $0x1BFF;
	s21 =	sshll.u32 s5, $0x1;
	s2 =	sadd.s32 s19, s18  }
0x9c: {  	s6 =	simm.s32 $0x0;
	s20 =	sshll.u32 s4, $0x1;
	s4 =	sadd.s32 s21, s2  }
0x9d: {  	[timem:s6], [sflag:s22] =	dma.local [hbm:s4], s20  }
0x9e: {  	_ =	swait.ge [sflag:s22], s20  }
0x9f: {  	s3 =	ssub.s32 $0x0, s20;
	[sflag:s22] =	ssyncset.done $0x0  }
0xa0: {  	[sflag:s22] =	ssyncadd.s32 s3;
	_ =	sdelay $0x1  }
0xa1: {  	s23 =	simm.s32 $0x1B8B  }
0xa2: {  	_ =	swait.ge [sflag:s23], $0x1  }
0xa3: {  	[sflag:s23] =	ssyncset.done $0x0  }
0xa4: {  	s25 =	simm.s32 $0x1B8E;
	s24 =	sld [smem:$0x3FFE];
	[sflag:s23] =	ssyncadd.s32 $0xFFFFFFFF  }
0xa5: {  	s26 =	simm.s32 $execute0_lowered;
	[smem:$0x3FD2] =	sst s25  }
0xa6: {  	s4 =	sshll.u32 s26, $0x1;
	_ =	strace $0x80000046;
	[dreg:$0x1] =	wrdreg $0xFFFFFFFF  }
0xa7: {  	s28 =	simm.s32 $_size_execute0_lowered;
	s2 =	sadd.s32 s2, s4;
	[dreg:$0x0] =	wrdreg $0x0  }
0xa8: {  	s4 =	sshll.u32 s28, $0x1;
	[dreg:$0x2] =	wrdreg s2  }
0xa9: {  	[dreg:$0x3] =	wrdreg s4  }
0xaa: {  	[dreg:$0x4] =	wrdreg $0xC0  }
0xab: {  	_ =	task [dreg:s6], $0x5FFFF  }
0xac: {  	[dreg:$0x1] =	wrdreg $0xFFFFFFFF  }
0xad: {  	[dreg:$0x0] =	wrdreg $0x60  }
0xae: {  	[dreg:$0x2] =	wrdreg s24  }
0xaf: {  	[dreg:$0x3] =	wrdreg $0x0  }
0xb0: {  	[dreg:$0x4] =	wrdreg $0x9C400  }
0xb1: {  	[dreg:$0x5] =	wrdreg $0x9  }
0xb2: {  	_ =	task.clear_ibuf [dreg:s6], $0x6FFFF;
	_ =	strace $0x90000046  }
0xb3: {  	s29 =	simm.s32 $0x9;
	_ =	strace $0x80000048  }
0xb4: {  	_ =	swait.ge [sflag:s29], $0x1  }
0xb5: {  	[sflag:s29] =	ssyncadd.s32 $0xFFFFFFFF  }
0xb6: {  	_ =	strace $0x90000048  }
0xb7: {  	_ =	sfence  }
0xb8: {  	s30 =	sld [smem:$0x0];
	_ =	sdelay $0x2  }
0xb9: {  	s31 =	sshll.u32 s1, $0xD;
	s1 =	sshrl.u32 s1, $0x2  }
0xba: {  	s3 =	sand.u32 $0x4000, s31;
	s1 =	sadd.s32 s1, s30  }
0xbb: {  	s0 =	sor.u32 s3, s0;
	s1 =	sshll.u32 s1, $0x11  }
0xbc: {  	s0 =	sor.u32 s1, s0  }
0xbd: {  	s0 =	sadd.s32 $0x8F2B, s0  }
0xbe: {  	[sflag:s0] =	ssyncadd.remote.s32 $0x1  }
0xbf: {  	_ =	sfence.sel $0xFFFF  }
0xc0: {  	[dreg:$0x0] =	wrdreg $0xFFFFFFFF;
	(pc) =	sbr.abs _section_cstart, $3  }
0xc1: {  	[dreg:$0x1] =	wrdreg $0xFFFFFFFF  }
0xc2: {  	_ =	task.clear_ibuf [dreg:s6], $0x2FFFF;
	_ =	strace $0x9FFFFFFF  }
0xc3: {  	(tm) =	ssettm $0x7FFFFFFF  }
tec
execute0_lowered:
.L_overlay_start_1:
0x0: {  	(tag) =	ssettag $0x1  }
0x1: {  	s0 =	rddreg [dreg:$0x0]  }
0x2: {  	s1 =	rddreg [dreg:$0x1]  }
0x3: {  	s2 =	rddreg [dreg:$0x2];
	s4 =	simm.s32 $0x0  }
0x4: {  	s3 =	srdreg.scid;
	s17 =	stileid.u32;
	s28 =	simm.s32 $0x18980  }
0x5: {  	s29 =	simm.s32 $0x1A980;
	s30 =	simm.s32 $0x1;
	s31 =	simm.s32 $0x2  }
0x6: {  	[smem:$0x7FF] =	sst s4;
	s3 =	sand.u32 $0x1, s3;
	s6 =	smul.u32 $0x13C00, s17  }
0x7: {  	s7 =	sadd.s32 $0x2C000, s0;
	s8 =	sadd.s32 $0x4000, s0;
	s9 =	sadd.s32 $0x18000, s0  }
0x8: {  	s0 =	sadd.s32 $0x7A200, s0;
	s12 =	smul.u32 $0xA000, s17;
	s19 =	sadd.s32 $0x128400, s1  }
0x9: {  	s13 =	smul.u32 $0x1400, s17;
	s15 =	sadd.s32 $0x128400, s2;
	p0 =	seq.s32 s17, $0xF  }
0xa: {  	s14 =	smul.u32 $0x138800, s3;
	_ =	strace $0x80000047;
	s3 =	ssub.s32 $0x2, s3  }
0xb: {  	[dreg:$0x4] =	wrdreg s15;
	s19 =	sshrl.u32 @p0 s19, $0x3;
	s5 =	sshrl.u32 s3, $0x1  }
0xc: {  	s11 =	sadd.s32 s6, s1;
	s21 =	sadd.s32 s6, s2;
	s18 =	sadd.s32 s8, s13  }
0xd: {  	s20 =	sadd.s32 s9, s13;
	s10 =	sadd.s32 s6, s14;
	s3 =	ssub.s32 s3, s5  }
0xe: {  	s4 =	sshrl.u32 s14, $0x3;
	s14 =	sshrl.u32 s12, $0x3;
	[dreg:$0x5] =	wrdreg s18  }
0xf: {  	[dreg:$0x6] =	wrdreg s20;
	s20 =	sshrl.u32 @!p0 s11, $0x3;
	s21 =	sshrl.u32 @!p0 s21, $0x3  }
0x10: {  	s10 =	sshrl.u32 s10, $0x3;
	s4 =	sadd.s32 $0x25080, s4;
	s16 =	sadd.s32 $0x500, s14  }
0x11: {  	s23 =	sadd.s32 $0xA00, s14;
	s25 =	sadd.s32 $0xF00, s14;
	s18 =	smax.u32 s3, $0x1  }
0x12: {  	s3 =	simm.s32 $0x18880;
	s5 =	sadd.s32 s7, s10;
	s6 =	sadd.s32 s7, s4  }
0x13: {  	s22 =	sadd.s32 s8, s16;
	s7 =	sadd.s32 s9, s16;
	s16 =	smul.u32 $0x4F000, s17  }
0x14: {  	s24 =	sadd.s32 s8, s23;
	s8 =	sadd.s32 s8, s25;
	[dreg:$0x7] =	wrdreg s22  }
0x15: {  	s15 =	sadd.s32 s9, s25;
	s17 =	sadd.s32 s0, s4;
	[dreg:$0x8] =	wrdreg s7  }
0x16: {  	s4 =	simm.s32 $0x18900;
	[dreg:$0x9] =	wrdreg s24;
	s7 =	sadd.s32 s9, s23  }
0x17: {  	[dreg:$0xb] =	wrdreg s8;
	s22 =	simm.s32 $0x13980;
	s23 =	simm.s32 $0x3  }
0x18: {  	s24 =	simm.s32 $0x16180;
	[dreg:$0xa] =	wrdreg s7;
	s26 =	sshrl.u32 s16, $0x2  }
0x19: {  	s16 =	sadd.s32 s0, s10;
	s0 =	simm.s32 $0x16100;
	s7 =	sadd.s32 s26, s2  }
0x1a: {  	s26 =	simm.s32 $0x40;
	s25 =	sshrl.u32 @!p0 s7, $0x3;
	s7 =	simm.s32 $0x0  }
.LBB2_1:
0x1b: {  	s9 =	simm.s32 @p0 $0x1FC3;
	s10 =	simm.s32 @p0 $0x3  }
0x1c: {  	[spmem:s19], [sflag:s9] =	dma.local @p0 [hbm:s6], $0x2080  }
0x1d: {  	_ =	swait.ge @p0 [sflag:s10], $0x2080  }
0x1e: {  	[sflag:s10] =	ssyncset.done @p0 $0x0;
	s8 =	rddreg [dreg:$0x4]  }
0x1f: {  	[sflag:s10] =	ssyncadd.s32 @p0 $0xFFFFDF80;
	s8 =	sshrl.u32 @p0 s8, $0x3  }
0x20: {  	[spmem:s8], [sflag:s9] =	dma.local @p0 [hbm:s6], $0x2080  }
0x21: {  	s9 =	stileid.u32;
	_ =	swait.ge @p0 [sflag:s10], $0x2080  }
0x22: {  	s9 =	sshll.u32 @!p0 s9, $0x6;
	[sflag:s10] =	ssyncset.done @p0 $0x0  }
0x23: {  	s9 =	sor.u32 @!p0 $0x1C03, s9;
	[sflag:s10] =	ssyncadd.s32 @p0 $0xFFFFDF80;
	s10 =	simm.s32 @!p0 $0x3  }
0x24: {  	[spmem:s20], [sflag:s9] =	dma.local @!p0 [hbm:s5], $0x2780  }
0x25: {  	_ =	swait.ge @!p0 [sflag:s10], $0x2780  }
0x26: {  	[sflag:s10] =	ssyncset.done @!p0 $0x0  }
0x27: {  	[sflag:s10] =	ssyncadd.s32 @!p0 $0xFFFFD880  }
0x28: {  	[spmem:s21], [sflag:s9] =	dma.local @!p0 [hbm:s5], $0x2780  }
0x29: {  	_ =	swait.ge @!p0 [sflag:s10], $0x2780  }
0x2a: {  	[sflag:s10] =	ssyncset.done @!p0 $0x0  }
0x2b: {  	[sflag:s10] =	ssyncadd.s32 @!p0 $0xFFFFD880  }
0x2c: {  	[bflag:$0x0] =	sbarrier.arrive $0xFFFF  }
0x2d: {  	s13 =	simm.s32 $0x0;
	s11 =	rddreg [dreg:$0x5]  }
0x2e: {  	[tilespmem:s22], [sflag:$0x3] =	stream.linear.gather [hbm4b:s11+s13], $0x2800, $0x38;
	[tilespmem:$0x1C980] =	vst v63  }
0x2f: {  	_ =	swait.ge [sflag:s23], $0x2800  }
0x30: {  	[sflag:s23] =	ssyncset.done $0x0  }
0x31: {  	s14 =	rddreg [dreg:$0x6];
	[sflag:s23] =	ssyncadd.s32 $0xFFFFD800  }
0x32: {  	[tilespmem:s24], [sflag:$0x3] =	stream.linear.gather [hbm4b:s14+s13], $0x2800, $0x38;
	[tilespmem:$0x1C980] =	vst v63  }
0x33: {  	_ =	swait.ge [sflag:s23], $0x2800  }
0x34: {  	[sflag:s23] =	ssyncset.done $0x0  }
0x35: {  	[sflag:s23] =	ssyncadd.s32 $0xFFFFD800  }
0x36: {  	[tilespmem:s28], [sflag:$0x1] =	stream.indirect.gather [spmem:s1], $0x40, s22, s26, $0xb8;
	[tilespmem:$0x1C980] =	vst v63  }
0x37: {  	s11 =	simm.s32 $0x13A00  }
0x38: {  	[tilespmem:s29], [sflag:$0x2] =	stream.indirect.gather [spmem:s1], $0x40, s11, s26, $0xb8;
	[tilespmem:$0x1C980] =	vst v63  }
0x39: {  	_ =	swait.ge [sflag:s30], $0x1000  }
0x3a: {  	[sflag:s30] =	ssyncset.done $0x0  }
0x3b: {  	s12 =	simm.s32 $0x16180;
	[sflag:s30] =	ssyncadd.s32 $0xFFFFF000  }
0x3c: {  	[spmem:s2] =	stream.indirect.scatter.add.f32 [tilespmem:s28], [sflag:$0x3], $0x40, s12, s26, $0xb8;
	[tilespmem:$0x1C980] =	vst v63  }
0x3d: {  	_ =	swait.ge [sflag:s23], $0x1000  }
0x3e: {  	[sflag:s23] =	ssyncset.done $0x0  }
0x3f: {  	s13 =	simm.s32 $0x13A80;
	[sflag:s23] =	ssyncadd.s32 $0xFFFFF000  }
0x40: {  	[tilespmem:s28], [sflag:$0x1] =	stream.indirect.gather [spmem:s1], $0x40, s13, s26, $0xb8;
	[tilespmem:$0x1C980] =	vst v63  }
0x41: {  	_ =	swait.ge [sflag:s31], $0x1000  }
0x42: {  	[sflag:s31] =	ssyncset.done $0x0  }
0x43: {  	s14 =	simm.s32 $0x16200;
	[sflag:s31] =	ssyncadd.s32 $0xFFFFF000  }
0x44: {  	[spmem:s2] =	stream.indirect.scatter.add.f32 [tilespmem:s29], [sflag:$0x3], $0x40, s14, s26, $0xb8;
	[tilespmem:$0x1C980] =	vst v63  }
0x45: {  	_ =	swait.ge [sflag:s23], $0x1000  }
0x46: {  	s10 =	simm.s32 $0x100;
	s11 =	simm.s32 $0x800;
	[sflag:s23] =	ssyncset.done $0x0  }
.LBB2_2:
0x47: {  	s12 =	sadd.s32 $0x13A00, s10  }
0x48: {  	[sflag:s23] =	ssyncadd.s32 $0xFFFFF000;
	s13 =	smov.u32 s11;
	s14 =	sadd.s32 $0x400, s11  }
0x49: {  	[tilespmem:s29], [sflag:$0x2] =	stream.indirect.gather [spmem:s1], $0x40, s12, s26, $0xb8;
	[tilespmem:$0x1C980] =	vst v63  }
0x4a: {  	p1 =	sne.s32 s11, $0x9800;
	_ =	swait.ge [sflag:s30], $0x1000  }
0x4b: {  	[sflag:s30] =	ssyncset.done $0x0  }
0x4c: {  	s11 =	sadd.s32 $0x16180, s10;
	[sflag:s30] =	ssyncadd.s32 $0xFFFFF000  }
0x4d: {  	[spmem:s2] =	stream.indirect.scatter.add.f32 [tilespmem:s28], [sflag:$0x3], $0x40, s11, s26, $0xb8;
	[tilespmem:$0x1C980] =	vst v63  }
0x4e: {  	_ =	swait.ge [sflag:s23], $0x1000  }
0x4f: {  	[sflag:s23] =	ssyncset.done $0x0  }
0x50: {  	s11 =	sadd.s32 $0x13A80, s10;
	[sflag:s23] =	ssyncadd.s32 $0xFFFFF000  }
0x51: {  	[tilespmem:s28], [sflag:$0x1] =	stream.indirect.gather [spmem:s1], $0x40, s11, s26, $0xb8;
	[tilespmem:$0x1C980] =	vst v63  }
0x52: {  	_ =	swait.ge [sflag:s31], $0x1000  }
.Ltmp0:
0x53: {  	[sflag:s31] =	ssyncset.done $0x0;
	(pc) =	sbr.rel @p1 .LBB2_2-.Ltmp0, $4  }
0x54: {  	s10 =	sadd.s32 $0x16200, s10;
	[sflag:s31] =	ssyncadd.s32 $0xFFFFF000  }
0x55: {  	[spmem:s2] =	stream.indirect.scatter.add.f32 [tilespmem:s29], [sflag:$0x3], $0x40, s10, s26, $0xb8;
	[tilespmem:$0x1C980] =	vst v63  }
0x56: {  	_ =	swait.ge [sflag:s23], $0x1000  }
0x57: {  	s11 =	smov.u32 s14;
	s10 =	sshra.s32 s13, $0x2;
	[sflag:s23] =	ssyncset.done $0x0  }
0x58: {  	s11 =	sadd.s32 $0x13A00, s10;
	[sflag:s23] =	ssyncadd.s32 $0xFFFFF000  }
0x59: {  	[tilespmem:s29], [sflag:$0x2] =	stream.indirect.gather [spmem:s1], $0x40, s11, s26, $0xb8;
	[tilespmem:$0x1C980] =	vst v63  }
0x5a: {  	_ =	swait.ge [sflag:s30], $0x1000  }
0x5b: {  	[sflag:s30] =	ssyncset.done $0x0  }
0x5c: {  	s13 =	sadd.s32 $0x16180, s10;
	[sflag:s30] =	ssyncadd.s32 $0xFFFFF000  }
0x5d: {  	[spmem:s2] =	stream.indirect.scatter.add.f32 [tilespmem:s28], [sflag:$0x3], $0x40, s13, s26, $0xb8;
	[tilespmem:$0x1C980] =	vst v63  }
0x5e: {  	_ =	swait.ge [sflag:s23], $0x1000  }
0x5f: {  	[sflag:s23] =	ssyncset.done $0x0  }
0x60: {  	s14 =	sadd.s32 $0x13A80, s10;
	[sflag:s23] =	ssyncadd.s32 $0xFFFFF000  }
0x61: {  	[tilespmem:s28], [sflag:$0x1] =	stream.indirect.gather [spmem:s1], $0x40, s14, s26, $0xb8;
	[tilespmem:$0x1C980] =	vst v63  }
0x62: {  	_ =	swait.ge [sflag:s31], $0x1000  }
0x63: {  	[sflag:s31] =	ssyncset.done $0x0  }
0x64: {  	s11 =	sadd.s32 $0x16200, s10;
	[sflag:s31] =	ssyncadd.s32 $0xFFFFF000  }
0x65: {  	[spmem:s2] =	stream.indirect.scatter.add.f32 [tilespmem:s29], [sflag:$0x3], $0x40, s11, s26, $0xb8;
	[tilespmem:$0x1C980] =	vst v63  }
0x66: {  	_ =	swait.ge [sflag:s23], $0x1000  }
0x67: {  	[sflag:s23] =	ssyncset.done $0x0  }
0x68: {  	[sflag:s23] =	ssyncadd.s32 $0xFFFFF000  }
0x69: {  	[tilespmem:s29], [sflag:$0x2] =	stream.indirect.gather [spmem:s1], $0x40, s0, s26, $0xb8;
	[tilespmem:$0x1C980] =	vst v63  }
0x6a: {  	_ =	swait.ge [sflag:s30], $0x1000  }
0x6b: {  	[sflag:s30] =	ssyncset.done $0x0  }
0x6c: {  	[sflag:s30] =	ssyncadd.s32 $0xFFFFF000  }
0x6d: {  	[spmem:s2] =	stream.indirect.scatter.add.f32 [tilespmem:s28], [sflag:$0x3], $0x40, s3, s26, $0xb8;
	[tilespmem:$0x1C980] =	vst v63  }
0x6e: {  	_ =	swait.ge [sflag:s23], $0x1000  }
0x6f: {  	[sflag:s23] =	ssyncset.done $0x0  }
0x70: {  	[sflag:s23] =	ssyncadd.s32 $0xFFFFF000  }
0x71: {  	_ =	swait.ge [sflag:s31], $0x1000  }
0x72: {  	[sflag:s31] =	ssyncset.done $0x0  }
0x73: {  	[sflag:s31] =	ssyncadd.s32 $0xFFFFF000  }
0x74: {  	[spmem:s2] =	stream.indirect.scatter.add.f32 [tilespmem:s29], [sflag:$0x3], $0x40, s4, s26, $0xb8;
	[tilespmem:$0x1C980] =	vst v63  }
0x75: {  	_ =	swait.ge [sflag:s23], $0x1000  }
0x76: {  	[sflag:s23] =	ssyncset.done $0x0  }
0x77: {  	s12 =	simm.s32 $0x0;
	s13 =	rddreg [dreg:$0x7];
	[sflag:s23] =	ssyncadd.s32 $0xFFFFF000  }
0x78: {  	[tilespmem:s22], [sflag:$0x3] =	stream.linear.gather [hbm4b:s13+s12], $0x2800, $0x38;
	[tilespmem:$0x1C980] =	vst v63  }
0x79: {  	_ =	swait.ge [sflag:s23], $0x2800  }
0x7a: {  	[sflag:s23] =	ssyncset.done $0x0  }
0x7b: {  	s14 =	rddreg [dreg:$0x8];
	[sflag:s23] =	ssyncadd.s32 $0xFFFFD800  }
0x7c: {  	[tilespmem:s24], [sflag:$0x3] =	stream.linear.gather [hbm4b:s14+s12], $0x2800, $0x38;
	[tilespmem:$0x1C980] =	vst v63  }
0x7d: {  	_ =	swait.ge [sflag:s23], $0x2800  }
0x7e: {  	[sflag:s23] =	ssyncset.done $0x0  }
0x7f: {  	[sflag:s23] =	ssyncadd.s32 $0xFFFFD800  }
0x80: {  	[tilespmem:s28], [sflag:$0x1] =	stream.indirect.gather [spmem:s1], $0x40, s22, s26, $0xb8;
	[tilespmem:$0x1C980] =	vst v63  }
0x81: {  	s11 =	simm.s32 $0x13A00  }
0x82: {  	[tilespmem:s29], [sflag:$0x2] =	stream.indirect.gather [spmem:s1], $0x40, s11, s26, $0xb8;
	[tilespmem:$0x1C980] =	vst v63  }
0x83: {  	_ =	swait.ge [sflag:s30], $0x1000  }
0x84: {  	[sflag:s30] =	ssyncset.done $0x0  }
0x85: {  	s12 =	simm.s32 $0x16180;
	[sflag:s30] =	ssyncadd.s32 $0xFFFFF000  }
0x86: {  	[spmem:s2] =	stream.indirect.scatter.add.f32 [tilespmem:s28], [sflag:$0x3], $0x40, s12, s26, $0xb8;
	[tilespmem:$0x1C980] =	vst v63  }
0x87: {  	_ =	swait.ge [sflag:s23], $0x1000  }
0x88: {  	[sflag:s23] =	ssyncset.done $0x0  }
0x89: {  	s13 =	simm.s32 $0x13A80;
	[sflag:s23] =	ssyncadd.s32 $0xFFFFF000  }
0x8a: {  	[tilespmem:s28], [sflag:$0x1] =	stream.indirect.gather [spmem:s1], $0x40, s13, s26, $0xb8;
	[tilespmem:$0x1C980] =	vst v63  }
0x8b: {  	_ =	swait.ge [sflag:s31], $0x1000  }
0x8c: {  	[sflag:s31] =	ssyncset.done $0x0  }
0x8d: {  	s14 =	simm.s32 $0x16200;
	[sflag:s31] =	ssyncadd.s32 $0xFFFFF000  }
0x8e: {  	[spmem:s2] =	stream.indirect.scatter.add.f32 [tilespmem:s29], [sflag:$0x3], $0x40, s14, s26, $0xb8;
	[tilespmem:$0x1C980] =	vst v63  }
0x8f: {  	_ =	swait.ge [sflag:s23], $0x1000  }
0x90: {  	s10 =	simm.s32 $0x100;
	s11 =	simm.s32 $0x800;
	[sflag:s23] =	ssyncset.done $0x0  }
.LBB2_4:
0x91: {  	s12 =	sadd.s32 $0x13A00, s10  }
0x92: {  	[sflag:s23] =	ssyncadd.s32 $0xFFFFF000;
	s13 =	smov.u32 s11;
	s14 =	sadd.s32 $0x400, s11  }
0x93: {  	[tilespmem:s29], [sflag:$0x2] =	stream.indirect.gather [spmem:s1], $0x40, s12, s26, $0xb8;
	[tilespmem:$0x1C980] =	vst v63  }
0x94: {  	p1 =	sne.s32 s11, $0x9800;
	_ =	swait.ge [sflag:s30], $0x1000  }
0x95: {  	[sflag:s30] =	ssyncset.done $0x0  }
0x96: {  	s11 =	sadd.s32 $0x16180, s10;
	[sflag:s30] =	ssyncadd.s32 $0xFFFFF000  }
0x97: {  	[spmem:s2] =	stream.indirect.scatter.add.f32 [tilespmem:s28], [sflag:$0x3], $0x40, s11, s26, $0xb8;
	[tilespmem:$0x1C980] =	vst v63  }
0x98: {  	_ =	swait.ge [sflag:s23], $0x1000  }
0x99: {  	[sflag:s23] =	ssyncset.done $0x0  }
0x9a: {  	s11 =	sadd.s32 $0x13A80, s10;
	[sflag:s23] =	ssyncadd.s32 $0xFFFFF000  }
0x9b: {  	[tilespmem:s28], [sflag:$0x1] =	stream.indirect.gather [spmem:s1], $0x40, s11, s26, $0xb8;
	[tilespmem:$0x1C980] =	vst v63  }
0x9c: {  	_ =	swait.ge [sflag:s31], $0x1000  }
.Ltmp1:
0x9d: {  	[sflag:s31] =	ssyncset.done $0x0;
	(pc) =	sbr.rel @p1 .LBB2_4-.Ltmp1, $4  }
0x9e: {  	s10 =	sadd.s32 $0x16200, s10;
	[sflag:s31] =	ssyncadd.s32 $0xFFFFF000  }
0x9f: {  	[spmem:s2] =	stream.indirect.scatter.add.f32 [tilespmem:s29], [sflag:$0x3], $0x40, s10, s26, $0xb8;
	[tilespmem:$0x1C980] =	vst v63  }
0xa0: {  	_ =	swait.ge [sflag:s23], $0x1000  }
0xa1: {  	s11 =	smov.u32 s14;
	s10 =	sshra.s32 s13, $0x2;
	[sflag:s23] =	ssyncset.done $0x0  }
0xa2: {  	s11 =	sadd.s32 $0x13A00, s10;
	[sflag:s23] =	ssyncadd.s32 $0xFFFFF000  }
0xa3: {  	[tilespmem:s29], [sflag:$0x2] =	stream.indirect.gather [spmem:s1], $0x40, s11, s26, $0xb8;
	[tilespmem:$0x1C980] =	vst v63  }
0xa4: {  	_ =	swait.ge [sflag:s30], $0x1000  }
0xa5: {  	[sflag:s30] =	ssyncset.done $0x0  }
0xa6: {  	s13 =	sadd.s32 $0x16180, s10;
	[sflag:s30] =	ssyncadd.s32 $0xFFFFF000  }
0xa7: {  	[spmem:s2] =	stream.indirect.scatter.add.f32 [tilespmem:s28], [sflag:$0x3], $0x40, s13, s26, $0xb8;
	[tilespmem:$0x1C980] =	vst v63  }
0xa8: {  	_ =	swait.ge [sflag:s23], $0x1000  }
0xa9: {  	[sflag:s23] =	ssyncset.done $0x0  }
0xaa: {  	s14 =	sadd.s32 $0x13A80, s10;
	[sflag:s23] =	ssyncadd.s32 $0xFFFFF000  }
0xab: {  	[tilespmem:s28], [sflag:$0x1] =	stream.indirect.gather [spmem:s1], $0x40, s14, s26, $0xb8;
	[tilespmem:$0x1C980] =	vst v63  }
0xac: {  	_ =	swait.ge [sflag:s31], $0x1000  }
0xad: {  	[sflag:s31] =	ssyncset.done $0x0  }
0xae: {  	s11 =	sadd.s32 $0x16200, s10;
	[sflag:s31] =	ssyncadd.s32 $0xFFFFF000  }
0xaf: {  	[spmem:s2] =	stream.indirect.scatter.add.f32 [tilespmem:s29], [sflag:$0x3], $0x40, s11, s26, $0xb8;
	[tilespmem:$0x1C980] =	vst v63  }
0xb0: {  	_ =	swait.ge [sflag:s23], $0x1000  }
0xb1: {  	[sflag:s23] =	ssyncset.done $0x0  }
0xb2: {  	[sflag:s23] =	ssyncadd.s32 $0xFFFFF000  }
0xb3: {  	[tilespmem:s29], [sflag:$0x2] =	stream.indirect.gather [spmem:s1], $0x40, s0, s26, $0xb8;
	[tilespmem:$0x1C980] =	vst v63  }
0xb4: {  	_ =	swait.ge [sflag:s30], $0x1000  }
0xb5: {  	[sflag:s30] =	ssyncset.done $0x0  }
0xb6: {  	[sflag:s30] =	ssyncadd.s32 $0xFFFFF000  }
0xb7: {  	[spmem:s2] =	stream.indirect.scatter.add.f32 [tilespmem:s28], [sflag:$0x3], $0x40, s3, s26, $0xb8;
	[tilespmem:$0x1C980] =	vst v63  }
0xb8: {  	_ =	swait.ge [sflag:s23], $0x1000  }
0xb9: {  	[sflag:s23] =	ssyncset.done $0x0  }
0xba: {  	[sflag:s23] =	ssyncadd.s32 $0xFFFFF000  }
0xbb: {  	_ =	swait.ge [sflag:s31], $0x1000  }
0xbc: {  	[sflag:s31] =	ssyncset.done $0x0  }
0xbd: {  	[sflag:s31] =	ssyncadd.s32 $0xFFFFF000  }
0xbe: {  	[spmem:s2] =	stream.indirect.scatter.add.f32 [tilespmem:s29], [sflag:$0x3], $0x40, s4, s26, $0xb8;
	[tilespmem:$0x1C980] =	vst v63  }
0xbf: {  	_ =	swait.ge [sflag:s23], $0x1000  }
0xc0: {  	[sflag:s23] =	ssyncset.done $0x0  }
0xc1: {  	s12 =	simm.s32 $0x0;
	s13 =	rddreg [dreg:$0x9];
	[sflag:s23] =	ssyncadd.s32 $0xFFFFF000  }
0xc2: {  	[tilespmem:s22], [sflag:$0x3] =	stream.linear.gather [hbm4b:s13+s12], $0x2800, $0x38;
	[tilespmem:$0x1C980] =	vst v63  }
0xc3: {  	_ =	swait.ge [sflag:s23], $0x2800  }
0xc4: {  	[sflag:s23] =	ssyncset.done $0x0  }
0xc5: {  	s14 =	rddreg [dreg:$0xa];
	[sflag:s23] =	ssyncadd.s32 $0xFFFFD800  }
0xc6: {  	[tilespmem:s24], [sflag:$0x3] =	stream.linear.gather [hbm4b:s14+s12], $0x2800, $0x38;
	[tilespmem:$0x1C980] =	vst v63  }
0xc7: {  	_ =	swait.ge [sflag:s23], $0x2800  }
0xc8: {  	[sflag:s23] =	ssyncset.done $0x0  }
0xc9: {  	[sflag:s23] =	ssyncadd.s32 $0xFFFFD800  }
0xca: {  	[tilespmem:s28], [sflag:$0x1] =	stream.indirect.gather [spmem:s1], $0x40, s22, s26, $0xb8;
	[tilespmem:$0x1C980] =	vst v63  }
0xcb: {  	s11 =	simm.s32 $0x13A00  }
0xcc: {  	[tilespmem:s29], [sflag:$0x2] =	stream.indirect.gather [spmem:s1], $0x40, s11, s26, $0xb8;
	[tilespmem:$0x1C980] =	vst v63  }
0xcd: {  	_ =	swait.ge [sflag:s30], $0x1000  }
0xce: {  	[sflag:s30] =	ssyncset.done $0x0  }
0xcf: {  	s12 =	simm.s32 $0x16180;
	[sflag:s30] =	ssyncadd.s32 $0xFFFFF000  }
0xd0: {  	[spmem:s2] =	stream.indirect.scatter.add.f32 [tilespmem:s28], [sflag:$0x3], $0x40, s12, s26, $0xb8;
	[tilespmem:$0x1C980] =	vst v63  }
0xd1: {  	_ =	swait.ge [sflag:s23], $0x1000  }
0xd2: {  	[sflag:s23] =	ssyncset.done $0x0  }
0xd3: {  	s13 =	simm.s32 $0x13A80;
	[sflag:s23] =	ssyncadd.s32 $0xFFFFF000  }
0xd4: {  	[tilespmem:s28], [sflag:$0x1] =	stream.indirect.gather [spmem:s1], $0x40, s13, s26, $0xb8;
	[tilespmem:$0x1C980] =	vst v63  }
0xd5: {  	_ =	swait.ge [sflag:s31], $0x1000  }
0xd6: {  	[sflag:s31] =	ssyncset.done $0x0  }
0xd7: {  	s14 =	simm.s32 $0x16200;
	[sflag:s31] =	ssyncadd.s32 $0xFFFFF000  }
0xd8: {  	[spmem:s2] =	stream.indirect.scatter.add.f32 [tilespmem:s29], [sflag:$0x3], $0x40, s14, s26, $0xb8;
	[tilespmem:$0x1C980] =	vst v63  }
0xd9: {  	_ =	swait.ge [sflag:s23], $0x1000  }
0xda: {  	s10 =	simm.s32 $0x100;
	s11 =	simm.s32 $0x800;
	[sflag:s23] =	ssyncset.done $0x0  }
.LBB2_6:
0xdb: {  	s12 =	sadd.s32 $0x13A00, s10  }
0xdc: {  	[sflag:s23] =	ssyncadd.s32 $0xFFFFF000;
	s13 =	smov.u32 s11;
	s14 =	sadd.s32 $0x400, s11  }
0xdd: {  	[tilespmem:s29], [sflag:$0x2] =	stream.indirect.gather [spmem:s1], $0x40, s12, s26, $0xb8;
	[tilespmem:$0x1C980] =	vst v63  }
0xde: {  	p1 =	sne.s32 s11, $0x9800;
	_ =	swait.ge [sflag:s30], $0x1000  }
0xdf: {  	[sflag:s30] =	ssyncset.done $0x0  }
0xe0: {  	s11 =	sadd.s32 $0x16180, s10;
	[sflag:s30] =	ssyncadd.s32 $0xFFFFF000  }
0xe1: {  	[spmem:s2] =	stream.indirect.scatter.add.f32 [tilespmem:s28], [sflag:$0x3], $0x40, s11, s26, $0xb8;
	[tilespmem:$0x1C980] =	vst v63  }
0xe2: {  	_ =	swait.ge [sflag:s23], $0x1000  }
0xe3: {  	[sflag:s23] =	ssyncset.done $0x0  }
0xe4: {  	s11 =	sadd.s32 $0x13A80, s10;
	[sflag:s23] =	ssyncadd.s32 $0xFFFFF000  }
0xe5: {  	[tilespmem:s28], [sflag:$0x1] =	stream.indirect.gather [spmem:s1], $0x40, s11, s26, $0xb8;
	[tilespmem:$0x1C980] =	vst v63  }
0xe6: {  	_ =	swait.ge [sflag:s31], $0x1000  }
.Ltmp2:
0xe7: {  	[sflag:s31] =	ssyncset.done $0x0;
	(pc) =	sbr.rel @p1 .LBB2_6-.Ltmp2, $4  }
0xe8: {  	s10 =	sadd.s32 $0x16200, s10;
	[sflag:s31] =	ssyncadd.s32 $0xFFFFF000  }
0xe9: {  	[spmem:s2] =	stream.indirect.scatter.add.f32 [tilespmem:s29], [sflag:$0x3], $0x40, s10, s26, $0xb8;
	[tilespmem:$0x1C980] =	vst v63  }
0xea: {  	_ =	swait.ge [sflag:s23], $0x1000  }
0xeb: {  	s11 =	smov.u32 s14;
	s10 =	sshra.s32 s13, $0x2;
	[sflag:s23] =	ssyncset.done $0x0  }
0xec: {  	s11 =	sadd.s32 $0x13A00, s10;
	[sflag:s23] =	ssyncadd.s32 $0xFFFFF000  }
0xed: {  	[tilespmem:s29], [sflag:$0x2] =	stream.indirect.gather [spmem:s1], $0x40, s11, s26, $0xb8;
	[tilespmem:$0x1C980] =	vst v63  }
0xee: {  	_ =	swait.ge [sflag:s30], $0x1000  }
0xef: {  	[sflag:s30] =	ssyncset.done $0x0  }
0xf0: {  	s13 =	sadd.s32 $0x16180, s10;
	[sflag:s30] =	ssyncadd.s32 $0xFFFFF000  }
0xf1: {  	[spmem:s2] =	stream.indirect.scatter.add.f32 [tilespmem:s28], [sflag:$0x3], $0x40, s13, s26, $0xb8;
	[tilespmem:$0x1C980] =	vst v63  }
0xf2: {  	_ =	swait.ge [sflag:s23], $0x1000  }
0xf3: {  	[sflag:s23] =	ssyncset.done $0x0  }
0xf4: {  	s14 =	sadd.s32 $0x13A80, s10;
	[sflag:s23] =	ssyncadd.s32 $0xFFFFF000  }
0xf5: {  	[tilespmem:s28], [sflag:$0x1] =	stream.indirect.gather [spmem:s1], $0x40, s14, s26, $0xb8;
	[tilespmem:$0x1C980] =	vst v63  }
0xf6: {  	_ =	swait.ge [sflag:s31], $0x1000  }
0xf7: {  	[sflag:s31] =	ssyncset.done $0x0  }
0xf8: {  	s12 =	sadd.s32 $0x16200, s10;
	[sflag:s31] =	ssyncadd.s32 $0xFFFFF000  }
0xf9: {  	[spmem:s2] =	stream.indirect.scatter.add.f32 [tilespmem:s29], [sflag:$0x3], $0x40, s12, s26, $0xb8;
	[tilespmem:$0x1C980] =	vst v63  }
0xfa: {  	_ =	swait.ge [sflag:s23], $0x1000  }
0xfb: {  	[sflag:s23] =	ssyncset.done $0x0  }
0xfc: {  	[sflag:s23] =	ssyncadd.s32 $0xFFFFF000  }
0xfd: {  	[tilespmem:s29], [sflag:$0x2] =	stream.indirect.gather [spmem:s1], $0x40, s0, s26, $0xb8;
	[tilespmem:$0x1C980] =	vst v63  }
0xfe: {  	_ =	swait.ge [sflag:s30], $0x1000  }
0xff: {  	[sflag:s30] =	ssyncset.done $0x0  }
0x100: {  	[sflag:s30] =	ssyncadd.s32 $0xFFFFF000  }
0x101: {  	[spmem:s2] =	stream.indirect.scatter.add.f32 [tilespmem:s28], [sflag:$0x3], $0x40, s3, s26, $0xb8;
	[tilespmem:$0x1C980] =	vst v63  }
0x102: {  	_ =	swait.ge [sflag:s23], $0x1000  }
0x103: {  	[sflag:s23] =	ssyncset.done $0x0  }
0x104: {  	[sflag:s23] =	ssyncadd.s32 $0xFFFFF000  }
0x105: {  	_ =	swait.ge [sflag:s31], $0x1000  }
0x106: {  	[sflag:s31] =	ssyncset.done $0x0  }
0x107: {  	[sflag:s31] =	ssyncadd.s32 $0xFFFFF000  }
0x108: {  	[spmem:s2] =	stream.indirect.scatter.add.f32 [tilespmem:s29], [sflag:$0x3], $0x40, s4, s26, $0xb8;
	[tilespmem:$0x1C980] =	vst v63  }
0x109: {  	_ =	swait.ge [sflag:s23], $0x1000  }
0x10a: {  	[sflag:s23] =	ssyncset.done $0x0  }
0x10b: {  	s13 =	simm.s32 $0x0;
	s14 =	rddreg [dreg:$0xb];
	[sflag:s23] =	ssyncadd.s32 $0xFFFFF000  }
0x10c: {  	[tilespmem:s22], [sflag:$0x3] =	stream.linear.gather [hbm4b:s14+s13], $0x2800, $0x38;
	[tilespmem:$0x1C980] =	vst v63  }
0x10d: {  	_ =	swait.ge [sflag:s23], $0x2800  }
0x10e: {  	[sflag:s23] =	ssyncset.done $0x0  }
0x10f: {  	[sflag:s23] =	ssyncadd.s32 $0xFFFFD800  }
0x110: {  	[tilespmem:s24], [sflag:$0x3] =	stream.linear.gather [hbm4b:s15+s13], $0x2800, $0x38;
	[tilespmem:$0x1C980] =	vst v63  }
0x111: {  	_ =	swait.ge [sflag:s23], $0x2800  }
0x112: {  	[sflag:s23] =	ssyncset.done $0x0  }
0x113: {  	[sflag:s23] =	ssyncadd.s32 $0xFFFFD800  }
0x114: {  	[tilespmem:s28], [sflag:$0x1] =	stream.indirect.gather [spmem:s1], $0x40, s22, s26, $0xb8;
	[tilespmem:$0x1C980] =	vst v63  }
0x115: {  	s11 =	simm.s32 $0x13A00  }
0x116: {  	[tilespmem:s29], [sflag:$0x2] =	stream.indirect.gather [spmem:s1], $0x40, s11, s26, $0xb8;
	[tilespmem:$0x1C980] =	vst v63  }
0x117: {  	_ =	swait.ge [sflag:s30], $0x1000  }
0x118: {  	[sflag:s30] =	ssyncset.done $0x0  }
0x119: {  	s12 =	simm.s32 $0x16180;
	[sflag:s30] =	ssyncadd.s32 $0xFFFFF000  }
0x11a: {  	[spmem:s2] =	stream.indirect.scatter.add.f32 [tilespmem:s28], [sflag:$0x3], $0x40, s12, s26, $0xb8;
	[tilespmem:$0x1C980] =	vst v63  }
0x11b: {  	_ =	swait.ge [sflag:s23], $0x1000  }
0x11c: {  	[sflag:s23] =	ssyncset.done $0x0  }
0x11d: {  	s13 =	simm.s32 $0x13A80;
	[sflag:s23] =	ssyncadd.s32 $0xFFFFF000  }
0x11e: {  	[tilespmem:s28], [sflag:$0x1] =	stream.indirect.gather [spmem:s1], $0x40, s13, s26, $0xb8;
	[tilespmem:$0x1C980] =	vst v63  }
0x11f: {  	_ =	swait.ge [sflag:s31], $0x1000  }
0x120: {  	[sflag:s31] =	ssyncset.done $0x0  }
0x121: {  	s14 =	simm.s32 $0x16200;
	[sflag:s31] =	ssyncadd.s32 $0xFFFFF000  }
0x122: {  	[spmem:s2] =	stream.indirect.scatter.add.f32 [tilespmem:s29], [sflag:$0x3], $0x40, s14, s26, $0xb8;
	[tilespmem:$0x1C980] =	vst v63  }
0x123: {  	_ =	swait.ge [sflag:s23], $0x1000  }
0x124: {  	s10 =	simm.s32 $0x100;
	s11 =	simm.s32 $0x800;
	[sflag:s23] =	ssyncset.done $0x0  }
.LBB2_8:
0x125: {  	s12 =	sadd.s32 $0x13A00, s10  }
0x126: {  	[sflag:s23] =	ssyncadd.s32 $0xFFFFF000;
	s13 =	smov.u32 s11;
	s14 =	sadd.s32 $0x400, s11  }
0x127: {  	[tilespmem:s29], [sflag:$0x2] =	stream.indirect.gather [spmem:s1], $0x40, s12, s26, $0xb8;
	[tilespmem:$0x1C980] =	vst v63  }
0x128: {  	p1 =	sne.s32 s11, $0x9800;
	_ =	swait.ge [sflag:s30], $0x1000  }
0x129: {  	[sflag:s30] =	ssyncset.done $0x0  }
0x12a: {  	s11 =	sadd.s32 $0x16180, s10;
	[sflag:s30] =	ssyncadd.s32 $0xFFFFF000  }
0x12b: {  	[spmem:s2] =	stream.indirect.scatter.add.f32 [tilespmem:s28], [sflag:$0x3], $0x40, s11, s26, $0xb8;
	[tilespmem:$0x1C980] =	vst v63  }
0x12c: {  	_ =	swait.ge [sflag:s23], $0x1000  }
0x12d: {  	[sflag:s23] =	ssyncset.done $0x0  }
0x12e: {  	s11 =	sadd.s32 $0x13A80, s10;
	[sflag:s23] =	ssyncadd.s32 $0xFFFFF000  }
0x12f: {  	[tilespmem:s28], [sflag:$0x1] =	stream.indirect.gather [spmem:s1], $0x40, s11, s26, $0xb8;
	[tilespmem:$0x1C980] =	vst v63  }
0x130: {  	_ =	swait.ge [sflag:s31], $0x1000  }
.Ltmp3:
0x131: {  	[sflag:s31] =	ssyncset.done $0x0;
	(pc) =	sbr.rel @p1 .LBB2_8-.Ltmp3, $4  }
0x132: {  	s10 =	sadd.s32 $0x16200, s10;
	[sflag:s31] =	ssyncadd.s32 $0xFFFFF000  }
0x133: {  	[spmem:s2] =	stream.indirect.scatter.add.f32 [tilespmem:s29], [sflag:$0x3], $0x40, s10, s26, $0xb8;
	[tilespmem:$0x1C980] =	vst v63  }
0x134: {  	_ =	swait.ge [sflag:s23], $0x1000  }
0x135: {  	s11 =	smov.u32 s14;
	s10 =	sshra.s32 s13, $0x2;
	[sflag:s23] =	ssyncset.done $0x0  }
0x136: {  	s11 =	sadd.s32 $0x13A00, s10;
	[sflag:s23] =	ssyncadd.s32 $0xFFFFF000  }
0x137: {  	[tilespmem:s29], [sflag:$0x2] =	stream.indirect.gather [spmem:s1], $0x40, s11, s26, $0xb8;
	[tilespmem:$0x1C980] =	vst v63  }
0x138: {  	_ =	swait.ge [sflag:s30], $0x1000  }
0x139: {  	[sflag:s30] =	ssyncset.done $0x0  }
0x13a: {  	s12 =	sadd.s32 $0x16180, s10;
	[sflag:s30] =	ssyncadd.s32 $0xFFFFF000  }
0x13b: {  	[spmem:s2] =	stream.indirect.scatter.add.f32 [tilespmem:s28], [sflag:$0x3], $0x40, s12, s26, $0xb8;
	[tilespmem:$0x1C980] =	vst v63  }
0x13c: {  	_ =	swait.ge [sflag:s23], $0x1000  }
0x13d: {  	[sflag:s23] =	ssyncset.done $0x0  }
0x13e: {  	s13 =	sadd.s32 $0x13A80, s10;
	[sflag:s23] =	ssyncadd.s32 $0xFFFFF000  }
0x13f: {  	[tilespmem:s28], [sflag:$0x1] =	stream.indirect.gather [spmem:s1], $0x40, s13, s26, $0xb8;
	[tilespmem:$0x1C980] =	vst v63  }
0x140: {  	_ =	swait.ge [sflag:s31], $0x1000  }
0x141: {  	[sflag:s31] =	ssyncset.done $0x0  }
0x142: {  	s14 =	sadd.s32 $0x16200, s10;
	[sflag:s31] =	ssyncadd.s32 $0xFFFFF000  }
0x143: {  	[spmem:s2] =	stream.indirect.scatter.add.f32 [tilespmem:s29], [sflag:$0x3], $0x40, s14, s26, $0xb8;
	[tilespmem:$0x1C980] =	vst v63  }
0x144: {  	_ =	swait.ge [sflag:s23], $0x1000  }
0x145: {  	[sflag:s23] =	ssyncset.done $0x0  }
0x146: {  	[sflag:s23] =	ssyncadd.s32 $0xFFFFF000  }
0x147: {  	[tilespmem:s29], [sflag:$0x2] =	stream.indirect.gather [spmem:s1], $0x40, s0, s26, $0xb8;
	[tilespmem:$0x1C980] =	vst v63  }
0x148: {  	_ =	swait.ge [sflag:s30], $0x1000  }
0x149: {  	[sflag:s30] =	ssyncset.done $0x0  }
0x14a: {  	[sflag:s30] =	ssyncadd.s32 $0xFFFFF000  }
0x14b: {  	[spmem:s2] =	stream.indirect.scatter.add.f32 [tilespmem:s28], [sflag:$0x3], $0x40, s3, s26, $0xb8;
	[tilespmem:$0x1C980] =	vst v63  }
0x14c: {  	_ =	swait.ge [sflag:s23], $0x1000  }
0x14d: {  	[sflag:s23] =	ssyncset.done $0x0  }
0x14e: {  	[sflag:s23] =	ssyncadd.s32 $0xFFFFF000  }
0x14f: {  	_ =	swait.ge [sflag:s31], $0x1000  }
0x150: {  	[sflag:s31] =	ssyncset.done $0x0  }
0x151: {  	[sflag:s31] =	ssyncadd.s32 $0xFFFFF000  }
0x152: {  	[spmem:s2] =	stream.indirect.scatter.add.f32 [tilespmem:s29], [sflag:$0x3], $0x40, s4, s26, $0xb8;
	[tilespmem:$0x1C980] =	vst v63  }
0x153: {  	_ =	swait.ge [sflag:s23], $0x1000  }
0x154: {  	[sflag:s23] =	ssyncset.done $0x0  }
0x155: {  	[sflag:s23] =	ssyncadd.s32 $0xFFFFF000  }
0x156: {  	s10 =	simm.s32 @p0 $0x1FC3;
	[bflag:$0x0] =	sbarrier.arrive $0xFFFF  }
0x157: {  	[hbm:s17], [sflag:s10] =	dma.local @p0 [spmem:s8], $0x2080  }
0x158: {  	s8 =	simm.s32 @p0 $0x3  }
0x159: {  	s7 =	sadd.s32 $0x1, s7;
	_ =	swait.ge @p0 [sflag:s8], $0x2080  }
0x15a: {  	p1 =	sne.s32 s7, s18;
	[sflag:s8] =	ssyncset.done @p0 $0x0  }
.Ltmp4:
0x15b: {  	[sflag:s8] =	ssyncadd.s32 @p0 $0xFFFFDF80;
	s8 =	simm.s32 @!p0 $0x3;
	(pc) =	sbr.rel @p1 .LBB2_1-.Ltmp4, $4  }
0x15c: {  	[hbm:s16], [sflag:s9] =	dma.local @!p0 [spmem:s25], $0x2780  }
0x15d: {  	_ =	swait.ge @!p0 [sflag:s8], $0x2780  }
0x15e: {  	[sflag:s8] =	ssyncset.done @!p0 $0x0  }
0x15f: {  	[sflag:s8] =	ssyncadd.s32 @!p0 $0xFFFFD880  }
0x160: {  	_ =	sfence.sel $0x180000  }
0x161: {  	[bflag:$0x0] =	sbarrier.arrive $0xFFFF  }
0x162: {  	_ =	strace $0x90000047  }
0x163: {  	s0 =	stileid.u32;
	[bflag:$0x2] =	sbarrier.arrive $0xFFFF  }
0x164: {  	p0 =	sne.s32 s0, $0x0;
	s0 =	rddreg [dreg:$0x3]  }
0x165: {  	s0 =	sadd.s32 @!p0 $0x100000, s0  }
0x166: {  	[sflag:s0] =	ssyncadd.tile.s32 @!p0 $0x1;
	_ =	shalt  }
.Lfunc_end2:
_tile_overlayer_lowered:
.L_overlay_start_2:
0x167: {  	(tag) =	ssettag $0x2  }
0x168: {  	s0 =	rddreg [dreg:$0x0];
	s2 =	stileid.u32  }
0x169: {  	s1 =	rddreg [dreg:$0x1];
	p0 =	sne.s32 s2, $0x0  }
0x16a: {  	s3 =	rddreg [dreg:$0x2];
	[bflag:$0x3] =	sbarrier.arrive $0xFFFF;
	s2 =	simm.s32 @!p0 $0x1C03  }
0x16b: {  	[timem:s3], [sflag:s2] =	dma.local @!p0 [hbm:s0], s1  }
0x16c: {  	s0 =	simm.s32 @!p0 $0x3  }
0x16d: {  	_ =	swait.ge @!p0 [sflag:s0], s1  }
0x16e: {  	s1 =	ssub.s32 @!p0 $0x0, s1;
	[sflag:s0] =	ssyncset.done @!p0 $0x0  }
0x16f: {  	[sflag:s0] =	ssyncadd.s32 @!p0 s1  }
0x170: {  	[bflag:$0x3] =	sbarrier.arrive $0xFFFF  }
0x171: {  	_ =	shalt  }

</sc_bundles>
